<compile_context>
chip_gen: v7x
topology: tpu7x:2x2x1
jax: 0.10.2.dev20260603
libtpu: 0.0.44.dev20260713+nightly
codegen_flags: <defaults>
</compile_context>

<pallas_src>
import functools

import jax
import jax.numpy as jnp
from jax import lax
from jax.experimental import pallas as pl
from jax.experimental.pallas import tpu as pltpu
from jax.experimental.pallas import tpu_sc as plsc

C = 200
P = 1024
N = 16384
D = 128
L = 16
NC = 2
NS = 16
NW = NC * NS
P_W = P // NW
N_W = N // NW
NCHUNK = N_W // 128
DC = D // L
GPC = 128 // L
C_FULL = C // L
C_TAIL = C - C_FULL * L


def _body(ctx_idx_hbm, pos_idx_hbm, neg_idx_hbm, ctx_tab_hbm, cen_tab_hbm,
          pos_out_hbm, neg_out_hbm,
          ctx_idx_v, ctx_rows_v, part_v, allpart_v,
          pidx_v, prow_v, pres_v,
          nidx_v, nrow_v, nres_v, sums_v, ctx_shared_v,
          sem_ctx, sem_pos, sem_neg, sem_idx):
    cid = lax.axis_index("c")
    sid = lax.axis_index("s")
    wid = sid * NC + cid
    pbase = wid * P_W
    nbase = wid * N_W

    ctx_idx_v[0, :] = jnp.zeros((L,), jnp.int32)

    @pl.when(sid < C_FULL)
    def _stage_ctx_full():
        pltpu.sync_copy(ctx_idx_hbm.at[pl.ds(sid * L, L)], ctx_idx_v.at[0])

    @pl.when(sid == C_FULL)
    def _stage_ctx_tail():
        pltpu.sync_copy(ctx_idx_hbm.at[pl.ds(C_FULL * L, C_TAIL)],
                        ctx_idx_v.at[0, pl.ds(0, C_TAIL)])

    ctx_dma = pltpu.async_copy(ctx_tab_hbm.at[ctx_idx_v.at[0]],
                               ctx_rows_v.at[0], sem_ctx)

    pidx_dma = pltpu.async_copy(pos_idx_hbm.at[pl.ds(pbase, P_W)],
                                pidx_v.at[0], sem_idx)
    nidx_dmas = [
        pltpu.async_copy(neg_idx_hbm.at[pl.ds(nbase + j * 128, 128)],
                         nidx_v.at[j], sem_idx)
        for j in range(NCHUNK)
    ]
    pidx_dma.wait()
    pos_dma = pltpu.async_copy(cen_tab_hbm.at[pidx_v.at[0]],
                               prow_v.at[0], sem_pos)
    neg_dmas = []
    for j in range(NCHUNK):
        nidx_dmas[j].wait()
        neg_dmas.append(
            pltpu.async_copy(cen_tab_hbm.at[nidx_v.at[j]], nrow_v.at[j],
                             sem_neg.at[j]))

    @pl.when(sid <= C_FULL)
    def _ctx_partial():
        ctx_dma.wait()
        base_r = sid * L

        def crow(k, accs):
            wt = jnp.where(base_r + k < C, 1.0 / C, 0.0)
            return tuple(accs[c] + ctx_rows_v[0, k, pl.ds(c * L, L)] * wt
                         for c in range(DC))

        accs = lax.fori_loop(
            0, L, crow,
            tuple(jnp.zeros((L,), jnp.float32) for _ in range(DC)))
        for c in range(DC):
            part_v[0, pl.ds(c * L, L)] = accs[c]
        pltpu.sync_copy(part_v.at[0], ctx_shared_v.at[sid])

    @pl.when(sid > C_FULL)
    def _ctx_zero():
        for c in range(DC):
            part_v[0, pl.ds(c * L, L)] = jnp.zeros((L,), jnp.float32)
        pltpu.sync_copy(part_v.at[0], ctx_shared_v.at[sid])

    plsc.subcore_barrier()
    pltpu.sync_copy(ctx_shared_v, allpart_v)

    def psum(s, accs):
        return tuple(accs[c] + allpart_v[s, pl.ds(c * L, L)]
                     for c in range(DC))

    ctx_cs = lax.fori_loop(
        0, NS, psum, tuple(jnp.zeros((L,), jnp.float32) for _ in range(DC)))

    lane_iota = lax.iota(jnp.int32, L)

    def score_group(rows_ref, j, q, res_ref, res_off, neg):
        accs = [rows_ref[j, q * L + ll, pl.ds(0, L)] * ctx_cs[0]
                for ll in range(L)]
        for c in range(1, DC):
            for ll in range(L):
                accs[ll] = accs[ll] + (rows_ref[j, q * L + ll, pl.ds(c * L, L)]
                                       * ctx_cs[c])
        for ll in range(L):
            sums_v[ll, :] = accs[ll]
        cols = [plsc.load_gather(sums_v,
                                 [lane_iota, jnp.full((L,), c, jnp.int32)])
                for c in range(L)]
        while len(cols) > 1:
            cols = [cols[i] + cols[i + 1] for i in range(0, len(cols), 2)]
        tot = cols[0]
        e = jnp.exp(tot) if neg else jnp.exp(-tot)
        res_ref[pl.ds(res_off, L)] = 1.0 / (1.0 + e)

    pos_dma.wait()

    def pgroup(q, carry):
        score_group(prow_v, 0, q, pres_v, q * L, neg=False)
        return carry

    lax.fori_loop(0, P_W // L, pgroup, 0)
    out_pos_dma = pltpu.async_copy(pres_v, pos_out_hbm.at[0, pl.ds(pbase, P_W)],
                                   sem_pos)

    def nchunk(j, carry):
        pltpu.make_async_copy(
            cen_tab_hbm.at[nidx_v.at[0]], nrow_v.at[0], sem_neg.at[j]).wait()

        def ngroup(q, carry2):
            score_group(nrow_v, j, q, nres_v, j * 128 + q * L, neg=True)
            return carry2

        lax.fori_loop(0, GPC, ngroup, 0)
        return carry

    lax.fori_loop(0, NCHUNK, nchunk, 0)
    out_pos_dma.wait()
    pltpu.sync_copy(nres_v, neg_out_hbm.at[0, pl.ds(nbase, N_W)])


@jax.jit
def _cbow_sc(context_idx, pos_idx, neg_idx, context_table, center_table):
    mesh = plsc.VectorSubcoreMesh(core_axis_name="c", subcore_axis_name="s")
    f = functools.partial(
        pl.kernel,
        out_type=(jax.ShapeDtypeStruct((1, P), jnp.float32),
                  jax.ShapeDtypeStruct((1, N), jnp.float32)),
        mesh=mesh,
        compiler_params=pltpu.CompilerParams(needs_layout_passes=False,
                                             disable_bounds_checks=True,
                                             disable_semaphore_checks=True),
        scratch_types=[
            pltpu.VMEM((1, L), jnp.int32),
            pltpu.VMEM((1, L, D), jnp.float32),
            pltpu.VMEM((1, D), jnp.float32),
            pltpu.VMEM((NS, D), jnp.float32),
            pltpu.VMEM((1, P_W), jnp.int32),
            pltpu.VMEM((1, P_W, D), jnp.float32),
            pltpu.VMEM((P_W,), jnp.float32),
            pltpu.VMEM((NCHUNK, 128), jnp.int32),
            pltpu.VMEM((NCHUNK, 128, D), jnp.float32),
            pltpu.VMEM((N_W,), jnp.float32),
            pltpu.VMEM((L, L), jnp.float32),
            pltpu.VMEM_SHARED((NS, D), jnp.float32),
            pltpu.SemaphoreType.DMA,
            pltpu.SemaphoreType.DMA,
            pltpu.SemaphoreType.DMA((NCHUNK,)),
            pltpu.SemaphoreType.DMA,
        ],
    )(_body)
    return f(context_idx, pos_idx, neg_idx, context_table, center_table)


def kernel(context_idx, pos_idx, neg_idx, context_table, center_table):
    return _cbow_sc(context_idx.astype(jnp.int32),
                    pos_idx.astype(jnp.int32),
                    neg_idx.astype(jnp.int32),
                    context_table, center_table)

# --- scband reference (transcript-rebuilt; emitter-appended) ---
"""Pipeline reference for scband-cbowneg-sampling-82454782148964 (READ-ONLY COPY).

The authoritative reference and input builder live on the scoring server;
editing this copy changes nothing except your own understanding.
"""

import jax, jax.numpy as jnp
import numpy as np

VOCAB = 1000000
EMBED = 128

def setup_inputs(seed: int = 0) -> dict:
    key = jax.random.key(seed)
    k1, k2, k3, k4, k5 = jax.random.split(key, 5)
    context_idx = jax.random.randint(k1, (200,), 0, VOCAB, dtype=jnp.int64 if jax.config.jax_enable_x64 else jnp.int32)
    pos_idx = jax.random.randint(k2, (1024,), 0, VOCAB, dtype=jnp.int64 if jax.config.jax_enable_x64 else jnp.int32)
    neg_idx = jax.random.randint(k3, (16384,), 0, VOCAB, dtype=jnp.int64 if jax.config.jax_enable_x64 else jnp.int32)
    context_table = jax.random.normal(k4, (VOCAB, EMBED), dtype=jnp.float32) * 0.02
    center_table = jax.random.normal(k5, (VOCAB, EMBED), dtype=jnp.float32) * 0.02
    return {"context_idx": context_idx, "pos_idx": pos_idx, "neg_idx": neg_idx,
            "context_table": context_table, "center_table": center_table}

def reference(context_idx, pos_idx, neg_idx, context_table, center_table):
    # context_embed = embedding(context_idx).mean(dim=0).unsqueeze(0)
    context_embed = jnp.take(context_table, context_idx, axis=0).mean(axis=0)[None, :]  # [1, D]
    pos_embed = jnp.take(center_table, pos_idx, axis=0)  # [P, D]
    neg_embed = jnp.take(center_table, neg_idx, axis=0)  # [N, D]
    pos_score = jax.nn.sigmoid(jnp.matmul(context_embed, pos_embed.T))  # [1, P]
    neg_score = jax.nn.sigmoid(jnp.matmul(context_embed, neg_embed.T) * -1.0)  # [1, N]
    return (pos_score, neg_score)

if __name__ == "__main__":
    import jax
    _d = setup_inputs()
    print(jax.jit(kernel)(*tuple(_d.values())))

</pallas_src>

<mosaic_0001>
#map = affine_map<(d0, d1) -> (0)>
#map1 = affine_map<(d0, d1) -> (0, 0)>
module attributes {stable_mosaic.version = 14 : i64} {
  func.func @_body(%arg0: i32, %arg1: i32, %arg2: memref<200xi32, #tpu.memory_space<hbm>>, %arg3: memref<1024xi32, #tpu.memory_space<hbm>>, %arg4: memref<16384xi32, #tpu.memory_space<hbm>>, %arg5: memref<1000000x128xf32, #tpu.memory_space<hbm>>, %arg6: memref<1000000x128xf32, #tpu.memory_space<hbm>>, %arg7: memref<1x1024xf32, #tpu.memory_space<hbm>>, %arg8: memref<1x16384xf32, #tpu.memory_space<hbm>>, %arg9: memref<1x16xi32, #tpu.memory_space<vmem>>, %arg10: memref<1x16x128xf32, #tpu.memory_space<vmem>>, %arg11: memref<1x128xf32, #tpu.memory_space<vmem>>, %arg12: memref<16x128xf32, #tpu.memory_space<vmem>>, %arg13: memref<1x32xi32, #tpu.memory_space<vmem>>, %arg14: memref<1x32x128xf32, #tpu.memory_space<vmem>>, %arg15: memref<32xf32, #tpu.memory_space<vmem>>, %arg16: memref<4x128xi32, #tpu.memory_space<vmem>>, %arg17: memref<4x128x128xf32, #tpu.memory_space<vmem>>, %arg18: memref<512xf32, #tpu.memory_space<vmem>>, %arg19: memref<16x16xf32, #tpu.memory_space<vmem>>, %arg20: memref<16x128xf32, #tpu.memory_space<vmem_shared>>, %arg21: memref<!tpu.dma_semaphore, #tpu.memory_space<semaphore_mem>>, %arg22: memref<!tpu.dma_semaphore, #tpu.memory_space<semaphore_mem>>, %arg23: memref<4x!tpu.dma_semaphore, #tpu.memory_space<semaphore_mem>>, %arg24: memref<!tpu.dma_semaphore, #tpu.memory_space<semaphore_mem>>) attributes {dimension_semantics = [#tpu.dimension_semantics<core_parallel>, #tpu.dimension_semantics<subcore_parallel>], iteration_bounds = array<i64: 2, 16>, scalar_prefetch = 0 : i64, scratch_operands = 16 : i64, tpu.core_type = #tpu.core_type<sc_vector_subcore>, window_params = [{transform_indices = #map}, {transform_indices = #map}, {transform_indices = #map}, {transform_indices = #map1}, {transform_indices = #map1}, {transform_indices = #map1}, {transform_indices = #map1}]} {
    %mul3A = arith.constant 2 : i32
    %mul3A_0 = arith.muli %arg1, %mul3A : i32
    %add3A = arith.addi %mul3A_0, %arg0 : i32
    %mul3A_1 = arith.constant 32 : i32
    %mul3A_2 = arith.muli %add3A, %mul3A_1 : i32
    %mul3A_3 = arith.constant 512 : i32
    %mul3A_4 = arith.muli %add3A, %mul3A_3 : i32
    %broadcast_in_dim3A = arith.constant 0 : i32
    %broadcast_in_dim3A_5 = vector.broadcast %broadcast_in_dim3A : i32 to vector<16xi32>
    %swap3A = arith.constant 0 : i32
    %swap3A_6 = arith.index_cast %swap3A : i32 to index
    %swap3A_7 = arith.constant 0 : index
    %swap3A_8 = tpu.vector_load %arg9[%swap3A_6, %swap3A_7] {strides = array<i32>} : memref<1x16xi32, #tpu.memory_space<vmem>>, vector<16xi32>,
    tpu.vector_store %arg9[%swap3A_6, %swap3A_7], %broadcast_in_dim3A_5 {strides = array<i32>} : memref<1x16xi32, #tpu.memory_space<vmem>>, vector<16xi32>,
    %lt3A = arith.constant 12 : i32
    %lt3A_9 = arith.cmpi slt, %arg1, %lt3A : i32
    %convert_element_type3A = arith.extui %lt3A_9 : i1 to i32
    %cond3A = arith.constant 0 : i32
    %cond3A_10 = arith.cmpi ne, %convert_element_type3A, %cond3A : i32
    scf.if %cond3A_10 {
      %mul3A_260 = arith.constant 16 : i32
      %mul3A_261 = arith.muli %arg1, %mul3A_260 : i32
      %run_scoped3A_262 = arith.constant 0 : i32
      "tpu.region"() ({
        %run_scoped3A_263 = tpu.sem_alloc : memref<!tpu.dma_semaphore, #tpu.memory_space<semaphore_mem>>
        %dma_start3A_264 = arith.constant 0 : i32
        %dma_start3A_265 = tpu.memref_slice %arg9[%run_scoped3A_262, %dma_start3A_264] : memref<1x16xi32, #tpu.memory_space<vmem>> -> memref<1x16xi32, #tpu.memory_space<vmem>>
        %dma_start3A_266 = tpu.memref_squeeze %dma_start3A_265 : memref<1x16xi32, #tpu.memory_space<vmem>> -> memref<16xi32, #tpu.memory_space<vmem>>
        %dma_start3A_267 = tpu.memref_slice %arg2[%mul3A_261] : memref<200xi32, #tpu.memory_space<hbm>> -> memref<16xi32, #tpu.memory_space<hbm>>
        %dma_start3A_268 = arith.constant 0 : i32
        %dma_start3A_269 = tpu.memref_slice %arg9[%run_scoped3A_262, %dma_start3A_268] : memref<1x16xi32, #tpu.memory_space<vmem>> -> memref<1x16xi32, #tpu.memory_space<vmem>>
        %dma_start3A_270 = tpu.memref_squeeze %dma_start3A_269 : memref<1x16xi32, #tpu.memory_space<vmem>> -> memref<16xi32, #tpu.memory_space<vmem>>
        %dma_start3A_271 = tpu.memref_slice %arg2[%mul3A_261] : memref<200xi32, #tpu.memory_space<hbm>> -> memref<16xi32, #tpu.memory_space<hbm>>
        tpu.enqueue_dma source(%dma_start3A_271 : memref<16xi32, #tpu.memory_space<hbm>>) target(%dma_start3A_270 : memref<16xi32, #tpu.memory_space<vmem>>) target_semaphore(%run_scoped3A_263 : memref<!tpu.dma_semaphore, #tpu.memory_space<semaphore_mem>>)
        %dma_wait3A_272 = arith.constant 0 : i32
        %dma_wait3A_273 = tpu.memref_slice %arg9[%run_scoped3A_262, %dma_wait3A_272] : memref<1x16xi32, #tpu.memory_space<vmem>> -> memref<1x16xi32, #tpu.memory_space<vmem>>
        %dma_wait3A_274 = tpu.memref_squeeze %dma_wait3A_273 : memref<1x16xi32, #tpu.memory_space<vmem>> -> memref<16xi32, #tpu.memory_space<vmem>>
        %dma_wait3A_275 = tpu.memref_slice %arg2[%mul3A_261] : memref<200xi32, #tpu.memory_space<hbm>> -> memref<16xi32, #tpu.memory_space<hbm>>
        %dma_wait3A_276 = arith.constant 0 : i32
        %dma_wait3A_277 = tpu.memref_slice %arg9[%run_scoped3A_262, %dma_wait3A_276] : memref<1x16xi32, #tpu.memory_space<vmem>> -> memref<1x16xi32, #tpu.memory_space<vmem>>
        %dma_wait3A_278 = tpu.memref_squeeze %dma_wait3A_277 : memref<1x16xi32, #tpu.memory_space<vmem>> -> memref<16xi32, #tpu.memory_space<vmem>>
        %dma_wait3A_279 = tpu.memref_slice %arg2[%mul3A_261] : memref<200xi32, #tpu.memory_space<hbm>> -> memref<16xi32, #tpu.memory_space<hbm>>
        tpu.wait_dma2 semaphore(%run_scoped3A_263 : memref<!tpu.dma_semaphore, #tpu.memory_space<semaphore_mem>>) src(%dma_wait3A_279 : memref<16xi32, #tpu.memory_space<hbm>>) dst(%dma_wait3A_278 : memref<16xi32, #tpu.memory_space<vmem>>)
        tpu.yield
      }) : () -> ()
    } else {
    }
    %eq3A = arith.constant 12 : i32
    %eq3A_11 = arith.cmpi eq, %arg1, %eq3A : i32
    %convert_element_type3A_12 = arith.extui %eq3A_11 : i1 to i32
    %cond3A_13 = arith.constant 0 : i32
    %cond3A_14 = arith.cmpi ne, %convert_element_type3A_12, %cond3A_13 : i32
    scf.if %cond3A_14 {
      %run_scoped3A_260 = arith.constant 0 : i32
      "tpu.region"() ({
        %run_scoped3A_261 = tpu.sem_alloc : memref<!tpu.dma_semaphore, #tpu.memory_space<semaphore_mem>>
        %dma_start3A_262 = arith.constant 0 : i32
        %dma_start3A_263 = tpu.memref_slice %arg9[%run_scoped3A_260, %dma_start3A_262] : memref<1x16xi32, #tpu.memory_space<vmem>> -> memref<1x8xi32, #tpu.memory_space<vmem>>
        %dma_start3A_264 = tpu.memref_squeeze %dma_start3A_263 : memref<1x8xi32, #tpu.memory_space<vmem>> -> memref<8xi32, #tpu.memory_space<vmem>>
        %dma_start3A_265 = arith.constant 192 : i32
        %dma_start3A_266 = tpu.memref_slice %arg2[%dma_start3A_265] : memref<200xi32, #tpu.memory_space<hbm>> -> memref<8xi32, #tpu.memory_space<hbm>>
        %dma_start3A_267 = arith.constant 0 : i32
        %dma_start3A_268 = tpu.memref_slice %arg9[%run_scoped3A_260, %dma_start3A_267] : memref<1x16xi32, #tpu.memory_space<vmem>> -> memref<1x8xi32, #tpu.memory_space<vmem>>
        %dma_start3A_269 = tpu.memref_squeeze %dma_start3A_268 : memref<1x8xi32, #tpu.memory_space<vmem>> -> memref<8xi32, #tpu.memory_space<vmem>>
        %dma_start3A_270 = arith.constant 192 : i32
        %dma_start3A_271 = tpu.memref_slice %arg2[%dma_start3A_270] : memref<200xi32, #tpu.memory_space<hbm>> -> memref<8xi32, #tpu.memory_space<hbm>>
        tpu.enqueue_dma source(%dma_start3A_271 : memref<8xi32, #tpu.memory_space<hbm>>) target(%dma_start3A_269 : memref<8xi32, #tpu.memory_space<vmem>>) target_semaphore(%run_scoped3A_261 : memref<!tpu.dma_semaphore, #tpu.memory_space<semaphore_mem>>)
        %dma_wait3A_272 = arith.constant 0 : i32
        %dma_wait3A_273 = tpu.memref_slice %arg9[%run_scoped3A_260, %dma_wait3A_272] : memref<1x16xi32, #tpu.memory_space<vmem>> -> memref<1x8xi32, #tpu.memory_space<vmem>>
        %dma_wait3A_274 = tpu.memref_squeeze %dma_wait3A_273 : memref<1x8xi32, #tpu.memory_space<vmem>> -> memref<8xi32, #tpu.memory_space<vmem>>
        %dma_wait3A_275 = arith.constant 192 : i32
        %dma_wait3A_276 = tpu.memref_slice %arg2[%dma_wait3A_275] : memref<200xi32, #tpu.memory_space<hbm>> -> memref<8xi32, #tpu.memory_space<hbm>>
        %dma_wait3A_277 = arith.constant 0 : i32
        %dma_wait3A_278 = tpu.memref_slice %arg9[%run_scoped3A_260, %dma_wait3A_277] : memref<1x16xi32, #tpu.memory_space<vmem>> -> memref<1x8xi32, #tpu.memory_space<vmem>>
        %dma_wait3A_279 = tpu.memref_squeeze %dma_wait3A_278 : memref<1x8xi32, #tpu.memory_space<vmem>> -> memref<8xi32, #tpu.memory_space<vmem>>
        %dma_wait3A_280 = arith.constant 192 : i32
        %dma_wait3A_281 = tpu.memref_slice %arg2[%dma_wait3A_280] : memref<200xi32, #tpu.memory_space<hbm>> -> memref<8xi32, #tpu.memory_space<hbm>>
        tpu.wait_dma2 semaphore(%run_scoped3A_261 : memref<!tpu.dma_semaphore, #tpu.memory_space<semaphore_mem>>) src(%dma_wait3A_281 : memref<8xi32, #tpu.memory_space<hbm>>) dst(%dma_wait3A_279 : memref<8xi32, #tpu.memory_space<vmem>>)
        tpu.yield
      }) : () -> ()
    } else {
    }
    %dma_start3A = arith.constant 0 : i32
    %dma_start3A_15 = arith.constant 0 : i32
    %dma_start3A_16 = arith.constant 0 : i32
    %dma_start3A_17 = arith.constant 0 : i32
    %dma_start3A_18 = tpu.memref_slice %arg10[%dma_start3A_15, %dma_start3A_16, %dma_start3A_17] : memref<1x16x128xf32, #tpu.memory_space<vmem>> -> memref<1x16x128xf32, #tpu.memory_space<vmem>>
    %dma_start3A_19 = tpu.memref_squeeze %dma_start3A_18 : memref<1x16x128xf32, #tpu.memory_space<vmem>> -> memref<16x128xf32, #tpu.memory_space<vmem>>
    %dma_start3A_20 = arith.constant 0 : i32
    %dma_start3A_21 = tpu.memref_slice %arg9[%dma_start3A, %dma_start3A_20] : memref<1x16xi32, #tpu.memory_space<vmem>> -> memref<1x16xi32, #tpu.memory_space<vmem>>
    %dma_start3A_22 = tpu.memref_squeeze %dma_start3A_21 : memref<1x16xi32, #tpu.memory_space<vmem>> -> memref<16xi32, #tpu.memory_space<vmem>>
    %dma_start3A_23 = arith.constant 0 : i32
    %dma_start3A_24 = arith.constant 0 : i32
    %dma_start3A_25 = tpu.memref_slice %arg5[%dma_start3A_23, %dma_start3A_24] : memref<1000000x128xf32, #tpu.memory_space<hbm>> -> memref<1000000x128xf32, #tpu.memory_space<hbm>>
    tpu.enqueue_indirect_dma source(%dma_start3A_25 : memref<1000000x128xf32, #tpu.memory_space<hbm>>) target(%dma_start3A_19 : memref<16x128xf32, #tpu.memory_space<vmem>>) offsets(%dma_start3A_22 : memref<16xi32, #tpu.memory_space<vmem>>) semaphore(%arg21 : memref<!tpu.dma_semaphore, #tpu.memory_space<semaphore_mem>>)
    %dma_start3A_26 = arith.constant 0 : i32
    %dma_start3A_27 = arith.constant 0 : i32
    %dma_start3A_28 = tpu.memref_slice %arg13[%dma_start3A_26, %dma_start3A_27] : memref<1x32xi32, #tpu.memory_space<vmem>> -> memref<1x32xi32, #tpu.memory_space<vmem>>
    %dma_start3A_29 = tpu.memref_squeeze %dma_start3A_28 : memref<1x32xi32, #tpu.memory_space<vmem>> -> memref<32xi32, #tpu.memory_space<vmem>>
    %dma_start3A_30 = tpu.memref_slice %arg3[%mul3A_2] : memref<1024xi32, #tpu.memory_space<hbm>> -> memref<32xi32, #tpu.memory_space<hbm>>
    %dma_start3A_31 = arith.constant 0 : i32
    %dma_start3A_32 = tpu.memref_slice %arg13[%dma_start3A_26, %dma_start3A_31] : memref<1x32xi32, #tpu.memory_space<vmem>> -> memref<1x32xi32, #tpu.memory_space<vmem>>
    %dma_start3A_33 = tpu.memref_squeeze %dma_start3A_32 : memref<1x32xi32, #tpu.memory_space<vmem>> -> memref<32xi32, #tpu.memory_space<vmem>>
    %dma_start3A_34 = tpu.memref_slice %arg3[%mul3A_2] : memref<1024xi32, #tpu.memory_space<hbm>> -> memref<32xi32, #tpu.memory_space<hbm>>
    tpu.enqueue_dma source(%dma_start3A_34 : memref<32xi32, #tpu.memory_space<hbm>>) target(%dma_start3A_33 : memref<32xi32, #tpu.memory_space<vmem>>) target_semaphore(%arg24 : memref<!tpu.dma_semaphore, #tpu.memory_space<semaphore_mem>>)
    %add3A_35 = arith.constant 0 : i32
    %add3A_36 = arith.addi %mul3A_4, %add3A_35 : i32
    %dma_start3A_37 = arith.constant 0 : i32
    %dma_start3A_38 = arith.constant 0 : i32
    %dma_start3A_39 = tpu.memref_slice %arg16[%dma_start3A_37, %dma_start3A_38] : memref<4x128xi32, #tpu.memory_space<vmem>> -> memref<1x128xi32, #tpu.memory_space<vmem>>
    %dma_start3A_40 = tpu.memref_squeeze %dma_start3A_39 : memref<1x128xi32, #tpu.memory_space<vmem>> -> memref<128xi32, #tpu.memory_space<vmem>>
    %dma_start3A_41 = tpu.memref_slice %arg4[%add3A_36] : memref<16384xi32, #tpu.memory_space<hbm>> -> memref<128xi32, #tpu.memory_space<hbm>>
    %dma_start3A_42 = arith.constant 0 : i32
    %dma_start3A_43 = tpu.memref_slice %arg16[%dma_start3A_37, %dma_start3A_42] : memref<4x128xi32, #tpu.memory_space<vmem>> -> memref<1x128xi32, #tpu.memory_space<vmem>>
    %dma_start3A_44 = tpu.memref_squeeze %dma_start3A_43 : memref<1x128xi32, #tpu.memory_space<vmem>> -> memref<128xi32, #tpu.memory_space<vmem>>
    %dma_start3A_45 = tpu.memref_slice %arg4[%add3A_36] : memref<16384xi32, #tpu.memory_space<hbm>> -> memref<128xi32, #tpu.memory_space<hbm>>
    tpu.enqueue_dma source(%dma_start3A_45 : memref<128xi32, #tpu.memory_space<hbm>>) target(%dma_start3A_44 : memref<128xi32, #tpu.memory_space<vmem>>) target_semaphore(%arg24 : memref<!tpu.dma_semaphore, #tpu.memory_space<semaphore_mem>>)
    %add3A_46 = arith.constant 128 : i32
    %add3A_47 = arith.addi %mul3A_4, %add3A_46 : i32
    %dma_start3A_48 = arith.constant 1 : i32
    %dma_start3A_49 = arith.constant 0 : i32
    %dma_start3A_50 = tpu.memref_slice %arg16[%dma_start3A_48, %dma_start3A_49] : memref<4x128xi32, #tpu.memory_space<vmem>> -> memref<1x128xi32, #tpu.memory_space<vmem>>
    %dma_start3A_51 = tpu.memref_squeeze %dma_start3A_50 : memref<1x128xi32, #tpu.memory_space<vmem>> -> memref<128xi32, #tpu.memory_space<vmem>>
    %dma_start3A_52 = tpu.memref_slice %arg4[%add3A_47] : memref<16384xi32, #tpu.memory_space<hbm>> -> memref<128xi32, #tpu.memory_space<hbm>>
    %dma_start3A_53 = arith.constant 0 : i32
    %dma_start3A_54 = tpu.memref_slice %arg16[%dma_start3A_48, %dma_start3A_53] : memref<4x128xi32, #tpu.memory_space<vmem>> -> memref<1x128xi32, #tpu.memory_space<vmem>>
    %dma_start3A_55 = tpu.memref_squeeze %dma_start3A_54 : memref<1x128xi32, #tpu.memory_space<vmem>> -> memref<128xi32, #tpu.memory_space<vmem>>
    %dma_start3A_56 = tpu.memref_slice %arg4[%add3A_47] : memref<16384xi32, #tpu.memory_space<hbm>> -> memref<128xi32, #tpu.memory_space<hbm>>
    tpu.enqueue_dma source(%dma_start3A_56 : memref<128xi32, #tpu.memory_space<hbm>>) target(%dma_start3A_55 : memref<128xi32, #tpu.memory_space<vmem>>) target_semaphore(%arg24 : memref<!tpu.dma_semaphore, #tpu.memory_space<semaphore_mem>>)
    %add3A_57 = arith.constant 256 : i32
    %add3A_58 = arith.addi %mul3A_4, %add3A_57 : i32
    %dma_start3A_59 = arith.constant 2 : i32
    %dma_start3A_60 = arith.constant 0 : i32
    %dma_start3A_61 = tpu.memref_slice %arg16[%dma_start3A_59, %dma_start3A_60] : memref<4x128xi32, #tpu.memory_space<vmem>> -> memref<1x128xi32, #tpu.memory_space<vmem>>
    %dma_start3A_62 = tpu.memref_squeeze %dma_start3A_61 : memref<1x128xi32, #tpu.memory_space<vmem>> -> memref<128xi32, #tpu.memory_space<vmem>>
    %dma_start3A_63 = tpu.memref_slice %arg4[%add3A_58] : memref<16384xi32, #tpu.memory_space<hbm>> -> memref<128xi32, #tpu.memory_space<hbm>>
    %dma_start3A_64 = arith.constant 0 : i32
    %dma_start3A_65 = tpu.memref_slice %arg16[%dma_start3A_59, %dma_start3A_64] : memref<4x128xi32, #tpu.memory_space<vmem>> -> memref<1x128xi32, #tpu.memory_space<vmem>>
    %dma_start3A_66 = tpu.memref_squeeze %dma_start3A_65 : memref<1x128xi32, #tpu.memory_space<vmem>> -> memref<128xi32, #tpu.memory_space<vmem>>
    %dma_start3A_67 = tpu.memref_slice %arg4[%add3A_58] : memref<16384xi32, #tpu.memory_space<hbm>> -> memref<128xi32, #tpu.memory_space<hbm>>
    tpu.enqueue_dma source(%dma_start3A_67 : memref<128xi32, #tpu.memory_space<hbm>>) target(%dma_start3A_66 : memref<128xi32, #tpu.memory_space<vmem>>) target_semaphore(%arg24 : memref<!tpu.dma_semaphore, #tpu.memory_space<semaphore_mem>>)
    %add3A_68 = arith.constant 384 : i32
    %add3A_69 = arith.addi %mul3A_4, %add3A_68 : i32
    %dma_start3A_70 = arith.constant 3 : i32
    %dma_start3A_71 = arith.constant 0 : i32
    %dma_start3A_72 = tpu.memref_slice %arg16[%dma_start3A_70, %dma_start3A_71] : memref<4x128xi32, #tpu.memory_space<vmem>> -> memref<1x128xi32, #tpu.memory_space<vmem>>
    %dma_start3A_73 = tpu.memref_squeeze %dma_start3A_72 : memref<1x128xi32, #tpu.memory_space<vmem>> -> memref<128xi32, #tpu.memory_space<vmem>>
    %dma_start3A_74 = tpu.memref_slice %arg4[%add3A_69] : memref<16384xi32, #tpu.memory_space<hbm>> -> memref<128xi32, #tpu.memory_space<hbm>>
    %dma_start3A_75 = arith.constant 0 : i32
    %dma_start3A_76 = tpu.memref_slice %arg16[%dma_start3A_70, %dma_start3A_75] : memref<4x128xi32, #tpu.memory_space<vmem>> -> memref<1x128xi32, #tpu.memory_space<vmem>>
    %dma_start3A_77 = tpu.memref_squeeze %dma_start3A_76 : memref<1x128xi32, #tpu.memory_space<vmem>> -> memref<128xi32, #tpu.memory_space<vmem>>
    %dma_start3A_78 = tpu.memref_slice %arg4[%add3A_69] : memref<16384xi32, #tpu.memory_space<hbm>> -> memref<128xi32, #tpu.memory_space<hbm>>
    tpu.enqueue_dma source(%dma_start3A_78 : memref<128xi32, #tpu.memory_space<hbm>>) target(%dma_start3A_77 : memref<128xi32, #tpu.memory_space<vmem>>) target_semaphore(%arg24 : memref<!tpu.dma_semaphore, #tpu.memory_space<semaphore_mem>>)
    %dma_wait3A = arith.constant 0 : i32
    %dma_wait3A_79 = arith.constant 0 : i32
    %dma_wait3A_80 = tpu.memref_slice %arg13[%dma_wait3A, %dma_wait3A_79] : memref<1x32xi32, #tpu.memory_space<vmem>> -> memref<1x32xi32, #tpu.memory_space<vmem>>
    %dma_wait3A_81 = tpu.memref_squeeze %dma_wait3A_80 : memref<1x32xi32, #tpu.memory_space<vmem>> -> memref<32xi32, #tpu.memory_space<vmem>>
    %dma_wait3A_82 = tpu.memref_slice %arg3[%mul3A_2] : memref<1024xi32, #tpu.memory_space<hbm>> -> memref<32xi32, #tpu.memory_space<hbm>>
    %dma_wait3A_83 = arith.constant 0 : i32
    %dma_wait3A_84 = tpu.memref_slice %arg13[%dma_wait3A, %dma_wait3A_83] : memref<1x32xi32, #tpu.memory_space<vmem>> -> memref<1x32xi32, #tpu.memory_space<vmem>>
    %dma_wait3A_85 = tpu.memref_squeeze %dma_wait3A_84 : memref<1x32xi32, #tpu.memory_space<vmem>> -> memref<32xi32, #tpu.memory_space<vmem>>
    %dma_wait3A_86 = tpu.memref_slice %arg3[%mul3A_2] : memref<1024xi32, #tpu.memory_space<hbm>> -> memref<32xi32, #tpu.memory_space<hbm>>
    tpu.wait_dma2 semaphore(%arg24 : memref<!tpu.dma_semaphore, #tpu.memory_space<semaphore_mem>>) src(%dma_wait3A_86 : memref<32xi32, #tpu.memory_space<hbm>>) dst(%dma_wait3A_85 : memref<32xi32, #tpu.memory_space<vmem>>)
    %dma_start3A_87 = arith.constant 0 : i32
    %dma_start3A_88 = arith.constant 0 : i32
    %dma_start3A_89 = arith.constant 0 : i32
    %dma_start3A_90 = arith.constant 0 : i32
    %dma_start3A_91 = tpu.memref_slice %arg14[%dma_start3A_88, %dma_start3A_89, %dma_start3A_90] : memref<1x32x128xf32, #tpu.memory_space<vmem>> -> memref<1x32x128xf32, #tpu.memory_space<vmem>>
    %dma_start3A_92 = tpu.memref_squeeze %dma_start3A_91 : memref<1x32x128xf32, #tpu.memory_space<vmem>> -> memref<32x128xf32, #tpu.memory_space<vmem>>
    %dma_start3A_93 = arith.constant 0 : i32
    %dma_start3A_94 = tpu.memref_slice %arg13[%dma_start3A_87, %dma_start3A_93] : memref<1x32xi32, #tpu.memory_space<vmem>> -> memref<1x32xi32, #tpu.memory_space<vmem>>
    %dma_start3A_95 = tpu.memref_squeeze %dma_start3A_94 : memref<1x32xi32, #tpu.memory_space<vmem>> -> memref<32xi32, #tpu.memory_space<vmem>>
    %dma_start3A_96 = arith.constant 0 : i32
    %dma_start3A_97 = arith.constant 0 : i32
    %dma_start3A_98 = tpu.memref_slice %arg6[%dma_start3A_96, %dma_start3A_97] : memref<1000000x128xf32, #tpu.memory_space<hbm>> -> memref<1000000x128xf32, #tpu.memory_space<hbm>>
    tpu.enqueue_indirect_dma source(%dma_start3A_98 : memref<1000000x128xf32, #tpu.memory_space<hbm>>) target(%dma_start3A_92 : memref<32x128xf32, #tpu.memory_space<vmem>>) offsets(%dma_start3A_95 : memref<32xi32, #tpu.memory_space<vmem>>) semaphore(%arg22 : memref<!tpu.dma_semaphore, #tpu.memory_space<semaphore_mem>>)
    %dma_wait3A_99 = arith.constant 0 : i32
    %dma_wait3A_100 = arith.constant 0 : i32
    %dma_wait3A_101 = tpu.memref_slice %arg16[%dma_wait3A_99, %dma_wait3A_100] : memref<4x128xi32, #tpu.memory_space<vmem>> -> memref<1x128xi32, #tpu.memory_space<vmem>>
    %dma_wait3A_102 = tpu.memref_squeeze %dma_wait3A_101 : memref<1x128xi32, #tpu.memory_space<vmem>> -> memref<128xi32, #tpu.memory_space<vmem>>
    %dma_wait3A_103 = tpu.memref_slice %arg4[%add3A_36] : memref<16384xi32, #tpu.memory_space<hbm>> -> memref<128xi32, #tpu.memory_space<hbm>>
    %dma_wait3A_104 = arith.constant 0 : i32
    %dma_wait3A_105 = tpu.memref_slice %arg16[%dma_wait3A_99, %dma_wait3A_104] : memref<4x128xi32, #tpu.memory_space<vmem>> -> memref<1x128xi32, #tpu.memory_space<vmem>>
    %dma_wait3A_106 = tpu.memref_squeeze %dma_wait3A_105 : memref<1x128xi32, #tpu.memory_space<vmem>> -> memref<128xi32, #tpu.memory_space<vmem>>
    %dma_wait3A_107 = tpu.memref_slice %arg4[%add3A_36] : memref<16384xi32, #tpu.memory_space<hbm>> -> memref<128xi32, #tpu.memory_space<hbm>>
    tpu.wait_dma2 semaphore(%arg24 : memref<!tpu.dma_semaphore, #tpu.memory_space<semaphore_mem>>) src(%dma_wait3A_107 : memref<128xi32, #tpu.memory_space<hbm>>) dst(%dma_wait3A_106 : memref<128xi32, #tpu.memory_space<vmem>>)
    %dma_start3A_108 = arith.constant 0 : i32
    %dma_start3A_109 = arith.constant 0 : i32
    %dma_start3A_110 = arith.constant 0 : i32
    %dma_start3A_111 = arith.constant 0 : i32
    %dma_start3A_112 = arith.constant 0 : i32
    %dma_start3A_113 = tpu.memref_slice %arg17[%dma_start3A_109, %dma_start3A_111, %dma_start3A_112] : memref<4x128x128xf32, #tpu.memory_space<vmem>> -> memref<1x128x128xf32, #tpu.memory_space<vmem>>
    %dma_start3A_114 = tpu.memref_squeeze %dma_start3A_113 : memref<1x128x128xf32, #tpu.memory_space<vmem>> -> memref<128x128xf32, #tpu.memory_space<vmem>>
    %dma_start3A_115 = arith.constant 0 : i32
    %dma_start3A_116 = tpu.memref_slice %arg16[%dma_start3A_108, %dma_start3A_115] : memref<4x128xi32, #tpu.memory_space<vmem>> -> memref<1x128xi32, #tpu.memory_space<vmem>>
    %dma_start3A_117 = tpu.memref_squeeze %dma_start3A_116 : memref<1x128xi32, #tpu.memory_space<vmem>> -> memref<128xi32, #tpu.memory_space<vmem>>
    %dma_start3A_118 = arith.constant 0 : i32
    %dma_start3A_119 = arith.constant 0 : i32
    %dma_start3A_120 = tpu.memref_slice %arg6[%dma_start3A_118, %dma_start3A_119] : memref<1000000x128xf32, #tpu.memory_space<hbm>> -> memref<1000000x128xf32, #tpu.memory_space<hbm>>
    %dma_start3A_121 = tpu.memref_slice %arg23[%dma_start3A_110] : memref<4x!tpu.dma_semaphore, #tpu.memory_space<semaphore_mem>> -> memref<1x!tpu.dma_semaphore, #tpu.memory_space<semaphore_mem>>
    %dma_start3A_122 = tpu.memref_squeeze %dma_start3A_121 : memref<1x!tpu.dma_semaphore, #tpu.memory_space<semaphore_mem>> -> memref<!tpu.dma_semaphore, #tpu.memory_space<semaphore_mem>>
    tpu.enqueue_indirect_dma source(%dma_start3A_120 : memref<1000000x128xf32, #tpu.memory_space<hbm>>) target(%dma_start3A_114 : memref<128x128xf32, #tpu.memory_space<vmem>>) offsets(%dma_start3A_117 : memref<128xi32, #tpu.memory_space<vmem>>) semaphore(%dma_start3A_122 : memref<!tpu.dma_semaphore, #tpu.memory_space<semaphore_mem>>)
    %dma_wait3A_123 = arith.constant 1 : i32
    %dma_wait3A_124 = arith.constant 0 : i32
    %dma_wait3A_125 = tpu.memref_slice %arg16[%dma_wait3A_123, %dma_wait3A_124] : memref<4x128xi32, #tpu.memory_space<vmem>> -> memref<1x128xi32, #tpu.memory_space<vmem>>
    %dma_wait3A_126 = tpu.memref_squeeze %dma_wait3A_125 : memref<1x128xi32, #tpu.memory_space<vmem>> -> memref<128xi32, #tpu.memory_space<vmem>>
    %dma_wait3A_127 = tpu.memref_slice %arg4[%add3A_47] : memref<16384xi32, #tpu.memory_space<hbm>> -> memref<128xi32, #tpu.memory_space<hbm>>
    %dma_wait3A_128 = arith.constant 0 : i32
    %dma_wait3A_129 = tpu.memref_slice %arg16[%dma_wait3A_123, %dma_wait3A_128] : memref<4x128xi32, #tpu.memory_space<vmem>> -> memref<1x128xi32, #tpu.memory_space<vmem>>
    %dma_wait3A_130 = tpu.memref_squeeze %dma_wait3A_129 : memref<1x128xi32, #tpu.memory_space<vmem>> -> memref<128xi32, #tpu.memory_space<vmem>>
    %dma_wait3A_131 = tpu.memref_slice %arg4[%add3A_47] : memref<16384xi32, #tpu.memory_space<hbm>> -> memref<128xi32, #tpu.memory_space<hbm>>
    tpu.wait_dma2 semaphore(%arg24 : memref<!tpu.dma_semaphore, #tpu.memory_space<semaphore_mem>>) src(%dma_wait3A_131 : memref<128xi32, #tpu.memory_space<hbm>>) dst(%dma_wait3A_130 : memref<128xi32, #tpu.memory_space<vmem>>)
    %dma_start3A_132 = arith.constant 1 : i32
    %dma_start3A_133 = arith.constant 1 : i32
    %dma_start3A_134 = arith.constant 1 : i32
    %dma_start3A_135 = arith.constant 0 : i32
    %dma_start3A_136 = arith.constant 0 : i32
    %dma_start3A_137 = tpu.memref_slice %arg17[%dma_start3A_133, %dma_start3A_135, %dma_start3A_136] : memref<4x128x128xf32, #tpu.memory_space<vmem>> -> memref<1x128x128xf32, #tpu.memory_space<vmem>>
    %dma_start3A_138 = tpu.memref_squeeze %dma_start3A_137 : memref<1x128x128xf32, #tpu.memory_space<vmem>> -> memref<128x128xf32, #tpu.memory_space<vmem>>
    %dma_start3A_139 = arith.constant 0 : i32
    %dma_start3A_140 = tpu.memref_slice %arg16[%dma_start3A_132, %dma_start3A_139] : memref<4x128xi32, #tpu.memory_space<vmem>> -> memref<1x128xi32, #tpu.memory_space<vmem>>
    %dma_start3A_141 = tpu.memref_squeeze %dma_start3A_140 : memref<1x128xi32, #tpu.memory_space<vmem>> -> memref<128xi32, #tpu.memory_space<vmem>>
    %dma_start3A_142 = arith.constant 0 : i32
    %dma_start3A_143 = arith.constant 0 : i32
    %dma_start3A_144 = tpu.memref_slice %arg6[%dma_start3A_142, %dma_start3A_143] : memref<1000000x128xf32, #tpu.memory_space<hbm>> -> memref<1000000x128xf32, #tpu.memory_space<hbm>>
    %dma_start3A_145 = tpu.memref_slice %arg23[%dma_start3A_134] : memref<4x!tpu.dma_semaphore, #tpu.memory_space<semaphore_mem>> -> memref<1x!tpu.dma_semaphore, #tpu.memory_space<semaphore_mem>>
    %dma_start3A_146 = tpu.memref_squeeze %dma_start3A_145 : memref<1x!tpu.dma_semaphore, #tpu.memory_space<semaphore_mem>> -> memref<!tpu.dma_semaphore, #tpu.memory_space<semaphore_mem>>
    tpu.enqueue_indirect_dma source(%dma_start3A_144 : memref<1000000x128xf32, #tpu.memory_space<hbm>>) target(%dma_start3A_138 : memref<128x128xf32, #tpu.memory_space<vmem>>) offsets(%dma_start3A_141 : memref<128xi32, #tpu.memory_space<vmem>>) semaphore(%dma_start3A_146 : memref<!tpu.dma_semaphore, #tpu.memory_space<semaphore_mem>>)
    %dma_wait3A_147 = arith.constant 2 : i32
    %dma_wait3A_148 = arith.constant 0 : i32
    %dma_wait3A_149 = tpu.memref_slice %arg16[%dma_wait3A_147, %dma_wait3A_148] : memref<4x128xi32, #tpu.memory_space<vmem>> -> memref<1x128xi32, #tpu.memory_space<vmem>>
    %dma_wait3A_150 = tpu.memref_squeeze %dma_wait3A_149 : memref<1x128xi32, #tpu.memory_space<vmem>> -> memref<128xi32, #tpu.memory_space<vmem>>
    %dma_wait3A_151 = tpu.memref_slice %arg4[%add3A_58] : memref<16384xi32, #tpu.memory_space<hbm>> -> memref<128xi32, #tpu.memory_space<hbm>>
    %dma_wait3A_152 = arith.constant 0 : i32
    %dma_wait3A_153 = tpu.memref_slice %arg16[%dma_wait3A_147, %dma_wait3A_152] : memref<4x128xi32, #tpu.memory_space<vmem>> -> memref<1x128xi32, #tpu.memory_space<vmem>>
    %dma_wait3A_154 = tpu.memref_squeeze %dma_wait3A_153 : memref<1x128xi32, #tpu.memory_space<vmem>> -> memref<128xi32, #tpu.memory_space<vmem>>
    %dma_wait3A_155 = tpu.memref_slice %arg4[%add3A_58] : memref<16384xi32, #tpu.memory_space<hbm>> -> memref<128xi32, #tpu.memory_space<hbm>>
    tpu.wait_dma2 semaphore(%arg24 : memref<!tpu.dma_semaphore, #tpu.memory_space<semaphore_mem>>) src(%dma_wait3A_155 : memref<128xi32, #tpu.memory_space<hbm>>) dst(%dma_wait3A_154 : memref<128xi32, #tpu.memory_space<vmem>>)
    %dma_start3A_156 = arith.constant 2 : i32
    %dma_start3A_157 = arith.constant 2 : i32
    %dma_start3A_158 = arith.constant 2 : i32
    %dma_start3A_159 = arith.constant 0 : i32
    %dma_start3A_160 = arith.constant 0 : i32
    %dma_start3A_161 = tpu.memref_slice %arg17[%dma_start3A_157, %dma_start3A_159, %dma_start3A_160] : memref<4x128x128xf32, #tpu.memory_space<vmem>> -> memref<1x128x128xf32, #tpu.memory_space<vmem>>
    %dma_start3A_162 = tpu.memref_squeeze %dma_start3A_161 : memref<1x128x128xf32, #tpu.memory_space<vmem>> -> memref<128x128xf32, #tpu.memory_space<vmem>>
    %dma_start3A_163 = arith.constant 0 : i32
    %dma_start3A_164 = tpu.memref_slice %arg16[%dma_start3A_156, %dma_start3A_163] : memref<4x128xi32, #tpu.memory_space<vmem>> -> memref<1x128xi32, #tpu.memory_space<vmem>>
    %dma_start3A_165 = tpu.memref_squeeze %dma_start3A_164 : memref<1x128xi32, #tpu.memory_space<vmem>> -> memref<128xi32, #tpu.memory_space<vmem>>
    %dma_start3A_166 = arith.constant 0 : i32
    %dma_start3A_167 = arith.constant 0 : i32
    %dma_start3A_168 = tpu.memref_slice %arg6[%dma_start3A_166, %dma_start3A_167] : memref<1000000x128xf32, #tpu.memory_space<hbm>> -> memref<1000000x128xf32, #tpu.memory_space<hbm>>
    %dma_start3A_169 = tpu.memref_slice %arg23[%dma_start3A_158] : memref<4x!tpu.dma_semaphore, #tpu.memory_space<semaphore_mem>> -> memref<1x!tpu.dma_semaphore, #tpu.memory_space<semaphore_mem>>
    %dma_start3A_170 = tpu.memref_squeeze %dma_start3A_169 : memref<1x!tpu.dma_semaphore, #tpu.memory_space<semaphore_mem>> -> memref<!tpu.dma_semaphore, #tpu.memory_space<semaphore_mem>>
    tpu.enqueue_indirect_dma source(%dma_start3A_168 : memref<1000000x128xf32, #tpu.memory_space<hbm>>) target(%dma_start3A_162 : memref<128x128xf32, #tpu.memory_space<vmem>>) offsets(%dma_start3A_165 : memref<128xi32, #tpu.memory_space<vmem>>) semaphore(%dma_start3A_170 : memref<!tpu.dma_semaphore, #tpu.memory_space<semaphore_mem>>)
    %dma_wait3A_171 = arith.constant 3 : i32
    %dma_wait3A_172 = arith.constant 0 : i32
    %dma_wait3A_173 = tpu.memref_slice %arg16[%dma_wait3A_171, %dma_wait3A_172] : memref<4x128xi32, #tpu.memory_space<vmem>> -> memref<1x128xi32, #tpu.memory_space<vmem>>
    %dma_wait3A_174 = tpu.memref_squeeze %dma_wait3A_173 : memref<1x128xi32, #tpu.memory_space<vmem>> -> memref<128xi32, #tpu.memory_space<vmem>>
    %dma_wait3A_175 = tpu.memref_slice %arg4[%add3A_69] : memref<16384xi32, #tpu.memory_space<hbm>> -> memref<128xi32, #tpu.memory_space<hbm>>
    %dma_wait3A_176 = arith.constant 0 : i32
    %dma_wait3A_177 = tpu.memref_slice %arg16[%dma_wait3A_171, %dma_wait3A_176] : memref<4x128xi32, #tpu.memory_space<vmem>> -> memref<1x128xi32, #tpu.memory_space<vmem>>
    %dma_wait3A_178 = tpu.memref_squeeze %dma_wait3A_177 : memref<1x128xi32, #tpu.memory_space<vmem>> -> memref<128xi32, #tpu.memory_space<vmem>>
    %dma_wait3A_179 = tpu.memref_slice %arg4[%add3A_69] : memref<16384xi32, #tpu.memory_space<hbm>> -> memref<128xi32, #tpu.memory_space<hbm>>
    tpu.wait_dma2 semaphore(%arg24 : memref<!tpu.dma_semaphore, #tpu.memory_space<semaphore_mem>>) src(%dma_wait3A_179 : memref<128xi32, #tpu.memory_space<hbm>>) dst(%dma_wait3A_178 : memref<128xi32, #tpu.memory_space<vmem>>)
    %dma_start3A_180 = arith.constant 3 : i32
    %dma_start3A_181 = arith.constant 3 : i32
    %dma_start3A_182 = arith.constant 3 : i32
    %dma_start3A_183 = arith.constant 0 : i32
    %dma_start3A_184 = arith.constant 0 : i32
    %dma_start3A_185 = tpu.memref_slice %arg17[%dma_start3A_181, %dma_start3A_183, %dma_start3A_184] : memref<4x128x128xf32, #tpu.memory_space<vmem>> -> memref<1x128x128xf32, #tpu.memory_space<vmem>>
    %dma_start3A_186 = tpu.memref_squeeze %dma_start3A_185 : memref<1x128x128xf32, #tpu.memory_space<vmem>> -> memref<128x128xf32, #tpu.memory_space<vmem>>
    %dma_start3A_187 = arith.constant 0 : i32
    %dma_start3A_188 = tpu.memref_slice %arg16[%dma_start3A_180, %dma_start3A_187] : memref<4x128xi32, #tpu.memory_space<vmem>> -> memref<1x128xi32, #tpu.memory_space<vmem>>
    %dma_start3A_189 = tpu.memref_squeeze %dma_start3A_188 : memref<1x128xi32, #tpu.memory_space<vmem>> -> memref<128xi32, #tpu.memory_space<vmem>>
    %dma_start3A_190 = arith.constant 0 : i32
    %dma_start3A_191 = arith.constant 0 : i32
    %dma_start3A_192 = tpu.memref_slice %arg6[%dma_start3A_190, %dma_start3A_191] : memref<1000000x128xf32, #tpu.memory_space<hbm>> -> memref<1000000x128xf32, #tpu.memory_space<hbm>>
    %dma_start3A_193 = tpu.memref_slice %arg23[%dma_start3A_182] : memref<4x!tpu.dma_semaphore, #tpu.memory_space<semaphore_mem>> -> memref<1x!tpu.dma_semaphore, #tpu.memory_space<semaphore_mem>>
    %dma_start3A_194 = tpu.memref_squeeze %dma_start3A_193 : memref<1x!tpu.dma_semaphore, #tpu.memory_space<semaphore_mem>> -> memref<!tpu.dma_semaphore, #tpu.memory_space<semaphore_mem>>
    tpu.enqueue_indirect_dma source(%dma_start3A_192 : memref<1000000x128xf32, #tpu.memory_space<hbm>>) target(%dma_start3A_186 : memref<128x128xf32, #tpu.memory_space<vmem>>) offsets(%dma_start3A_189 : memref<128xi32, #tpu.memory_space<vmem>>) semaphore(%dma_start3A_194 : memref<!tpu.dma_semaphore, #tpu.memory_space<semaphore_mem>>)
    %le3A = arith.constant 12 : i32
    %le3A_195 = arith.cmpi sle, %arg1, %le3A : i32
    %convert_element_type3A_196 = arith.extui %le3A_195 : i1 to i32
    %cond3A_197 = arith.constant 0 : i32
    %cond3A_198 = arith.constant 0 : i32
    %cond3A_199 = arith.constant 0 : i32
    %cond3A_200 = arith.cmpi ne, %convert_element_type3A_196, %cond3A_199 : i32
    scf.if %cond3A_200 {
      %dma_wait3A_260 = arith.constant 0 : i32
      %dma_wait3A_261 = arith.constant 0 : i32
      %dma_wait3A_262 = tpu.memref_slice %arg10[%cond3A_198, %dma_wait3A_260, %dma_wait3A_261] : memref<1x16x128xf32, #tpu.memory_space<vmem>> -> memref<1x16x128xf32, #tpu.memory_space<vmem>>
      %dma_wait3A_263 = tpu.memref_squeeze %dma_wait3A_262 : memref<1x16x128xf32, #tpu.memory_space<vmem>> -> memref<16x128xf32, #tpu.memory_space<vmem>>
      %dma_wait3A_264 = arith.constant 0 : i32
      %dma_wait3A_265 = tpu.memref_slice %arg9[%cond3A_197, %dma_wait3A_264] : memref<1x16xi32, #tpu.memory_space<vmem>> -> memref<1x16xi32, #tpu.memory_space<vmem>>
      %dma_wait3A_266 = tpu.memref_squeeze %dma_wait3A_265 : memref<1x16xi32, #tpu.memory_space<vmem>> -> memref<16xi32, #tpu.memory_space<vmem>>
      %dma_wait3A_267 = arith.constant 0 : i32
      %dma_wait3A_268 = arith.constant 0 : i32
      %dma_wait3A_269 = tpu.memref_slice %arg5[%dma_wait3A_267, %dma_wait3A_268] : memref<1000000x128xf32, #tpu.memory_space<hbm>> -> memref<1000000x128xf32, #tpu.memory_space<hbm>>
      tpu.wait_indirect_dma semaphore(%arg21 : memref<!tpu.dma_semaphore, #tpu.memory_space<semaphore_mem>>) src(%dma_wait3A_269 : memref<1000000x128xf32, #tpu.memory_space<hbm>>) dst(%dma_wait3A_263 : memref<16x128xf32, #tpu.memory_space<vmem>>)
      %mul3A_270 = arith.constant 16 : i32
      %mul3A_271 = arith.muli %arg1, %mul3A_270 : i32
      %broadcast_in_dim3A_272 = arith.constant 0.000000e+00 : f32
      %broadcast_in_dim3A_273 = vector.broadcast %broadcast_in_dim3A_272 : f32 to vector<16xf32>
      %broadcast_in_dim3A_274 = arith.constant 0.000000e+00 : f32
      %broadcast_in_dim3A_275 = vector.broadcast %broadcast_in_dim3A_274 : f32 to vector<16xf32>
      %broadcast_in_dim3A_276 = arith.constant 0.000000e+00 : f32
      %broadcast_in_dim3A_277 = vector.broadcast %broadcast_in_dim3A_276 : f32 to vector<16xf32>
      %broadcast_in_dim3A_278 = arith.constant 0.000000e+00 : f32
      %broadcast_in_dim3A_279 = vector.broadcast %broadcast_in_dim3A_278 : f32 to vector<16xf32>
      %broadcast_in_dim3A_280 = arith.constant 0.000000e+00 : f32
      %broadcast_in_dim3A_281 = vector.broadcast %broadcast_in_dim3A_280 : f32 to vector<16xf32>
      %broadcast_in_dim3A_282 = arith.constant 0.000000e+00 : f32
      %broadcast_in_dim3A_283 = vector.broadcast %broadcast_in_dim3A_282 : f32 to vector<16xf32>
      %broadcast_in_dim3A_284 = arith.constant 0.000000e+00 : f32
      %broadcast_in_dim3A_285 = vector.broadcast %broadcast_in_dim3A_284 : f32 to vector<16xf32>
      %broadcast_in_dim3A_286 = arith.constant 0.000000e+00 : f32
      %broadcast_in_dim3A_287 = vector.broadcast %broadcast_in_dim3A_286 : f32 to vector<16xf32>
      %scan3A_288 = arith.constant 0 : i32
      %scan3A_289 = arith.constant 16 : i32
      %scan3A_290 = arith.addi %scan3A_288, %scan3A_289 : i32
      %scan3A_291 = arith.constant 1 : i32
      %scan3A_292:8 = scf.for %scan3A_327 = %scan3A_288 to %scan3A_290 step %scan3A_291 iter_args(%scan3A_328 = %broadcast_in_dim3A_273, %scan3A_329 = %broadcast_in_dim3A_275, %scan3A_330 = %broadcast_in_dim3A_277, %scan3A_331 = %broadcast_in_dim3A_279, %scan3A_332 = %broadcast_in_dim3A_281, %scan3A_333 = %broadcast_in_dim3A_283, %scan3A_334 = %broadcast_in_dim3A_285, %scan3A_335 = %broadcast_in_dim3A_287) -> (vector<16xf32>, vector<16xf32>, vector<16xf32>, vector<16xf32>, vector<16xf32>, vector<16xf32>, vector<16xf32>, vector<16xf32>)  : i32 {
        %add3A_336 = arith.addi %mul3A_271, %scan3A_327 : i32
        %lt3A_337 = arith.constant 200 : i32
        %lt3A_338 = arith.cmpi slt, %add3A_336, %lt3A_337 : i32
        %jit3A = arith.constant 5.000000e-03 : f32
        %jit3A_339 = arith.constant 0.000000e+00 : f32
        %select_n3A = arith.select %lt3A_338, %jit3A, %jit3A_339 : f32
        %get3A = arith.constant 0 : i32
        %get3A_340 = arith.index_cast %get3A : i32 to index
        %get3A_341 = arith.index_cast %scan3A_327 : i32 to index
        %get3A_342 = arith.constant 0 : index
        %get3A_343 = tpu.vector_load %arg10[%get3A_340, %get3A_341, %get3A_342] {strides = array<i32>} : memref<1x16x128xf32, #tpu.memory_space<vmem>>, vector<16xf32>,
        %mul3A_344 = vector.broadcast %select_n3A : f32 to vector<16xf32>
        %mul3A_345 = arith.mulf %get3A_343, %mul3A_344 : vector<16xf32>
        %add3A_346 = arith.addf %scan3A_328, %mul3A_345 : vector<16xf32>
        %get3A_347 = arith.constant 0 : i32
        %get3A_348 = arith.index_cast %get3A_347 : i32 to index
        %get3A_349 = arith.index_cast %scan3A_327 : i32 to index
        %get3A_350 = arith.constant 16 : index
        %get3A_351 = tpu.vector_load %arg10[%get3A_348, %get3A_349, %get3A_350] {strides = array<i32>} : memref<1x16x128xf32, #tpu.memory_space<vmem>>, vector<16xf32>,
        %mul3A_352 = vector.broadcast %select_n3A : f32 to vector<16xf32>
        %mul3A_353 = arith.mulf %get3A_351, %mul3A_352 : vector<16xf32>
        %add3A_354 = arith.addf %scan3A_329, %mul3A_353 : vector<16xf32>
        %get3A_355 = arith.constant 0 : i32
        %get3A_356 = arith.index_cast %get3A_355 : i32 to index
        %get3A_357 = arith.index_cast %scan3A_327 : i32 to index
        %get3A_358 = arith.constant 32 : index
        %get3A_359 = tpu.vector_load %arg10[%get3A_356, %get3A_357, %get3A_358] {strides = array<i32>} : memref<1x16x128xf32, #tpu.memory_space<vmem>>, vector<16xf32>,
        %mul3A_360 = vector.broadcast %select_n3A : f32 to vector<16xf32>
        %mul3A_361 = arith.mulf %get3A_359, %mul3A_360 : vector<16xf32>
        %add3A_362 = arith.addf %scan3A_330, %mul3A_361 : vector<16xf32>
        %get3A_363 = arith.constant 0 : i32
        %get3A_364 = arith.index_cast %get3A_363 : i32 to index
        %get3A_365 = arith.index_cast %scan3A_327 : i32 to index
        %get3A_366 = arith.constant 48 : index
        %get3A_367 = tpu.vector_load %arg10[%get3A_364, %get3A_365, %get3A_366] {strides = array<i32>} : memref<1x16x128xf32, #tpu.memory_space<vmem>>, vector<16xf32>,
        %mul3A_368 = vector.broadcast %select_n3A : f32 to vector<16xf32>
        %mul3A_369 = arith.mulf %get3A_367, %mul3A_368 : vector<16xf32>
        %add3A_370 = arith.addf %scan3A_331, %mul3A_369 : vector<16xf32>
        %get3A_371 = arith.constant 0 : i32
        %get3A_372 = arith.index_cast %get3A_371 : i32 to index
        %get3A_373 = arith.index_cast %scan3A_327 : i32 to index
        %get3A_374 = arith.constant 64 : index
        %get3A_375 = tpu.vector_load %arg10[%get3A_372, %get3A_373, %get3A_374] {strides = array<i32>} : memref<1x16x128xf32, #tpu.memory_space<vmem>>, vector<16xf32>,
        %mul3A_376 = vector.broadcast %select_n3A : f32 to vector<16xf32>
        %mul3A_377 = arith.mulf %get3A_375, %mul3A_376 : vector<16xf32>
        %add3A_378 = arith.addf %scan3A_332, %mul3A_377 : vector<16xf32>
        %get3A_379 = arith.constant 0 : i32
        %get3A_380 = arith.index_cast %get3A_379 : i32 to index
        %get3A_381 = arith.index_cast %scan3A_327 : i32 to index
        %get3A_382 = arith.constant 80 : index
        %get3A_383 = tpu.vector_load %arg10[%get3A_380, %get3A_381, %get3A_382] {strides = array<i32>} : memref<1x16x128xf32, #tpu.memory_space<vmem>>, vector<16xf32>,
        %mul3A_384 = vector.broadcast %select_n3A : f32 to vector<16xf32>
        %mul3A_385 = arith.mulf %get3A_383, %mul3A_384 : vector<16xf32>
        %add3A_386 = arith.addf %scan3A_333, %mul3A_385 : vector<16xf32>
        %get3A_387 = arith.constant 0 : i32
        %get3A_388 = arith.index_cast %get3A_387 : i32 to index
        %get3A_389 = arith.index_cast %scan3A_327 : i32 to index
        %get3A_390 = arith.constant 96 : index
        %get3A_391 = tpu.vector_load %arg10[%get3A_388, %get3A_389, %get3A_390] {strides = array<i32>} : memref<1x16x128xf32, #tpu.memory_space<vmem>>, vector<16xf32>,
        %mul3A_392 = vector.broadcast %select_n3A : f32 to vector<16xf32>
        %mul3A_393 = arith.mulf %get3A_391, %mul3A_392 : vector<16xf32>
        %add3A_394 = arith.addf %scan3A_334, %mul3A_393 : vector<16xf32>
        %get3A_395 = arith.constant 0 : i32
        %get3A_396 = arith.index_cast %get3A_395 : i32 to index
        %get3A_397 = arith.index_cast %scan3A_327 : i32 to index
        %get3A_398 = arith.constant 112 : index
        %get3A_399 = tpu.vector_load %arg10[%get3A_396, %get3A_397, %get3A_398] {strides = array<i32>} : memref<1x16x128xf32, #tpu.memory_space<vmem>>, vector<16xf32>,
        %mul3A_400 = vector.broadcast %select_n3A : f32 to vector<16xf32>
        %mul3A_401 = arith.mulf %get3A_399, %mul3A_400 : vector<16xf32>
        %add3A_402 = arith.addf %scan3A_335, %mul3A_401 : vector<16xf32>
        scf.yield %add3A_346, %add3A_354, %add3A_362, %add3A_370, %add3A_378, %add3A_386, %add3A_394, %add3A_402 : vector<16xf32>, vector<16xf32>, vector<16xf32>, vector<16xf32>, vector<16xf32>, vector<16xf32>, vector<16xf32>, vector<16xf32>
      }
      %scan3A_293 = arith.constant 16 : i32
      %swap3A_294 = arith.constant 0 : i32
      %swap3A_295 = arith.index_cast %swap3A_294 : i32 to index
      %swap3A_296 = arith.constant 0 : index
      %swap3A_297 = tpu.vector_load %arg11[%swap3A_295, %swap3A_296] {strides = array<i32>} : memref<1x128xf32, #tpu.memory_space<vmem>>, vector<16xf32>,
      tpu.vector_store %arg11[%swap3A_295, %swap3A_296], %scan3A_292#0 {strides = array<i32>} : memref<1x128xf32, #tpu.memory_space<vmem>>, vector<16xf32>,
      %swap3A_298 = arith.constant 0 : i32
      %swap3A_299 = arith.index_cast %swap3A_298 : i32 to index
      %swap3A_300 = arith.constant 16 : index
      %swap3A_301 = tpu.vector_load %arg11[%swap3A_299, %swap3A_300] {strides = array<i32>} : memref<1x128xf32, #tpu.memory_space<vmem>>, vector<16xf32>,
      tpu.vector_store %arg11[%swap3A_299, %swap3A_300], %scan3A_292#1 {strides = array<i32>} : memref<1x128xf32, #tpu.memory_space<vmem>>, vector<16xf32>,
      %swap3A_302 = arith.constant 0 : i32
      %swap3A_303 = arith.index_cast %swap3A_302 : i32 to index
      %swap3A_304 = arith.constant 32 : index
      %swap3A_305 = tpu.vector_load %arg11[%swap3A_303, %swap3A_304] {strides = array<i32>} : memref<1x128xf32, #tpu.memory_space<vmem>>, vector<16xf32>,
      tpu.vector_store %arg11[%swap3A_303, %swap3A_304], %scan3A_292#2 {strides = array<i32>} : memref<1x128xf32, #tpu.memory_space<vmem>>, vector<16xf32>,
      %swap3A_306 = arith.constant 0 : i32
      %swap3A_307 = arith.index_cast %swap3A_306 : i32 to index
      %swap3A_308 = arith.constant 48 : index
      %swap3A_309 = tpu.vector_load %arg11[%swap3A_307, %swap3A_308] {strides = array<i32>} : memref<1x128xf32, #tpu.memory_space<vmem>>, vector<16xf32>,
      tpu.vector_store %arg11[%swap3A_307, %swap3A_308], %scan3A_292#3 {strides = array<i32>} : memref<1x128xf32, #tpu.memory_space<vmem>>, vector<16xf32>,
      %swap3A_310 = arith.constant 0 : i32
      %swap3A_311 = arith.index_cast %swap3A_310 : i32 to index
      %swap3A_312 = arith.constant 64 : index
      %swap3A_313 = tpu.vector_load %arg11[%swap3A_311, %swap3A_312] {strides = array<i32>} : memref<1x128xf32, #tpu.memory_space<vmem>>, vector<16xf32>,
      tpu.vector_store %arg11[%swap3A_311, %swap3A_312], %scan3A_292#4 {strides = array<i32>} : memref<1x128xf32, #tpu.memory_space<vmem>>, vector<16xf32>,
      %swap3A_314 = arith.constant 0 : i32
      %swap3A_315 = arith.index_cast %swap3A_314 : i32 to index
      %swap3A_316 = arith.constant 80 : index
      %swap3A_317 = tpu.vector_load %arg11[%swap3A_315, %swap3A_316] {strides = array<i32>} : memref<1x128xf32, #tpu.memory_space<vmem>>, vector<16xf32>,
      tpu.vector_store %arg11[%swap3A_315, %swap3A_316], %scan3A_292#5 {strides = array<i32>} : memref<1x128xf32, #tpu.memory_space<vmem>>, vector<16xf32>,
      %swap3A_318 = arith.constant 0 : i32
      %swap3A_319 = arith.index_cast %swap3A_318 : i32 to index
      %swap3A_320 = arith.constant 96 : index
      %swap3A_321 = tpu.vector_load %arg11[%swap3A_319, %swap3A_320] {strides = array<i32>} : memref<1x128xf32, #tpu.memory_space<vmem>>, vector<16xf32>,
      tpu.vector_store %arg11[%swap3A_319, %swap3A_320], %scan3A_292#6 {strides = array<i32>} : memref<1x128xf32, #tpu.memory_space<vmem>>, vector<16xf32>,
      %swap3A_322 = arith.constant 0 : i32
      %swap3A_323 = arith.index_cast %swap3A_322 : i32 to index
      %swap3A_324 = arith.constant 112 : index
      %swap3A_325 = tpu.vector_load %arg11[%swap3A_323, %swap3A_324] {strides = array<i32>} : memref<1x128xf32, #tpu.memory_space<vmem>>, vector<16xf32>,
      tpu.vector_store %arg11[%swap3A_323, %swap3A_324], %scan3A_292#7 {strides = array<i32>} : memref<1x128xf32, #tpu.memory_space<vmem>>, vector<16xf32>,
      %run_scoped3A_326 = arith.constant 0 : i32
      "tpu.region"() ({
        %run_scoped3A_327 = tpu.sem_alloc : memref<!tpu.dma_semaphore, #tpu.memory_space<semaphore_mem>>
        %dma_start3A_328 = arith.constant 0 : i32
        %dma_start3A_329 = tpu.memref_slice %arg11[%run_scoped3A_326, %dma_start3A_328] : memref<1x128xf32, #tpu.memory_space<vmem>> -> memref<1x128xf32, #tpu.memory_space<vmem>>
        %dma_start3A_330 = tpu.memref_squeeze %dma_start3A_329 : memref<1x128xf32, #tpu.memory_space<vmem>> -> memref<128xf32, #tpu.memory_space<vmem>>
        %dma_start3A_331 = arith.constant 0 : i32
        %dma_start3A_332 = tpu.memref_slice %arg20[%arg1, %dma_start3A_331] : memref<16x128xf32, #tpu.memory_space<vmem_shared>> -> memref<1x128xf32, #tpu.memory_space<vmem_shared>>
        %dma_start3A_333 = tpu.memref_squeeze %dma_start3A_332 : memref<1x128xf32, #tpu.memory_space<vmem_shared>> -> memref<128xf32, #tpu.memory_space<vmem_shared>>
        %dma_start3A_334 = arith.constant 0 : i32
        %dma_start3A_335 = tpu.memref_slice %arg20[%arg1, %dma_start3A_334] : memref<16x128xf32, #tpu.memory_space<vmem_shared>> -> memref<1x128xf32, #tpu.memory_space<vmem_shared>>
        %dma_start3A_336 = tpu.memref_squeeze %dma_start3A_335 : memref<1x128xf32, #tpu.memory_space<vmem_shared>> -> memref<128xf32, #tpu.memory_space<vmem_shared>>
        %dma_start3A_337 = arith.constant 0 : i32
        %dma_start3A_338 = tpu.memref_slice %arg11[%run_scoped3A_326, %dma_start3A_337] : memref<1x128xf32, #tpu.memory_space<vmem>> -> memref<1x128xf32, #tpu.memory_space<vmem>>
        %dma_start3A_339 = tpu.memref_squeeze %dma_start3A_338 : memref<1x128xf32, #tpu.memory_space<vmem>> -> memref<128xf32, #tpu.memory_space<vmem>>
        tpu.enqueue_dma source(%dma_start3A_339 : memref<128xf32, #tpu.memory_space<vmem>>) target(%dma_start3A_336 : memref<128xf32, #tpu.memory_space<vmem_shared>>) target_semaphore(%run_scoped3A_327 : memref<!tpu.dma_semaphore, #tpu.memory_space<semaphore_mem>>)
        %dma_wait3A_340 = arith.constant 0 : i32
        %dma_wait3A_341 = tpu.memref_slice %arg11[%run_scoped3A_326, %dma_wait3A_340] : memref<1x128xf32, #tpu.memory_space<vmem>> -> memref<1x128xf32, #tpu.memory_space<vmem>>
        %dma_wait3A_342 = tpu.memref_squeeze %dma_wait3A_341 : memref<1x128xf32, #tpu.memory_space<vmem>> -> memref<128xf32, #tpu.memory_space<vmem>>
        %dma_wait3A_343 = arith.constant 0 : i32
        %dma_wait3A_344 = tpu.memref_slice %arg20[%arg1, %dma_wait3A_343] : memref<16x128xf32, #tpu.memory_space<vmem_shared>> -> memref<1x128xf32, #tpu.memory_space<vmem_shared>>
        %dma_wait3A_345 = tpu.memref_squeeze %dma_wait3A_344 : memref<1x128xf32, #tpu.memory_space<vmem_shared>> -> memref<128xf32, #tpu.memory_space<vmem_shared>>
        %dma_wait3A_346 = arith.constant 0 : i32
        %dma_wait3A_347 = tpu.memref_slice %arg20[%arg1, %dma_wait3A_346] : memref<16x128xf32, #tpu.memory_space<vmem_shared>> -> memref<1x128xf32, #tpu.memory_space<vmem_shared>>
        %dma_wait3A_348 = tpu.memref_squeeze %dma_wait3A_347 : memref<1x128xf32, #tpu.memory_space<vmem_shared>> -> memref<128xf32, #tpu.memory_space<vmem_shared>>
        %dma_wait3A_349 = arith.constant 0 : i32
        %dma_wait3A_350 = tpu.memref_slice %arg11[%run_scoped3A_326, %dma_wait3A_349] : memref<1x128xf32, #tpu.memory_space<vmem>> -> memref<1x128xf32, #tpu.memory_space<vmem>>
        %dma_wait3A_351 = tpu.memref_squeeze %dma_wait3A_350 : memref<1x128xf32, #tpu.memory_space<vmem>> -> memref<128xf32, #tpu.memory_space<vmem>>
        tpu.wait_dma2 semaphore(%run_scoped3A_327 : memref<!tpu.dma_semaphore, #tpu.memory_space<semaphore_mem>>) src(%dma_wait3A_351 : memref<128xf32, #tpu.memory_space<vmem>>) dst(%dma_wait3A_348 : memref<128xf32, #tpu.memory_space<vmem_shared>>)
        tpu.yield
      }) : () -> ()
    } else {
    }
    %gt3A = arith.constant 12 : i32
    %gt3A_201 = arith.cmpi sgt, %arg1, %gt3A : i32
    %convert_element_type3A_202 = arith.extui %gt3A_201 : i1 to i32
    %cond3A_203 = arith.constant 0 : i32
    %cond3A_204 = arith.cmpi ne, %convert_element_type3A_202, %cond3A_203 : i32
    scf.if %cond3A_204 {
      %broadcast_in_dim3A_260 = arith.constant 0.000000e+00 : f32
      %broadcast_in_dim3A_261 = vector.broadcast %broadcast_in_dim3A_260 : f32 to vector<16xf32>
      %swap3A_262 = arith.constant 0 : i32
      %swap3A_263 = arith.index_cast %swap3A_262 : i32 to index
      %swap3A_264 = arith.constant 0 : index
      %swap3A_265 = tpu.vector_load %arg11[%swap3A_263, %swap3A_264] {strides = array<i32>} : memref<1x128xf32, #tpu.memory_space<vmem>>, vector<16xf32>,
      tpu.vector_store %arg11[%swap3A_263, %swap3A_264], %broadcast_in_dim3A_261 {strides = array<i32>} : memref<1x128xf32, #tpu.memory_space<vmem>>, vector<16xf32>,
      %broadcast_in_dim3A_266 = arith.constant 0.000000e+00 : f32
      %broadcast_in_dim3A_267 = vector.broadcast %broadcast_in_dim3A_266 : f32 to vector<16xf32>
      %swap3A_268 = arith.constant 0 : i32
      %swap3A_269 = arith.index_cast %swap3A_268 : i32 to index
      %swap3A_270 = arith.constant 16 : index
      %swap3A_271 = tpu.vector_load %arg11[%swap3A_269, %swap3A_270] {strides = array<i32>} : memref<1x128xf32, #tpu.memory_space<vmem>>, vector<16xf32>,
      tpu.vector_store %arg11[%swap3A_269, %swap3A_270], %broadcast_in_dim3A_267 {strides = array<i32>} : memref<1x128xf32, #tpu.memory_space<vmem>>, vector<16xf32>,
      %broadcast_in_dim3A_272 = arith.constant 0.000000e+00 : f32
      %broadcast_in_dim3A_273 = vector.broadcast %broadcast_in_dim3A_272 : f32 to vector<16xf32>
      %swap3A_274 = arith.constant 0 : i32
      %swap3A_275 = arith.index_cast %swap3A_274 : i32 to index
      %swap3A_276 = arith.constant 32 : index
      %swap3A_277 = tpu.vector_load %arg11[%swap3A_275, %swap3A_276] {strides = array<i32>} : memref<1x128xf32, #tpu.memory_space<vmem>>, vector<16xf32>,
      tpu.vector_store %arg11[%swap3A_275, %swap3A_276], %broadcast_in_dim3A_273 {strides = array<i32>} : memref<1x128xf32, #tpu.memory_space<vmem>>, vector<16xf32>,
      %broadcast_in_dim3A_278 = arith.constant 0.000000e+00 : f32
      %broadcast_in_dim3A_279 = vector.broadcast %broadcast_in_dim3A_278 : f32 to vector<16xf32>
      %swap3A_280 = arith.constant 0 : i32
      %swap3A_281 = arith.index_cast %swap3A_280 : i32 to index
      %swap3A_282 = arith.constant 48 : index
      %swap3A_283 = tpu.vector_load %arg11[%swap3A_281, %swap3A_282] {strides = array<i32>} : memref<1x128xf32, #tpu.memory_space<vmem>>, vector<16xf32>,
      tpu.vector_store %arg11[%swap3A_281, %swap3A_282], %broadcast_in_dim3A_279 {strides = array<i32>} : memref<1x128xf32, #tpu.memory_space<vmem>>, vector<16xf32>,
      %broadcast_in_dim3A_284 = arith.constant 0.000000e+00 : f32
      %broadcast_in_dim3A_285 = vector.broadcast %broadcast_in_dim3A_284 : f32 to vector<16xf32>
      %swap3A_286 = arith.constant 0 : i32
      %swap3A_287 = arith.index_cast %swap3A_286 : i32 to index
      %swap3A_288 = arith.constant 64 : index
      %swap3A_289 = tpu.vector_load %arg11[%swap3A_287, %swap3A_288] {strides = array<i32>} : memref<1x128xf32, #tpu.memory_space<vmem>>, vector<16xf32>,
      tpu.vector_store %arg11[%swap3A_287, %swap3A_288], %broadcast_in_dim3A_285 {strides = array<i32>} : memref<1x128xf32, #tpu.memory_space<vmem>>, vector<16xf32>,
      %broadcast_in_dim3A_290 = arith.constant 0.000000e+00 : f32
      %broadcast_in_dim3A_291 = vector.broadcast %broadcast_in_dim3A_290 : f32 to vector<16xf32>
      %swap3A_292 = arith.constant 0 : i32
      %swap3A_293 = arith.index_cast %swap3A_292 : i32 to index
      %swap3A_294 = arith.constant 80 : index
      %swap3A_295 = tpu.vector_load %arg11[%swap3A_293, %swap3A_294] {strides = array<i32>} : memref<1x128xf32, #tpu.memory_space<vmem>>, vector<16xf32>,
      tpu.vector_store %arg11[%swap3A_293, %swap3A_294], %broadcast_in_dim3A_291 {strides = array<i32>} : memref<1x128xf32, #tpu.memory_space<vmem>>, vector<16xf32>,
      %broadcast_in_dim3A_296 = arith.constant 0.000000e+00 : f32
      %broadcast_in_dim3A_297 = vector.broadcast %broadcast_in_dim3A_296 : f32 to vector<16xf32>
      %swap3A_298 = arith.constant 0 : i32
      %swap3A_299 = arith.index_cast %swap3A_298 : i32 to index
      %swap3A_300 = arith.constant 96 : index
      %swap3A_301 = tpu.vector_load %arg11[%swap3A_299, %swap3A_300] {strides = array<i32>} : memref<1x128xf32, #tpu.memory_space<vmem>>, vector<16xf32>,
      tpu.vector_store %arg11[%swap3A_299, %swap3A_300], %broadcast_in_dim3A_297 {strides = array<i32>} : memref<1x128xf32, #tpu.memory_space<vmem>>, vector<16xf32>,
      %broadcast_in_dim3A_302 = arith.constant 0.000000e+00 : f32
      %broadcast_in_dim3A_303 = vector.broadcast %broadcast_in_dim3A_302 : f32 to vector<16xf32>
      %swap3A_304 = arith.constant 0 : i32
      %swap3A_305 = arith.index_cast %swap3A_304 : i32 to index
      %swap3A_306 = arith.constant 112 : index
      %swap3A_307 = tpu.vector_load %arg11[%swap3A_305, %swap3A_306] {strides = array<i32>} : memref<1x128xf32, #tpu.memory_space<vmem>>, vector<16xf32>,
      tpu.vector_store %arg11[%swap3A_305, %swap3A_306], %broadcast_in_dim3A_303 {strides = array<i32>} : memref<1x128xf32, #tpu.memory_space<vmem>>, vector<16xf32>,
      %run_scoped3A_308 = arith.constant 0 : i32
      "tpu.region"() ({
        %run_scoped3A_309 = tpu.sem_alloc : memref<!tpu.dma_semaphore, #tpu.memory_space<semaphore_mem>>
        %dma_start3A_310 = arith.constant 0 : i32
        %dma_start3A_311 = tpu.memref_slice %arg11[%run_scoped3A_308, %dma_start3A_310] : memref<1x128xf32, #tpu.memory_space<vmem>> -> memref<1x128xf32, #tpu.memory_space<vmem>>
        %dma_start3A_312 = tpu.memref_squeeze %dma_start3A_311 : memref<1x128xf32, #tpu.memory_space<vmem>> -> memref<128xf32, #tpu.memory_space<vmem>>
        %dma_start3A_313 = arith.constant 0 : i32
        %dma_start3A_314 = tpu.memref_slice %arg20[%arg1, %dma_start3A_313] : memref<16x128xf32, #tpu.memory_space<vmem_shared>> -> memref<1x128xf32, #tpu.memory_space<vmem_shared>>
        %dma_start3A_315 = tpu.memref_squeeze %dma_start3A_314 : memref<1x128xf32, #tpu.memory_space<vmem_shared>> -> memref<128xf32, #tpu.memory_space<vmem_shared>>
        %dma_start3A_316 = arith.constant 0 : i32
        %dma_start3A_317 = tpu.memref_slice %arg20[%arg1, %dma_start3A_316] : memref<16x128xf32, #tpu.memory_space<vmem_shared>> -> memref<1x128xf32, #tpu.memory_space<vmem_shared>>
        %dma_start3A_318 = tpu.memref_squeeze %dma_start3A_317 : memref<1x128xf32, #tpu.memory_space<vmem_shared>> -> memref<128xf32, #tpu.memory_space<vmem_shared>>
        %dma_start3A_319 = arith.constant 0 : i32
        %dma_start3A_320 = tpu.memref_slice %arg11[%run_scoped3A_308, %dma_start3A_319] : memref<1x128xf32, #tpu.memory_space<vmem>> -> memref<1x128xf32, #tpu.memory_space<vmem>>
        %dma_start3A_321 = tpu.memref_squeeze %dma_start3A_320 : memref<1x128xf32, #tpu.memory_space<vmem>> -> memref<128xf32, #tpu.memory_space<vmem>>
        tpu.enqueue_dma source(%dma_start3A_321 : memref<128xf32, #tpu.memory_space<vmem>>) target(%dma_start3A_318 : memref<128xf32, #tpu.memory_space<vmem_shared>>) target_semaphore(%run_scoped3A_309 : memref<!tpu.dma_semaphore, #tpu.memory_space<semaphore_mem>>)
        %dma_wait3A_322 = arith.constant 0 : i32
        %dma_wait3A_323 = tpu.memref_slice %arg11[%run_scoped3A_308, %dma_wait3A_322] : memref<1x128xf32, #tpu.memory_space<vmem>> -> memref<1x128xf32, #tpu.memory_space<vmem>>
        %dma_wait3A_324 = tpu.memref_squeeze %dma_wait3A_323 : memref<1x128xf32, #tpu.memory_space<vmem>> -> memref<128xf32, #tpu.memory_space<vmem>>
        %dma_wait3A_325 = arith.constant 0 : i32
        %dma_wait3A_326 = tpu.memref_slice %arg20[%arg1, %dma_wait3A_325] : memref<16x128xf32, #tpu.memory_space<vmem_shared>> -> memref<1x128xf32, #tpu.memory_space<vmem_shared>>
        %dma_wait3A_327 = tpu.memref_squeeze %dma_wait3A_326 : memref<1x128xf32, #tpu.memory_space<vmem_shared>> -> memref<128xf32, #tpu.memory_space<vmem_shared>>
        %dma_wait3A_328 = arith.constant 0 : i32
        %dma_wait3A_329 = tpu.memref_slice %arg20[%arg1, %dma_wait3A_328] : memref<16x128xf32, #tpu.memory_space<vmem_shared>> -> memref<1x128xf32, #tpu.memory_space<vmem_shared>>
        %dma_wait3A_330 = tpu.memref_squeeze %dma_wait3A_329 : memref<1x128xf32, #tpu.memory_space<vmem_shared>> -> memref<128xf32, #tpu.memory_space<vmem_shared>>
        %dma_wait3A_331 = arith.constant 0 : i32
        %dma_wait3A_332 = tpu.memref_slice %arg11[%run_scoped3A_308, %dma_wait3A_331] : memref<1x128xf32, #tpu.memory_space<vmem>> -> memref<1x128xf32, #tpu.memory_space<vmem>>
        %dma_wait3A_333 = tpu.memref_squeeze %dma_wait3A_332 : memref<1x128xf32, #tpu.memory_space<vmem>> -> memref<128xf32, #tpu.memory_space<vmem>>
        tpu.wait_dma2 semaphore(%run_scoped3A_309 : memref<!tpu.dma_semaphore, #tpu.memory_space<semaphore_mem>>) src(%dma_wait3A_333 : memref<128xf32, #tpu.memory_space<vmem>>) dst(%dma_wait3A_330 : memref<128xf32, #tpu.memory_space<vmem_shared>>)
        tpu.yield
      }) : () -> ()
    } else {
    }
    %barrier3A = arith.constant 0 : index
    tpu.barrier barrier_id(%barrier3A)
    "tpu.region"() ({
      %run_scoped3A_260 = tpu.sem_alloc : memref<!tpu.dma_semaphore, #tpu.memory_space<semaphore_mem>>
      tpu.enqueue_dma source(%arg20 : memref<16x128xf32, #tpu.memory_space<vmem_shared>>) target(%arg12 : memref<16x128xf32, #tpu.memory_space<vmem>>) target_semaphore(%run_scoped3A_260 : memref<!tpu.dma_semaphore, #tpu.memory_space<semaphore_mem>>)
      tpu.wait_dma2 semaphore(%run_scoped3A_260 : memref<!tpu.dma_semaphore, #tpu.memory_space<semaphore_mem>>) src(%arg20 : memref<16x128xf32, #tpu.memory_space<vmem_shared>>) dst(%arg12 : memref<16x128xf32, #tpu.memory_space<vmem>>)
      tpu.yield
    }) : () -> ()
    %broadcast_in_dim3A_205 = arith.constant 0.000000e+00 : f32
    %broadcast_in_dim3A_206 = vector.broadcast %broadcast_in_dim3A_205 : f32 to vector<16xf32>
    %broadcast_in_dim3A_207 = arith.constant 0.000000e+00 : f32
    %broadcast_in_dim3A_208 = vector.broadcast %broadcast_in_dim3A_207 : f32 to vector<16xf32>
    %broadcast_in_dim3A_209 = arith.constant 0.000000e+00 : f32
    %broadcast_in_dim3A_210 = vector.broadcast %broadcast_in_dim3A_209 : f32 to vector<16xf32>
    %broadcast_in_dim3A_211 = arith.constant 0.000000e+00 : f32
    %broadcast_in_dim3A_212 = vector.broadcast %broadcast_in_dim3A_211 : f32 to vector<16xf32>
    %broadcast_in_dim3A_213 = arith.constant 0.000000e+00 : f32
    %broadcast_in_dim3A_214 = vector.broadcast %broadcast_in_dim3A_213 : f32 to vector<16xf32>
    %broadcast_in_dim3A_215 = arith.constant 0.000000e+00 : f32
    %broadcast_in_dim3A_216 = vector.broadcast %broadcast_in_dim3A_215 : f32 to vector<16xf32>
    %broadcast_in_dim3A_217 = arith.constant 0.000000e+00 : f32
    %broadcast_in_dim3A_218 = vector.broadcast %broadcast_in_dim3A_217 : f32 to vector<16xf32>
    %broadcast_in_dim3A_219 = arith.constant 0.000000e+00 : f32
    %broadcast_in_dim3A_220 = vector.broadcast %broadcast_in_dim3A_219 : f32 to vector<16xf32>
    %scan3A = arith.constant 0 : i32
    %scan3A_221 = arith.constant 16 : i32
    %scan3A_222 = arith.addi %scan3A, %scan3A_221 : i32
    %scan3A_223 = arith.constant 1 : i32
    %scan3A_224:8 = scf.for %scan3A_260 = %scan3A to %scan3A_222 step %scan3A_223 iter_args(%scan3A_261 = %broadcast_in_dim3A_206, %scan3A_262 = %broadcast_in_dim3A_208, %scan3A_263 = %broadcast_in_dim3A_210, %scan3A_264 = %broadcast_in_dim3A_212, %scan3A_265 = %broadcast_in_dim3A_214, %scan3A_266 = %broadcast_in_dim3A_216, %scan3A_267 = %broadcast_in_dim3A_218, %scan3A_268 = %broadcast_in_dim3A_220) -> (vector<16xf32>, vector<16xf32>, vector<16xf32>, vector<16xf32>, vector<16xf32>, vector<16xf32>, vector<16xf32>, vector<16xf32>)  : i32 {
      %get3A = arith.index_cast %scan3A_260 : i32 to index
      %get3A_269 = arith.constant 0 : index
      %get3A_270 = tpu.vector_load %arg12[%get3A, %get3A_269] {strides = array<i32>} : memref<16x128xf32, #tpu.memory_space<vmem>>, vector<16xf32>,
      %add3A_271 = arith.addf %scan3A_261, %get3A_270 : vector<16xf32>
      %get3A_272 = arith.index_cast %scan3A_260 : i32 to index
      %get3A_273 = arith.constant 16 : index
      %get3A_274 = tpu.vector_load %arg12[%get3A_272, %get3A_273] {strides = array<i32>} : memref<16x128xf32, #tpu.memory_space<vmem>>, vector<16xf32>,
      %add3A_275 = arith.addf %scan3A_262, %get3A_274 : vector<16xf32>
      %get3A_276 = arith.index_cast %scan3A_260 : i32 to index
      %get3A_277 = arith.constant 32 : index
      %get3A_278 = tpu.vector_load %arg12[%get3A_276, %get3A_277] {strides = array<i32>} : memref<16x128xf32, #tpu.memory_space<vmem>>, vector<16xf32>,
      %add3A_279 = arith.addf %scan3A_263, %get3A_278 : vector<16xf32>
      %get3A_280 = arith.index_cast %scan3A_260 : i32 to index
      %get3A_281 = arith.constant 48 : index
      %get3A_282 = tpu.vector_load %arg12[%get3A_280, %get3A_281] {strides = array<i32>} : memref<16x128xf32, #tpu.memory_space<vmem>>, vector<16xf32>,
      %add3A_283 = arith.addf %scan3A_264, %get3A_282 : vector<16xf32>
      %get3A_284 = arith.index_cast %scan3A_260 : i32 to index
      %get3A_285 = arith.constant 64 : index
      %get3A_286 = tpu.vector_load %arg12[%get3A_284, %get3A_285] {strides = array<i32>} : memref<16x128xf32, #tpu.memory_space<vmem>>, vector<16xf32>,
      %add3A_287 = arith.addf %scan3A_265, %get3A_286 : vector<16xf32>
      %get3A_288 = arith.index_cast %scan3A_260 : i32 to index
      %get3A_289 = arith.constant 80 : index
      %get3A_290 = tpu.vector_load %arg12[%get3A_288, %get3A_289] {strides = array<i32>} : memref<16x128xf32, #tpu.memory_space<vmem>>, vector<16xf32>,
      %add3A_291 = arith.addf %scan3A_266, %get3A_290 : vector<16xf32>
      %get3A_292 = arith.index_cast %scan3A_260 : i32 to index
      %get3A_293 = arith.constant 96 : index
      %get3A_294 = tpu.vector_load %arg12[%get3A_292, %get3A_293] {strides = array<i32>} : memref<16x128xf32, #tpu.memory_space<vmem>>, vector<16xf32>,
      %add3A_295 = arith.addf %scan3A_267, %get3A_294 : vector<16xf32>
      %get3A_296 = arith.index_cast %scan3A_260 : i32 to index
      %get3A_297 = arith.constant 112 : index
      %get3A_298 = tpu.vector_load %arg12[%get3A_296, %get3A_297] {strides = array<i32>} : memref<16x128xf32, #tpu.memory_space<vmem>>, vector<16xf32>,
      %add3A_299 = arith.addf %scan3A_268, %get3A_298 : vector<16xf32>
      scf.yield %add3A_271, %add3A_275, %add3A_279, %add3A_283, %add3A_287, %add3A_291, %add3A_295, %add3A_299 : vector<16xf32>, vector<16xf32>, vector<16xf32>, vector<16xf32>, vector<16xf32>, vector<16xf32>, vector<16xf32>, vector<16xf32>
    }
    %scan3A_225 = arith.constant 16 : i32
    %iota3A = tpu.iota {dimensions = array<i32: 0>} : vector<16xi32>
    %dma_wait3A_226 = arith.constant 0 : i32
    %dma_wait3A_227 = arith.constant 0 : i32
    %dma_wait3A_228 = arith.constant 0 : i32
    %dma_wait3A_229 = arith.constant 0 : i32
    %dma_wait3A_230 = tpu.memref_slice %arg14[%dma_wait3A_227, %dma_wait3A_228, %dma_wait3A_229] : memref<1x32x128xf32, #tpu.memory_space<vmem>> -> memref<1x32x128xf32, #tpu.memory_space<vmem>>
    %dma_wait3A_231 = tpu.memref_squeeze %dma_wait3A_230 : memref<1x32x128xf32, #tpu.memory_space<vmem>> -> memref<32x128xf32, #tpu.memory_space<vmem>>
    %dma_wait3A_232 = arith.constant 0 : i32
    %dma_wait3A_233 = tpu.memref_slice %arg13[%dma_wait3A_226, %dma_wait3A_232] : memref<1x32xi32, #tpu.memory_space<vmem>> -> memref<1x32xi32, #tpu.memory_space<vmem>>
    %dma_wait3A_234 = tpu.memref_squeeze %dma_wait3A_233 : memref<1x32xi32, #tpu.memory_space<vmem>> -> memref<32xi32, #tpu.memory_space<vmem>>
    %dma_wait3A_235 = arith.constant 0 : i32
    %dma_wait3A_236 = arith.constant 0 : i32
    %dma_wait3A_237 = tpu.memref_slice %arg6[%dma_wait3A_235, %dma_wait3A_236] : memref<1000000x128xf32, #tpu.memory_space<hbm>> -> memref<1000000x128xf32, #tpu.memory_space<hbm>>
    tpu.wait_indirect_dma semaphore(%arg22 : memref<!tpu.dma_semaphore, #tpu.memory_space<semaphore_mem>>) src(%dma_wait3A_237 : memref<1000000x128xf32, #tpu.memory_space<hbm>>) dst(%dma_wait3A_231 : memref<32x128xf32, #tpu.memory_space<vmem>>)
    %scan3A_238 = arith.constant 0 : i32
    %scan3A_239 = arith.constant 0 : i32
    %scan3A_240 = arith.constant 2 : i32
    %scan3A_241 = arith.addi %scan3A_239, %scan3A_240 : i32
    %scan3A_242 = arith.constant 1 : i32
    scf.for %scan3A_260 = %scan3A_239 to %scan3A_241 step %scan3A_242  : i32 {
      %mul3A_261 = arith.constant 16 : i32
      %mul3A_262 = arith.muli %scan3A_260, %mul3A_261 : i32
      %mul3A_263 = arith.constant 16 : i32
      %mul3A_264 = arith.muli %scan3A_260, %mul3A_263 : i32
      %add3A_265 = arith.constant 0 : i32
      %add3A_266 = arith.addi %mul3A_264, %add3A_265 : i32
      %get3A = arith.constant 0 : i32
      %get3A_267 = arith.index_cast %get3A : i32 to index
      %get3A_268 = arith.index_cast %add3A_266 : i32 to index
      %get3A_269 = arith.constant 0 : index
      %get3A_270 = tpu.vector_load %arg14[%get3A_267, %get3A_268, %get3A_269] {strides = array<i32>} : memref<1x32x128xf32, #tpu.memory_space<vmem>>, vector<16xf32>,
      %mul3A_271 = arith.mulf %get3A_270, %scan3A_224#0 : vector<16xf32>
      %mul3A_272 = arith.constant 16 : i32
      %mul3A_273 = arith.muli %scan3A_260, %mul3A_272 : i32
      %add3A_274 = arith.constant 1 : i32
      %add3A_275 = arith.addi %mul3A_273, %add3A_274 : i32
      %get3A_276 = arith.constant 0 : i32
      %get3A_277 = arith.index_cast %get3A_276 : i32 to index
      %get3A_278 = arith.index_cast %add3A_275 : i32 to index
      %get3A_279 = arith.constant 0 : index
      %get3A_280 = tpu.vector_load %arg14[%get3A_277, %get3A_278, %get3A_279] {strides = array<i32>} : memref<1x32x128xf32, #tpu.memory_space<vmem>>, vector<16xf32>,
      %mul3A_281 = arith.mulf %get3A_280, %scan3A_224#0 : vector<16xf32>
      %mul3A_282 = arith.constant 16 : i32
      %mul3A_283 = arith.muli %scan3A_260, %mul3A_282 : i32
      %add3A_284 = arith.constant 2 : i32
      %add3A_285 = arith.addi %mul3A_283, %add3A_284 : i32
      %get3A_286 = arith.constant 0 : i32
      %get3A_287 = arith.index_cast %get3A_286 : i32 to index
      %get3A_288 = arith.index_cast %add3A_285 : i32 to index
      %get3A_289 = arith.constant 0 : index
      %get3A_290 = tpu.vector_load %arg14[%get3A_287, %get3A_288, %get3A_289] {strides = array<i32>} : memref<1x32x128xf32, #tpu.memory_space<vmem>>, vector<16xf32>,
      %mul3A_291 = arith.mulf %get3A_290, %scan3A_224#0 : vector<16xf32>
      %mul3A_292 = arith.constant 16 : i32
      %mul3A_293 = arith.muli %scan3A_260, %mul3A_292 : i32
      %add3A_294 = arith.constant 3 : i32
      %add3A_295 = arith.addi %mul3A_293, %add3A_294 : i32
      %get3A_296 = arith.constant 0 : i32
      %get3A_297 = arith.index_cast %get3A_296 : i32 to index
      %get3A_298 = arith.index_cast %add3A_295 : i32 to index
      %get3A_299 = arith.constant 0 : index
      %get3A_300 = tpu.vector_load %arg14[%get3A_297, %get3A_298, %get3A_299] {strides = array<i32>} : memref<1x32x128xf32, #tpu.memory_space<vmem>>, vector<16xf32>,
      %mul3A_301 = arith.mulf %get3A_300, %scan3A_224#0 : vector<16xf32>
      %mul3A_302 = arith.constant 16 : i32
      %mul3A_303 = arith.muli %scan3A_260, %mul3A_302 : i32
      %add3A_304 = arith.constant 4 : i32
      %add3A_305 = arith.addi %mul3A_303, %add3A_304 : i32
      %get3A_306 = arith.constant 0 : i32
      %get3A_307 = arith.index_cast %get3A_306 : i32 to index
      %get3A_308 = arith.index_cast %add3A_305 : i32 to index
      %get3A_309 = arith.constant 0 : index
      %get3A_310 = tpu.vector_load %arg14[%get3A_307, %get3A_308, %get3A_309] {strides = array<i32>} : memref<1x32x128xf32, #tpu.memory_space<vmem>>, vector<16xf32>,
      %mul3A_311 = arith.mulf %get3A_310, %scan3A_224#0 : vector<16xf32>
      %mul3A_312 = arith.constant 16 : i32
      %mul3A_313 = arith.muli %scan3A_260, %mul3A_312 : i32
      %add3A_314 = arith.constant 5 : i32
      %add3A_315 = arith.addi %mul3A_313, %add3A_314 : i32
      %get3A_316 = arith.constant 0 : i32
      %get3A_317 = arith.index_cast %get3A_316 : i32 to index
      %get3A_318 = arith.index_cast %add3A_315 : i32 to index
      %get3A_319 = arith.constant 0 : index
      %get3A_320 = tpu.vector_load %arg14[%get3A_317, %get3A_318, %get3A_319] {strides = array<i32>} : memref<1x32x128xf32, #tpu.memory_space<vmem>>, vector<16xf32>,
      %mul3A_321 = arith.mulf %get3A_320, %scan3A_224#0 : vector<16xf32>
      %mul3A_322 = arith.constant 16 : i32
      %mul3A_323 = arith.muli %scan3A_260, %mul3A_322 : i32
      %add3A_324 = arith.constant 6 : i32
      %add3A_325 = arith.addi %mul3A_323, %add3A_324 : i32
      %get3A_326 = arith.constant 0 : i32
      %get3A_327 = arith.index_cast %get3A_326 : i32 to index
      %get3A_328 = arith.index_cast %add3A_325 : i32 to index
      %get3A_329 = arith.constant 0 : index
      %get3A_330 = tpu.vector_load %arg14[%get3A_327, %get3A_328, %get3A_329] {strides = array<i32>} : memref<1x32x128xf32, #tpu.memory_space<vmem>>, vector<16xf32>,
      %mul3A_331 = arith.mulf %get3A_330, %scan3A_224#0 : vector<16xf32>
      %mul3A_332 = arith.constant 16 : i32
      %mul3A_333 = arith.muli %scan3A_260, %mul3A_332 : i32
      %add3A_334 = arith.constant 7 : i32
      %add3A_335 = arith.addi %mul3A_333, %add3A_334 : i32
      %get3A_336 = arith.constant 0 : i32
      %get3A_337 = arith.index_cast %get3A_336 : i32 to index
      %get3A_338 = arith.index_cast %add3A_335 : i32 to index
      %get3A_339 = arith.constant 0 : index
      %get3A_340 = tpu.vector_load %arg14[%get3A_337, %get3A_338, %get3A_339] {strides = array<i32>} : memref<1x32x128xf32, #tpu.memory_space<vmem>>, vector<16xf32>,
      %mul3A_341 = arith.mulf %get3A_340, %scan3A_224#0 : vector<16xf32>
      %mul3A_342 = arith.constant 16 : i32
      %mul3A_343 = arith.muli %scan3A_260, %mul3A_342 : i32
      %add3A_344 = arith.constant 8 : i32
      %add3A_345 = arith.addi %mul3A_343, %add3A_344 : i32
      %get3A_346 = arith.constant 0 : i32
      %get3A_347 = arith.index_cast %get3A_346 : i32 to index
      %get3A_348 = arith.index_cast %add3A_345 : i32 to index
      %get3A_349 = arith.constant 0 : index
      %get3A_350 = tpu.vector_load %arg14[%get3A_347, %get3A_348, %get3A_349] {strides = array<i32>} : memref<1x32x128xf32, #tpu.memory_space<vmem>>, vector<16xf32>,
      %mul3A_351 = arith.mulf %get3A_350, %scan3A_224#0 : vector<16xf32>
      %mul3A_352 = arith.constant 16 : i32
      %mul3A_353 = arith.muli %scan3A_260, %mul3A_352 : i32
      %add3A_354 = arith.constant 9 : i32
      %add3A_355 = arith.addi %mul3A_353, %add3A_354 : i32
      %get3A_356 = arith.constant 0 : i32
      %get3A_357 = arith.index_cast %get3A_356 : i32 to index
      %get3A_358 = arith.index_cast %add3A_355 : i32 to index
      %get3A_359 = arith.constant 0 : index
      %get3A_360 = tpu.vector_load %arg14[%get3A_357, %get3A_358, %get3A_359] {strides = array<i32>} : memref<1x32x128xf32, #tpu.memory_space<vmem>>, vector<16xf32>,
      %mul3A_361 = arith.mulf %get3A_360, %scan3A_224#0 : vector<16xf32>
      %mul3A_362 = arith.constant 16 : i32
      %mul3A_363 = arith.muli %scan3A_260, %mul3A_362 : i32
      %add3A_364 = arith.constant 10 : i32
      %add3A_365 = arith.addi %mul3A_363, %add3A_364 : i32
      %get3A_366 = arith.constant 0 : i32
      %get3A_367 = arith.index_cast %get3A_366 : i32 to index
      %get3A_368 = arith.index_cast %add3A_365 : i32 to index
      %get3A_369 = arith.constant 0 : index
      %get3A_370 = tpu.vector_load %arg14[%get3A_367, %get3A_368, %get3A_369] {strides = array<i32>} : memref<1x32x128xf32, #tpu.memory_space<vmem>>, vector<16xf32>,
      %mul3A_371 = arith.mulf %get3A_370, %scan3A_224#0 : vector<16xf32>
      %mul3A_372 = arith.constant 16 : i32
      %mul3A_373 = arith.muli %scan3A_260, %mul3A_372 : i32
      %add3A_374 = arith.constant 11 : i32
      %add3A_375 = arith.addi %mul3A_373, %add3A_374 : i32
      %get3A_376 = arith.constant 0 : i32
      %get3A_377 = arith.index_cast %get3A_376 : i32 to index
      %get3A_378 = arith.index_cast %add3A_375 : i32 to index
      %get3A_379 = arith.constant 0 : index
      %get3A_380 = tpu.vector_load %arg14[%get3A_377, %get3A_378, %get3A_379] {strides = array<i32>} : memref<1x32x128xf32, #tpu.memory_space<vmem>>, vector<16xf32>,
      %mul3A_381 = arith.mulf %get3A_380, %scan3A_224#0 : vector<16xf32>
      %mul3A_382 = arith.constant 16 : i32
      %mul3A_383 = arith.muli %scan3A_260, %mul3A_382 : i32
      %add3A_384 = arith.constant 12 : i32
      %add3A_385 = arith.addi %mul3A_383, %add3A_384 : i32
      %get3A_386 = arith.constant 0 : i32
      %get3A_387 = arith.index_cast %get3A_386 : i32 to index
      %get3A_388 = arith.index_cast %add3A_385 : i32 to index
      %get3A_389 = arith.constant 0 : index
      %get3A_390 = tpu.vector_load %arg14[%get3A_387, %get3A_388, %get3A_389] {strides = array<i32>} : memref<1x32x128xf32, #tpu.memory_space<vmem>>, vector<16xf32>,
      %mul3A_391 = arith.mulf %get3A_390, %scan3A_224#0 : vector<16xf32>
      %mul3A_392 = arith.constant 16 : i32
      %mul3A_393 = arith.muli %scan3A_260, %mul3A_392 : i32
      %add3A_394 = arith.constant 13 : i32
      %add3A_395 = arith.addi %mul3A_393, %add3A_394 : i32
      %get3A_396 = arith.constant 0 : i32
      %get3A_397 = arith.index_cast %get3A_396 : i32 to index
      %get3A_398 = arith.index_cast %add3A_395 : i32 to index
      %get3A_399 = arith.constant 0 : index
      %get3A_400 = tpu.vector_load %arg14[%get3A_397, %get3A_398, %get3A_399] {strides = array<i32>} : memref<1x32x128xf32, #tpu.memory_space<vmem>>, vector<16xf32>,
      %mul3A_401 = arith.mulf %get3A_400, %scan3A_224#0 : vector<16xf32>
      %mul3A_402 = arith.constant 16 : i32
      %mul3A_403 = arith.muli %scan3A_260, %mul3A_402 : i32
      %add3A_404 = arith.constant 14 : i32
      %add3A_405 = arith.addi %mul3A_403, %add3A_404 : i32
      %get3A_406 = arith.constant 0 : i32
      %get3A_407 = arith.index_cast %get3A_406 : i32 to index
      %get3A_408 = arith.index_cast %add3A_405 : i32 to index
      %get3A_409 = arith.constant 0 : index
      %get3A_410 = tpu.vector_load %arg14[%get3A_407, %get3A_408, %get3A_409] {strides = array<i32>} : memref<1x32x128xf32, #tpu.memory_space<vmem>>, vector<16xf32>,
      %mul3A_411 = arith.mulf %get3A_410, %scan3A_224#0 : vector<16xf32>
      %mul3A_412 = arith.constant 16 : i32
      %mul3A_413 = arith.muli %scan3A_260, %mul3A_412 : i32
      %add3A_414 = arith.constant 15 : i32
      %add3A_415 = arith.addi %mul3A_413, %add3A_414 : i32
      %get3A_416 = arith.constant 0 : i32
      %get3A_417 = arith.index_cast %get3A_416 : i32 to index
      %get3A_418 = arith.index_cast %add3A_415 : i32 to index
      %get3A_419 = arith.constant 0 : index
      %get3A_420 = tpu.vector_load %arg14[%get3A_417, %get3A_418, %get3A_419] {strides = array<i32>} : memref<1x32x128xf32, #tpu.memory_space<vmem>>, vector<16xf32>,
      %mul3A_421 = arith.mulf %get3A_420, %scan3A_224#0 : vector<16xf32>
      %mul3A_422 = arith.constant 16 : i32
      %mul3A_423 = arith.muli %scan3A_260, %mul3A_422 : i32
      %add3A_424 = arith.constant 0 : i32
      %add3A_425 = arith.addi %mul3A_423, %add3A_424 : i32
      %get3A_426 = arith.constant 0 : i32
      %get3A_427 = arith.index_cast %get3A_426 : i32 to index
      %get3A_428 = arith.index_cast %add3A_425 : i32 to index
      %get3A_429 = arith.constant 16 : index
      %get3A_430 = tpu.vector_load %arg14[%get3A_427, %get3A_428, %get3A_429] {strides = array<i32>} : memref<1x32x128xf32, #tpu.memory_space<vmem>>, vector<16xf32>,
      %mul3A_431 = arith.mulf %get3A_430, %scan3A_224#1 : vector<16xf32>
      %add3A_432 = arith.addf %mul3A_271, %mul3A_431 : vector<16xf32>
      %mul3A_433 = arith.constant 16 : i32
      %mul3A_434 = arith.muli %scan3A_260, %mul3A_433 : i32
      %add3A_435 = arith.constant 1 : i32
      %add3A_436 = arith.addi %mul3A_434, %add3A_435 : i32
      %get3A_437 = arith.constant 0 : i32
      %get3A_438 = arith.index_cast %get3A_437 : i32 to index
      %get3A_439 = arith.index_cast %add3A_436 : i32 to index
      %get3A_440 = arith.constant 16 : index
      %get3A_441 = tpu.vector_load %arg14[%get3A_438, %get3A_439, %get3A_440] {strides = array<i32>} : memref<1x32x128xf32, #tpu.memory_space<vmem>>, vector<16xf32>,
      %mul3A_442 = arith.mulf %get3A_441, %scan3A_224#1 : vector<16xf32>
      %add3A_443 = arith.addf %mul3A_281, %mul3A_442 : vector<16xf32>
      %mul3A_444 = arith.constant 16 : i32
      %mul3A_445 = arith.muli %scan3A_260, %mul3A_444 : i32
      %add3A_446 = arith.constant 2 : i32
      %add3A_447 = arith.addi %mul3A_445, %add3A_446 : i32
      %get3A_448 = arith.constant 0 : i32
      %get3A_449 = arith.index_cast %get3A_448 : i32 to index
      %get3A_450 = arith.index_cast %add3A_447 : i32 to index
      %get3A_451 = arith.constant 16 : index
      %get3A_452 = tpu.vector_load %arg14[%get3A_449, %get3A_450, %get3A_451] {strides = array<i32>} : memref<1x32x128xf32, #tpu.memory_space<vmem>>, vector<16xf32>,
      %mul3A_453 = arith.mulf %get3A_452, %scan3A_224#1 : vector<16xf32>
      %add3A_454 = arith.addf %mul3A_291, %mul3A_453 : vector<16xf32>
      %mul3A_455 = arith.constant 16 : i32
      %mul3A_456 = arith.muli %scan3A_260, %mul3A_455 : i32
      %add3A_457 = arith.constant 3 : i32
      %add3A_458 = arith.addi %mul3A_456, %add3A_457 : i32
      %get3A_459 = arith.constant 0 : i32
      %get3A_460 = arith.index_cast %get3A_459 : i32 to index
      %get3A_461 = arith.index_cast %add3A_458 : i32 to index
      %get3A_462 = arith.constant 16 : index
      %get3A_463 = tpu.vector_load %arg14[%get3A_460, %get3A_461, %get3A_462] {strides = array<i32>} : memref<1x32x128xf32, #tpu.memory_space<vmem>>, vector<16xf32>,
      %mul3A_464 = arith.mulf %get3A_463, %scan3A_224#1 : vector<16xf32>
      %add3A_465 = arith.addf %mul3A_301, %mul3A_464 : vector<16xf32>
      %mul3A_466 = arith.constant 16 : i32
      %mul3A_467 = arith.muli %scan3A_260, %mul3A_466 : i32
      %add3A_468 = arith.constant 4 : i32
      %add3A_469 = arith.addi %mul3A_467, %add3A_468 : i32
      %get3A_470 = arith.constant 0 : i32
      %get3A_471 = arith.index_cast %get3A_470 : i32 to index
      %get3A_472 = arith.index_cast %add3A_469 : i32 to index
      %get3A_473 = arith.constant 16 : index
      %get3A_474 = tpu.vector_load %arg14[%get3A_471, %get3A_472, %get3A_473] {strides = array<i32>} : memref<1x32x128xf32, #tpu.memory_space<vmem>>, vector<16xf32>,
      %mul3A_475 = arith.mulf %get3A_474, %scan3A_224#1 : vector<16xf32>
      %add3A_476 = arith.addf %mul3A_311, %mul3A_475 : vector<16xf32>
      %mul3A_477 = arith.constant 16 : i32
      %mul3A_478 = arith.muli %scan3A_260, %mul3A_477 : i32
      %add3A_479 = arith.constant 5 : i32
      %add3A_480 = arith.addi %mul3A_478, %add3A_479 : i32
      %get3A_481 = arith.constant 0 : i32
      %get3A_482 = arith.index_cast %get3A_481 : i32 to index
      %get3A_483 = arith.index_cast %add3A_480 : i32 to index
      %get3A_484 = arith.constant 16 : index
      %get3A_485 = tpu.vector_load %arg14[%get3A_482, %get3A_483, %get3A_484] {strides = array<i32>} : memref<1x32x128xf32, #tpu.memory_space<vmem>>, vector<16xf32>,
      %mul3A_486 = arith.mulf %get3A_485, %scan3A_224#1 : vector<16xf32>
      %add3A_487 = arith.addf %mul3A_321, %mul3A_486 : vector<16xf32>
      %mul3A_488 = arith.constant 16 : i32
      %mul3A_489 = arith.muli %scan3A_260, %mul3A_488 : i32
      %add3A_490 = arith.constant 6 : i32
      %add3A_491 = arith.addi %mul3A_489, %add3A_490 : i32
      %get3A_492 = arith.constant 0 : i32
      %get3A_493 = arith.index_cast %get3A_492 : i32 to index
      %get3A_494 = arith.index_cast %add3A_491 : i32 to index
      %get3A_495 = arith.constant 16 : index
      %get3A_496 = tpu.vector_load %arg14[%get3A_493, %get3A_494, %get3A_495] {strides = array<i32>} : memref<1x32x128xf32, #tpu.memory_space<vmem>>, vector<16xf32>,
      %mul3A_497 = arith.mulf %get3A_496, %scan3A_224#1 : vector<16xf32>
      %add3A_498 = arith.addf %mul3A_331, %mul3A_497 : vector<16xf32>
      %mul3A_499 = arith.constant 16 : i32
      %mul3A_500 = arith.muli %scan3A_260, %mul3A_499 : i32
      %add3A_501 = arith.constant 7 : i32
      %add3A_502 = arith.addi %mul3A_500, %add3A_501 : i32
      %get3A_503 = arith.constant 0 : i32
      %get3A_504 = arith.index_cast %get3A_503 : i32 to index
      %get3A_505 = arith.index_cast %add3A_502 : i32 to index
      %get3A_506 = arith.constant 16 : index
      %get3A_507 = tpu.vector_load %arg14[%get3A_504, %get3A_505, %get3A_506] {strides = array<i32>} : memref<1x32x128xf32, #tpu.memory_space<vmem>>, vector<16xf32>,
      %mul3A_508 = arith.mulf %get3A_507, %scan3A_224#1 : vector<16xf32>
      %add3A_509 = arith.addf %mul3A_341, %mul3A_508 : vector<16xf32>
      %mul3A_510 = arith.constant 16 : i32
      %mul3A_511 = arith.muli %scan3A_260, %mul3A_510 : i32
      %add3A_512 = arith.constant 8 : i32
      %add3A_513 = arith.addi %mul3A_511, %add3A_512 : i32
      %get3A_514 = arith.constant 0 : i32
      %get3A_515 = arith.index_cast %get3A_514 : i32 to index
      %get3A_516 = arith.index_cast %add3A_513 : i32 to index
      %get3A_517 = arith.constant 16 : index
      %get3A_518 = tpu.vector_load %arg14[%get3A_515, %get3A_516, %get3A_517] {strides = array<i32>} : memref<1x32x128xf32, #tpu.memory_space<vmem>>, vector<16xf32>,
      %mul3A_519 = arith.mulf %get3A_518, %scan3A_224#1 : vector<16xf32>
      %add3A_520 = arith.addf %mul3A_351, %mul3A_519 : vector<16xf32>
      %mul3A_521 = arith.constant 16 : i32
      %mul3A_522 = arith.muli %scan3A_260, %mul3A_521 : i32
      %add3A_523 = arith.constant 9 : i32
      %add3A_524 = arith.addi %mul3A_522, %add3A_523 : i32
      %get3A_525 = arith.constant 0 : i32
      %get3A_526 = arith.index_cast %get3A_525 : i32 to index
      %get3A_527 = arith.index_cast %add3A_524 : i32 to index
      %get3A_528 = arith.constant 16 : index
      %get3A_529 = tpu.vector_load %arg14[%get3A_526, %get3A_527, %get3A_528] {strides = array<i32>} : memref<1x32x128xf32, #tpu.memory_space<vmem>>, vector<16xf32>,
      %mul3A_530 = arith.mulf %get3A_529, %scan3A_224#1 : vector<16xf32>
      %add3A_531 = arith.addf %mul3A_361, %mul3A_530 : vector<16xf32>
      %mul3A_532 = arith.constant 16 : i32
      %mul3A_533 = arith.muli %scan3A_260, %mul3A_532 : i32
      %add3A_534 = arith.constant 10 : i32
      %add3A_535 = arith.addi %mul3A_533, %add3A_534 : i32
      %get3A_536 = arith.constant 0 : i32
      %get3A_537 = arith.index_cast %get3A_536 : i32 to index
      %get3A_538 = arith.index_cast %add3A_535 : i32 to index
      %get3A_539 = arith.constant 16 : index
      %get3A_540 = tpu.vector_load %arg14[%get3A_537, %get3A_538, %get3A_539] {strides = array<i32>} : memref<1x32x128xf32, #tpu.memory_space<vmem>>, vector<16xf32>,
      %mul3A_541 = arith.mulf %get3A_540, %scan3A_224#1 : vector<16xf32>
      %add3A_542 = arith.addf %mul3A_371, %mul3A_541 : vector<16xf32>
      %mul3A_543 = arith.constant 16 : i32
      %mul3A_544 = arith.muli %scan3A_260, %mul3A_543 : i32
      %add3A_545 = arith.constant 11 : i32
      %add3A_546 = arith.addi %mul3A_544, %add3A_545 : i32
      %get3A_547 = arith.constant 0 : i32
      %get3A_548 = arith.index_cast %get3A_547 : i32 to index
      %get3A_549 = arith.index_cast %add3A_546 : i32 to index
      %get3A_550 = arith.constant 16 : index
      %get3A_551 = tpu.vector_load %arg14[%get3A_548, %get3A_549, %get3A_550] {strides = array<i32>} : memref<1x32x128xf32, #tpu.memory_space<vmem>>, vector<16xf32>,
      %mul3A_552 = arith.mulf %get3A_551, %scan3A_224#1 : vector<16xf32>
      %add3A_553 = arith.addf %mul3A_381, %mul3A_552 : vector<16xf32>
      %mul3A_554 = arith.constant 16 : i32
      %mul3A_555 = arith.muli %scan3A_260, %mul3A_554 : i32
      %add3A_556 = arith.constant 12 : i32
      %add3A_557 = arith.addi %mul3A_555, %add3A_556 : i32
      %get3A_558 = arith.constant 0 : i32
      %get3A_559 = arith.index_cast %get3A_558 : i32 to index
      %get3A_560 = arith.index_cast %add3A_557 : i32 to index
      %get3A_561 = arith.constant 16 : index
      %get3A_562 = tpu.vector_load %arg14[%get3A_559, %get3A_560, %get3A_561] {strides = array<i32>} : memref<1x32x128xf32, #tpu.memory_space<vmem>>, vector<16xf32>,
      %mul3A_563 = arith.mulf %get3A_562, %scan3A_224#1 : vector<16xf32>
      %add3A_564 = arith.addf %mul3A_391, %mul3A_563 : vector<16xf32>
      %mul3A_565 = arith.constant 16 : i32
      %mul3A_566 = arith.muli %scan3A_260, %mul3A_565 : i32
      %add3A_567 = arith.constant 13 : i32
      %add3A_568 = arith.addi %mul3A_566, %add3A_567 : i32
      %get3A_569 = arith.constant 0 : i32
      %get3A_570 = arith.index_cast %get3A_569 : i32 to index
      %get3A_571 = arith.index_cast %add3A_568 : i32 to index
      %get3A_572 = arith.constant 16 : index
      %get3A_573 = tpu.vector_load %arg14[%get3A_570, %get3A_571, %get3A_572] {strides = array<i32>} : memref<1x32x128xf32, #tpu.memory_space<vmem>>, vector<16xf32>,
      %mul3A_574 = arith.mulf %get3A_573, %scan3A_224#1 : vector<16xf32>
      %add3A_575 = arith.addf %mul3A_401, %mul3A_574 : vector<16xf32>
      %mul3A_576 = arith.constant 16 : i32
      %mul3A_577 = arith.muli %scan3A_260, %mul3A_576 : i32
      %add3A_578 = arith.constant 14 : i32
      %add3A_579 = arith.addi %mul3A_577, %add3A_578 : i32
      %get3A_580 = arith.constant 0 : i32
      %get3A_581 = arith.index_cast %get3A_580 : i32 to index
      %get3A_582 = arith.index_cast %add3A_579 : i32 to index
      %get3A_583 = arith.constant 16 : index
      %get3A_584 = tpu.vector_load %arg14[%get3A_581, %get3A_582, %get3A_583] {strides = array<i32>} : memref<1x32x128xf32, #tpu.memory_space<vmem>>, vector<16xf32>,
      %mul3A_585 = arith.mulf %get3A_584, %scan3A_224#1 : vector<16xf32>
      %add3A_586 = arith.addf %mul3A_411, %mul3A_585 : vector<16xf32>
      %mul3A_587 = arith.constant 16 : i32
      %mul3A_588 = arith.muli %scan3A_260, %mul3A_587 : i32
      %add3A_589 = arith.constant 15 : i32
      %add3A_590 = arith.addi %mul3A_588, %add3A_589 : i32
      %get3A_591 = arith.constant 0 : i32
      %get3A_592 = arith.index_cast %get3A_591 : i32 to index
      %get3A_593 = arith.index_cast %add3A_590 : i32 to index
      %get3A_594 = arith.constant 16 : index
      %get3A_595 = tpu.vector_load %arg14[%get3A_592, %get3A_593, %get3A_594] {strides = array<i32>} : memref<1x32x128xf32, #tpu.memory_space<vmem>>, vector<16xf32>,
      %mul3A_596 = arith.mulf %get3A_595, %scan3A_224#1 : vector<16xf32>
      %add3A_597 = arith.addf %mul3A_421, %mul3A_596 : vector<16xf32>
      %mul3A_598 = arith.constant 16 : i32
      %mul3A_599 = arith.muli %scan3A_260, %mul3A_598 : i32
      %add3A_600 = arith.constant 0 : i32
      %add3A_601 = arith.addi %mul3A_599, %add3A_600 : i32
      %get3A_602 = arith.constant 0 : i32
      %get3A_603 = arith.index_cast %get3A_602 : i32 to index
      %get3A_604 = arith.index_cast %add3A_601 : i32 to index
      %get3A_605 = arith.constant 32 : index
      %get3A_606 = tpu.vector_load %arg14[%get3A_603, %get3A_604, %get3A_605] {strides = array<i32>} : memref<1x32x128xf32, #tpu.memory_space<vmem>>, vector<16xf32>,
      %mul3A_607 = arith.mulf %get3A_606, %scan3A_224#2 : vector<16xf32>
      %add3A_608 = arith.addf %add3A_432, %mul3A_607 : vector<16xf32>
      %mul3A_609 = arith.constant 16 : i32
      %mul3A_610 = arith.muli %scan3A_260, %mul3A_609 : i32
      %add3A_611 = arith.constant 1 : i32
      %add3A_612 = arith.addi %mul3A_610, %add3A_611 : i32
      %get3A_613 = arith.constant 0 : i32
      %get3A_614 = arith.index_cast %get3A_613 : i32 to index
      %get3A_615 = arith.index_cast %add3A_612 : i32 to index
      %get3A_616 = arith.constant 32 : index
      %get3A_617 = tpu.vector_load %arg14[%get3A_614, %get3A_615, %get3A_616] {strides = array<i32>} : memref<1x32x128xf32, #tpu.memory_space<vmem>>, vector<16xf32>,
      %mul3A_618 = arith.mulf %get3A_617, %scan3A_224#2 : vector<16xf32>
      %add3A_619 = arith.addf %add3A_443, %mul3A_618 : vector<16xf32>
      %mul3A_620 = arith.constant 16 : i32
      %mul3A_621 = arith.muli %scan3A_260, %mul3A_620 : i32
      %add3A_622 = arith.constant 2 : i32
      %add3A_623 = arith.addi %mul3A_621, %add3A_622 : i32
      %get3A_624 = arith.constant 0 : i32
      %get3A_625 = arith.index_cast %get3A_624 : i32 to index
      %get3A_626 = arith.index_cast %add3A_623 : i32 to index
      %get3A_627 = arith.constant 32 : index
      %get3A_628 = tpu.vector_load %arg14[%get3A_625, %get3A_626, %get3A_627] {strides = array<i32>} : memref<1x32x128xf32, #tpu.memory_space<vmem>>, vector<16xf32>,
      %mul3A_629 = arith.mulf %get3A_628, %scan3A_224#2 : vector<16xf32>
      %add3A_630 = arith.addf %add3A_454, %mul3A_629 : vector<16xf32>
      %mul3A_631 = arith.constant 16 : i32
      %mul3A_632 = arith.muli %scan3A_260, %mul3A_631 : i32
      %add3A_633 = arith.constant 3 : i32
      %add3A_634 = arith.addi %mul3A_632, %add3A_633 : i32
      %get3A_635 = arith.constant 0 : i32
      %get3A_636 = arith.index_cast %get3A_635 : i32 to index
      %get3A_637 = arith.index_cast %add3A_634 : i32 to index
      %get3A_638 = arith.constant 32 : index
      %get3A_639 = tpu.vector_load %arg14[%get3A_636, %get3A_637, %get3A_638] {strides = array<i32>} : memref<1x32x128xf32, #tpu.memory_space<vmem>>, vector<16xf32>,
      %mul3A_640 = arith.mulf %get3A_639, %scan3A_224#2 : vector<16xf32>
      %add3A_641 = arith.addf %add3A_465, %mul3A_640 : vector<16xf32>
      %mul3A_642 = arith.constant 16 : i32
      %mul3A_643 = arith.muli %scan3A_260, %mul3A_642 : i32
      %add3A_644 = arith.constant 4 : i32
      %add3A_645 = arith.addi %mul3A_643, %add3A_644 : i32
      %get3A_646 = arith.constant 0 : i32
      %get3A_647 = arith.index_cast %get3A_646 : i32 to index
      %get3A_648 = arith.index_cast %add3A_645 : i32 to index
      %get3A_649 = arith.constant 32 : index
      %get3A_650 = tpu.vector_load %arg14[%get3A_647, %get3A_648, %get3A_649] {strides = array<i32>} : memref<1x32x128xf32, #tpu.memory_space<vmem>>, vector<16xf32>,
      %mul3A_651 = arith.mulf %get3A_650, %scan3A_224#2 : vector<16xf32>
      %add3A_652 = arith.addf %add3A_476, %mul3A_651 : vector<16xf32>
      %mul3A_653 = arith.constant 16 : i32
      %mul3A_654 = arith.muli %scan3A_260, %mul3A_653 : i32
      %add3A_655 = arith.constant 5 : i32
      %add3A_656 = arith.addi %mul3A_654, %add3A_655 : i32
      %get3A_657 = arith.constant 0 : i32
      %get3A_658 = arith.index_cast %get3A_657 : i32 to index
      %get3A_659 = arith.index_cast %add3A_656 : i32 to index
      %get3A_660 = arith.constant 32 : index
      %get3A_661 = tpu.vector_load %arg14[%get3A_658, %get3A_659, %get3A_660] {strides = array<i32>} : memref<1x32x128xf32, #tpu.memory_space<vmem>>, vector<16xf32>,
      %mul3A_662 = arith.mulf %get3A_661, %scan3A_224#2 : vector<16xf32>
      %add3A_663 = arith.addf %add3A_487, %mul3A_662 : vector<16xf32>
      %mul3A_664 = arith.constant 16 : i32
      %mul3A_665 = arith.muli %scan3A_260, %mul3A_664 : i32
      %add3A_666 = arith.constant 6 : i32
      %add3A_667 = arith.addi %mul3A_665, %add3A_666 : i32
      %get3A_668 = arith.constant 0 : i32
      %get3A_669 = arith.index_cast %get3A_668 : i32 to index
      %get3A_670 = arith.index_cast %add3A_667 : i32 to index
      %get3A_671 = arith.constant 32 : index
      %get3A_672 = tpu.vector_load %arg14[%get3A_669, %get3A_670, %get3A_671] {strides = array<i32>} : memref<1x32x128xf32, #tpu.memory_space<vmem>>, vector<16xf32>,
      %mul3A_673 = arith.mulf %get3A_672, %scan3A_224#2 : vector<16xf32>
      %add3A_674 = arith.addf %add3A_498, %mul3A_673 : vector<16xf32>
      %mul3A_675 = arith.constant 16 : i32
      %mul3A_676 = arith.muli %scan3A_260, %mul3A_675 : i32
      %add3A_677 = arith.constant 7 : i32
      %add3A_678 = arith.addi %mul3A_676, %add3A_677 : i32
      %get3A_679 = arith.constant 0 : i32
      %get3A_680 = arith.index_cast %get3A_679 : i32 to index
      %get3A_681 = arith.index_cast %add3A_678 : i32 to index
      %get3A_682 = arith.constant 32 : index
      %get3A_683 = tpu.vector_load %arg14[%get3A_680, %get3A_681, %get3A_682] {strides = array<i32>} : memref<1x32x128xf32, #tpu.memory_space<vmem>>, vector<16xf32>,
      %mul3A_684 = arith.mulf %get3A_683, %scan3A_224#2 : vector<16xf32>
      %add3A_685 = arith.addf %add3A_509, %mul3A_684 : vector<16xf32>
      %mul3A_686 = arith.constant 16 : i32
      %mul3A_687 = arith.muli %scan3A_260, %mul3A_686 : i32
      %add3A_688 = arith.constant 8 : i32
      %add3A_689 = arith.addi %mul3A_687, %add3A_688 : i32
      %get3A_690 = arith.constant 0 : i32
      %get3A_691 = arith.index_cast %get3A_690 : i32 to index
      %get3A_692 = arith.index_cast %add3A_689 : i32 to index
      %get3A_693 = arith.constant 32 : index
      %get3A_694 = tpu.vector_load %arg14[%get3A_691, %get3A_692, %get3A_693] {strides = array<i32>} : memref<1x32x128xf32, #tpu.memory_space<vmem>>, vector<16xf32>,
      %mul3A_695 = arith.mulf %get3A_694, %scan3A_224#2 : vector<16xf32>
      %add3A_696 = arith.addf %add3A_520, %mul3A_695 : vector<16xf32>
      %mul3A_697 = arith.constant 16 : i32
      %mul3A_698 = arith.muli %scan3A_260, %mul3A_697 : i32
      %add3A_699 = arith.constant 9 : i32
      %add3A_700 = arith.addi %mul3A_698, %add3A_699 : i32
      %get3A_701 = arith.constant 0 : i32
      %get3A_702 = arith.index_cast %get3A_701 : i32 to index
      %get3A_703 = arith.index_cast %add3A_700 : i32 to index
      %get3A_704 = arith.constant 32 : index
      %get3A_705 = tpu.vector_load %arg14[%get3A_702, %get3A_703, %get3A_704] {strides = array<i32>} : memref<1x32x128xf32, #tpu.memory_space<vmem>>, vector<16xf32>,
      %mul3A_706 = arith.mulf %get3A_705, %scan3A_224#2 : vector<16xf32>
      %add3A_707 = arith.addf %add3A_531, %mul3A_706 : vector<16xf32>
      %mul3A_708 = arith.constant 16 : i32
      %mul3A_709 = arith.muli %scan3A_260, %mul3A_708 : i32
      %add3A_710 = arith.constant 10 : i32
      %add3A_711 = arith.addi %mul3A_709, %add3A_710 : i32
      %get3A_712 = arith.constant 0 : i32
      %get3A_713 = arith.index_cast %get3A_712 : i32 to index
      %get3A_714 = arith.index_cast %add3A_711 : i32 to index
      %get3A_715 = arith.constant 32 : index
      %get3A_716 = tpu.vector_load %arg14[%get3A_713, %get3A_714, %get3A_715] {strides = array<i32>} : memref<1x32x128xf32, #tpu.memory_space<vmem>>, vector<16xf32>,
      %mul3A_717 = arith.mulf %get3A_716, %scan3A_224#2 : vector<16xf32>
      %add3A_718 = arith.addf %add3A_542, %mul3A_717 : vector<16xf32>
      %mul3A_719 = arith.constant 16 : i32
      %mul3A_720 = arith.muli %scan3A_260, %mul3A_719 : i32
      %add3A_721 = arith.constant 11 : i32
      %add3A_722 = arith.addi %mul3A_720, %add3A_721 : i32
      %get3A_723 = arith.constant 0 : i32
      %get3A_724 = arith.index_cast %get3A_723 : i32 to index
      %get3A_725 = arith.index_cast %add3A_722 : i32 to index
      %get3A_726 = arith.constant 32 : index
      %get3A_727 = tpu.vector_load %arg14[%get3A_724, %get3A_725, %get3A_726] {strides = array<i32>} : memref<1x32x128xf32, #tpu.memory_space<vmem>>, vector<16xf32>,
      %mul3A_728 = arith.mulf %get3A_727, %scan3A_224#2 : vector<16xf32>
      %add3A_729 = arith.addf %add3A_553, %mul3A_728 : vector<16xf32>
      %mul3A_730 = arith.constant 16 : i32
      %mul3A_731 = arith.muli %scan3A_260, %mul3A_730 : i32
      %add3A_732 = arith.constant 12 : i32
      %add3A_733 = arith.addi %mul3A_731, %add3A_732 : i32
      %get3A_734 = arith.constant 0 : i32
      %get3A_735 = arith.index_cast %get3A_734 : i32 to index
      %get3A_736 = arith.index_cast %add3A_733 : i32 to index
      %get3A_737 = arith.constant 32 : index
      %get3A_738 = tpu.vector_load %arg14[%get3A_735, %get3A_736, %get3A_737] {strides = array<i32>} : memref<1x32x128xf32, #tpu.memory_space<vmem>>, vector<16xf32>,
      %mul3A_739 = arith.mulf %get3A_738, %scan3A_224#2 : vector<16xf32>
      %add3A_740 = arith.addf %add3A_564, %mul3A_739 : vector<16xf32>
      %mul3A_741 = arith.constant 16 : i32
      %mul3A_742 = arith.muli %scan3A_260, %mul3A_741 : i32
      %add3A_743 = arith.constant 13 : i32
      %add3A_744 = arith.addi %mul3A_742, %add3A_743 : i32
      %get3A_745 = arith.constant 0 : i32
      %get3A_746 = arith.index_cast %get3A_745 : i32 to index
      %get3A_747 = arith.index_cast %add3A_744 : i32 to index
      %get3A_748 = arith.constant 32 : index
      %get3A_749 = tpu.vector_load %arg14[%get3A_746, %get3A_747, %get3A_748] {strides = array<i32>} : memref<1x32x128xf32, #tpu.memory_space<vmem>>, vector<16xf32>,
      %mul3A_750 = arith.mulf %get3A_749, %scan3A_224#2 : vector<16xf32>
      %add3A_751 = arith.addf %add3A_575, %mul3A_750 : vector<16xf32>
      %mul3A_752 = arith.constant 16 : i32
      %mul3A_753 = arith.muli %scan3A_260, %mul3A_752 : i32
      %add3A_754 = arith.constant 14 : i32
      %add3A_755 = arith.addi %mul3A_753, %add3A_754 : i32
      %get3A_756 = arith.constant 0 : i32
      %get3A_757 = arith.index_cast %get3A_756 : i32 to index
      %get3A_758 = arith.index_cast %add3A_755 : i32 to index
      %get3A_759 = arith.constant 32 : index
      %get3A_760 = tpu.vector_load %arg14[%get3A_757, %get3A_758, %get3A_759] {strides = array<i32>} : memref<1x32x128xf32, #tpu.memory_space<vmem>>, vector<16xf32>,
      %mul3A_761 = arith.mulf %get3A_760, %scan3A_224#2 : vector<16xf32>
      %add3A_762 = arith.addf %add3A_586, %mul3A_761 : vector<16xf32>
      %mul3A_763 = arith.constant 16 : i32
      %mul3A_764 = arith.muli %scan3A_260, %mul3A_763 : i32
      %add3A_765 = arith.constant 15 : i32
      %add3A_766 = arith.addi %mul3A_764, %add3A_765 : i32
      %get3A_767 = arith.constant 0 : i32
      %get3A_768 = arith.index_cast %get3A_767 : i32 to index
      %get3A_769 = arith.index_cast %add3A_766 : i32 to index
      %get3A_770 = arith.constant 32 : index
      %get3A_771 = tpu.vector_load %arg14[%get3A_768, %get3A_769, %get3A_770] {strides = array<i32>} : memref<1x32x128xf32, #tpu.memory_space<vmem>>, vector<16xf32>,
      %mul3A_772 = arith.mulf %get3A_771, %scan3A_224#2 : vector<16xf32>
      %add3A_773 = arith.addf %add3A_597, %mul3A_772 : vector<16xf32>
      %mul3A_774 = arith.constant 16 : i32
      %mul3A_775 = arith.muli %scan3A_260, %mul3A_774 : i32
      %add3A_776 = arith.constant 0 : i32
      %add3A_777 = arith.addi %mul3A_775, %add3A_776 : i32
      %get3A_778 = arith.constant 0 : i32
      %get3A_779 = arith.index_cast %get3A_778 : i32 to index
      %get3A_780 = arith.index_cast %add3A_777 : i32 to index
      %get3A_781 = arith.constant 48 : index
      %get3A_782 = tpu.vector_load %arg14[%get3A_779, %get3A_780, %get3A_781] {strides = array<i32>} : memref<1x32x128xf32, #tpu.memory_space<vmem>>, vector<16xf32>,
      %mul3A_783 = arith.mulf %get3A_782, %scan3A_224#3 : vector<16xf32>
      %add3A_784 = arith.addf %add3A_608, %mul3A_783 : vector<16xf32>
      %mul3A_785 = arith.constant 16 : i32
      %mul3A_786 = arith.muli %scan3A_260, %mul3A_785 : i32
      %add3A_787 = arith.constant 1 : i32
      %add3A_788 = arith.addi %mul3A_786, %add3A_787 : i32
      %get3A_789 = arith.constant 0 : i32
      %get3A_790 = arith.index_cast %get3A_789 : i32 to index
      %get3A_791 = arith.index_cast %add3A_788 : i32 to index
      %get3A_792 = arith.constant 48 : index
      %get3A_793 = tpu.vector_load %arg14[%get3A_790, %get3A_791, %get3A_792] {strides = array<i32>} : memref<1x32x128xf32, #tpu.memory_space<vmem>>, vector<16xf32>,
      %mul3A_794 = arith.mulf %get3A_793, %scan3A_224#3 : vector<16xf32>
      %add3A_795 = arith.addf %add3A_619, %mul3A_794 : vector<16xf32>
      %mul3A_796 = arith.constant 16 : i32
      %mul3A_797 = arith.muli %scan3A_260, %mul3A_796 : i32
      %add3A_798 = arith.constant 2 : i32
      %add3A_799 = arith.addi %mul3A_797, %add3A_798 : i32
      %get3A_800 = arith.constant 0 : i32
      %get3A_801 = arith.index_cast %get3A_800 : i32 to index
      %get3A_802 = arith.index_cast %add3A_799 : i32 to index
      %get3A_803 = arith.constant 48 : index
      %get3A_804 = tpu.vector_load %arg14[%get3A_801, %get3A_802, %get3A_803] {strides = array<i32>} : memref<1x32x128xf32, #tpu.memory_space<vmem>>, vector<16xf32>,
      %mul3A_805 = arith.mulf %get3A_804, %scan3A_224#3 : vector<16xf32>
      %add3A_806 = arith.addf %add3A_630, %mul3A_805 : vector<16xf32>
      %mul3A_807 = arith.constant 16 : i32
      %mul3A_808 = arith.muli %scan3A_260, %mul3A_807 : i32
      %add3A_809 = arith.constant 3 : i32
      %add3A_810 = arith.addi %mul3A_808, %add3A_809 : i32
      %get3A_811 = arith.constant 0 : i32
      %get3A_812 = arith.index_cast %get3A_811 : i32 to index
      %get3A_813 = arith.index_cast %add3A_810 : i32 to index
      %get3A_814 = arith.constant 48 : index
      %get3A_815 = tpu.vector_load %arg14[%get3A_812, %get3A_813, %get3A_814] {strides = array<i32>} : memref<1x32x128xf32, #tpu.memory_space<vmem>>, vector<16xf32>,
      %mul3A_816 = arith.mulf %get3A_815, %scan3A_224#3 : vector<16xf32>
      %add3A_817 = arith.addf %add3A_641, %mul3A_816 : vector<16xf32>
      %mul3A_818 = arith.constant 16 : i32
      %mul3A_819 = arith.muli %scan3A_260, %mul3A_818 : i32
      %add3A_820 = arith.constant 4 : i32
      %add3A_821 = arith.addi %mul3A_819, %add3A_820 : i32
      %get3A_822 = arith.constant 0 : i32
      %get3A_823 = arith.index_cast %get3A_822 : i32 to index
      %get3A_824 = arith.index_cast %add3A_821 : i32 to index
      %get3A_825 = arith.constant 48 : index
      %get3A_826 = tpu.vector_load %arg14[%get3A_823, %get3A_824, %get3A_825] {strides = array<i32>} : memref<1x32x128xf32, #tpu.memory_space<vmem>>, vector<16xf32>,
      %mul3A_827 = arith.mulf %get3A_826, %scan3A_224#3 : vector<16xf32>
      %add3A_828 = arith.addf %add3A_652, %mul3A_827 : vector<16xf32>
      %mul3A_829 = arith.constant 16 : i32
      %mul3A_830 = arith.muli %scan3A_260, %mul3A_829 : i32
      %add3A_831 = arith.constant 5 : i32
      %add3A_832 = arith.addi %mul3A_830, %add3A_831 : i32
      %get3A_833 = arith.constant 0 : i32
      %get3A_834 = arith.index_cast %get3A_833 : i32 to index
      %get3A_835 = arith.index_cast %add3A_832 : i32 to index
      %get3A_836 = arith.constant 48 : index
      %get3A_837 = tpu.vector_load %arg14[%get3A_834, %get3A_835, %get3A_836] {strides = array<i32>} : memref<1x32x128xf32, #tpu.memory_space<vmem>>, vector<16xf32>,
      %mul3A_838 = arith.mulf %get3A_837, %scan3A_224#3 : vector<16xf32>
      %add3A_839 = arith.addf %add3A_663, %mul3A_838 : vector<16xf32>
      %mul3A_840 = arith.constant 16 : i32
      %mul3A_841 = arith.muli %scan3A_260, %mul3A_840 : i32
      %add3A_842 = arith.constant 6 : i32
      %add3A_843 = arith.addi %mul3A_841, %add3A_842 : i32
      %get3A_844 = arith.constant 0 : i32
      %get3A_845 = arith.index_cast %get3A_844 : i32 to index
      %get3A_846 = arith.index_cast %add3A_843 : i32 to index
      %get3A_847 = arith.constant 48 : index
      %get3A_848 = tpu.vector_load %arg14[%get3A_845, %get3A_846, %get3A_847] {strides = array<i32>} : memref<1x32x128xf32, #tpu.memory_space<vmem>>, vector<16xf32>,
      %mul3A_849 = arith.mulf %get3A_848, %scan3A_224#3 : vector<16xf32>
      %add3A_850 = arith.addf %add3A_674, %mul3A_849 : vector<16xf32>
      %mul3A_851 = arith.constant 16 : i32
      %mul3A_852 = arith.muli %scan3A_260, %mul3A_851 : i32
      %add3A_853 = arith.constant 7 : i32
      %add3A_854 = arith.addi %mul3A_852, %add3A_853 : i32
      %get3A_855 = arith.constant 0 : i32
      %get3A_856 = arith.index_cast %get3A_855 : i32 to index
      %get3A_857 = arith.index_cast %add3A_854 : i32 to index
      %get3A_858 = arith.constant 48 : index
      %get3A_859 = tpu.vector_load %arg14[%get3A_856, %get3A_857, %get3A_858] {strides = array<i32>} : memref<1x32x128xf32, #tpu.memory_space<vmem>>, vector<16xf32>,
      %mul3A_860 = arith.mulf %get3A_859, %scan3A_224#3 : vector<16xf32>
      %add3A_861 = arith.addf %add3A_685, %mul3A_860 : vector<16xf32>
      %mul3A_862 = arith.constant 16 : i32
      %mul3A_863 = arith.muli %scan3A_260, %mul3A_862 : i32
      %add3A_864 = arith.constant 8 : i32
      %add3A_865 = arith.addi %mul3A_863, %add3A_864 : i32
      %get3A_866 = arith.constant 0 : i32
      %get3A_867 = arith.index_cast %get3A_866 : i32 to index
      %get3A_868 = arith.index_cast %add3A_865 : i32 to index
      %get3A_869 = arith.constant 48 : index
      %get3A_870 = tpu.vector_load %arg14[%get3A_867, %get3A_868, %get3A_869] {strides = array<i32>} : memref<1x32x128xf32, #tpu.memory_space<vmem>>, vector<16xf32>,
      %mul3A_871 = arith.mulf %get3A_870, %scan3A_224#3 : vector<16xf32>
      %add3A_872 = arith.addf %add3A_696, %mul3A_871 : vector<16xf32>
      %mul3A_873 = arith.constant 16 : i32
      %mul3A_874 = arith.muli %scan3A_260, %mul3A_873 : i32
      %add3A_875 = arith.constant 9 : i32
      %add3A_876 = arith.addi %mul3A_874, %add3A_875 : i32
      %get3A_877 = arith.constant 0 : i32
      %get3A_878 = arith.index_cast %get3A_877 : i32 to index
      %get3A_879 = arith.index_cast %add3A_876 : i32 to index
      %get3A_880 = arith.constant 48 : index
      %get3A_881 = tpu.vector_load %arg14[%get3A_878, %get3A_879, %get3A_880] {strides = array<i32>} : memref<1x32x128xf32, #tpu.memory_space<vmem>>, vector<16xf32>,
      %mul3A_882 = arith.mulf %get3A_881, %scan3A_224#3 : vector<16xf32>
      %add3A_883 = arith.addf %add3A_707, %mul3A_882 : vector<16xf32>
      %mul3A_884 = arith.constant 16 : i32
      %mul3A_885 = arith.muli %scan3A_260, %mul3A_884 : i32
      %add3A_886 = arith.constant 10 : i32
      %add3A_887 = arith.addi %mul3A_885, %add3A_886 : i32
      %get3A_888 = arith.constant 0 : i32
      %get3A_889 = arith.index_cast %get3A_888 : i32 to index
      %get3A_890 = arith.index_cast %add3A_887 : i32 to index
      %get3A_891 = arith.constant 48 : index
      %get3A_892 = tpu.vector_load %arg14[%get3A_889, %get3A_890, %get3A_891] {strides = array<i32>} : memref<1x32x128xf32, #tpu.memory_space<vmem>>, vector<16xf32>,
      %mul3A_893 = arith.mulf %get3A_892, %scan3A_224#3 : vector<16xf32>
      %add3A_894 = arith.addf %add3A_718, %mul3A_893 : vector<16xf32>
      %mul3A_895 = arith.constant 16 : i32
      %mul3A_896 = arith.muli %scan3A_260, %mul3A_895 : i32
      %add3A_897 = arith.constant 11 : i32
      %add3A_898 = arith.addi %mul3A_896, %add3A_897 : i32
      %get3A_899 = arith.constant 0 : i32
      %get3A_900 = arith.index_cast %get3A_899 : i32 to index
      %get3A_901 = arith.index_cast %add3A_898 : i32 to index
      %get3A_902 = arith.constant 48 : index
      %get3A_903 = tpu.vector_load %arg14[%get3A_900, %get3A_901, %get3A_902] {strides = array<i32>} : memref<1x32x128xf32, #tpu.memory_space<vmem>>, vector<16xf32>,
      %mul3A_904 = arith.mulf %get3A_903, %scan3A_224#3 : vector<16xf32>
      %add3A_905 = arith.addf %add3A_729, %mul3A_904 : vector<16xf32>
      %mul3A_906 = arith.constant 16 : i32
      %mul3A_907 = arith.muli %scan3A_260, %mul3A_906 : i32
      %add3A_908 = arith.constant 12 : i32
      %add3A_909 = arith.addi %mul3A_907, %add3A_908 : i32
      %get3A_910 = arith.constant 0 : i32
      %get3A_911 = arith.index_cast %get3A_910 : i32 to index
      %get3A_912 = arith.index_cast %add3A_909 : i32 to index
      %get3A_913 = arith.constant 48 : index
      %get3A_914 = tpu.vector_load %arg14[%get3A_911, %get3A_912, %get3A_913] {strides = array<i32>} : memref<1x32x128xf32, #tpu.memory_space<vmem>>, vector<16xf32>,
      %mul3A_915 = arith.mulf %get3A_914, %scan3A_224#3 : vector<16xf32>
      %add3A_916 = arith.addf %add3A_740, %mul3A_915 : vector<16xf32>
      %mul3A_917 = arith.constant 16 : i32
      %mul3A_918 = arith.muli %scan3A_260, %mul3A_917 : i32
      %add3A_919 = arith.constant 13 : i32
      %add3A_920 = arith.addi %mul3A_918, %add3A_919 : i32
      %get3A_921 = arith.constant 0 : i32
      %get3A_922 = arith.index_cast %get3A_921 : i32 to index
      %get3A_923 = arith.index_cast %add3A_920 : i32 to index
      %get3A_924 = arith.constant 48 : index
      %get3A_925 = tpu.vector_load %arg14[%get3A_922, %get3A_923, %get3A_924] {strides = array<i32>} : memref<1x32x128xf32, #tpu.memory_space<vmem>>, vector<16xf32>,
      %mul3A_926 = arith.mulf %get3A_925, %scan3A_224#3 : vector<16xf32>
      %add3A_927 = arith.addf %add3A_751, %mul3A_926 : vector<16xf32>
      %mul3A_928 = arith.constant 16 : i32
      %mul3A_929 = arith.muli %scan3A_260, %mul3A_928 : i32
      %add3A_930 = arith.constant 14 : i32
      %add3A_931 = arith.addi %mul3A_929, %add3A_930 : i32
      %get3A_932 = arith.constant 0 : i32
      %get3A_933 = arith.index_cast %get3A_932 : i32 to index
      %get3A_934 = arith.index_cast %add3A_931 : i32 to index
      %get3A_935 = arith.constant 48 : index
      %get3A_936 = tpu.vector_load %arg14[%get3A_933, %get3A_934, %get3A_935] {strides = array<i32>} : memref<1x32x128xf32, #tpu.memory_space<vmem>>, vector<16xf32>,
      %mul3A_937 = arith.mulf %get3A_936, %scan3A_224#3 : vector<16xf32>
      %add3A_938 = arith.addf %add3A_762, %mul3A_937 : vector<16xf32>
      %mul3A_939 = arith.constant 16 : i32
      %mul3A_940 = arith.muli %scan3A_260, %mul3A_939 : i32
      %add3A_941 = arith.constant 15 : i32
      %add3A_942 = arith.addi %mul3A_940, %add3A_941 : i32
      %get3A_943 = arith.constant 0 : i32
      %get3A_944 = arith.index_cast %get3A_943 : i32 to index
      %get3A_945 = arith.index_cast %add3A_942 : i32 to index
      %get3A_946 = arith.constant 48 : index
      %get3A_947 = tpu.vector_load %arg14[%get3A_944, %get3A_945, %get3A_946] {strides = array<i32>} : memref<1x32x128xf32, #tpu.memory_space<vmem>>, vector<16xf32>,
      %mul3A_948 = arith.mulf %get3A_947, %scan3A_224#3 : vector<16xf32>
      %add3A_949 = arith.addf %add3A_773, %mul3A_948 : vector<16xf32>
      %mul3A_950 = arith.constant 16 : i32
      %mul3A_951 = arith.muli %scan3A_260, %mul3A_950 : i32
      %add3A_952 = arith.constant 0 : i32
      %add3A_953 = arith.addi %mul3A_951, %add3A_952 : i32
      %get3A_954 = arith.constant 0 : i32
      %get3A_955 = arith.index_cast %get3A_954 : i32 to index
      %get3A_956 = arith.index_cast %add3A_953 : i32 to index
      %get3A_957 = arith.constant 64 : index
      %get3A_958 = tpu.vector_load %arg14[%get3A_955, %get3A_956, %get3A_957] {strides = array<i32>} : memref<1x32x128xf32, #tpu.memory_space<vmem>>, vector<16xf32>,
      %mul3A_959 = arith.mulf %get3A_958, %scan3A_224#4 : vector<16xf32>
      %add3A_960 = arith.addf %add3A_784, %mul3A_959 : vector<16xf32>
      %mul3A_961 = arith.constant 16 : i32
      %mul3A_962 = arith.muli %scan3A_260, %mul3A_961 : i32
      %add3A_963 = arith.constant 1 : i32
      %add3A_964 = arith.addi %mul3A_962, %add3A_963 : i32
      %get3A_965 = arith.constant 0 : i32
      %get3A_966 = arith.index_cast %get3A_965 : i32 to index
      %get3A_967 = arith.index_cast %add3A_964 : i32 to index
      %get3A_968 = arith.constant 64 : index
      %get3A_969 = tpu.vector_load %arg14[%get3A_966, %get3A_967, %get3A_968] {strides = array<i32>} : memref<1x32x128xf32, #tpu.memory_space<vmem>>, vector<16xf32>,
      %mul3A_970 = arith.mulf %get3A_969, %scan3A_224#4 : vector<16xf32>
      %add3A_971 = arith.addf %add3A_795, %mul3A_970 : vector<16xf32>
      %mul3A_972 = arith.constant 16 : i32
      %mul3A_973 = arith.muli %scan3A_260, %mul3A_972 : i32
      %add3A_974 = arith.constant 2 : i32
      %add3A_975 = arith.addi %mul3A_973, %add3A_974 : i32
      %get3A_976 = arith.constant 0 : i32
      %get3A_977 = arith.index_cast %get3A_976 : i32 to index
      %get3A_978 = arith.index_cast %add3A_975 : i32 to index
      %get3A_979 = arith.constant 64 : index
      %get3A_980 = tpu.vector_load %arg14[%get3A_977, %get3A_978, %get3A_979] {strides = array<i32>} : memref<1x32x128xf32, #tpu.memory_space<vmem>>, vector<16xf32>,
      %mul3A_981 = arith.mulf %get3A_980, %scan3A_224#4 : vector<16xf32>
      %add3A_982 = arith.addf %add3A_806, %mul3A_981 : vector<16xf32>
      %mul3A_983 = arith.constant 16 : i32
      %mul3A_984 = arith.muli %scan3A_260, %mul3A_983 : i32
      %add3A_985 = arith.constant 3 : i32
      %add3A_986 = arith.addi %mul3A_984, %add3A_985 : i32
      %get3A_987 = arith.constant 0 : i32
      %get3A_988 = arith.index_cast %get3A_987 : i32 to index
      %get3A_989 = arith.index_cast %add3A_986 : i32 to index
      %get3A_990 = arith.constant 64 : index
      %get3A_991 = tpu.vector_load %arg14[%get3A_988, %get3A_989, %get3A_990] {strides = array<i32>} : memref<1x32x128xf32, #tpu.memory_space<vmem>>, vector<16xf32>,
      %mul3A_992 = arith.mulf %get3A_991, %scan3A_224#4 : vector<16xf32>
      %add3A_993 = arith.addf %add3A_817, %mul3A_992 : vector<16xf32>
      %mul3A_994 = arith.constant 16 : i32
      %mul3A_995 = arith.muli %scan3A_260, %mul3A_994 : i32
      %add3A_996 = arith.constant 4 : i32
      %add3A_997 = arith.addi %mul3A_995, %add3A_996 : i32
      %get3A_998 = arith.constant 0 : i32
      %get3A_999 = arith.index_cast %get3A_998 : i32 to index
      %get3A_1000 = arith.index_cast %add3A_997 : i32 to index
      %get3A_1001 = arith.constant 64 : index
      %get3A_1002 = tpu.vector_load %arg14[%get3A_999, %get3A_1000, %get3A_1001] {strides = array<i32>} : memref<1x32x128xf32, #tpu.memory_space<vmem>>, vector<16xf32>,
      %mul3A_1003 = arith.mulf %get3A_1002, %scan3A_224#4 : vector<16xf32>
      %add3A_1004 = arith.addf %add3A_828, %mul3A_1003 : vector<16xf32>
      %mul3A_1005 = arith.constant 16 : i32
      %mul3A_1006 = arith.muli %scan3A_260, %mul3A_1005 : i32
      %add3A_1007 = arith.constant 5 : i32
      %add3A_1008 = arith.addi %mul3A_1006, %add3A_1007 : i32
      %get3A_1009 = arith.constant 0 : i32
      %get3A_1010 = arith.index_cast %get3A_1009 : i32 to index
      %get3A_1011 = arith.index_cast %add3A_1008 : i32 to index
      %get3A_1012 = arith.constant 64 : index
      %get3A_1013 = tpu.vector_load %arg14[%get3A_1010, %get3A_1011, %get3A_1012] {strides = array<i32>} : memref<1x32x128xf32, #tpu.memory_space<vmem>>, vector<16xf32>,
      %mul3A_1014 = arith.mulf %get3A_1013, %scan3A_224#4 : vector<16xf32>
      %add3A_1015 = arith.addf %add3A_839, %mul3A_1014 : vector<16xf32>
      %mul3A_1016 = arith.constant 16 : i32
      %mul3A_1017 = arith.muli %scan3A_260, %mul3A_1016 : i32
      %add3A_1018 = arith.constant 6 : i32
      %add3A_1019 = arith.addi %mul3A_1017, %add3A_1018 : i32
      %get3A_1020 = arith.constant 0 : i32
      %get3A_1021 = arith.index_cast %get3A_1020 : i32 to index
      %get3A_1022 = arith.index_cast %add3A_1019 : i32 to index
      %get3A_1023 = arith.constant 64 : index
      %get3A_1024 = tpu.vector_load %arg14[%get3A_1021, %get3A_1022, %get3A_1023] {strides = array<i32>} : memref<1x32x128xf32, #tpu.memory_space<vmem>>, vector<16xf32>,
      %mul3A_1025 = arith.mulf %get3A_1024, %scan3A_224#4 : vector<16xf32>
      %add3A_1026 = arith.addf %add3A_850, %mul3A_1025 : vector<16xf32>
      %mul3A_1027 = arith.constant 16 : i32
      %mul3A_1028 = arith.muli %scan3A_260, %mul3A_1027 : i32
      %add3A_1029 = arith.constant 7 : i32
      %add3A_1030 = arith.addi %mul3A_1028, %add3A_1029 : i32
      %get3A_1031 = arith.constant 0 : i32
      %get3A_1032 = arith.index_cast %get3A_1031 : i32 to index
      %get3A_1033 = arith.index_cast %add3A_1030 : i32 to index
      %get3A_1034 = arith.constant 64 : index
      %get3A_1035 = tpu.vector_load %arg14[%get3A_1032, %get3A_1033, %get3A_1034] {strides = array<i32>} : memref<1x32x128xf32, #tpu.memory_space<vmem>>, vector<16xf32>,
      %mul3A_1036 = arith.mulf %get3A_1035, %scan3A_224#4 : vector<16xf32>
      %add3A_1037 = arith.addf %add3A_861, %mul3A_1036 : vector<16xf32>
      %mul3A_1038 = arith.constant 16 : i32
      %mul3A_1039 = arith.muli %scan3A_260, %mul3A_1038 : i32
      %add3A_1040 = arith.constant 8 : i32
      %add3A_1041 = arith.addi %mul3A_1039, %add3A_1040 : i32
      %get3A_1042 = arith.constant 0 : i32
      %get3A_1043 = arith.index_cast %get3A_1042 : i32 to index
      %get3A_1044 = arith.index_cast %add3A_1041 : i32 to index
      %get3A_1045 = arith.constant 64 : index
      %get3A_1046 = tpu.vector_load %arg14[%get3A_1043, %get3A_1044, %get3A_1045] {strides = array<i32>} : memref<1x32x128xf32, #tpu.memory_space<vmem>>, vector<16xf32>,
      %mul3A_1047 = arith.mulf %get3A_1046, %scan3A_224#4 : vector<16xf32>
      %add3A_1048 = arith.addf %add3A_872, %mul3A_1047 : vector<16xf32>
      %mul3A_1049 = arith.constant 16 : i32
      %mul3A_1050 = arith.muli %scan3A_260, %mul3A_1049 : i32
      %add3A_1051 = arith.constant 9 : i32
      %add3A_1052 = arith.addi %mul3A_1050, %add3A_1051 : i32
      %get3A_1053 = arith.constant 0 : i32
      %get3A_1054 = arith.index_cast %get3A_1053 : i32 to index
      %get3A_1055 = arith.index_cast %add3A_1052 : i32 to index
      %get3A_1056 = arith.constant 64 : index
      %get3A_1057 = tpu.vector_load %arg14[%get3A_1054, %get3A_1055, %get3A_1056] {strides = array<i32>} : memref<1x32x128xf32, #tpu.memory_space<vmem>>, vector<16xf32>,
      %mul3A_1058 = arith.mulf %get3A_1057, %scan3A_224#4 : vector<16xf32>
      %add3A_1059 = arith.addf %add3A_883, %mul3A_1058 : vector<16xf32>
      %mul3A_1060 = arith.constant 16 : i32
      %mul3A_1061 = arith.muli %scan3A_260, %mul3A_1060 : i32
      %add3A_1062 = arith.constant 10 : i32
      %add3A_1063 = arith.addi %mul3A_1061, %add3A_1062 : i32
      %get3A_1064 = arith.constant 0 : i32
      %get3A_1065 = arith.index_cast %get3A_1064 : i32 to index
      %get3A_1066 = arith.index_cast %add3A_1063 : i32 to index
      %get3A_1067 = arith.constant 64 : index
      %get3A_1068 = tpu.vector_load %arg14[%get3A_1065, %get3A_1066, %get3A_1067] {strides = array<i32>} : memref<1x32x128xf32, #tpu.memory_space<vmem>>, vector<16xf32>,
      %mul3A_1069 = arith.mulf %get3A_1068, %scan3A_224#4 : vector<16xf32>
      %add3A_1070 = arith.addf %add3A_894, %mul3A_1069 : vector<16xf32>
      %mul3A_1071 = arith.constant 16 : i32
      %mul3A_1072 = arith.muli %scan3A_260, %mul3A_1071 : i32
      %add3A_1073 = arith.constant 11 : i32
      %add3A_1074 = arith.addi %mul3A_1072, %add3A_1073 : i32
      %get3A_1075 = arith.constant 0 : i32
      %get3A_1076 = arith.index_cast %get3A_1075 : i32 to index
      %get3A_1077 = arith.index_cast %add3A_1074 : i32 to index
      %get3A_1078 = arith.constant 64 : index
      %get3A_1079 = tpu.vector_load %arg14[%get3A_1076, %get3A_1077, %get3A_1078] {strides = array<i32>} : memref<1x32x128xf32, #tpu.memory_space<vmem>>, vector<16xf32>,
      %mul3A_1080 = arith.mulf %get3A_1079, %scan3A_224#4 : vector<16xf32>
      %add3A_1081 = arith.addf %add3A_905, %mul3A_1080 : vector<16xf32>
      %mul3A_1082 = arith.constant 16 : i32
      %mul3A_1083 = arith.muli %scan3A_260, %mul3A_1082 : i32
      %add3A_1084 = arith.constant 12 : i32
      %add3A_1085 = arith.addi %mul3A_1083, %add3A_1084 : i32
      %get3A_1086 = arith.constant 0 : i32
      %get3A_1087 = arith.index_cast %get3A_1086 : i32 to index
      %get3A_1088 = arith.index_cast %add3A_1085 : i32 to index
      %get3A_1089 = arith.constant 64 : index
      %get3A_1090 = tpu.vector_load %arg14[%get3A_1087, %get3A_1088, %get3A_1089] {strides = array<i32>} : memref<1x32x128xf32, #tpu.memory_space<vmem>>, vector<16xf32>,
      %mul3A_1091 = arith.mulf %get3A_1090, %scan3A_224#4 : vector<16xf32>
      %add3A_1092 = arith.addf %add3A_916, %mul3A_1091 : vector<16xf32>
      %mul3A_1093 = arith.constant 16 : i32
      %mul3A_1094 = arith.muli %scan3A_260, %mul3A_1093 : i32
      %add3A_1095 = arith.constant 13 : i32
      %add3A_1096 = arith.addi %mul3A_1094, %add3A_1095 : i32
      %get3A_1097 = arith.constant 0 : i32
      %get3A_1098 = arith.index_cast %get3A_1097 : i32 to index
      %get3A_1099 = arith.index_cast %add3A_1096 : i32 to index
      %get3A_1100 = arith.constant 64 : index
      %get3A_1101 = tpu.vector_load %arg14[%get3A_1098, %get3A_1099, %get3A_1100] {strides = array<i32>} : memref<1x32x128xf32, #tpu.memory_space<vmem>>, vector<16xf32>,
      %mul3A_1102 = arith.mulf %get3A_1101, %scan3A_224#4 : vector<16xf32>
      %add3A_1103 = arith.addf %add3A_927, %mul3A_1102 : vector<16xf32>
      %mul3A_1104 = arith.constant 16 : i32
      %mul3A_1105 = arith.muli %scan3A_260, %mul3A_1104 : i32
      %add3A_1106 = arith.constant 14 : i32
      %add3A_1107 = arith.addi %mul3A_1105, %add3A_1106 : i32
      %get3A_1108 = arith.constant 0 : i32
      %get3A_1109 = arith.index_cast %get3A_1108 : i32 to index
      %get3A_1110 = arith.index_cast %add3A_1107 : i32 to index
      %get3A_1111 = arith.constant 64 : index
      %get3A_1112 = tpu.vector_load %arg14[%get3A_1109, %get3A_1110, %get3A_1111] {strides = array<i32>} : memref<1x32x128xf32, #tpu.memory_space<vmem>>, vector<16xf32>,
      %mul3A_1113 = arith.mulf %get3A_1112, %scan3A_224#4 : vector<16xf32>
      %add3A_1114 = arith.addf %add3A_938, %mul3A_1113 : vector<16xf32>
      %mul3A_1115 = arith.constant 16 : i32
      %mul3A_1116 = arith.muli %scan3A_260, %mul3A_1115 : i32
      %add3A_1117 = arith.constant 15 : i32
      %add3A_1118 = arith.addi %mul3A_1116, %add3A_1117 : i32
      %get3A_1119 = arith.constant 0 : i32
      %get3A_1120 = arith.index_cast %get3A_1119 : i32 to index
      %get3A_1121 = arith.index_cast %add3A_1118 : i32 to index
      %get3A_1122 = arith.constant 64 : index
      %get3A_1123 = tpu.vector_load %arg14[%get3A_1120, %get3A_1121, %get3A_1122] {strides = array<i32>} : memref<1x32x128xf32, #tpu.memory_space<vmem>>, vector<16xf32>,
      %mul3A_1124 = arith.mulf %get3A_1123, %scan3A_224#4 : vector<16xf32>
      %add3A_1125 = arith.addf %add3A_949, %mul3A_1124 : vector<16xf32>
      %mul3A_1126 = arith.constant 16 : i32
      %mul3A_1127 = arith.muli %scan3A_260, %mul3A_1126 : i32
      %add3A_1128 = arith.constant 0 : i32
      %add3A_1129 = arith.addi %mul3A_1127, %add3A_1128 : i32
      %get3A_1130 = arith.constant 0 : i32
      %get3A_1131 = arith.index_cast %get3A_1130 : i32 to index
      %get3A_1132 = arith.index_cast %add3A_1129 : i32 to index
      %get3A_1133 = arith.constant 80 : index
      %get3A_1134 = tpu.vector_load %arg14[%get3A_1131, %get3A_1132, %get3A_1133] {strides = array<i32>} : memref<1x32x128xf32, #tpu.memory_space<vmem>>, vector<16xf32>,
      %mul3A_1135 = arith.mulf %get3A_1134, %scan3A_224#5 : vector<16xf32>
      %add3A_1136 = arith.addf %add3A_960, %mul3A_1135 : vector<16xf32>
      %mul3A_1137 = arith.constant 16 : i32
      %mul3A_1138 = arith.muli %scan3A_260, %mul3A_1137 : i32
      %add3A_1139 = arith.constant 1 : i32
      %add3A_1140 = arith.addi %mul3A_1138, %add3A_1139 : i32
      %get3A_1141 = arith.constant 0 : i32
      %get3A_1142 = arith.index_cast %get3A_1141 : i32 to index
      %get3A_1143 = arith.index_cast %add3A_1140 : i32 to index
      %get3A_1144 = arith.constant 80 : index
      %get3A_1145 = tpu.vector_load %arg14[%get3A_1142, %get3A_1143, %get3A_1144] {strides = array<i32>} : memref<1x32x128xf32, #tpu.memory_space<vmem>>, vector<16xf32>,
      %mul3A_1146 = arith.mulf %get3A_1145, %scan3A_224#5 : vector<16xf32>
      %add3A_1147 = arith.addf %add3A_971, %mul3A_1146 : vector<16xf32>
      %mul3A_1148 = arith.constant 16 : i32
      %mul3A_1149 = arith.muli %scan3A_260, %mul3A_1148 : i32
      %add3A_1150 = arith.constant 2 : i32
      %add3A_1151 = arith.addi %mul3A_1149, %add3A_1150 : i32
      %get3A_1152 = arith.constant 0 : i32
      %get3A_1153 = arith.index_cast %get3A_1152 : i32 to index
      %get3A_1154 = arith.index_cast %add3A_1151 : i32 to index
      %get3A_1155 = arith.constant 80 : index
      %get3A_1156 = tpu.vector_load %arg14[%get3A_1153, %get3A_1154, %get3A_1155] {strides = array<i32>} : memref<1x32x128xf32, #tpu.memory_space<vmem>>, vector<16xf32>,
      %mul3A_1157 = arith.mulf %get3A_1156, %scan3A_224#5 : vector<16xf32>
      %add3A_1158 = arith.addf %add3A_982, %mul3A_1157 : vector<16xf32>
      %mul3A_1159 = arith.constant 16 : i32
      %mul3A_1160 = arith.muli %scan3A_260, %mul3A_1159 : i32
      %add3A_1161 = arith.constant 3 : i32
      %add3A_1162 = arith.addi %mul3A_1160, %add3A_1161 : i32
      %get3A_1163 = arith.constant 0 : i32
      %get3A_1164 = arith.index_cast %get3A_1163 : i32 to index
      %get3A_1165 = arith.index_cast %add3A_1162 : i32 to index
      %get3A_1166 = arith.constant 80 : index
      %get3A_1167 = tpu.vector_load %arg14[%get3A_1164, %get3A_1165, %get3A_1166] {strides = array<i32>} : memref<1x32x128xf32, #tpu.memory_space<vmem>>, vector<16xf32>,
      %mul3A_1168 = arith.mulf %get3A_1167, %scan3A_224#5 : vector<16xf32>
      %add3A_1169 = arith.addf %add3A_993, %mul3A_1168 : vector<16xf32>
      %mul3A_1170 = arith.constant 16 : i32
      %mul3A_1171 = arith.muli %scan3A_260, %mul3A_1170 : i32
      %add3A_1172 = arith.constant 4 : i32
      %add3A_1173 = arith.addi %mul3A_1171, %add3A_1172 : i32
      %get3A_1174 = arith.constant 0 : i32
      %get3A_1175 = arith.index_cast %get3A_1174 : i32 to index
      %get3A_1176 = arith.index_cast %add3A_1173 : i32 to index
      %get3A_1177 = arith.constant 80 : index
      %get3A_1178 = tpu.vector_load %arg14[%get3A_1175, %get3A_1176, %get3A_1177] {strides = array<i32>} : memref<1x32x128xf32, #tpu.memory_space<vmem>>, vector<16xf32>,
      %mul3A_1179 = arith.mulf %get3A_1178, %scan3A_224#5 : vector<16xf32>
      %add3A_1180 = arith.addf %add3A_1004, %mul3A_1179 : vector<16xf32>
      %mul3A_1181 = arith.constant 16 : i32
      %mul3A_1182 = arith.muli %scan3A_260, %mul3A_1181 : i32
      %add3A_1183 = arith.constant 5 : i32
      %add3A_1184 = arith.addi %mul3A_1182, %add3A_1183 : i32
      %get3A_1185 = arith.constant 0 : i32
      %get3A_1186 = arith.index_cast %get3A_1185 : i32 to index
      %get3A_1187 = arith.index_cast %add3A_1184 : i32 to index
      %get3A_1188 = arith.constant 80 : index
      %get3A_1189 = tpu.vector_load %arg14[%get3A_1186, %get3A_1187, %get3A_1188] {strides = array<i32>} : memref<1x32x128xf32, #tpu.memory_space<vmem>>, vector<16xf32>,
      %mul3A_1190 = arith.mulf %get3A_1189, %scan3A_224#5 : vector<16xf32>
      %add3A_1191 = arith.addf %add3A_1015, %mul3A_1190 : vector<16xf32>
      %mul3A_1192 = arith.constant 16 : i32
      %mul3A_1193 = arith.muli %scan3A_260, %mul3A_1192 : i32
      %add3A_1194 = arith.constant 6 : i32
      %add3A_1195 = arith.addi %mul3A_1193, %add3A_1194 : i32
      %get3A_1196 = arith.constant 0 : i32
      %get3A_1197 = arith.index_cast %get3A_1196 : i32 to index
      %get3A_1198 = arith.index_cast %add3A_1195 : i32 to index
      %get3A_1199 = arith.constant 80 : index
      %get3A_1200 = tpu.vector_load %arg14[%get3A_1197, %get3A_1198, %get3A_1199] {strides = array<i32>} : memref<1x32x128xf32, #tpu.memory_space<vmem>>, vector<16xf32>,
      %mul3A_1201 = arith.mulf %get3A_1200, %scan3A_224#5 : vector<16xf32>
      %add3A_1202 = arith.addf %add3A_1026, %mul3A_1201 : vector<16xf32>
      %mul3A_1203 = arith.constant 16 : i32
      %mul3A_1204 = arith.muli %scan3A_260, %mul3A_1203 : i32
      %add3A_1205 = arith.constant 7 : i32
      %add3A_1206 = arith.addi %mul3A_1204, %add3A_1205 : i32
      %get3A_1207 = arith.constant 0 : i32
      %get3A_1208 = arith.index_cast %get3A_1207 : i32 to index
      %get3A_1209 = arith.index_cast %add3A_1206 : i32 to index
      %get3A_1210 = arith.constant 80 : index
      %get3A_1211 = tpu.vector_load %arg14[%get3A_1208, %get3A_1209, %get3A_1210] {strides = array<i32>} : memref<1x32x128xf32, #tpu.memory_space<vmem>>, vector<16xf32>,
      %mul3A_1212 = arith.mulf %get3A_1211, %scan3A_224#5 : vector<16xf32>
      %add3A_1213 = arith.addf %add3A_1037, %mul3A_1212 : vector<16xf32>
      %mul3A_1214 = arith.constant 16 : i32
      %mul3A_1215 = arith.muli %scan3A_260, %mul3A_1214 : i32
      %add3A_1216 = arith.constant 8 : i32
      %add3A_1217 = arith.addi %mul3A_1215, %add3A_1216 : i32
      %get3A_1218 = arith.constant 0 : i32
      %get3A_1219 = arith.index_cast %get3A_1218 : i32 to index
      %get3A_1220 = arith.index_cast %add3A_1217 : i32 to index
      %get3A_1221 = arith.constant 80 : index
      %get3A_1222 = tpu.vector_load %arg14[%get3A_1219, %get3A_1220, %get3A_1221] {strides = array<i32>} : memref<1x32x128xf32, #tpu.memory_space<vmem>>, vector<16xf32>,
      %mul3A_1223 = arith.mulf %get3A_1222, %scan3A_224#5 : vector<16xf32>
      %add3A_1224 = arith.addf %add3A_1048, %mul3A_1223 : vector<16xf32>
      %mul3A_1225 = arith.constant 16 : i32
      %mul3A_1226 = arith.muli %scan3A_260, %mul3A_1225 : i32
      %add3A_1227 = arith.constant 9 : i32
      %add3A_1228 = arith.addi %mul3A_1226, %add3A_1227 : i32
      %get3A_1229 = arith.constant 0 : i32
      %get3A_1230 = arith.index_cast %get3A_1229 : i32 to index
      %get3A_1231 = arith.index_cast %add3A_1228 : i32 to index
      %get3A_1232 = arith.constant 80 : index
      %get3A_1233 = tpu.vector_load %arg14[%get3A_1230, %get3A_1231, %get3A_1232] {strides = array<i32>} : memref<1x32x128xf32, #tpu.memory_space<vmem>>, vector<16xf32>,
      %mul3A_1234 = arith.mulf %get3A_1233, %scan3A_224#5 : vector<16xf32>
      %add3A_1235 = arith.addf %add3A_1059, %mul3A_1234 : vector<16xf32>
      %mul3A_1236 = arith.constant 16 : i32
      %mul3A_1237 = arith.muli %scan3A_260, %mul3A_1236 : i32
      %add3A_1238 = arith.constant 10 : i32
      %add3A_1239 = arith.addi %mul3A_1237, %add3A_1238 : i32
      %get3A_1240 = arith.constant 0 : i32
      %get3A_1241 = arith.index_cast %get3A_1240 : i32 to index
      %get3A_1242 = arith.index_cast %add3A_1239 : i32 to index
      %get3A_1243 = arith.constant 80 : index
      %get3A_1244 = tpu.vector_load %arg14[%get3A_1241, %get3A_1242, %get3A_1243] {strides = array<i32>} : memref<1x32x128xf32, #tpu.memory_space<vmem>>, vector<16xf32>,
      %mul3A_1245 = arith.mulf %get3A_1244, %scan3A_224#5 : vector<16xf32>
      %add3A_1246 = arith.addf %add3A_1070, %mul3A_1245 : vector<16xf32>
      %mul3A_1247 = arith.constant 16 : i32
      %mul3A_1248 = arith.muli %scan3A_260, %mul3A_1247 : i32
      %add3A_1249 = arith.constant 11 : i32
      %add3A_1250 = arith.addi %mul3A_1248, %add3A_1249 : i32
      %get3A_1251 = arith.constant 0 : i32
      %get3A_1252 = arith.index_cast %get3A_1251 : i32 to index
      %get3A_1253 = arith.index_cast %add3A_1250 : i32 to index
      %get3A_1254 = arith.constant 80 : index
      %get3A_1255 = tpu.vector_load %arg14[%get3A_1252, %get3A_1253, %get3A_1254] {strides = array<i32>} : memref<1x32x128xf32, #tpu.memory_space<vmem>>, vector<16xf32>,
      %mul3A_1256 = arith.mulf %get3A_1255, %scan3A_224#5 : vector<16xf32>
      %add3A_1257 = arith.addf %add3A_1081, %mul3A_1256 : vector<16xf32>
      %mul3A_1258 = arith.constant 16 : i32
      %mul3A_1259 = arith.muli %scan3A_260, %mul3A_1258 : i32
      %add3A_1260 = arith.constant 12 : i32
      %add3A_1261 = arith.addi %mul3A_1259, %add3A_1260 : i32
      %get3A_1262 = arith.constant 0 : i32
      %get3A_1263 = arith.index_cast %get3A_1262 : i32 to index
      %get3A_1264 = arith.index_cast %add3A_1261 : i32 to index
      %get3A_1265 = arith.constant 80 : index
      %get3A_1266 = tpu.vector_load %arg14[%get3A_1263, %get3A_1264, %get3A_1265] {strides = array<i32>} : memref<1x32x128xf32, #tpu.memory_space<vmem>>, vector<16xf32>,
      %mul3A_1267 = arith.mulf %get3A_1266, %scan3A_224#5 : vector<16xf32>
      %add3A_1268 = arith.addf %add3A_1092, %mul3A_1267 : vector<16xf32>
      %mul3A_1269 = arith.constant 16 : i32
      %mul3A_1270 = arith.muli %scan3A_260, %mul3A_1269 : i32
      %add3A_1271 = arith.constant 13 : i32
      %add3A_1272 = arith.addi %mul3A_1270, %add3A_1271 : i32
      %get3A_1273 = arith.constant 0 : i32
      %get3A_1274 = arith.index_cast %get3A_1273 : i32 to index
      %get3A_1275 = arith.index_cast %add3A_1272 : i32 to index
      %get3A_1276 = arith.constant 80 : index
      %get3A_1277 = tpu.vector_load %arg14[%get3A_1274, %get3A_1275, %get3A_1276] {strides = array<i32>} : memref<1x32x128xf32, #tpu.memory_space<vmem>>, vector<16xf32>,
      %mul3A_1278 = arith.mulf %get3A_1277, %scan3A_224#5 : vector<16xf32>
      %add3A_1279 = arith.addf %add3A_1103, %mul3A_1278 : vector<16xf32>
      %mul3A_1280 = arith.constant 16 : i32
      %mul3A_1281 = arith.muli %scan3A_260, %mul3A_1280 : i32
      %add3A_1282 = arith.constant 14 : i32
      %add3A_1283 = arith.addi %mul3A_1281, %add3A_1282 : i32
      %get3A_1284 = arith.constant 0 : i32
      %get3A_1285 = arith.index_cast %get3A_1284 : i32 to index
      %get3A_1286 = arith.index_cast %add3A_1283 : i32 to index
      %get3A_1287 = arith.constant 80 : index
      %get3A_1288 = tpu.vector_load %arg14[%get3A_1285, %get3A_1286, %get3A_1287] {strides = array<i32>} : memref<1x32x128xf32, #tpu.memory_space<vmem>>, vector<16xf32>,
      %mul3A_1289 = arith.mulf %get3A_1288, %scan3A_224#5 : vector<16xf32>
      %add3A_1290 = arith.addf %add3A_1114, %mul3A_1289 : vector<16xf32>
      %mul3A_1291 = arith.constant 16 : i32
      %mul3A_1292 = arith.muli %scan3A_260, %mul3A_1291 : i32
      %add3A_1293 = arith.constant 15 : i32
      %add3A_1294 = arith.addi %mul3A_1292, %add3A_1293 : i32
      %get3A_1295 = arith.constant 0 : i32
      %get3A_1296 = arith.index_cast %get3A_1295 : i32 to index
      %get3A_1297 = arith.index_cast %add3A_1294 : i32 to index
      %get3A_1298 = arith.constant 80 : index
      %get3A_1299 = tpu.vector_load %arg14[%get3A_1296, %get3A_1297, %get3A_1298] {strides = array<i32>} : memref<1x32x128xf32, #tpu.memory_space<vmem>>, vector<16xf32>,
      %mul3A_1300 = arith.mulf %get3A_1299, %scan3A_224#5 : vector<16xf32>
      %add3A_1301 = arith.addf %add3A_1125, %mul3A_1300 : vector<16xf32>
      %mul3A_1302 = arith.constant 16 : i32
      %mul3A_1303 = arith.muli %scan3A_260, %mul3A_1302 : i32
      %add3A_1304 = arith.constant 0 : i32
      %add3A_1305 = arith.addi %mul3A_1303, %add3A_1304 : i32
      %get3A_1306 = arith.constant 0 : i32
      %get3A_1307 = arith.index_cast %get3A_1306 : i32 to index
      %get3A_1308 = arith.index_cast %add3A_1305 : i32 to index
      %get3A_1309 = arith.constant 96 : index
      %get3A_1310 = tpu.vector_load %arg14[%get3A_1307, %get3A_1308, %get3A_1309] {strides = array<i32>} : memref<1x32x128xf32, #tpu.memory_space<vmem>>, vector<16xf32>,
      %mul3A_1311 = arith.mulf %get3A_1310, %scan3A_224#6 : vector<16xf32>
      %add3A_1312 = arith.addf %add3A_1136, %mul3A_1311 : vector<16xf32>
      %mul3A_1313 = arith.constant 16 : i32
      %mul3A_1314 = arith.muli %scan3A_260, %mul3A_1313 : i32
      %add3A_1315 = arith.constant 1 : i32
      %add3A_1316 = arith.addi %mul3A_1314, %add3A_1315 : i32
      %get3A_1317 = arith.constant 0 : i32
      %get3A_1318 = arith.index_cast %get3A_1317 : i32 to index
      %get3A_1319 = arith.index_cast %add3A_1316 : i32 to index
      %get3A_1320 = arith.constant 96 : index
      %get3A_1321 = tpu.vector_load %arg14[%get3A_1318, %get3A_1319, %get3A_1320] {strides = array<i32>} : memref<1x32x128xf32, #tpu.memory_space<vmem>>, vector<16xf32>,
      %mul3A_1322 = arith.mulf %get3A_1321, %scan3A_224#6 : vector<16xf32>
      %add3A_1323 = arith.addf %add3A_1147, %mul3A_1322 : vector<16xf32>
      %mul3A_1324 = arith.constant 16 : i32
      %mul3A_1325 = arith.muli %scan3A_260, %mul3A_1324 : i32
      %add3A_1326 = arith.constant 2 : i32
      %add3A_1327 = arith.addi %mul3A_1325, %add3A_1326 : i32
      %get3A_1328 = arith.constant 0 : i32
      %get3A_1329 = arith.index_cast %get3A_1328 : i32 to index
      %get3A_1330 = arith.index_cast %add3A_1327 : i32 to index
      %get3A_1331 = arith.constant 96 : index
      %get3A_1332 = tpu.vector_load %arg14[%get3A_1329, %get3A_1330, %get3A_1331] {strides = array<i32>} : memref<1x32x128xf32, #tpu.memory_space<vmem>>, vector<16xf32>,
      %mul3A_1333 = arith.mulf %get3A_1332, %scan3A_224#6 : vector<16xf32>
      %add3A_1334 = arith.addf %add3A_1158, %mul3A_1333 : vector<16xf32>
      %mul3A_1335 = arith.constant 16 : i32
      %mul3A_1336 = arith.muli %scan3A_260, %mul3A_1335 : i32
      %add3A_1337 = arith.constant 3 : i32
      %add3A_1338 = arith.addi %mul3A_1336, %add3A_1337 : i32
      %get3A_1339 = arith.constant 0 : i32
      %get3A_1340 = arith.index_cast %get3A_1339 : i32 to index
      %get3A_1341 = arith.index_cast %add3A_1338 : i32 to index
      %get3A_1342 = arith.constant 96 : index
      %get3A_1343 = tpu.vector_load %arg14[%get3A_1340, %get3A_1341, %get3A_1342] {strides = array<i32>} : memref<1x32x128xf32, #tpu.memory_space<vmem>>, vector<16xf32>,
      %mul3A_1344 = arith.mulf %get3A_1343, %scan3A_224#6 : vector<16xf32>
      %add3A_1345 = arith.addf %add3A_1169, %mul3A_1344 : vector<16xf32>
      %mul3A_1346 = arith.constant 16 : i32
      %mul3A_1347 = arith.muli %scan3A_260, %mul3A_1346 : i32
      %add3A_1348 = arith.constant 4 : i32
      %add3A_1349 = arith.addi %mul3A_1347, %add3A_1348 : i32
      %get3A_1350 = arith.constant 0 : i32
      %get3A_1351 = arith.index_cast %get3A_1350 : i32 to index
      %get3A_1352 = arith.index_cast %add3A_1349 : i32 to index
      %get3A_1353 = arith.constant 96 : index
      %get3A_1354 = tpu.vector_load %arg14[%get3A_1351, %get3A_1352, %get3A_1353] {strides = array<i32>} : memref<1x32x128xf32, #tpu.memory_space<vmem>>, vector<16xf32>,
      %mul3A_1355 = arith.mulf %get3A_1354, %scan3A_224#6 : vector<16xf32>
      %add3A_1356 = arith.addf %add3A_1180, %mul3A_1355 : vector<16xf32>
      %mul3A_1357 = arith.constant 16 : i32
      %mul3A_1358 = arith.muli %scan3A_260, %mul3A_1357 : i32
      %add3A_1359 = arith.constant 5 : i32
      %add3A_1360 = arith.addi %mul3A_1358, %add3A_1359 : i32
      %get3A_1361 = arith.constant 0 : i32
      %get3A_1362 = arith.index_cast %get3A_1361 : i32 to index
      %get3A_1363 = arith.index_cast %add3A_1360 : i32 to index
      %get3A_1364 = arith.constant 96 : index
      %get3A_1365 = tpu.vector_load %arg14[%get3A_1362, %get3A_1363, %get3A_1364] {strides = array<i32>} : memref<1x32x128xf32, #tpu.memory_space<vmem>>, vector<16xf32>,
      %mul3A_1366 = arith.mulf %get3A_1365, %scan3A_224#6 : vector<16xf32>
      %add3A_1367 = arith.addf %add3A_1191, %mul3A_1366 : vector<16xf32>
      %mul3A_1368 = arith.constant 16 : i32
      %mul3A_1369 = arith.muli %scan3A_260, %mul3A_1368 : i32
      %add3A_1370 = arith.constant 6 : i32
      %add3A_1371 = arith.addi %mul3A_1369, %add3A_1370 : i32
      %get3A_1372 = arith.constant 0 : i32
      %get3A_1373 = arith.index_cast %get3A_1372 : i32 to index
      %get3A_1374 = arith.index_cast %add3A_1371 : i32 to index
      %get3A_1375 = arith.constant 96 : index
      %get3A_1376 = tpu.vector_load %arg14[%get3A_1373, %get3A_1374, %get3A_1375] {strides = array<i32>} : memref<1x32x128xf32, #tpu.memory_space<vmem>>, vector<16xf32>,
      %mul3A_1377 = arith.mulf %get3A_1376, %scan3A_224#6 : vector<16xf32>
      %add3A_1378 = arith.addf %add3A_1202, %mul3A_1377 : vector<16xf32>
      %mul3A_1379 = arith.constant 16 : i32
      %mul3A_1380 = arith.muli %scan3A_260, %mul3A_1379 : i32
      %add3A_1381 = arith.constant 7 : i32
      %add3A_1382 = arith.addi %mul3A_1380, %add3A_1381 : i32
      %get3A_1383 = arith.constant 0 : i32
      %get3A_1384 = arith.index_cast %get3A_1383 : i32 to index
      %get3A_1385 = arith.index_cast %add3A_1382 : i32 to index
      %get3A_1386 = arith.constant 96 : index
      %get3A_1387 = tpu.vector_load %arg14[%get3A_1384, %get3A_1385, %get3A_1386] {strides = array<i32>} : memref<1x32x128xf32, #tpu.memory_space<vmem>>, vector<16xf32>,
      %mul3A_1388 = arith.mulf %get3A_1387, %scan3A_224#6 : vector<16xf32>
      %add3A_1389 = arith.addf %add3A_1213, %mul3A_1388 : vector<16xf32>
      %mul3A_1390 = arith.constant 16 : i32
      %mul3A_1391 = arith.muli %scan3A_260, %mul3A_1390 : i32
      %add3A_1392 = arith.constant 8 : i32
      %add3A_1393 = arith.addi %mul3A_1391, %add3A_1392 : i32
      %get3A_1394 = arith.constant 0 : i32
      %get3A_1395 = arith.index_cast %get3A_1394 : i32 to index
      %get3A_1396 = arith.index_cast %add3A_1393 : i32 to index
      %get3A_1397 = arith.constant 96 : index
      %get3A_1398 = tpu.vector_load %arg14[%get3A_1395, %get3A_1396, %get3A_1397] {strides = array<i32>} : memref<1x32x128xf32, #tpu.memory_space<vmem>>, vector<16xf32>,
      %mul3A_1399 = arith.mulf %get3A_1398, %scan3A_224#6 : vector<16xf32>
      %add3A_1400 = arith.addf %add3A_1224, %mul3A_1399 : vector<16xf32>
      %mul3A_1401 = arith.constant 16 : i32
      %mul3A_1402 = arith.muli %scan3A_260, %mul3A_1401 : i32
      %add3A_1403 = arith.constant 9 : i32
      %add3A_1404 = arith.addi %mul3A_1402, %add3A_1403 : i32
      %get3A_1405 = arith.constant 0 : i32
      %get3A_1406 = arith.index_cast %get3A_1405 : i32 to index
      %get3A_1407 = arith.index_cast %add3A_1404 : i32 to index
      %get3A_1408 = arith.constant 96 : index
      %get3A_1409 = tpu.vector_load %arg14[%get3A_1406, %get3A_1407, %get3A_1408] {strides = array<i32>} : memref<1x32x128xf32, #tpu.memory_space<vmem>>, vector<16xf32>,
      %mul3A_1410 = arith.mulf %get3A_1409, %scan3A_224#6 : vector<16xf32>
      %add3A_1411 = arith.addf %add3A_1235, %mul3A_1410 : vector<16xf32>
      %mul3A_1412 = arith.constant 16 : i32
      %mul3A_1413 = arith.muli %scan3A_260, %mul3A_1412 : i32
      %add3A_1414 = arith.constant 10 : i32
      %add3A_1415 = arith.addi %mul3A_1413, %add3A_1414 : i32
      %get3A_1416 = arith.constant 0 : i32
      %get3A_1417 = arith.index_cast %get3A_1416 : i32 to index
      %get3A_1418 = arith.index_cast %add3A_1415 : i32 to index
      %get3A_1419 = arith.constant 96 : index
      %get3A_1420 = tpu.vector_load %arg14[%get3A_1417, %get3A_1418, %get3A_1419] {strides = array<i32>} : memref<1x32x128xf32, #tpu.memory_space<vmem>>, vector<16xf32>,
      %mul3A_1421 = arith.mulf %get3A_1420, %scan3A_224#6 : vector<16xf32>
      %add3A_1422 = arith.addf %add3A_1246, %mul3A_1421 : vector<16xf32>
      %mul3A_1423 = arith.constant 16 : i32
      %mul3A_1424 = arith.muli %scan3A_260, %mul3A_1423 : i32
      %add3A_1425 = arith.constant 11 : i32
      %add3A_1426 = arith.addi %mul3A_1424, %add3A_1425 : i32
      %get3A_1427 = arith.constant 0 : i32
      %get3A_1428 = arith.index_cast %get3A_1427 : i32 to index
      %get3A_1429 = arith.index_cast %add3A_1426 : i32 to index
      %get3A_1430 = arith.constant 96 : index
      %get3A_1431 = tpu.vector_load %arg14[%get3A_1428, %get3A_1429, %get3A_1430] {strides = array<i32>} : memref<1x32x128xf32, #tpu.memory_space<vmem>>, vector<16xf32>,
      %mul3A_1432 = arith.mulf %get3A_1431, %scan3A_224#6 : vector<16xf32>
      %add3A_1433 = arith.addf %add3A_1257, %mul3A_1432 : vector<16xf32>
      %mul3A_1434 = arith.constant 16 : i32
      %mul3A_1435 = arith.muli %scan3A_260, %mul3A_1434 : i32
      %add3A_1436 = arith.constant 12 : i32
      %add3A_1437 = arith.addi %mul3A_1435, %add3A_1436 : i32
      %get3A_1438 = arith.constant 0 : i32
      %get3A_1439 = arith.index_cast %get3A_1438 : i32 to index
      %get3A_1440 = arith.index_cast %add3A_1437 : i32 to index
      %get3A_1441 = arith.constant 96 : index
      %get3A_1442 = tpu.vector_load %arg14[%get3A_1439, %get3A_1440, %get3A_1441] {strides = array<i32>} : memref<1x32x128xf32, #tpu.memory_space<vmem>>, vector<16xf32>,
      %mul3A_1443 = arith.mulf %get3A_1442, %scan3A_224#6 : vector<16xf32>
      %add3A_1444 = arith.addf %add3A_1268, %mul3A_1443 : vector<16xf32>
      %mul3A_1445 = arith.constant 16 : i32
      %mul3A_1446 = arith.muli %scan3A_260, %mul3A_1445 : i32
      %add3A_1447 = arith.constant 13 : i32
      %add3A_1448 = arith.addi %mul3A_1446, %add3A_1447 : i32
      %get3A_1449 = arith.constant 0 : i32
      %get3A_1450 = arith.index_cast %get3A_1449 : i32 to index
      %get3A_1451 = arith.index_cast %add3A_1448 : i32 to index
      %get3A_1452 = arith.constant 96 : index
      %get3A_1453 = tpu.vector_load %arg14[%get3A_1450, %get3A_1451, %get3A_1452] {strides = array<i32>} : memref<1x32x128xf32, #tpu.memory_space<vmem>>, vector<16xf32>,
      %mul3A_1454 = arith.mulf %get3A_1453, %scan3A_224#6 : vector<16xf32>
      %add3A_1455 = arith.addf %add3A_1279, %mul3A_1454 : vector<16xf32>
      %mul3A_1456 = arith.constant 16 : i32
      %mul3A_1457 = arith.muli %scan3A_260, %mul3A_1456 : i32
      %add3A_1458 = arith.constant 14 : i32
      %add3A_1459 = arith.addi %mul3A_1457, %add3A_1458 : i32
      %get3A_1460 = arith.constant 0 : i32
      %get3A_1461 = arith.index_cast %get3A_1460 : i32 to index
      %get3A_1462 = arith.index_cast %add3A_1459 : i32 to index
      %get3A_1463 = arith.constant 96 : index
      %get3A_1464 = tpu.vector_load %arg14[%get3A_1461, %get3A_1462, %get3A_1463] {strides = array<i32>} : memref<1x32x128xf32, #tpu.memory_space<vmem>>, vector<16xf32>,
      %mul3A_1465 = arith.mulf %get3A_1464, %scan3A_224#6 : vector<16xf32>
      %add3A_1466 = arith.addf %add3A_1290, %mul3A_1465 : vector<16xf32>
      %mul3A_1467 = arith.constant 16 : i32
      %mul3A_1468 = arith.muli %scan3A_260, %mul3A_1467 : i32
      %add3A_1469 = arith.constant 15 : i32
      %add3A_1470 = arith.addi %mul3A_1468, %add3A_1469 : i32
      %get3A_1471 = arith.constant 0 : i32
      %get3A_1472 = arith.index_cast %get3A_1471 : i32 to index
      %get3A_1473 = arith.index_cast %add3A_1470 : i32 to index
      %get3A_1474 = arith.constant 96 : index
      %get3A_1475 = tpu.vector_load %arg14[%get3A_1472, %get3A_1473, %get3A_1474] {strides = array<i32>} : memref<1x32x128xf32, #tpu.memory_space<vmem>>, vector<16xf32>,
      %mul3A_1476 = arith.mulf %get3A_1475, %scan3A_224#6 : vector<16xf32>
      %add3A_1477 = arith.addf %add3A_1301, %mul3A_1476 : vector<16xf32>
      %mul3A_1478 = arith.constant 16 : i32
      %mul3A_1479 = arith.muli %scan3A_260, %mul3A_1478 : i32
      %add3A_1480 = arith.constant 0 : i32
      %add3A_1481 = arith.addi %mul3A_1479, %add3A_1480 : i32
      %get3A_1482 = arith.constant 0 : i32
      %get3A_1483 = arith.index_cast %get3A_1482 : i32 to index
      %get3A_1484 = arith.index_cast %add3A_1481 : i32 to index
      %get3A_1485 = arith.constant 112 : index
      %get3A_1486 = tpu.vector_load %arg14[%get3A_1483, %get3A_1484, %get3A_1485] {strides = array<i32>} : memref<1x32x128xf32, #tpu.memory_space<vmem>>, vector<16xf32>,
      %mul3A_1487 = arith.mulf %get3A_1486, %scan3A_224#7 : vector<16xf32>
      %add3A_1488 = arith.addf %add3A_1312, %mul3A_1487 : vector<16xf32>
      %mul3A_1489 = arith.constant 16 : i32
      %mul3A_1490 = arith.muli %scan3A_260, %mul3A_1489 : i32
      %add3A_1491 = arith.constant 1 : i32
      %add3A_1492 = arith.addi %mul3A_1490, %add3A_1491 : i32
      %get3A_1493 = arith.constant 0 : i32
      %get3A_1494 = arith.index_cast %get3A_1493 : i32 to index
      %get3A_1495 = arith.index_cast %add3A_1492 : i32 to index
      %get3A_1496 = arith.constant 112 : index
      %get3A_1497 = tpu.vector_load %arg14[%get3A_1494, %get3A_1495, %get3A_1496] {strides = array<i32>} : memref<1x32x128xf32, #tpu.memory_space<vmem>>, vector<16xf32>,
      %mul3A_1498 = arith.mulf %get3A_1497, %scan3A_224#7 : vector<16xf32>
      %add3A_1499 = arith.addf %add3A_1323, %mul3A_1498 : vector<16xf32>
      %mul3A_1500 = arith.constant 16 : i32
      %mul3A_1501 = arith.muli %scan3A_260, %mul3A_1500 : i32
      %add3A_1502 = arith.constant 2 : i32
      %add3A_1503 = arith.addi %mul3A_1501, %add3A_1502 : i32
      %get3A_1504 = arith.constant 0 : i32
      %get3A_1505 = arith.index_cast %get3A_1504 : i32 to index
      %get3A_1506 = arith.index_cast %add3A_1503 : i32 to index
      %get3A_1507 = arith.constant 112 : index
      %get3A_1508 = tpu.vector_load %arg14[%get3A_1505, %get3A_1506, %get3A_1507] {strides = array<i32>} : memref<1x32x128xf32, #tpu.memory_space<vmem>>, vector<16xf32>,
      %mul3A_1509 = arith.mulf %get3A_1508, %scan3A_224#7 : vector<16xf32>
      %add3A_1510 = arith.addf %add3A_1334, %mul3A_1509 : vector<16xf32>
      %mul3A_1511 = arith.constant 16 : i32
      %mul3A_1512 = arith.muli %scan3A_260, %mul3A_1511 : i32
      %add3A_1513 = arith.constant 3 : i32
      %add3A_1514 = arith.addi %mul3A_1512, %add3A_1513 : i32
      %get3A_1515 = arith.constant 0 : i32
      %get3A_1516 = arith.index_cast %get3A_1515 : i32 to index
      %get3A_1517 = arith.index_cast %add3A_1514 : i32 to index
      %get3A_1518 = arith.constant 112 : index
      %get3A_1519 = tpu.vector_load %arg14[%get3A_1516, %get3A_1517, %get3A_1518] {strides = array<i32>} : memref<1x32x128xf32, #tpu.memory_space<vmem>>, vector<16xf32>,
      %mul3A_1520 = arith.mulf %get3A_1519, %scan3A_224#7 : vector<16xf32>
      %add3A_1521 = arith.addf %add3A_1345, %mul3A_1520 : vector<16xf32>
      %mul3A_1522 = arith.constant 16 : i32
      %mul3A_1523 = arith.muli %scan3A_260, %mul3A_1522 : i32
      %add3A_1524 = arith.constant 4 : i32
      %add3A_1525 = arith.addi %mul3A_1523, %add3A_1524 : i32
      %get3A_1526 = arith.constant 0 : i32
      %get3A_1527 = arith.index_cast %get3A_1526 : i32 to index
      %get3A_1528 = arith.index_cast %add3A_1525 : i32 to index
      %get3A_1529 = arith.constant 112 : index
      %get3A_1530 = tpu.vector_load %arg14[%get3A_1527, %get3A_1528, %get3A_1529] {strides = array<i32>} : memref<1x32x128xf32, #tpu.memory_space<vmem>>, vector<16xf32>,
      %mul3A_1531 = arith.mulf %get3A_1530, %scan3A_224#7 : vector<16xf32>
      %add3A_1532 = arith.addf %add3A_1356, %mul3A_1531 : vector<16xf32>
      %mul3A_1533 = arith.constant 16 : i32
      %mul3A_1534 = arith.muli %scan3A_260, %mul3A_1533 : i32
      %add3A_1535 = arith.constant 5 : i32
      %add3A_1536 = arith.addi %mul3A_1534, %add3A_1535 : i32
      %get3A_1537 = arith.constant 0 : i32
      %get3A_1538 = arith.index_cast %get3A_1537 : i32 to index
      %get3A_1539 = arith.index_cast %add3A_1536 : i32 to index
      %get3A_1540 = arith.constant 112 : index
      %get3A_1541 = tpu.vector_load %arg14[%get3A_1538, %get3A_1539, %get3A_1540] {strides = array<i32>} : memref<1x32x128xf32, #tpu.memory_space<vmem>>, vector<16xf32>,
      %mul3A_1542 = arith.mulf %get3A_1541, %scan3A_224#7 : vector<16xf32>
      %add3A_1543 = arith.addf %add3A_1367, %mul3A_1542 : vector<16xf32>
      %mul3A_1544 = arith.constant 16 : i32
      %mul3A_1545 = arith.muli %scan3A_260, %mul3A_1544 : i32
      %add3A_1546 = arith.constant 6 : i32
      %add3A_1547 = arith.addi %mul3A_1545, %add3A_1546 : i32
      %get3A_1548 = arith.constant 0 : i32
      %get3A_1549 = arith.index_cast %get3A_1548 : i32 to index
      %get3A_1550 = arith.index_cast %add3A_1547 : i32 to index
      %get3A_1551 = arith.constant 112 : index
      %get3A_1552 = tpu.vector_load %arg14[%get3A_1549, %get3A_1550, %get3A_1551] {strides = array<i32>} : memref<1x32x128xf32, #tpu.memory_space<vmem>>, vector<16xf32>,
      %mul3A_1553 = arith.mulf %get3A_1552, %scan3A_224#7 : vector<16xf32>
      %add3A_1554 = arith.addf %add3A_1378, %mul3A_1553 : vector<16xf32>
      %mul3A_1555 = arith.constant 16 : i32
      %mul3A_1556 = arith.muli %scan3A_260, %mul3A_1555 : i32
      %add3A_1557 = arith.constant 7 : i32
      %add3A_1558 = arith.addi %mul3A_1556, %add3A_1557 : i32
      %get3A_1559 = arith.constant 0 : i32
      %get3A_1560 = arith.index_cast %get3A_1559 : i32 to index
      %get3A_1561 = arith.index_cast %add3A_1558 : i32 to index
      %get3A_1562 = arith.constant 112 : index
      %get3A_1563 = tpu.vector_load %arg14[%get3A_1560, %get3A_1561, %get3A_1562] {strides = array<i32>} : memref<1x32x128xf32, #tpu.memory_space<vmem>>, vector<16xf32>,
      %mul3A_1564 = arith.mulf %get3A_1563, %scan3A_224#7 : vector<16xf32>
      %add3A_1565 = arith.addf %add3A_1389, %mul3A_1564 : vector<16xf32>
      %mul3A_1566 = arith.constant 16 : i32
      %mul3A_1567 = arith.muli %scan3A_260, %mul3A_1566 : i32
      %add3A_1568 = arith.constant 8 : i32
      %add3A_1569 = arith.addi %mul3A_1567, %add3A_1568 : i32
      %get3A_1570 = arith.constant 0 : i32
      %get3A_1571 = arith.index_cast %get3A_1570 : i32 to index
      %get3A_1572 = arith.index_cast %add3A_1569 : i32 to index
      %get3A_1573 = arith.constant 112 : index
      %get3A_1574 = tpu.vector_load %arg14[%get3A_1571, %get3A_1572, %get3A_1573] {strides = array<i32>} : memref<1x32x128xf32, #tpu.memory_space<vmem>>, vector<16xf32>,
      %mul3A_1575 = arith.mulf %get3A_1574, %scan3A_224#7 : vector<16xf32>
      %add3A_1576 = arith.addf %add3A_1400, %mul3A_1575 : vector<16xf32>
      %mul3A_1577 = arith.constant 16 : i32
      %mul3A_1578 = arith.muli %scan3A_260, %mul3A_1577 : i32
      %add3A_1579 = arith.constant 9 : i32
      %add3A_1580 = arith.addi %mul3A_1578, %add3A_1579 : i32
      %get3A_1581 = arith.constant 0 : i32
      %get3A_1582 = arith.index_cast %get3A_1581 : i32 to index
      %get3A_1583 = arith.index_cast %add3A_1580 : i32 to index
      %get3A_1584 = arith.constant 112 : index
      %get3A_1585 = tpu.vector_load %arg14[%get3A_1582, %get3A_1583, %get3A_1584] {strides = array<i32>} : memref<1x32x128xf32, #tpu.memory_space<vmem>>, vector<16xf32>,
      %mul3A_1586 = arith.mulf %get3A_1585, %scan3A_224#7 : vector<16xf32>
      %add3A_1587 = arith.addf %add3A_1411, %mul3A_1586 : vector<16xf32>
      %mul3A_1588 = arith.constant 16 : i32
      %mul3A_1589 = arith.muli %scan3A_260, %mul3A_1588 : i32
      %add3A_1590 = arith.constant 10 : i32
      %add3A_1591 = arith.addi %mul3A_1589, %add3A_1590 : i32
      %get3A_1592 = arith.constant 0 : i32
      %get3A_1593 = arith.index_cast %get3A_1592 : i32 to index
      %get3A_1594 = arith.index_cast %add3A_1591 : i32 to index
      %get3A_1595 = arith.constant 112 : index
      %get3A_1596 = tpu.vector_load %arg14[%get3A_1593, %get3A_1594, %get3A_1595] {strides = array<i32>} : memref<1x32x128xf32, #tpu.memory_space<vmem>>, vector<16xf32>,
      %mul3A_1597 = arith.mulf %get3A_1596, %scan3A_224#7 : vector<16xf32>
      %add3A_1598 = arith.addf %add3A_1422, %mul3A_1597 : vector<16xf32>
      %mul3A_1599 = arith.constant 16 : i32
      %mul3A_1600 = arith.muli %scan3A_260, %mul3A_1599 : i32
      %add3A_1601 = arith.constant 11 : i32
      %add3A_1602 = arith.addi %mul3A_1600, %add3A_1601 : i32
      %get3A_1603 = arith.constant 0 : i32
      %get3A_1604 = arith.index_cast %get3A_1603 : i32 to index
      %get3A_1605 = arith.index_cast %add3A_1602 : i32 to index
      %get3A_1606 = arith.constant 112 : index
      %get3A_1607 = tpu.vector_load %arg14[%get3A_1604, %get3A_1605, %get3A_1606] {strides = array<i32>} : memref<1x32x128xf32, #tpu.memory_space<vmem>>, vector<16xf32>,
      %mul3A_1608 = arith.mulf %get3A_1607, %scan3A_224#7 : vector<16xf32>
      %add3A_1609 = arith.addf %add3A_1433, %mul3A_1608 : vector<16xf32>
      %mul3A_1610 = arith.constant 16 : i32
      %mul3A_1611 = arith.muli %scan3A_260, %mul3A_1610 : i32
      %add3A_1612 = arith.constant 12 : i32
      %add3A_1613 = arith.addi %mul3A_1611, %add3A_1612 : i32
      %get3A_1614 = arith.constant 0 : i32
      %get3A_1615 = arith.index_cast %get3A_1614 : i32 to index
      %get3A_1616 = arith.index_cast %add3A_1613 : i32 to index
      %get3A_1617 = arith.constant 112 : index
      %get3A_1618 = tpu.vector_load %arg14[%get3A_1615, %get3A_1616, %get3A_1617] {strides = array<i32>} : memref<1x32x128xf32, #tpu.memory_space<vmem>>, vector<16xf32>,
      %mul3A_1619 = arith.mulf %get3A_1618, %scan3A_224#7 : vector<16xf32>
      %add3A_1620 = arith.addf %add3A_1444, %mul3A_1619 : vector<16xf32>
      %mul3A_1621 = arith.constant 16 : i32
      %mul3A_1622 = arith.muli %scan3A_260, %mul3A_1621 : i32
      %add3A_1623 = arith.constant 13 : i32
      %add3A_1624 = arith.addi %mul3A_1622, %add3A_1623 : i32
      %get3A_1625 = arith.constant 0 : i32
      %get3A_1626 = arith.index_cast %get3A_1625 : i32 to index
      %get3A_1627 = arith.index_cast %add3A_1624 : i32 to index
      %get3A_1628 = arith.constant 112 : index
      %get3A_1629 = tpu.vector_load %arg14[%get3A_1626, %get3A_1627, %get3A_1628] {strides = array<i32>} : memref<1x32x128xf32, #tpu.memory_space<vmem>>, vector<16xf32>,
      %mul3A_1630 = arith.mulf %get3A_1629, %scan3A_224#7 : vector<16xf32>
      %add3A_1631 = arith.addf %add3A_1455, %mul3A_1630 : vector<16xf32>
      %mul3A_1632 = arith.constant 16 : i32
      %mul3A_1633 = arith.muli %scan3A_260, %mul3A_1632 : i32
      %add3A_1634 = arith.constant 14 : i32
      %add3A_1635 = arith.addi %mul3A_1633, %add3A_1634 : i32
      %get3A_1636 = arith.constant 0 : i32
      %get3A_1637 = arith.index_cast %get3A_1636 : i32 to index
      %get3A_1638 = arith.index_cast %add3A_1635 : i32 to index
      %get3A_1639 = arith.constant 112 : index
      %get3A_1640 = tpu.vector_load %arg14[%get3A_1637, %get3A_1638, %get3A_1639] {strides = array<i32>} : memref<1x32x128xf32, #tpu.memory_space<vmem>>, vector<16xf32>,
      %mul3A_1641 = arith.mulf %get3A_1640, %scan3A_224#7 : vector<16xf32>
      %add3A_1642 = arith.addf %add3A_1466, %mul3A_1641 : vector<16xf32>
      %mul3A_1643 = arith.constant 16 : i32
      %mul3A_1644 = arith.muli %scan3A_260, %mul3A_1643 : i32
      %add3A_1645 = arith.constant 15 : i32
      %add3A_1646 = arith.addi %mul3A_1644, %add3A_1645 : i32
      %get3A_1647 = arith.constant 0 : i32
      %get3A_1648 = arith.index_cast %get3A_1647 : i32 to index
      %get3A_1649 = arith.index_cast %add3A_1646 : i32 to index
      %get3A_1650 = arith.constant 112 : index
      %get3A_1651 = tpu.vector_load %arg14[%get3A_1648, %get3A_1649, %get3A_1650] {strides = array<i32>} : memref<1x32x128xf32, #tpu.memory_space<vmem>>, vector<16xf32>,
      %mul3A_1652 = arith.mulf %get3A_1651, %scan3A_224#7 : vector<16xf32>
      %add3A_1653 = arith.addf %add3A_1477, %mul3A_1652 : vector<16xf32>
      %swap3A_1654 = arith.constant 0 : i32
      %swap3A_1655 = arith.index_cast %swap3A_1654 : i32 to index
      %swap3A_1656 = arith.constant 0 : index
      %swap3A_1657 = tpu.vector_load %arg19[%swap3A_1655, %swap3A_1656] {strides = array<i32>} : memref<16x16xf32, #tpu.memory_space<vmem>>, vector<16xf32>,
      tpu.vector_store %arg19[%swap3A_1655, %swap3A_1656], %add3A_1488 {strides = array<i32>} : memref<16x16xf32, #tpu.memory_space<vmem>>, vector<16xf32>,
      %swap3A_1658 = arith.constant 1 : i32
      %swap3A_1659 = arith.index_cast %swap3A_1658 : i32 to index
      %swap3A_1660 = arith.constant 0 : index
      %swap3A_1661 = tpu.vector_load %arg19[%swap3A_1659, %swap3A_1660] {strides = array<i32>} : memref<16x16xf32, #tpu.memory_space<vmem>>, vector<16xf32>,
      tpu.vector_store %arg19[%swap3A_1659, %swap3A_1660], %add3A_1499 {strides = array<i32>} : memref<16x16xf32, #tpu.memory_space<vmem>>, vector<16xf32>,
      %swap3A_1662 = arith.constant 2 : i32
      %swap3A_1663 = arith.index_cast %swap3A_1662 : i32 to index
      %swap3A_1664 = arith.constant 0 : index
      %swap3A_1665 = tpu.vector_load %arg19[%swap3A_1663, %swap3A_1664] {strides = array<i32>} : memref<16x16xf32, #tpu.memory_space<vmem>>, vector<16xf32>,
      tpu.vector_store %arg19[%swap3A_1663, %swap3A_1664], %add3A_1510 {strides = array<i32>} : memref<16x16xf32, #tpu.memory_space<vmem>>, vector<16xf32>,
      %swap3A_1666 = arith.constant 3 : i32
      %swap3A_1667 = arith.index_cast %swap3A_1666 : i32 to index
      %swap3A_1668 = arith.constant 0 : index
      %swap3A_1669 = tpu.vector_load %arg19[%swap3A_1667, %swap3A_1668] {strides = array<i32>} : memref<16x16xf32, #tpu.memory_space<vmem>>, vector<16xf32>,
      tpu.vector_store %arg19[%swap3A_1667, %swap3A_1668], %add3A_1521 {strides = array<i32>} : memref<16x16xf32, #tpu.memory_space<vmem>>, vector<16xf32>,
      %swap3A_1670 = arith.constant 4 : i32
      %swap3A_1671 = arith.index_cast %swap3A_1670 : i32 to index
      %swap3A_1672 = arith.constant 0 : index
      %swap3A_1673 = tpu.vector_load %arg19[%swap3A_1671, %swap3A_1672] {strides = array<i32>} : memref<16x16xf32, #tpu.memory_space<vmem>>, vector<16xf32>,
      tpu.vector_store %arg19[%swap3A_1671, %swap3A_1672], %add3A_1532 {strides = array<i32>} : memref<16x16xf32, #tpu.memory_space<vmem>>, vector<16xf32>,
      %swap3A_1674 = arith.constant 5 : i32
      %swap3A_1675 = arith.index_cast %swap3A_1674 : i32 to index
      %swap3A_1676 = arith.constant 0 : index
      %swap3A_1677 = tpu.vector_load %arg19[%swap3A_1675, %swap3A_1676] {strides = array<i32>} : memref<16x16xf32, #tpu.memory_space<vmem>>, vector<16xf32>,
      tpu.vector_store %arg19[%swap3A_1675, %swap3A_1676], %add3A_1543 {strides = array<i32>} : memref<16x16xf32, #tpu.memory_space<vmem>>, vector<16xf32>,
      %swap3A_1678 = arith.constant 6 : i32
      %swap3A_1679 = arith.index_cast %swap3A_1678 : i32 to index
      %swap3A_1680 = arith.constant 0 : index
      %swap3A_1681 = tpu.vector_load %arg19[%swap3A_1679, %swap3A_1680] {strides = array<i32>} : memref<16x16xf32, #tpu.memory_space<vmem>>, vector<16xf32>,
      tpu.vector_store %arg19[%swap3A_1679, %swap3A_1680], %add3A_1554 {strides = array<i32>} : memref<16x16xf32, #tpu.memory_space<vmem>>, vector<16xf32>,
      %swap3A_1682 = arith.constant 7 : i32
      %swap3A_1683 = arith.index_cast %swap3A_1682 : i32 to index
      %swap3A_1684 = arith.constant 0 : index
      %swap3A_1685 = tpu.vector_load %arg19[%swap3A_1683, %swap3A_1684] {strides = array<i32>} : memref<16x16xf32, #tpu.memory_space<vmem>>, vector<16xf32>,
      tpu.vector_store %arg19[%swap3A_1683, %swap3A_1684], %add3A_1565 {strides = array<i32>} : memref<16x16xf32, #tpu.memory_space<vmem>>, vector<16xf32>,
      %swap3A_1686 = arith.constant 8 : i32
      %swap3A_1687 = arith.index_cast %swap3A_1686 : i32 to index
      %swap3A_1688 = arith.constant 0 : index
      %swap3A_1689 = tpu.vector_load %arg19[%swap3A_1687, %swap3A_1688] {strides = array<i32>} : memref<16x16xf32, #tpu.memory_space<vmem>>, vector<16xf32>,
      tpu.vector_store %arg19[%swap3A_1687, %swap3A_1688], %add3A_1576 {strides = array<i32>} : memref<16x16xf32, #tpu.memory_space<vmem>>, vector<16xf32>,
      %swap3A_1690 = arith.constant 9 : i32
      %swap3A_1691 = arith.index_cast %swap3A_1690 : i32 to index
      %swap3A_1692 = arith.constant 0 : index
      %swap3A_1693 = tpu.vector_load %arg19[%swap3A_1691, %swap3A_1692] {strides = array<i32>} : memref<16x16xf32, #tpu.memory_space<vmem>>, vector<16xf32>,
      tpu.vector_store %arg19[%swap3A_1691, %swap3A_1692], %add3A_1587 {strides = array<i32>} : memref<16x16xf32, #tpu.memory_space<vmem>>, vector<16xf32>,
      %swap3A_1694 = arith.constant 10 : i32
      %swap3A_1695 = arith.index_cast %swap3A_1694 : i32 to index
      %swap3A_1696 = arith.constant 0 : index
      %swap3A_1697 = tpu.vector_load %arg19[%swap3A_1695, %swap3A_1696] {strides = array<i32>} : memref<16x16xf32, #tpu.memory_space<vmem>>, vector<16xf32>,
      tpu.vector_store %arg19[%swap3A_1695, %swap3A_1696], %add3A_1598 {strides = array<i32>} : memref<16x16xf32, #tpu.memory_space<vmem>>, vector<16xf32>,
      %swap3A_1698 = arith.constant 11 : i32
      %swap3A_1699 = arith.index_cast %swap3A_1698 : i32 to index
      %swap3A_1700 = arith.constant 0 : index
      %swap3A_1701 = tpu.vector_load %arg19[%swap3A_1699, %swap3A_1700] {strides = array<i32>} : memref<16x16xf32, #tpu.memory_space<vmem>>, vector<16xf32>,
      tpu.vector_store %arg19[%swap3A_1699, %swap3A_1700], %add3A_1609 {strides = array<i32>} : memref<16x16xf32, #tpu.memory_space<vmem>>, vector<16xf32>,
      %swap3A_1702 = arith.constant 12 : i32
      %swap3A_1703 = arith.index_cast %swap3A_1702 : i32 to index
      %swap3A_1704 = arith.constant 0 : index
      %swap3A_1705 = tpu.vector_load %arg19[%swap3A_1703, %swap3A_1704] {strides = array<i32>} : memref<16x16xf32, #tpu.memory_space<vmem>>, vector<16xf32>,
      tpu.vector_store %arg19[%swap3A_1703, %swap3A_1704], %add3A_1620 {strides = array<i32>} : memref<16x16xf32, #tpu.memory_space<vmem>>, vector<16xf32>,
      %swap3A_1706 = arith.constant 13 : i32
      %swap3A_1707 = arith.index_cast %swap3A_1706 : i32 to index
      %swap3A_1708 = arith.constant 0 : index
      %swap3A_1709 = tpu.vector_load %arg19[%swap3A_1707, %swap3A_1708] {strides = array<i32>} : memref<16x16xf32, #tpu.memory_space<vmem>>, vector<16xf32>,
      tpu.vector_store %arg19[%swap3A_1707, %swap3A_1708], %add3A_1631 {strides = array<i32>} : memref<16x16xf32, #tpu.memory_space<vmem>>, vector<16xf32>,
      %swap3A_1710 = arith.constant 14 : i32
      %swap3A_1711 = arith.index_cast %swap3A_1710 : i32 to index
      %swap3A_1712 = arith.constant 0 : index
      %swap3A_1713 = tpu.vector_load %arg19[%swap3A_1711, %swap3A_1712] {strides = array<i32>} : memref<16x16xf32, #tpu.memory_space<vmem>>, vector<16xf32>,
      tpu.vector_store %arg19[%swap3A_1711, %swap3A_1712], %add3A_1642 {strides = array<i32>} : memref<16x16xf32, #tpu.memory_space<vmem>>, vector<16xf32>,
      %swap3A_1714 = arith.constant 15 : i32
      %swap3A_1715 = arith.index_cast %swap3A_1714 : i32 to index
      %swap3A_1716 = arith.constant 0 : index
      %swap3A_1717 = tpu.vector_load %arg19[%swap3A_1715, %swap3A_1716] {strides = array<i32>} : memref<16x16xf32, #tpu.memory_space<vmem>>, vector<16xf32>,
      tpu.vector_store %arg19[%swap3A_1715, %swap3A_1716], %add3A_1653 {strides = array<i32>} : memref<16x16xf32, #tpu.memory_space<vmem>>, vector<16xf32>,
      %broadcast_in_dim3A_1718 = arith.constant 0 : i32
      %broadcast_in_dim3A_1719 = vector.broadcast %broadcast_in_dim3A_1718 : i32 to vector<16xi32>
      %gather3A = tpu.vector_load_idx %arg19[%iota3A, %broadcast_in_dim3A_1719] : memref<16x16xf32, #tpu.memory_space<vmem>>[vector<16xi32>, vector<16xi32>], vector<16xf32>,
      %broadcast_in_dim3A_1720 = arith.constant 1 : i32
      %broadcast_in_dim3A_1721 = vector.broadcast %broadcast_in_dim3A_1720 : i32 to vector<16xi32>
      %gather3A_1722 = tpu.vector_load_idx %arg19[%iota3A, %broadcast_in_dim3A_1721] : memref<16x16xf32, #tpu.memory_space<vmem>>[vector<16xi32>, vector<16xi32>], vector<16xf32>,
      %broadcast_in_dim3A_1723 = arith.constant 2 : i32
      %broadcast_in_dim3A_1724 = vector.broadcast %broadcast_in_dim3A_1723 : i32 to vector<16xi32>
      %gather3A_1725 = tpu.vector_load_idx %arg19[%iota3A, %broadcast_in_dim3A_1724] : memref<16x16xf32, #tpu.memory_space<vmem>>[vector<16xi32>, vector<16xi32>], vector<16xf32>,
      %broadcast_in_dim3A_1726 = arith.constant 3 : i32
      %broadcast_in_dim3A_1727 = vector.broadcast %broadcast_in_dim3A_1726 : i32 to vector<16xi32>
      %gather3A_1728 = tpu.vector_load_idx %arg19[%iota3A, %broadcast_in_dim3A_1727] : memref<16x16xf32, #tpu.memory_space<vmem>>[vector<16xi32>, vector<16xi32>], vector<16xf32>,
      %broadcast_in_dim3A_1729 = arith.constant 4 : i32
      %broadcast_in_dim3A_1730 = vector.broadcast %broadcast_in_dim3A_1729 : i32 to vector<16xi32>
      %gather3A_1731 = tpu.vector_load_idx %arg19[%iota3A, %broadcast_in_dim3A_1730] : memref<16x16xf32, #tpu.memory_space<vmem>>[vector<16xi32>, vector<16xi32>], vector<16xf32>,
      %broadcast_in_dim3A_1732 = arith.constant 5 : i32
      %broadcast_in_dim3A_1733 = vector.broadcast %broadcast_in_dim3A_1732 : i32 to vector<16xi32>
      %gather3A_1734 = tpu.vector_load_idx %arg19[%iota3A, %broadcast_in_dim3A_1733] : memref<16x16xf32, #tpu.memory_space<vmem>>[vector<16xi32>, vector<16xi32>], vector<16xf32>,
      %broadcast_in_dim3A_1735 = arith.constant 6 : i32
      %broadcast_in_dim3A_1736 = vector.broadcast %broadcast_in_dim3A_1735 : i32 to vector<16xi32>
      %gather3A_1737 = tpu.vector_load_idx %arg19[%iota3A, %broadcast_in_dim3A_1736] : memref<16x16xf32, #tpu.memory_space<vmem>>[vector<16xi32>, vector<16xi32>], vector<16xf32>,
      %broadcast_in_dim3A_1738 = arith.constant 7 : i32
      %broadcast_in_dim3A_1739 = vector.broadcast %broadcast_in_dim3A_1738 : i32 to vector<16xi32>
      %gather3A_1740 = tpu.vector_load_idx %arg19[%iota3A, %broadcast_in_dim3A_1739] : memref<16x16xf32, #tpu.memory_space<vmem>>[vector<16xi32>, vector<16xi32>], vector<16xf32>,
      %broadcast_in_dim3A_1741 = arith.constant 8 : i32
      %broadcast_in_dim3A_1742 = vector.broadcast %broadcast_in_dim3A_1741 : i32 to vector<16xi32>
      %gather3A_1743 = tpu.vector_load_idx %arg19[%iota3A, %broadcast_in_dim3A_1742] : memref<16x16xf32, #tpu.memory_space<vmem>>[vector<16xi32>, vector<16xi32>], vector<16xf32>,
      %broadcast_in_dim3A_1744 = arith.constant 9 : i32
      %broadcast_in_dim3A_1745 = vector.broadcast %broadcast_in_dim3A_1744 : i32 to vector<16xi32>
      %gather3A_1746 = tpu.vector_load_idx %arg19[%iota3A, %broadcast_in_dim3A_1745] : memref<16x16xf32, #tpu.memory_space<vmem>>[vector<16xi32>, vector<16xi32>], vector<16xf32>,
      %broadcast_in_dim3A_1747 = arith.constant 10 : i32
      %broadcast_in_dim3A_1748 = vector.broadcast %broadcast_in_dim3A_1747 : i32 to vector<16xi32>
      %gather3A_1749 = tpu.vector_load_idx %arg19[%iota3A, %broadcast_in_dim3A_1748] : memref<16x16xf32, #tpu.memory_space<vmem>>[vector<16xi32>, vector<16xi32>], vector<16xf32>,
      %broadcast_in_dim3A_1750 = arith.constant 11 : i32
      %broadcast_in_dim3A_1751 = vector.broadcast %broadcast_in_dim3A_1750 : i32 to vector<16xi32>
      %gather3A_1752 = tpu.vector_load_idx %arg19[%iota3A, %broadcast_in_dim3A_1751] : memref<16x16xf32, #tpu.memory_space<vmem>>[vector<16xi32>, vector<16xi32>], vector<16xf32>,
      %broadcast_in_dim3A_1753 = arith.constant 12 : i32
      %broadcast_in_dim3A_1754 = vector.broadcast %broadcast_in_dim3A_1753 : i32 to vector<16xi32>
      %gather3A_1755 = tpu.vector_load_idx %arg19[%iota3A, %broadcast_in_dim3A_1754] : memref<16x16xf32, #tpu.memory_space<vmem>>[vector<16xi32>, vector<16xi32>], vector<16xf32>,
      %broadcast_in_dim3A_1756 = arith.constant 13 : i32
      %broadcast_in_dim3A_1757 = vector.broadcast %broadcast_in_dim3A_1756 : i32 to vector<16xi32>
      %gather3A_1758 = tpu.vector_load_idx %arg19[%iota3A, %broadcast_in_dim3A_1757] : memref<16x16xf32, #tpu.memory_space<vmem>>[vector<16xi32>, vector<16xi32>], vector<16xf32>,
      %broadcast_in_dim3A_1759 = arith.constant 14 : i32
      %broadcast_in_dim3A_1760 = vector.broadcast %broadcast_in_dim3A_1759 : i32 to vector<16xi32>
      %gather3A_1761 = tpu.vector_load_idx %arg19[%iota3A, %broadcast_in_dim3A_1760] : memref<16x16xf32, #tpu.memory_space<vmem>>[vector<16xi32>, vector<16xi32>], vector<16xf32>,
      %broadcast_in_dim3A_1762 = arith.constant 15 : i32
      %broadcast_in_dim3A_1763 = vector.broadcast %broadcast_in_dim3A_1762 : i32 to vector<16xi32>
      %gather3A_1764 = tpu.vector_load_idx %arg19[%iota3A, %broadcast_in_dim3A_1763] : memref<16x16xf32, #tpu.memory_space<vmem>>[vector<16xi32>, vector<16xi32>], vector<16xf32>,
      %add3A_1765 = arith.addf %gather3A, %gather3A_1722 : vector<16xf32>
      %add3A_1766 = arith.addf %gather3A_1725, %gather3A_1728 : vector<16xf32>
      %add3A_1767 = arith.addf %gather3A_1731, %gather3A_1734 : vector<16xf32>
      %add3A_1768 = arith.addf %gather3A_1737, %gather3A_1740 : vector<16xf32>
      %add3A_1769 = arith.addf %gather3A_1743, %gather3A_1746 : vector<16xf32>
      %add3A_1770 = arith.addf %gather3A_1749, %gather3A_1752 : vector<16xf32>
      %add3A_1771 = arith.addf %gather3A_1755, %gather3A_1758 : vector<16xf32>
      %add3A_1772 = arith.addf %gather3A_1761, %gather3A_1764 : vector<16xf32>
      %add3A_1773 = arith.addf %add3A_1765, %add3A_1766 : vector<16xf32>
      %add3A_1774 = arith.addf %add3A_1767, %add3A_1768 : vector<16xf32>
      %add3A_1775 = arith.addf %add3A_1769, %add3A_1770 : vector<16xf32>
      %add3A_1776 = arith.addf %add3A_1771, %add3A_1772 : vector<16xf32>
      %add3A_1777 = arith.addf %add3A_1773, %add3A_1774 : vector<16xf32>
      %add3A_1778 = arith.addf %add3A_1775, %add3A_1776 : vector<16xf32>
      %add3A_1779 = arith.addf %add3A_1777, %add3A_1778 : vector<16xf32>
      %neg3A = arith.constant 0.000000e+00 : f32
      %neg3A_1780 = vector.broadcast %neg3A : f32 to vector<16xf32>
      %neg3A_1781 = arith.subf %neg3A_1780, %add3A_1779 : vector<16xf32>
      %exp3A = math.exp %neg3A_1781 : vector<16xf32>
      %add3A_1782 = arith.constant 1.000000e+00 : f32
      %add3A_1783 = vector.broadcast %add3A_1782 : f32 to vector<16xf32>
      %add3A_1784 = arith.addf %add3A_1783, %exp3A : vector<16xf32>
      %div3A = arith.constant 1.000000e+00 : f32
      %div3A_1785 = vector.broadcast %div3A : f32 to vector<16xf32>
      %div3A_1786 = arith.divf %div3A_1785, %add3A_1784 : vector<16xf32>
      %swap3A_1787 = arith.index_cast %mul3A_262 : i32 to index
      %swap3A_1788 = tpu.vector_load %arg15[%swap3A_1787] {strides = array<i32>} : memref<32xf32, #tpu.memory_space<vmem>>, vector<16xf32>,
      tpu.vector_store %arg15[%swap3A_1787], %div3A_1786 {strides = array<i32>} : memref<32xf32, #tpu.memory_space<vmem>>, vector<16xf32>,
    }
    %scan3A_243 = arith.constant 2 : i32
    %dma_start3A_244 = arith.constant 0 : i32
    %dma_start3A_245 = tpu.memref_slice %arg7[%dma_start3A_244, %mul3A_2] : memref<1x1024xf32, #tpu.memory_space<hbm>> -> memref<1x32xf32, #tpu.memory_space<hbm>>
    %dma_start3A_246 = tpu.memref_squeeze %dma_start3A_245 : memref<1x32xf32, #tpu.memory_space<hbm>> -> memref<32xf32, #tpu.memory_space<hbm>>
    %dma_start3A_247 = tpu.memref_slice %arg7[%dma_start3A_244, %mul3A_2] : memref<1x1024xf32, #tpu.memory_space<hbm>> -> memref<1x32xf32, #tpu.memory_space<hbm>>
    %dma_start3A_248 = tpu.memref_squeeze %dma_start3A_247 : memref<1x32xf32, #tpu.memory_space<hbm>> -> memref<32xf32, #tpu.memory_space<hbm>>
    tpu.enqueue_dma source(%arg15 : memref<32xf32, #tpu.memory_space<vmem>>) target(%dma_start3A_248 : memref<32xf32, #tpu.memory_space<hbm>>) target_semaphore(%arg22 : memref<!tpu.dma_semaphore, #tpu.memory_space<semaphore_mem>>)
    %scan3A_249 = arith.constant 0 : i32
    %scan3A_250 = arith.constant 0 : i32
    %scan3A_251 = arith.constant 4 : i32
    %scan3A_252 = arith.addi %scan3A_250, %scan3A_251 : i32
    %scan3A_253 = arith.constant 1 : i32
    scf.for %scan3A_260 = %scan3A_250 to %scan3A_252 step %scan3A_253  : i32 {
      %dma_wait3A_261 = arith.constant 0 : i32
      %dma_wait3A_262 = arith.constant 0 : i32
      %dma_wait3A_263 = arith.constant 0 : i32
      %dma_wait3A_264 = arith.constant 0 : i32
      %dma_wait3A_265 = tpu.memref_slice %arg17[%dma_wait3A_262, %dma_wait3A_263, %dma_wait3A_264] : memref<4x128x128xf32, #tpu.memory_space<vmem>> -> memref<1x128x128xf32, #tpu.memory_space<vmem>>
      %dma_wait3A_266 = tpu.memref_squeeze %dma_wait3A_265 : memref<1x128x128xf32, #tpu.memory_space<vmem>> -> memref<128x128xf32, #tpu.memory_space<vmem>>
      %dma_wait3A_267 = arith.constant 0 : i32
      %dma_wait3A_268 = tpu.memref_slice %arg16[%dma_wait3A_261, %dma_wait3A_267] : memref<4x128xi32, #tpu.memory_space<vmem>> -> memref<1x128xi32, #tpu.memory_space<vmem>>
      %dma_wait3A_269 = tpu.memref_squeeze %dma_wait3A_268 : memref<1x128xi32, #tpu.memory_space<vmem>> -> memref<128xi32, #tpu.memory_space<vmem>>
      %dma_wait3A_270 = arith.constant 0 : i32
      %dma_wait3A_271 = arith.constant 0 : i32
      %dma_wait3A_272 = tpu.memref_slice %arg6[%dma_wait3A_270, %dma_wait3A_271] : memref<1000000x128xf32, #tpu.memory_space<hbm>> -> memref<1000000x128xf32, #tpu.memory_space<hbm>>
      %dma_wait3A_273 = tpu.memref_slice %arg23[%scan3A_260] : memref<4x!tpu.dma_semaphore, #tpu.memory_space<semaphore_mem>> -> memref<1x!tpu.dma_semaphore, #tpu.memory_space<semaphore_mem>>
      %dma_wait3A_274 = tpu.memref_squeeze %dma_wait3A_273 : memref<1x!tpu.dma_semaphore, #tpu.memory_space<semaphore_mem>> -> memref<!tpu.dma_semaphore, #tpu.memory_space<semaphore_mem>>
      tpu.wait_indirect_dma semaphore(%dma_wait3A_274 : memref<!tpu.dma_semaphore, #tpu.memory_space<semaphore_mem>>) src(%dma_wait3A_272 : memref<1000000x128xf32, #tpu.memory_space<hbm>>) dst(%dma_wait3A_266 : memref<128x128xf32, #tpu.memory_space<vmem>>)
      %scan3A_275 = arith.constant 0 : i32
      %scan3A_276 = arith.constant 0 : i32
      %scan3A_277 = arith.constant 8 : i32
      %scan3A_278 = arith.addi %scan3A_276, %scan3A_277 : i32
      %scan3A_279 = arith.constant 1 : i32
      scf.for %scan3A_281 = %scan3A_276 to %scan3A_278 step %scan3A_279  : i32 {
        %mul3A_282 = arith.constant 128 : i32
        %mul3A_283 = arith.muli %scan3A_260, %mul3A_282 : i32
        %mul3A_284 = arith.constant 16 : i32
        %mul3A_285 = arith.muli %scan3A_281, %mul3A_284 : i32
        %add3A_286 = arith.addi %mul3A_283, %mul3A_285 : i32
        %mul3A_287 = arith.constant 16 : i32
        %mul3A_288 = arith.muli %scan3A_281, %mul3A_287 : i32
        %add3A_289 = arith.constant 0 : i32
        %add3A_290 = arith.addi %mul3A_288, %add3A_289 : i32
        %get3A = arith.index_cast %scan3A_260 : i32 to index
        %get3A_291 = arith.index_cast %add3A_290 : i32 to index
        %get3A_292 = arith.constant 0 : index
        %get3A_293 = tpu.vector_load %arg17[%get3A, %get3A_291, %get3A_292] {strides = array<i32>} : memref<4x128x128xf32, #tpu.memory_space<vmem>>, vector<16xf32>,
        %mul3A_294 = arith.mulf %get3A_293, %scan3A_224#0 : vector<16xf32>
        %mul3A_295 = arith.constant 16 : i32
        %mul3A_296 = arith.muli %scan3A_281, %mul3A_295 : i32
        %add3A_297 = arith.constant 1 : i32
        %add3A_298 = arith.addi %mul3A_296, %add3A_297 : i32
        %get3A_299 = arith.index_cast %scan3A_260 : i32 to index
        %get3A_300 = arith.index_cast %add3A_298 : i32 to index
        %get3A_301 = arith.constant 0 : index
        %get3A_302 = tpu.vector_load %arg17[%get3A_299, %get3A_300, %get3A_301] {strides = array<i32>} : memref<4x128x128xf32, #tpu.memory_space<vmem>>, vector<16xf32>,
        %mul3A_303 = arith.mulf %get3A_302, %scan3A_224#0 : vector<16xf32>
        %mul3A_304 = arith.constant 16 : i32
        %mul3A_305 = arith.muli %scan3A_281, %mul3A_304 : i32
        %add3A_306 = arith.constant 2 : i32
        %add3A_307 = arith.addi %mul3A_305, %add3A_306 : i32
        %get3A_308 = arith.index_cast %scan3A_260 : i32 to index
        %get3A_309 = arith.index_cast %add3A_307 : i32 to index
        %get3A_310 = arith.constant 0 : index
        %get3A_311 = tpu.vector_load %arg17[%get3A_308, %get3A_309, %get3A_310] {strides = array<i32>} : memref<4x128x128xf32, #tpu.memory_space<vmem>>, vector<16xf32>,
        %mul3A_312 = arith.mulf %get3A_311, %scan3A_224#0 : vector<16xf32>
        %mul3A_313 = arith.constant 16 : i32
        %mul3A_314 = arith.muli %scan3A_281, %mul3A_313 : i32
        %add3A_315 = arith.constant 3 : i32
        %add3A_316 = arith.addi %mul3A_314, %add3A_315 : i32
        %get3A_317 = arith.index_cast %scan3A_260 : i32 to index
        %get3A_318 = arith.index_cast %add3A_316 : i32 to index
        %get3A_319 = arith.constant 0 : index
        %get3A_320 = tpu.vector_load %arg17[%get3A_317, %get3A_318, %get3A_319] {strides = array<i32>} : memref<4x128x128xf32, #tpu.memory_space<vmem>>, vector<16xf32>,
        %mul3A_321 = arith.mulf %get3A_320, %scan3A_224#0 : vector<16xf32>
        %mul3A_322 = arith.constant 16 : i32
        %mul3A_323 = arith.muli %scan3A_281, %mul3A_322 : i32
        %add3A_324 = arith.constant 4 : i32
        %add3A_325 = arith.addi %mul3A_323, %add3A_324 : i32
        %get3A_326 = arith.index_cast %scan3A_260 : i32 to index
        %get3A_327 = arith.index_cast %add3A_325 : i32 to index
        %get3A_328 = arith.constant 0 : index
        %get3A_329 = tpu.vector_load %arg17[%get3A_326, %get3A_327, %get3A_328] {strides = array<i32>} : memref<4x128x128xf32, #tpu.memory_space<vmem>>, vector<16xf32>,
        %mul3A_330 = arith.mulf %get3A_329, %scan3A_224#0 : vector<16xf32>
        %mul3A_331 = arith.constant 16 : i32
        %mul3A_332 = arith.muli %scan3A_281, %mul3A_331 : i32
        %add3A_333 = arith.constant 5 : i32
        %add3A_334 = arith.addi %mul3A_332, %add3A_333 : i32
        %get3A_335 = arith.index_cast %scan3A_260 : i32 to index
        %get3A_336 = arith.index_cast %add3A_334 : i32 to index
        %get3A_337 = arith.constant 0 : index
        %get3A_338 = tpu.vector_load %arg17[%get3A_335, %get3A_336, %get3A_337] {strides = array<i32>} : memref<4x128x128xf32, #tpu.memory_space<vmem>>, vector<16xf32>,
        %mul3A_339 = arith.mulf %get3A_338, %scan3A_224#0 : vector<16xf32>
        %mul3A_340 = arith.constant 16 : i32
        %mul3A_341 = arith.muli %scan3A_281, %mul3A_340 : i32
        %add3A_342 = arith.constant 6 : i32
        %add3A_343 = arith.addi %mul3A_341, %add3A_342 : i32
        %get3A_344 = arith.index_cast %scan3A_260 : i32 to index
        %get3A_345 = arith.index_cast %add3A_343 : i32 to index
        %get3A_346 = arith.constant 0 : index
        %get3A_347 = tpu.vector_load %arg17[%get3A_344, %get3A_345, %get3A_346] {strides = array<i32>} : memref<4x128x128xf32, #tpu.memory_space<vmem>>, vector<16xf32>,
        %mul3A_348 = arith.mulf %get3A_347, %scan3A_224#0 : vector<16xf32>
        %mul3A_349 = arith.constant 16 : i32
        %mul3A_350 = arith.muli %scan3A_281, %mul3A_349 : i32
        %add3A_351 = arith.constant 7 : i32
        %add3A_352 = arith.addi %mul3A_350, %add3A_351 : i32
        %get3A_353 = arith.index_cast %scan3A_260 : i32 to index
        %get3A_354 = arith.index_cast %add3A_352 : i32 to index
        %get3A_355 = arith.constant 0 : index
        %get3A_356 = tpu.vector_load %arg17[%get3A_353, %get3A_354, %get3A_355] {strides = array<i32>} : memref<4x128x128xf32, #tpu.memory_space<vmem>>, vector<16xf32>,
        %mul3A_357 = arith.mulf %get3A_356, %scan3A_224#0 : vector<16xf32>
        %mul3A_358 = arith.constant 16 : i32
        %mul3A_359 = arith.muli %scan3A_281, %mul3A_358 : i32
        %add3A_360 = arith.constant 8 : i32
        %add3A_361 = arith.addi %mul3A_359, %add3A_360 : i32
        %get3A_362 = arith.index_cast %scan3A_260 : i32 to index
        %get3A_363 = arith.index_cast %add3A_361 : i32 to index
        %get3A_364 = arith.constant 0 : index
        %get3A_365 = tpu.vector_load %arg17[%get3A_362, %get3A_363, %get3A_364] {strides = array<i32>} : memref<4x128x128xf32, #tpu.memory_space<vmem>>, vector<16xf32>,
        %mul3A_366 = arith.mulf %get3A_365, %scan3A_224#0 : vector<16xf32>
        %mul3A_367 = arith.constant 16 : i32
        %mul3A_368 = arith.muli %scan3A_281, %mul3A_367 : i32
        %add3A_369 = arith.constant 9 : i32
        %add3A_370 = arith.addi %mul3A_368, %add3A_369 : i32
        %get3A_371 = arith.index_cast %scan3A_260 : i32 to index
        %get3A_372 = arith.index_cast %add3A_370 : i32 to index
        %get3A_373 = arith.constant 0 : index
        %get3A_374 = tpu.vector_load %arg17[%get3A_371, %get3A_372, %get3A_373] {strides = array<i32>} : memref<4x128x128xf32, #tpu.memory_space<vmem>>, vector<16xf32>,
        %mul3A_375 = arith.mulf %get3A_374, %scan3A_224#0 : vector<16xf32>
        %mul3A_376 = arith.constant 16 : i32
        %mul3A_377 = arith.muli %scan3A_281, %mul3A_376 : i32
        %add3A_378 = arith.constant 10 : i32
        %add3A_379 = arith.addi %mul3A_377, %add3A_378 : i32
        %get3A_380 = arith.index_cast %scan3A_260 : i32 to index
        %get3A_381 = arith.index_cast %add3A_379 : i32 to index
        %get3A_382 = arith.constant 0 : index
        %get3A_383 = tpu.vector_load %arg17[%get3A_380, %get3A_381, %get3A_382] {strides = array<i32>} : memref<4x128x128xf32, #tpu.memory_space<vmem>>, vector<16xf32>,
        %mul3A_384 = arith.mulf %get3A_383, %scan3A_224#0 : vector<16xf32>
        %mul3A_385 = arith.constant 16 : i32
        %mul3A_386 = arith.muli %scan3A_281, %mul3A_385 : i32
        %add3A_387 = arith.constant 11 : i32
        %add3A_388 = arith.addi %mul3A_386, %add3A_387 : i32
        %get3A_389 = arith.index_cast %scan3A_260 : i32 to index
        %get3A_390 = arith.index_cast %add3A_388 : i32 to index
        %get3A_391 = arith.constant 0 : index
        %get3A_392 = tpu.vector_load %arg17[%get3A_389, %get3A_390, %get3A_391] {strides = array<i32>} : memref<4x128x128xf32, #tpu.memory_space<vmem>>, vector<16xf32>,
        %mul3A_393 = arith.mulf %get3A_392, %scan3A_224#0 : vector<16xf32>
        %mul3A_394 = arith.constant 16 : i32
        %mul3A_395 = arith.muli %scan3A_281, %mul3A_394 : i32
        %add3A_396 = arith.constant 12 : i32
        %add3A_397 = arith.addi %mul3A_395, %add3A_396 : i32
        %get3A_398 = arith.index_cast %scan3A_260 : i32 to index
        %get3A_399 = arith.index_cast %add3A_397 : i32 to index
        %get3A_400 = arith.constant 0 : index
        %get3A_401 = tpu.vector_load %arg17[%get3A_398, %get3A_399, %get3A_400] {strides = array<i32>} : memref<4x128x128xf32, #tpu.memory_space<vmem>>, vector<16xf32>,
        %mul3A_402 = arith.mulf %get3A_401, %scan3A_224#0 : vector<16xf32>
        %mul3A_403 = arith.constant 16 : i32
        %mul3A_404 = arith.muli %scan3A_281, %mul3A_403 : i32
        %add3A_405 = arith.constant 13 : i32
        %add3A_406 = arith.addi %mul3A_404, %add3A_405 : i32
        %get3A_407 = arith.index_cast %scan3A_260 : i32 to index
        %get3A_408 = arith.index_cast %add3A_406 : i32 to index
        %get3A_409 = arith.constant 0 : index
        %get3A_410 = tpu.vector_load %arg17[%get3A_407, %get3A_408, %get3A_409] {strides = array<i32>} : memref<4x128x128xf32, #tpu.memory_space<vmem>>, vector<16xf32>,
        %mul3A_411 = arith.mulf %get3A_410, %scan3A_224#0 : vector<16xf32>
        %mul3A_412 = arith.constant 16 : i32
        %mul3A_413 = arith.muli %scan3A_281, %mul3A_412 : i32
        %add3A_414 = arith.constant 14 : i32
        %add3A_415 = arith.addi %mul3A_413, %add3A_414 : i32
        %get3A_416 = arith.index_cast %scan3A_260 : i32 to index
        %get3A_417 = arith.index_cast %add3A_415 : i32 to index
        %get3A_418 = arith.constant 0 : index
        %get3A_419 = tpu.vector_load %arg17[%get3A_416, %get3A_417, %get3A_418] {strides = array<i32>} : memref<4x128x128xf32, #tpu.memory_space<vmem>>, vector<16xf32>,
        %mul3A_420 = arith.mulf %get3A_419, %scan3A_224#0 : vector<16xf32>
        %mul3A_421 = arith.constant 16 : i32
        %mul3A_422 = arith.muli %scan3A_281, %mul3A_421 : i32
        %add3A_423 = arith.constant 15 : i32
        %add3A_424 = arith.addi %mul3A_422, %add3A_423 : i32
        %get3A_425 = arith.index_cast %scan3A_260 : i32 to index
        %get3A_426 = arith.index_cast %add3A_424 : i32 to index
        %get3A_427 = arith.constant 0 : index
        %get3A_428 = tpu.vector_load %arg17[%get3A_425, %get3A_426, %get3A_427] {strides = array<i32>} : memref<4x128x128xf32, #tpu.memory_space<vmem>>, vector<16xf32>,
        %mul3A_429 = arith.mulf %get3A_428, %scan3A_224#0 : vector<16xf32>
        %mul3A_430 = arith.constant 16 : i32
        %mul3A_431 = arith.muli %scan3A_281, %mul3A_430 : i32
        %add3A_432 = arith.constant 0 : i32
        %add3A_433 = arith.addi %mul3A_431, %add3A_432 : i32
        %get3A_434 = arith.index_cast %scan3A_260 : i32 to index
        %get3A_435 = arith.index_cast %add3A_433 : i32 to index
        %get3A_436 = arith.constant 16 : index
        %get3A_437 = tpu.vector_load %arg17[%get3A_434, %get3A_435, %get3A_436] {strides = array<i32>} : memref<4x128x128xf32, #tpu.memory_space<vmem>>, vector<16xf32>,
        %mul3A_438 = arith.mulf %get3A_437, %scan3A_224#1 : vector<16xf32>
        %add3A_439 = arith.addf %mul3A_294, %mul3A_438 : vector<16xf32>
        %mul3A_440 = arith.constant 16 : i32
        %mul3A_441 = arith.muli %scan3A_281, %mul3A_440 : i32
        %add3A_442 = arith.constant 1 : i32
        %add3A_443 = arith.addi %mul3A_441, %add3A_442 : i32
        %get3A_444 = arith.index_cast %scan3A_260 : i32 to index
        %get3A_445 = arith.index_cast %add3A_443 : i32 to index
        %get3A_446 = arith.constant 16 : index
        %get3A_447 = tpu.vector_load %arg17[%get3A_444, %get3A_445, %get3A_446] {strides = array<i32>} : memref<4x128x128xf32, #tpu.memory_space<vmem>>, vector<16xf32>,
        %mul3A_448 = arith.mulf %get3A_447, %scan3A_224#1 : vector<16xf32>
        %add3A_449 = arith.addf %mul3A_303, %mul3A_448 : vector<16xf32>
        %mul3A_450 = arith.constant 16 : i32
        %mul3A_451 = arith.muli %scan3A_281, %mul3A_450 : i32
        %add3A_452 = arith.constant 2 : i32
        %add3A_453 = arith.addi %mul3A_451, %add3A_452 : i32
        %get3A_454 = arith.index_cast %scan3A_260 : i32 to index
        %get3A_455 = arith.index_cast %add3A_453 : i32 to index
        %get3A_456 = arith.constant 16 : index
        %get3A_457 = tpu.vector_load %arg17[%get3A_454, %get3A_455, %get3A_456] {strides = array<i32>} : memref<4x128x128xf32, #tpu.memory_space<vmem>>, vector<16xf32>,
        %mul3A_458 = arith.mulf %get3A_457, %scan3A_224#1 : vector<16xf32>
        %add3A_459 = arith.addf %mul3A_312, %mul3A_458 : vector<16xf32>
        %mul3A_460 = arith.constant 16 : i32
        %mul3A_461 = arith.muli %scan3A_281, %mul3A_460 : i32
        %add3A_462 = arith.constant 3 : i32
        %add3A_463 = arith.addi %mul3A_461, %add3A_462 : i32
        %get3A_464 = arith.index_cast %scan3A_260 : i32 to index
        %get3A_465 = arith.index_cast %add3A_463 : i32 to index
        %get3A_466 = arith.constant 16 : index
        %get3A_467 = tpu.vector_load %arg17[%get3A_464, %get3A_465, %get3A_466] {strides = array<i32>} : memref<4x128x128xf32, #tpu.memory_space<vmem>>, vector<16xf32>,
        %mul3A_468 = arith.mulf %get3A_467, %scan3A_224#1 : vector<16xf32>
        %add3A_469 = arith.addf %mul3A_321, %mul3A_468 : vector<16xf32>
        %mul3A_470 = arith.constant 16 : i32
        %mul3A_471 = arith.muli %scan3A_281, %mul3A_470 : i32
        %add3A_472 = arith.constant 4 : i32
        %add3A_473 = arith.addi %mul3A_471, %add3A_472 : i32
        %get3A_474 = arith.index_cast %scan3A_260 : i32 to index
        %get3A_475 = arith.index_cast %add3A_473 : i32 to index
        %get3A_476 = arith.constant 16 : index
        %get3A_477 = tpu.vector_load %arg17[%get3A_474, %get3A_475, %get3A_476] {strides = array<i32>} : memref<4x128x128xf32, #tpu.memory_space<vmem>>, vector<16xf32>,
        %mul3A_478 = arith.mulf %get3A_477, %scan3A_224#1 : vector<16xf32>
        %add3A_479 = arith.addf %mul3A_330, %mul3A_478 : vector<16xf32>
        %mul3A_480 = arith.constant 16 : i32
        %mul3A_481 = arith.muli %scan3A_281, %mul3A_480 : i32
        %add3A_482 = arith.constant 5 : i32
        %add3A_483 = arith.addi %mul3A_481, %add3A_482 : i32
        %get3A_484 = arith.index_cast %scan3A_260 : i32 to index
        %get3A_485 = arith.index_cast %add3A_483 : i32 to index
        %get3A_486 = arith.constant 16 : index
        %get3A_487 = tpu.vector_load %arg17[%get3A_484, %get3A_485, %get3A_486] {strides = array<i32>} : memref<4x128x128xf32, #tpu.memory_space<vmem>>, vector<16xf32>,
        %mul3A_488 = arith.mulf %get3A_487, %scan3A_224#1 : vector<16xf32>
        %add3A_489 = arith.addf %mul3A_339, %mul3A_488 : vector<16xf32>
        %mul3A_490 = arith.constant 16 : i32
        %mul3A_491 = arith.muli %scan3A_281, %mul3A_490 : i32
        %add3A_492 = arith.constant 6 : i32
        %add3A_493 = arith.addi %mul3A_491, %add3A_492 : i32
        %get3A_494 = arith.index_cast %scan3A_260 : i32 to index
        %get3A_495 = arith.index_cast %add3A_493 : i32 to index
        %get3A_496 = arith.constant 16 : index
        %get3A_497 = tpu.vector_load %arg17[%get3A_494, %get3A_495, %get3A_496] {strides = array<i32>} : memref<4x128x128xf32, #tpu.memory_space<vmem>>, vector<16xf32>,
        %mul3A_498 = arith.mulf %get3A_497, %scan3A_224#1 : vector<16xf32>
        %add3A_499 = arith.addf %mul3A_348, %mul3A_498 : vector<16xf32>
        %mul3A_500 = arith.constant 16 : i32
        %mul3A_501 = arith.muli %scan3A_281, %mul3A_500 : i32
        %add3A_502 = arith.constant 7 : i32
        %add3A_503 = arith.addi %mul3A_501, %add3A_502 : i32
        %get3A_504 = arith.index_cast %scan3A_260 : i32 to index
        %get3A_505 = arith.index_cast %add3A_503 : i32 to index
        %get3A_506 = arith.constant 16 : index
        %get3A_507 = tpu.vector_load %arg17[%get3A_504, %get3A_505, %get3A_506] {strides = array<i32>} : memref<4x128x128xf32, #tpu.memory_space<vmem>>, vector<16xf32>,
        %mul3A_508 = arith.mulf %get3A_507, %scan3A_224#1 : vector<16xf32>
        %add3A_509 = arith.addf %mul3A_357, %mul3A_508 : vector<16xf32>
        %mul3A_510 = arith.constant 16 : i32
        %mul3A_511 = arith.muli %scan3A_281, %mul3A_510 : i32
        %add3A_512 = arith.constant 8 : i32
        %add3A_513 = arith.addi %mul3A_511, %add3A_512 : i32
        %get3A_514 = arith.index_cast %scan3A_260 : i32 to index
        %get3A_515 = arith.index_cast %add3A_513 : i32 to index
        %get3A_516 = arith.constant 16 : index
        %get3A_517 = tpu.vector_load %arg17[%get3A_514, %get3A_515, %get3A_516] {strides = array<i32>} : memref<4x128x128xf32, #tpu.memory_space<vmem>>, vector<16xf32>,
        %mul3A_518 = arith.mulf %get3A_517, %scan3A_224#1 : vector<16xf32>
        %add3A_519 = arith.addf %mul3A_366, %mul3A_518 : vector<16xf32>
        %mul3A_520 = arith.constant 16 : i32
        %mul3A_521 = arith.muli %scan3A_281, %mul3A_520 : i32
        %add3A_522 = arith.constant 9 : i32
        %add3A_523 = arith.addi %mul3A_521, %add3A_522 : i32
        %get3A_524 = arith.index_cast %scan3A_260 : i32 to index
        %get3A_525 = arith.index_cast %add3A_523 : i32 to index
        %get3A_526 = arith.constant 16 : index
        %get3A_527 = tpu.vector_load %arg17[%get3A_524, %get3A_525, %get3A_526] {strides = array<i32>} : memref<4x128x128xf32, #tpu.memory_space<vmem>>, vector<16xf32>,
        %mul3A_528 = arith.mulf %get3A_527, %scan3A_224#1 : vector<16xf32>
        %add3A_529 = arith.addf %mul3A_375, %mul3A_528 : vector<16xf32>
        %mul3A_530 = arith.constant 16 : i32
        %mul3A_531 = arith.muli %scan3A_281, %mul3A_530 : i32
        %add3A_532 = arith.constant 10 : i32
        %add3A_533 = arith.addi %mul3A_531, %add3A_532 : i32
        %get3A_534 = arith.index_cast %scan3A_260 : i32 to index
        %get3A_535 = arith.index_cast %add3A_533 : i32 to index
        %get3A_536 = arith.constant 16 : index
        %get3A_537 = tpu.vector_load %arg17[%get3A_534, %get3A_535, %get3A_536] {strides = array<i32>} : memref<4x128x128xf32, #tpu.memory_space<vmem>>, vector<16xf32>,
        %mul3A_538 = arith.mulf %get3A_537, %scan3A_224#1 : vector<16xf32>
        %add3A_539 = arith.addf %mul3A_384, %mul3A_538 : vector<16xf32>
        %mul3A_540 = arith.constant 16 : i32
        %mul3A_541 = arith.muli %scan3A_281, %mul3A_540 : i32
        %add3A_542 = arith.constant 11 : i32
        %add3A_543 = arith.addi %mul3A_541, %add3A_542 : i32
        %get3A_544 = arith.index_cast %scan3A_260 : i32 to index
        %get3A_545 = arith.index_cast %add3A_543 : i32 to index
        %get3A_546 = arith.constant 16 : index
        %get3A_547 = tpu.vector_load %arg17[%get3A_544, %get3A_545, %get3A_546] {strides = array<i32>} : memref<4x128x128xf32, #tpu.memory_space<vmem>>, vector<16xf32>,
        %mul3A_548 = arith.mulf %get3A_547, %scan3A_224#1 : vector<16xf32>
        %add3A_549 = arith.addf %mul3A_393, %mul3A_548 : vector<16xf32>
        %mul3A_550 = arith.constant 16 : i32
        %mul3A_551 = arith.muli %scan3A_281, %mul3A_550 : i32
        %add3A_552 = arith.constant 12 : i32
        %add3A_553 = arith.addi %mul3A_551, %add3A_552 : i32
        %get3A_554 = arith.index_cast %scan3A_260 : i32 to index
        %get3A_555 = arith.index_cast %add3A_553 : i32 to index
        %get3A_556 = arith.constant 16 : index
        %get3A_557 = tpu.vector_load %arg17[%get3A_554, %get3A_555, %get3A_556] {strides = array<i32>} : memref<4x128x128xf32, #tpu.memory_space<vmem>>, vector<16xf32>,
        %mul3A_558 = arith.mulf %get3A_557, %scan3A_224#1 : vector<16xf32>
        %add3A_559 = arith.addf %mul3A_402, %mul3A_558 : vector<16xf32>
        %mul3A_560 = arith.constant 16 : i32
        %mul3A_561 = arith.muli %scan3A_281, %mul3A_560 : i32
        %add3A_562 = arith.constant 13 : i32
        %add3A_563 = arith.addi %mul3A_561, %add3A_562 : i32
        %get3A_564 = arith.index_cast %scan3A_260 : i32 to index
        %get3A_565 = arith.index_cast %add3A_563 : i32 to index
        %get3A_566 = arith.constant 16 : index
        %get3A_567 = tpu.vector_load %arg17[%get3A_564, %get3A_565, %get3A_566] {strides = array<i32>} : memref<4x128x128xf32, #tpu.memory_space<vmem>>, vector<16xf32>,
        %mul3A_568 = arith.mulf %get3A_567, %scan3A_224#1 : vector<16xf32>
        %add3A_569 = arith.addf %mul3A_411, %mul3A_568 : vector<16xf32>
        %mul3A_570 = arith.constant 16 : i32
        %mul3A_571 = arith.muli %scan3A_281, %mul3A_570 : i32
        %add3A_572 = arith.constant 14 : i32
        %add3A_573 = arith.addi %mul3A_571, %add3A_572 : i32
        %get3A_574 = arith.index_cast %scan3A_260 : i32 to index
        %get3A_575 = arith.index_cast %add3A_573 : i32 to index
        %get3A_576 = arith.constant 16 : index
        %get3A_577 = tpu.vector_load %arg17[%get3A_574, %get3A_575, %get3A_576] {strides = array<i32>} : memref<4x128x128xf32, #tpu.memory_space<vmem>>, vector<16xf32>,
        %mul3A_578 = arith.mulf %get3A_577, %scan3A_224#1 : vector<16xf32>
        %add3A_579 = arith.addf %mul3A_420, %mul3A_578 : vector<16xf32>
        %mul3A_580 = arith.constant 16 : i32
        %mul3A_581 = arith.muli %scan3A_281, %mul3A_580 : i32
        %add3A_582 = arith.constant 15 : i32
        %add3A_583 = arith.addi %mul3A_581, %add3A_582 : i32
        %get3A_584 = arith.index_cast %scan3A_260 : i32 to index
        %get3A_585 = arith.index_cast %add3A_583 : i32 to index
        %get3A_586 = arith.constant 16 : index
        %get3A_587 = tpu.vector_load %arg17[%get3A_584, %get3A_585, %get3A_586] {strides = array<i32>} : memref<4x128x128xf32, #tpu.memory_space<vmem>>, vector<16xf32>,
        %mul3A_588 = arith.mulf %get3A_587, %scan3A_224#1 : vector<16xf32>
        %add3A_589 = arith.addf %mul3A_429, %mul3A_588 : vector<16xf32>
        %mul3A_590 = arith.constant 16 : i32
        %mul3A_591 = arith.muli %scan3A_281, %mul3A_590 : i32
        %add3A_592 = arith.constant 0 : i32
        %add3A_593 = arith.addi %mul3A_591, %add3A_592 : i32
        %get3A_594 = arith.index_cast %scan3A_260 : i32 to index
        %get3A_595 = arith.index_cast %add3A_593 : i32 to index
        %get3A_596 = arith.constant 32 : index
        %get3A_597 = tpu.vector_load %arg17[%get3A_594, %get3A_595, %get3A_596] {strides = array<i32>} : memref<4x128x128xf32, #tpu.memory_space<vmem>>, vector<16xf32>,
        %mul3A_598 = arith.mulf %get3A_597, %scan3A_224#2 : vector<16xf32>
        %add3A_599 = arith.addf %add3A_439, %mul3A_598 : vector<16xf32>
        %mul3A_600 = arith.constant 16 : i32
        %mul3A_601 = arith.muli %scan3A_281, %mul3A_600 : i32
        %add3A_602 = arith.constant 1 : i32
        %add3A_603 = arith.addi %mul3A_601, %add3A_602 : i32
        %get3A_604 = arith.index_cast %scan3A_260 : i32 to index
        %get3A_605 = arith.index_cast %add3A_603 : i32 to index
        %get3A_606 = arith.constant 32 : index
        %get3A_607 = tpu.vector_load %arg17[%get3A_604, %get3A_605, %get3A_606] {strides = array<i32>} : memref<4x128x128xf32, #tpu.memory_space<vmem>>, vector<16xf32>,
        %mul3A_608 = arith.mulf %get3A_607, %scan3A_224#2 : vector<16xf32>
        %add3A_609 = arith.addf %add3A_449, %mul3A_608 : vector<16xf32>
        %mul3A_610 = arith.constant 16 : i32
        %mul3A_611 = arith.muli %scan3A_281, %mul3A_610 : i32
        %add3A_612 = arith.constant 2 : i32
        %add3A_613 = arith.addi %mul3A_611, %add3A_612 : i32
        %get3A_614 = arith.index_cast %scan3A_260 : i32 to index
        %get3A_615 = arith.index_cast %add3A_613 : i32 to index
        %get3A_616 = arith.constant 32 : index
        %get3A_617 = tpu.vector_load %arg17[%get3A_614, %get3A_615, %get3A_616] {strides = array<i32>} : memref<4x128x128xf32, #tpu.memory_space<vmem>>, vector<16xf32>,
        %mul3A_618 = arith.mulf %get3A_617, %scan3A_224#2 : vector<16xf32>
        %add3A_619 = arith.addf %add3A_459, %mul3A_618 : vector<16xf32>
        %mul3A_620 = arith.constant 16 : i32
        %mul3A_621 = arith.muli %scan3A_281, %mul3A_620 : i32
        %add3A_622 = arith.constant 3 : i32
        %add3A_623 = arith.addi %mul3A_621, %add3A_622 : i32
        %get3A_624 = arith.index_cast %scan3A_260 : i32 to index
        %get3A_625 = arith.index_cast %add3A_623 : i32 to index
        %get3A_626 = arith.constant 32 : index
        %get3A_627 = tpu.vector_load %arg17[%get3A_624, %get3A_625, %get3A_626] {strides = array<i32>} : memref<4x128x128xf32, #tpu.memory_space<vmem>>, vector<16xf32>,
        %mul3A_628 = arith.mulf %get3A_627, %scan3A_224#2 : vector<16xf32>
        %add3A_629 = arith.addf %add3A_469, %mul3A_628 : vector<16xf32>
        %mul3A_630 = arith.constant 16 : i32
        %mul3A_631 = arith.muli %scan3A_281, %mul3A_630 : i32
        %add3A_632 = arith.constant 4 : i32
        %add3A_633 = arith.addi %mul3A_631, %add3A_632 : i32
        %get3A_634 = arith.index_cast %scan3A_260 : i32 to index
        %get3A_635 = arith.index_cast %add3A_633 : i32 to index
        %get3A_636 = arith.constant 32 : index
        %get3A_637 = tpu.vector_load %arg17[%get3A_634, %get3A_635, %get3A_636] {strides = array<i32>} : memref<4x128x128xf32, #tpu.memory_space<vmem>>, vector<16xf32>,
        %mul3A_638 = arith.mulf %get3A_637, %scan3A_224#2 : vector<16xf32>
        %add3A_639 = arith.addf %add3A_479, %mul3A_638 : vector<16xf32>
        %mul3A_640 = arith.constant 16 : i32
        %mul3A_641 = arith.muli %scan3A_281, %mul3A_640 : i32
        %add3A_642 = arith.constant 5 : i32
        %add3A_643 = arith.addi %mul3A_641, %add3A_642 : i32
        %get3A_644 = arith.index_cast %scan3A_260 : i32 to index
        %get3A_645 = arith.index_cast %add3A_643 : i32 to index
        %get3A_646 = arith.constant 32 : index
        %get3A_647 = tpu.vector_load %arg17[%get3A_644, %get3A_645, %get3A_646] {strides = array<i32>} : memref<4x128x128xf32, #tpu.memory_space<vmem>>, vector<16xf32>,
        %mul3A_648 = arith.mulf %get3A_647, %scan3A_224#2 : vector<16xf32>
        %add3A_649 = arith.addf %add3A_489, %mul3A_648 : vector<16xf32>
        %mul3A_650 = arith.constant 16 : i32
        %mul3A_651 = arith.muli %scan3A_281, %mul3A_650 : i32
        %add3A_652 = arith.constant 6 : i32
        %add3A_653 = arith.addi %mul3A_651, %add3A_652 : i32
        %get3A_654 = arith.index_cast %scan3A_260 : i32 to index
        %get3A_655 = arith.index_cast %add3A_653 : i32 to index
        %get3A_656 = arith.constant 32 : index
        %get3A_657 = tpu.vector_load %arg17[%get3A_654, %get3A_655, %get3A_656] {strides = array<i32>} : memref<4x128x128xf32, #tpu.memory_space<vmem>>, vector<16xf32>,
        %mul3A_658 = arith.mulf %get3A_657, %scan3A_224#2 : vector<16xf32>
        %add3A_659 = arith.addf %add3A_499, %mul3A_658 : vector<16xf32>
        %mul3A_660 = arith.constant 16 : i32
        %mul3A_661 = arith.muli %scan3A_281, %mul3A_660 : i32
        %add3A_662 = arith.constant 7 : i32
        %add3A_663 = arith.addi %mul3A_661, %add3A_662 : i32
        %get3A_664 = arith.index_cast %scan3A_260 : i32 to index
        %get3A_665 = arith.index_cast %add3A_663 : i32 to index
        %get3A_666 = arith.constant 32 : index
        %get3A_667 = tpu.vector_load %arg17[%get3A_664, %get3A_665, %get3A_666] {strides = array<i32>} : memref<4x128x128xf32, #tpu.memory_space<vmem>>, vector<16xf32>,
        %mul3A_668 = arith.mulf %get3A_667, %scan3A_224#2 : vector<16xf32>
        %add3A_669 = arith.addf %add3A_509, %mul3A_668 : vector<16xf32>
        %mul3A_670 = arith.constant 16 : i32
        %mul3A_671 = arith.muli %scan3A_281, %mul3A_670 : i32
        %add3A_672 = arith.constant 8 : i32
        %add3A_673 = arith.addi %mul3A_671, %add3A_672 : i32
        %get3A_674 = arith.index_cast %scan3A_260 : i32 to index
        %get3A_675 = arith.index_cast %add3A_673 : i32 to index
        %get3A_676 = arith.constant 32 : index
        %get3A_677 = tpu.vector_load %arg17[%get3A_674, %get3A_675, %get3A_676] {strides = array<i32>} : memref<4x128x128xf32, #tpu.memory_space<vmem>>, vector<16xf32>,
        %mul3A_678 = arith.mulf %get3A_677, %scan3A_224#2 : vector<16xf32>
        %add3A_679 = arith.addf %add3A_519, %mul3A_678 : vector<16xf32>
        %mul3A_680 = arith.constant 16 : i32
        %mul3A_681 = arith.muli %scan3A_281, %mul3A_680 : i32
        %add3A_682 = arith.constant 9 : i32
        %add3A_683 = arith.addi %mul3A_681, %add3A_682 : i32
        %get3A_684 = arith.index_cast %scan3A_260 : i32 to index
        %get3A_685 = arith.index_cast %add3A_683 : i32 to index
        %get3A_686 = arith.constant 32 : index
        %get3A_687 = tpu.vector_load %arg17[%get3A_684, %get3A_685, %get3A_686] {strides = array<i32>} : memref<4x128x128xf32, #tpu.memory_space<vmem>>, vector<16xf32>,
        %mul3A_688 = arith.mulf %get3A_687, %scan3A_224#2 : vector<16xf32>
        %add3A_689 = arith.addf %add3A_529, %mul3A_688 : vector<16xf32>
        %mul3A_690 = arith.constant 16 : i32
        %mul3A_691 = arith.muli %scan3A_281, %mul3A_690 : i32
        %add3A_692 = arith.constant 10 : i32
        %add3A_693 = arith.addi %mul3A_691, %add3A_692 : i32
        %get3A_694 = arith.index_cast %scan3A_260 : i32 to index
        %get3A_695 = arith.index_cast %add3A_693 : i32 to index
        %get3A_696 = arith.constant 32 : index
        %get3A_697 = tpu.vector_load %arg17[%get3A_694, %get3A_695, %get3A_696] {strides = array<i32>} : memref<4x128x128xf32, #tpu.memory_space<vmem>>, vector<16xf32>,
        %mul3A_698 = arith.mulf %get3A_697, %scan3A_224#2 : vector<16xf32>
        %add3A_699 = arith.addf %add3A_539, %mul3A_698 : vector<16xf32>
        %mul3A_700 = arith.constant 16 : i32
        %mul3A_701 = arith.muli %scan3A_281, %mul3A_700 : i32
        %add3A_702 = arith.constant 11 : i32
        %add3A_703 = arith.addi %mul3A_701, %add3A_702 : i32
        %get3A_704 = arith.index_cast %scan3A_260 : i32 to index
        %get3A_705 = arith.index_cast %add3A_703 : i32 to index
        %get3A_706 = arith.constant 32 : index
        %get3A_707 = tpu.vector_load %arg17[%get3A_704, %get3A_705, %get3A_706] {strides = array<i32>} : memref<4x128x128xf32, #tpu.memory_space<vmem>>, vector<16xf32>,
        %mul3A_708 = arith.mulf %get3A_707, %scan3A_224#2 : vector<16xf32>
        %add3A_709 = arith.addf %add3A_549, %mul3A_708 : vector<16xf32>
        %mul3A_710 = arith.constant 16 : i32
        %mul3A_711 = arith.muli %scan3A_281, %mul3A_710 : i32
        %add3A_712 = arith.constant 12 : i32
        %add3A_713 = arith.addi %mul3A_711, %add3A_712 : i32
        %get3A_714 = arith.index_cast %scan3A_260 : i32 to index
        %get3A_715 = arith.index_cast %add3A_713 : i32 to index
        %get3A_716 = arith.constant 32 : index
        %get3A_717 = tpu.vector_load %arg17[%get3A_714, %get3A_715, %get3A_716] {strides = array<i32>} : memref<4x128x128xf32, #tpu.memory_space<vmem>>, vector<16xf32>,
        %mul3A_718 = arith.mulf %get3A_717, %scan3A_224#2 : vector<16xf32>
        %add3A_719 = arith.addf %add3A_559, %mul3A_718 : vector<16xf32>
        %mul3A_720 = arith.constant 16 : i32
        %mul3A_721 = arith.muli %scan3A_281, %mul3A_720 : i32
        %add3A_722 = arith.constant 13 : i32
        %add3A_723 = arith.addi %mul3A_721, %add3A_722 : i32
        %get3A_724 = arith.index_cast %scan3A_260 : i32 to index
        %get3A_725 = arith.index_cast %add3A_723 : i32 to index
        %get3A_726 = arith.constant 32 : index
        %get3A_727 = tpu.vector_load %arg17[%get3A_724, %get3A_725, %get3A_726] {strides = array<i32>} : memref<4x128x128xf32, #tpu.memory_space<vmem>>, vector<16xf32>,
        %mul3A_728 = arith.mulf %get3A_727, %scan3A_224#2 : vector<16xf32>
        %add3A_729 = arith.addf %add3A_569, %mul3A_728 : vector<16xf32>
        %mul3A_730 = arith.constant 16 : i32
        %mul3A_731 = arith.muli %scan3A_281, %mul3A_730 : i32
        %add3A_732 = arith.constant 14 : i32
        %add3A_733 = arith.addi %mul3A_731, %add3A_732 : i32
        %get3A_734 = arith.index_cast %scan3A_260 : i32 to index
        %get3A_735 = arith.index_cast %add3A_733 : i32 to index
        %get3A_736 = arith.constant 32 : index
        %get3A_737 = tpu.vector_load %arg17[%get3A_734, %get3A_735, %get3A_736] {strides = array<i32>} : memref<4x128x128xf32, #tpu.memory_space<vmem>>, vector<16xf32>,
        %mul3A_738 = arith.mulf %get3A_737, %scan3A_224#2 : vector<16xf32>
        %add3A_739 = arith.addf %add3A_579, %mul3A_738 : vector<16xf32>
        %mul3A_740 = arith.constant 16 : i32
        %mul3A_741 = arith.muli %scan3A_281, %mul3A_740 : i32
        %add3A_742 = arith.constant 15 : i32
        %add3A_743 = arith.addi %mul3A_741, %add3A_742 : i32
        %get3A_744 = arith.index_cast %scan3A_260 : i32 to index
        %get3A_745 = arith.index_cast %add3A_743 : i32 to index
        %get3A_746 = arith.constant 32 : index
        %get3A_747 = tpu.vector_load %arg17[%get3A_744, %get3A_745, %get3A_746] {strides = array<i32>} : memref<4x128x128xf32, #tpu.memory_space<vmem>>, vector<16xf32>,
        %mul3A_748 = arith.mulf %get3A_747, %scan3A_224#2 : vector<16xf32>
        %add3A_749 = arith.addf %add3A_589, %mul3A_748 : vector<16xf32>
        %mul3A_750 = arith.constant 16 : i32
        %mul3A_751 = arith.muli %scan3A_281, %mul3A_750 : i32
        %add3A_752 = arith.constant 0 : i32
        %add3A_753 = arith.addi %mul3A_751, %add3A_752 : i32
        %get3A_754 = arith.index_cast %scan3A_260 : i32 to index
        %get3A_755 = arith.index_cast %add3A_753 : i32 to index
        %get3A_756 = arith.constant 48 : index
        %get3A_757 = tpu.vector_load %arg17[%get3A_754, %get3A_755, %get3A_756] {strides = array<i32>} : memref<4x128x128xf32, #tpu.memory_space<vmem>>, vector<16xf32>,
        %mul3A_758 = arith.mulf %get3A_757, %scan3A_224#3 : vector<16xf32>
        %add3A_759 = arith.addf %add3A_599, %mul3A_758 : vector<16xf32>
        %mul3A_760 = arith.constant 16 : i32
        %mul3A_761 = arith.muli %scan3A_281, %mul3A_760 : i32
        %add3A_762 = arith.constant 1 : i32
        %add3A_763 = arith.addi %mul3A_761, %add3A_762 : i32
        %get3A_764 = arith.index_cast %scan3A_260 : i32 to index
        %get3A_765 = arith.index_cast %add3A_763 : i32 to index
        %get3A_766 = arith.constant 48 : index
        %get3A_767 = tpu.vector_load %arg17[%get3A_764, %get3A_765, %get3A_766] {strides = array<i32>} : memref<4x128x128xf32, #tpu.memory_space<vmem>>, vector<16xf32>,
        %mul3A_768 = arith.mulf %get3A_767, %scan3A_224#3 : vector<16xf32>
        %add3A_769 = arith.addf %add3A_609, %mul3A_768 : vector<16xf32>
        %mul3A_770 = arith.constant 16 : i32
        %mul3A_771 = arith.muli %scan3A_281, %mul3A_770 : i32
        %add3A_772 = arith.constant 2 : i32
        %add3A_773 = arith.addi %mul3A_771, %add3A_772 : i32
        %get3A_774 = arith.index_cast %scan3A_260 : i32 to index
        %get3A_775 = arith.index_cast %add3A_773 : i32 to index
        %get3A_776 = arith.constant 48 : index
        %get3A_777 = tpu.vector_load %arg17[%get3A_774, %get3A_775, %get3A_776] {strides = array<i32>} : memref<4x128x128xf32, #tpu.memory_space<vmem>>, vector<16xf32>,
        %mul3A_778 = arith.mulf %get3A_777, %scan3A_224#3 : vector<16xf32>
        %add3A_779 = arith.addf %add3A_619, %mul3A_778 : vector<16xf32>
        %mul3A_780 = arith.constant 16 : i32
        %mul3A_781 = arith.muli %scan3A_281, %mul3A_780 : i32
        %add3A_782 = arith.constant 3 : i32
        %add3A_783 = arith.addi %mul3A_781, %add3A_782 : i32
        %get3A_784 = arith.index_cast %scan3A_260 : i32 to index
        %get3A_785 = arith.index_cast %add3A_783 : i32 to index
        %get3A_786 = arith.constant 48 : index
        %get3A_787 = tpu.vector_load %arg17[%get3A_784, %get3A_785, %get3A_786] {strides = array<i32>} : memref<4x128x128xf32, #tpu.memory_space<vmem>>, vector<16xf32>,
        %mul3A_788 = arith.mulf %get3A_787, %scan3A_224#3 : vector<16xf32>
        %add3A_789 = arith.addf %add3A_629, %mul3A_788 : vector<16xf32>
        %mul3A_790 = arith.constant 16 : i32
        %mul3A_791 = arith.muli %scan3A_281, %mul3A_790 : i32
        %add3A_792 = arith.constant 4 : i32
        %add3A_793 = arith.addi %mul3A_791, %add3A_792 : i32
        %get3A_794 = arith.index_cast %scan3A_260 : i32 to index
        %get3A_795 = arith.index_cast %add3A_793 : i32 to index
        %get3A_796 = arith.constant 48 : index
        %get3A_797 = tpu.vector_load %arg17[%get3A_794, %get3A_795, %get3A_796] {strides = array<i32>} : memref<4x128x128xf32, #tpu.memory_space<vmem>>, vector<16xf32>,
        %mul3A_798 = arith.mulf %get3A_797, %scan3A_224#3 : vector<16xf32>
        %add3A_799 = arith.addf %add3A_639, %mul3A_798 : vector<16xf32>
        %mul3A_800 = arith.constant 16 : i32
        %mul3A_801 = arith.muli %scan3A_281, %mul3A_800 : i32
        %add3A_802 = arith.constant 5 : i32
        %add3A_803 = arith.addi %mul3A_801, %add3A_802 : i32
        %get3A_804 = arith.index_cast %scan3A_260 : i32 to index
        %get3A_805 = arith.index_cast %add3A_803 : i32 to index
        %get3A_806 = arith.constant 48 : index
        %get3A_807 = tpu.vector_load %arg17[%get3A_804, %get3A_805, %get3A_806] {strides = array<i32>} : memref<4x128x128xf32, #tpu.memory_space<vmem>>, vector<16xf32>,
        %mul3A_808 = arith.mulf %get3A_807, %scan3A_224#3 : vector<16xf32>
        %add3A_809 = arith.addf %add3A_649, %mul3A_808 : vector<16xf32>
        %mul3A_810 = arith.constant 16 : i32
        %mul3A_811 = arith.muli %scan3A_281, %mul3A_810 : i32
        %add3A_812 = arith.constant 6 : i32
        %add3A_813 = arith.addi %mul3A_811, %add3A_812 : i32
        %get3A_814 = arith.index_cast %scan3A_260 : i32 to index
        %get3A_815 = arith.index_cast %add3A_813 : i32 to index
        %get3A_816 = arith.constant 48 : index
        %get3A_817 = tpu.vector_load %arg17[%get3A_814, %get3A_815, %get3A_816] {strides = array<i32>} : memref<4x128x128xf32, #tpu.memory_space<vmem>>, vector<16xf32>,
        %mul3A_818 = arith.mulf %get3A_817, %scan3A_224#3 : vector<16xf32>
        %add3A_819 = arith.addf %add3A_659, %mul3A_818 : vector<16xf32>
        %mul3A_820 = arith.constant 16 : i32
        %mul3A_821 = arith.muli %scan3A_281, %mul3A_820 : i32
        %add3A_822 = arith.constant 7 : i32
        %add3A_823 = arith.addi %mul3A_821, %add3A_822 : i32
        %get3A_824 = arith.index_cast %scan3A_260 : i32 to index
        %get3A_825 = arith.index_cast %add3A_823 : i32 to index
        %get3A_826 = arith.constant 48 : index
        %get3A_827 = tpu.vector_load %arg17[%get3A_824, %get3A_825, %get3A_826] {strides = array<i32>} : memref<4x128x128xf32, #tpu.memory_space<vmem>>, vector<16xf32>,
        %mul3A_828 = arith.mulf %get3A_827, %scan3A_224#3 : vector<16xf32>
        %add3A_829 = arith.addf %add3A_669, %mul3A_828 : vector<16xf32>
        %mul3A_830 = arith.constant 16 : i32
        %mul3A_831 = arith.muli %scan3A_281, %mul3A_830 : i32
        %add3A_832 = arith.constant 8 : i32
        %add3A_833 = arith.addi %mul3A_831, %add3A_832 : i32
        %get3A_834 = arith.index_cast %scan3A_260 : i32 to index
        %get3A_835 = arith.index_cast %add3A_833 : i32 to index
        %get3A_836 = arith.constant 48 : index
        %get3A_837 = tpu.vector_load %arg17[%get3A_834, %get3A_835, %get3A_836] {strides = array<i32>} : memref<4x128x128xf32, #tpu.memory_space<vmem>>, vector<16xf32>,
        %mul3A_838 = arith.mulf %get3A_837, %scan3A_224#3 : vector<16xf32>
        %add3A_839 = arith.addf %add3A_679, %mul3A_838 : vector<16xf32>
        %mul3A_840 = arith.constant 16 : i32
        %mul3A_841 = arith.muli %scan3A_281, %mul3A_840 : i32
        %add3A_842 = arith.constant 9 : i32
        %add3A_843 = arith.addi %mul3A_841, %add3A_842 : i32
        %get3A_844 = arith.index_cast %scan3A_260 : i32 to index
        %get3A_845 = arith.index_cast %add3A_843 : i32 to index
        %get3A_846 = arith.constant 48 : index
        %get3A_847 = tpu.vector_load %arg17[%get3A_844, %get3A_845, %get3A_846] {strides = array<i32>} : memref<4x128x128xf32, #tpu.memory_space<vmem>>, vector<16xf32>,
        %mul3A_848 = arith.mulf %get3A_847, %scan3A_224#3 : vector<16xf32>
        %add3A_849 = arith.addf %add3A_689, %mul3A_848 : vector<16xf32>
        %mul3A_850 = arith.constant 16 : i32
        %mul3A_851 = arith.muli %scan3A_281, %mul3A_850 : i32
        %add3A_852 = arith.constant 10 : i32
        %add3A_853 = arith.addi %mul3A_851, %add3A_852 : i32
        %get3A_854 = arith.index_cast %scan3A_260 : i32 to index
        %get3A_855 = arith.index_cast %add3A_853 : i32 to index
        %get3A_856 = arith.constant 48 : index
        %get3A_857 = tpu.vector_load %arg17[%get3A_854, %get3A_855, %get3A_856] {strides = array<i32>} : memref<4x128x128xf32, #tpu.memory_space<vmem>>, vector<16xf32>,
        %mul3A_858 = arith.mulf %get3A_857, %scan3A_224#3 : vector<16xf32>
        %add3A_859 = arith.addf %add3A_699, %mul3A_858 : vector<16xf32>
        %mul3A_860 = arith.constant 16 : i32
        %mul3A_861 = arith.muli %scan3A_281, %mul3A_860 : i32
        %add3A_862 = arith.constant 11 : i32
        %add3A_863 = arith.addi %mul3A_861, %add3A_862 : i32
        %get3A_864 = arith.index_cast %scan3A_260 : i32 to index
        %get3A_865 = arith.index_cast %add3A_863 : i32 to index
        %get3A_866 = arith.constant 48 : index
        %get3A_867 = tpu.vector_load %arg17[%get3A_864, %get3A_865, %get3A_866] {strides = array<i32>} : memref<4x128x128xf32, #tpu.memory_space<vmem>>, vector<16xf32>,
        %mul3A_868 = arith.mulf %get3A_867, %scan3A_224#3 : vector<16xf32>
        %add3A_869 = arith.addf %add3A_709, %mul3A_868 : vector<16xf32>
        %mul3A_870 = arith.constant 16 : i32
        %mul3A_871 = arith.muli %scan3A_281, %mul3A_870 : i32
        %add3A_872 = arith.constant 12 : i32
        %add3A_873 = arith.addi %mul3A_871, %add3A_872 : i32
        %get3A_874 = arith.index_cast %scan3A_260 : i32 to index
        %get3A_875 = arith.index_cast %add3A_873 : i32 to index
        %get3A_876 = arith.constant 48 : index
        %get3A_877 = tpu.vector_load %arg17[%get3A_874, %get3A_875, %get3A_876] {strides = array<i32>} : memref<4x128x128xf32, #tpu.memory_space<vmem>>, vector<16xf32>,
        %mul3A_878 = arith.mulf %get3A_877, %scan3A_224#3 : vector<16xf32>
        %add3A_879 = arith.addf %add3A_719, %mul3A_878 : vector<16xf32>
        %mul3A_880 = arith.constant 16 : i32
        %mul3A_881 = arith.muli %scan3A_281, %mul3A_880 : i32
        %add3A_882 = arith.constant 13 : i32
        %add3A_883 = arith.addi %mul3A_881, %add3A_882 : i32
        %get3A_884 = arith.index_cast %scan3A_260 : i32 to index
        %get3A_885 = arith.index_cast %add3A_883 : i32 to index
        %get3A_886 = arith.constant 48 : index
        %get3A_887 = tpu.vector_load %arg17[%get3A_884, %get3A_885, %get3A_886] {strides = array<i32>} : memref<4x128x128xf32, #tpu.memory_space<vmem>>, vector<16xf32>,
        %mul3A_888 = arith.mulf %get3A_887, %scan3A_224#3 : vector<16xf32>
        %add3A_889 = arith.addf %add3A_729, %mul3A_888 : vector<16xf32>
        %mul3A_890 = arith.constant 16 : i32
        %mul3A_891 = arith.muli %scan3A_281, %mul3A_890 : i32
        %add3A_892 = arith.constant 14 : i32
        %add3A_893 = arith.addi %mul3A_891, %add3A_892 : i32
        %get3A_894 = arith.index_cast %scan3A_260 : i32 to index
        %get3A_895 = arith.index_cast %add3A_893 : i32 to index
        %get3A_896 = arith.constant 48 : index
        %get3A_897 = tpu.vector_load %arg17[%get3A_894, %get3A_895, %get3A_896] {strides = array<i32>} : memref<4x128x128xf32, #tpu.memory_space<vmem>>, vector<16xf32>,
        %mul3A_898 = arith.mulf %get3A_897, %scan3A_224#3 : vector<16xf32>
        %add3A_899 = arith.addf %add3A_739, %mul3A_898 : vector<16xf32>
        %mul3A_900 = arith.constant 16 : i32
        %mul3A_901 = arith.muli %scan3A_281, %mul3A_900 : i32
        %add3A_902 = arith.constant 15 : i32
        %add3A_903 = arith.addi %mul3A_901, %add3A_902 : i32
        %get3A_904 = arith.index_cast %scan3A_260 : i32 to index
        %get3A_905 = arith.index_cast %add3A_903 : i32 to index
        %get3A_906 = arith.constant 48 : index
        %get3A_907 = tpu.vector_load %arg17[%get3A_904, %get3A_905, %get3A_906] {strides = array<i32>} : memref<4x128x128xf32, #tpu.memory_space<vmem>>, vector<16xf32>,
        %mul3A_908 = arith.mulf %get3A_907, %scan3A_224#3 : vector<16xf32>
        %add3A_909 = arith.addf %add3A_749, %mul3A_908 : vector<16xf32>
        %mul3A_910 = arith.constant 16 : i32
        %mul3A_911 = arith.muli %scan3A_281, %mul3A_910 : i32
        %add3A_912 = arith.constant 0 : i32
        %add3A_913 = arith.addi %mul3A_911, %add3A_912 : i32
        %get3A_914 = arith.index_cast %scan3A_260 : i32 to index
        %get3A_915 = arith.index_cast %add3A_913 : i32 to index
        %get3A_916 = arith.constant 64 : index
        %get3A_917 = tpu.vector_load %arg17[%get3A_914, %get3A_915, %get3A_916] {strides = array<i32>} : memref<4x128x128xf32, #tpu.memory_space<vmem>>, vector<16xf32>,
        %mul3A_918 = arith.mulf %get3A_917, %scan3A_224#4 : vector<16xf32>
        %add3A_919 = arith.addf %add3A_759, %mul3A_918 : vector<16xf32>
        %mul3A_920 = arith.constant 16 : i32
        %mul3A_921 = arith.muli %scan3A_281, %mul3A_920 : i32
        %add3A_922 = arith.constant 1 : i32
        %add3A_923 = arith.addi %mul3A_921, %add3A_922 : i32
        %get3A_924 = arith.index_cast %scan3A_260 : i32 to index
        %get3A_925 = arith.index_cast %add3A_923 : i32 to index
        %get3A_926 = arith.constant 64 : index
        %get3A_927 = tpu.vector_load %arg17[%get3A_924, %get3A_925, %get3A_926] {strides = array<i32>} : memref<4x128x128xf32, #tpu.memory_space<vmem>>, vector<16xf32>,
        %mul3A_928 = arith.mulf %get3A_927, %scan3A_224#4 : vector<16xf32>
        %add3A_929 = arith.addf %add3A_769, %mul3A_928 : vector<16xf32>
        %mul3A_930 = arith.constant 16 : i32
        %mul3A_931 = arith.muli %scan3A_281, %mul3A_930 : i32
        %add3A_932 = arith.constant 2 : i32
        %add3A_933 = arith.addi %mul3A_931, %add3A_932 : i32
        %get3A_934 = arith.index_cast %scan3A_260 : i32 to index
        %get3A_935 = arith.index_cast %add3A_933 : i32 to index
        %get3A_936 = arith.constant 64 : index
        %get3A_937 = tpu.vector_load %arg17[%get3A_934, %get3A_935, %get3A_936] {strides = array<i32>} : memref<4x128x128xf32, #tpu.memory_space<vmem>>, vector<16xf32>,
        %mul3A_938 = arith.mulf %get3A_937, %scan3A_224#4 : vector<16xf32>
        %add3A_939 = arith.addf %add3A_779, %mul3A_938 : vector<16xf32>
        %mul3A_940 = arith.constant 16 : i32
        %mul3A_941 = arith.muli %scan3A_281, %mul3A_940 : i32
        %add3A_942 = arith.constant 3 : i32
        %add3A_943 = arith.addi %mul3A_941, %add3A_942 : i32
        %get3A_944 = arith.index_cast %scan3A_260 : i32 to index
        %get3A_945 = arith.index_cast %add3A_943 : i32 to index
        %get3A_946 = arith.constant 64 : index
        %get3A_947 = tpu.vector_load %arg17[%get3A_944, %get3A_945, %get3A_946] {strides = array<i32>} : memref<4x128x128xf32, #tpu.memory_space<vmem>>, vector<16xf32>,
        %mul3A_948 = arith.mulf %get3A_947, %scan3A_224#4 : vector<16xf32>
        %add3A_949 = arith.addf %add3A_789, %mul3A_948 : vector<16xf32>
        %mul3A_950 = arith.constant 16 : i32
        %mul3A_951 = arith.muli %scan3A_281, %mul3A_950 : i32
        %add3A_952 = arith.constant 4 : i32
        %add3A_953 = arith.addi %mul3A_951, %add3A_952 : i32
        %get3A_954 = arith.index_cast %scan3A_260 : i32 to index
        %get3A_955 = arith.index_cast %add3A_953 : i32 to index
        %get3A_956 = arith.constant 64 : index
        %get3A_957 = tpu.vector_load %arg17[%get3A_954, %get3A_955, %get3A_956] {strides = array<i32>} : memref<4x128x128xf32, #tpu.memory_space<vmem>>, vector<16xf32>,
        %mul3A_958 = arith.mulf %get3A_957, %scan3A_224#4 : vector<16xf32>
        %add3A_959 = arith.addf %add3A_799, %mul3A_958 : vector<16xf32>
        %mul3A_960 = arith.constant 16 : i32
        %mul3A_961 = arith.muli %scan3A_281, %mul3A_960 : i32
        %add3A_962 = arith.constant 5 : i32
        %add3A_963 = arith.addi %mul3A_961, %add3A_962 : i32
        %get3A_964 = arith.index_cast %scan3A_260 : i32 to index
        %get3A_965 = arith.index_cast %add3A_963 : i32 to index
        %get3A_966 = arith.constant 64 : index
        %get3A_967 = tpu.vector_load %arg17[%get3A_964, %get3A_965, %get3A_966] {strides = array<i32>} : memref<4x128x128xf32, #tpu.memory_space<vmem>>, vector<16xf32>,
        %mul3A_968 = arith.mulf %get3A_967, %scan3A_224#4 : vector<16xf32>
        %add3A_969 = arith.addf %add3A_809, %mul3A_968 : vector<16xf32>
        %mul3A_970 = arith.constant 16 : i32
        %mul3A_971 = arith.muli %scan3A_281, %mul3A_970 : i32
        %add3A_972 = arith.constant 6 : i32
        %add3A_973 = arith.addi %mul3A_971, %add3A_972 : i32
        %get3A_974 = arith.index_cast %scan3A_260 : i32 to index
        %get3A_975 = arith.index_cast %add3A_973 : i32 to index
        %get3A_976 = arith.constant 64 : index
        %get3A_977 = tpu.vector_load %arg17[%get3A_974, %get3A_975, %get3A_976] {strides = array<i32>} : memref<4x128x128xf32, #tpu.memory_space<vmem>>, vector<16xf32>,
        %mul3A_978 = arith.mulf %get3A_977, %scan3A_224#4 : vector<16xf32>
        %add3A_979 = arith.addf %add3A_819, %mul3A_978 : vector<16xf32>
        %mul3A_980 = arith.constant 16 : i32
        %mul3A_981 = arith.muli %scan3A_281, %mul3A_980 : i32
        %add3A_982 = arith.constant 7 : i32
        %add3A_983 = arith.addi %mul3A_981, %add3A_982 : i32
        %get3A_984 = arith.index_cast %scan3A_260 : i32 to index
        %get3A_985 = arith.index_cast %add3A_983 : i32 to index
        %get3A_986 = arith.constant 64 : index
        %get3A_987 = tpu.vector_load %arg17[%get3A_984, %get3A_985, %get3A_986] {strides = array<i32>} : memref<4x128x128xf32, #tpu.memory_space<vmem>>, vector<16xf32>,
        %mul3A_988 = arith.mulf %get3A_987, %scan3A_224#4 : vector<16xf32>
        %add3A_989 = arith.addf %add3A_829, %mul3A_988 : vector<16xf32>
        %mul3A_990 = arith.constant 16 : i32
        %mul3A_991 = arith.muli %scan3A_281, %mul3A_990 : i32
        %add3A_992 = arith.constant 8 : i32
        %add3A_993 = arith.addi %mul3A_991, %add3A_992 : i32
        %get3A_994 = arith.index_cast %scan3A_260 : i32 to index
        %get3A_995 = arith.index_cast %add3A_993 : i32 to index
        %get3A_996 = arith.constant 64 : index
        %get3A_997 = tpu.vector_load %arg17[%get3A_994, %get3A_995, %get3A_996] {strides = array<i32>} : memref<4x128x128xf32, #tpu.memory_space<vmem>>, vector<16xf32>,
        %mul3A_998 = arith.mulf %get3A_997, %scan3A_224#4 : vector<16xf32>
        %add3A_999 = arith.addf %add3A_839, %mul3A_998 : vector<16xf32>
        %mul3A_1000 = arith.constant 16 : i32
        %mul3A_1001 = arith.muli %scan3A_281, %mul3A_1000 : i32
        %add3A_1002 = arith.constant 9 : i32
        %add3A_1003 = arith.addi %mul3A_1001, %add3A_1002 : i32
        %get3A_1004 = arith.index_cast %scan3A_260 : i32 to index
        %get3A_1005 = arith.index_cast %add3A_1003 : i32 to index
        %get3A_1006 = arith.constant 64 : index
        %get3A_1007 = tpu.vector_load %arg17[%get3A_1004, %get3A_1005, %get3A_1006] {strides = array<i32>} : memref<4x128x128xf32, #tpu.memory_space<vmem>>, vector<16xf32>,
        %mul3A_1008 = arith.mulf %get3A_1007, %scan3A_224#4 : vector<16xf32>
        %add3A_1009 = arith.addf %add3A_849, %mul3A_1008 : vector<16xf32>
        %mul3A_1010 = arith.constant 16 : i32
        %mul3A_1011 = arith.muli %scan3A_281, %mul3A_1010 : i32
        %add3A_1012 = arith.constant 10 : i32
        %add3A_1013 = arith.addi %mul3A_1011, %add3A_1012 : i32
        %get3A_1014 = arith.index_cast %scan3A_260 : i32 to index
        %get3A_1015 = arith.index_cast %add3A_1013 : i32 to index
        %get3A_1016 = arith.constant 64 : index
        %get3A_1017 = tpu.vector_load %arg17[%get3A_1014, %get3A_1015, %get3A_1016] {strides = array<i32>} : memref<4x128x128xf32, #tpu.memory_space<vmem>>, vector<16xf32>,
        %mul3A_1018 = arith.mulf %get3A_1017, %scan3A_224#4 : vector<16xf32>
        %add3A_1019 = arith.addf %add3A_859, %mul3A_1018 : vector<16xf32>
        %mul3A_1020 = arith.constant 16 : i32
        %mul3A_1021 = arith.muli %scan3A_281, %mul3A_1020 : i32
        %add3A_1022 = arith.constant 11 : i32
        %add3A_1023 = arith.addi %mul3A_1021, %add3A_1022 : i32
        %get3A_1024 = arith.index_cast %scan3A_260 : i32 to index
        %get3A_1025 = arith.index_cast %add3A_1023 : i32 to index
        %get3A_1026 = arith.constant 64 : index
        %get3A_1027 = tpu.vector_load %arg17[%get3A_1024, %get3A_1025, %get3A_1026] {strides = array<i32>} : memref<4x128x128xf32, #tpu.memory_space<vmem>>, vector<16xf32>,
        %mul3A_1028 = arith.mulf %get3A_1027, %scan3A_224#4 : vector<16xf32>
        %add3A_1029 = arith.addf %add3A_869, %mul3A_1028 : vector<16xf32>
        %mul3A_1030 = arith.constant 16 : i32
        %mul3A_1031 = arith.muli %scan3A_281, %mul3A_1030 : i32
        %add3A_1032 = arith.constant 12 : i32
        %add3A_1033 = arith.addi %mul3A_1031, %add3A_1032 : i32
        %get3A_1034 = arith.index_cast %scan3A_260 : i32 to index
        %get3A_1035 = arith.index_cast %add3A_1033 : i32 to index
        %get3A_1036 = arith.constant 64 : index
        %get3A_1037 = tpu.vector_load %arg17[%get3A_1034, %get3A_1035, %get3A_1036] {strides = array<i32>} : memref<4x128x128xf32, #tpu.memory_space<vmem>>, vector<16xf32>,
        %mul3A_1038 = arith.mulf %get3A_1037, %scan3A_224#4 : vector<16xf32>
        %add3A_1039 = arith.addf %add3A_879, %mul3A_1038 : vector<16xf32>
        %mul3A_1040 = arith.constant 16 : i32
        %mul3A_1041 = arith.muli %scan3A_281, %mul3A_1040 : i32
        %add3A_1042 = arith.constant 13 : i32
        %add3A_1043 = arith.addi %mul3A_1041, %add3A_1042 : i32
        %get3A_1044 = arith.index_cast %scan3A_260 : i32 to index
        %get3A_1045 = arith.index_cast %add3A_1043 : i32 to index
        %get3A_1046 = arith.constant 64 : index
        %get3A_1047 = tpu.vector_load %arg17[%get3A_1044, %get3A_1045, %get3A_1046] {strides = array<i32>} : memref<4x128x128xf32, #tpu.memory_space<vmem>>, vector<16xf32>,
        %mul3A_1048 = arith.mulf %get3A_1047, %scan3A_224#4 : vector<16xf32>
        %add3A_1049 = arith.addf %add3A_889, %mul3A_1048 : vector<16xf32>
        %mul3A_1050 = arith.constant 16 : i32
        %mul3A_1051 = arith.muli %scan3A_281, %mul3A_1050 : i32
        %add3A_1052 = arith.constant 14 : i32
        %add3A_1053 = arith.addi %mul3A_1051, %add3A_1052 : i32
        %get3A_1054 = arith.index_cast %scan3A_260 : i32 to index
        %get3A_1055 = arith.index_cast %add3A_1053 : i32 to index
        %get3A_1056 = arith.constant 64 : index
        %get3A_1057 = tpu.vector_load %arg17[%get3A_1054, %get3A_1055, %get3A_1056] {strides = array<i32>} : memref<4x128x128xf32, #tpu.memory_space<vmem>>, vector<16xf32>,
        %mul3A_1058 = arith.mulf %get3A_1057, %scan3A_224#4 : vector<16xf32>
        %add3A_1059 = arith.addf %add3A_899, %mul3A_1058 : vector<16xf32>
        %mul3A_1060 = arith.constant 16 : i32
        %mul3A_1061 = arith.muli %scan3A_281, %mul3A_1060 : i32
        %add3A_1062 = arith.constant 15 : i32
        %add3A_1063 = arith.addi %mul3A_1061, %add3A_1062 : i32
        %get3A_1064 = arith.index_cast %scan3A_260 : i32 to index
        %get3A_1065 = arith.index_cast %add3A_1063 : i32 to index
        %get3A_1066 = arith.constant 64 : index
        %get3A_1067 = tpu.vector_load %arg17[%get3A_1064, %get3A_1065, %get3A_1066] {strides = array<i32>} : memref<4x128x128xf32, #tpu.memory_space<vmem>>, vector<16xf32>,
        %mul3A_1068 = arith.mulf %get3A_1067, %scan3A_224#4 : vector<16xf32>
        %add3A_1069 = arith.addf %add3A_909, %mul3A_1068 : vector<16xf32>
        %mul3A_1070 = arith.constant 16 : i32
        %mul3A_1071 = arith.muli %scan3A_281, %mul3A_1070 : i32
        %add3A_1072 = arith.constant 0 : i32
        %add3A_1073 = arith.addi %mul3A_1071, %add3A_1072 : i32
        %get3A_1074 = arith.index_cast %scan3A_260 : i32 to index
        %get3A_1075 = arith.index_cast %add3A_1073 : i32 to index
        %get3A_1076 = arith.constant 80 : index
        %get3A_1077 = tpu.vector_load %arg17[%get3A_1074, %get3A_1075, %get3A_1076] {strides = array<i32>} : memref<4x128x128xf32, #tpu.memory_space<vmem>>, vector<16xf32>,
        %mul3A_1078 = arith.mulf %get3A_1077, %scan3A_224#5 : vector<16xf32>
        %add3A_1079 = arith.addf %add3A_919, %mul3A_1078 : vector<16xf32>
        %mul3A_1080 = arith.constant 16 : i32
        %mul3A_1081 = arith.muli %scan3A_281, %mul3A_1080 : i32
        %add3A_1082 = arith.constant 1 : i32
        %add3A_1083 = arith.addi %mul3A_1081, %add3A_1082 : i32
        %get3A_1084 = arith.index_cast %scan3A_260 : i32 to index
        %get3A_1085 = arith.index_cast %add3A_1083 : i32 to index
        %get3A_1086 = arith.constant 80 : index
        %get3A_1087 = tpu.vector_load %arg17[%get3A_1084, %get3A_1085, %get3A_1086] {strides = array<i32>} : memref<4x128x128xf32, #tpu.memory_space<vmem>>, vector<16xf32>,
        %mul3A_1088 = arith.mulf %get3A_1087, %scan3A_224#5 : vector<16xf32>
        %add3A_1089 = arith.addf %add3A_929, %mul3A_1088 : vector<16xf32>
        %mul3A_1090 = arith.constant 16 : i32
        %mul3A_1091 = arith.muli %scan3A_281, %mul3A_1090 : i32
        %add3A_1092 = arith.constant 2 : i32
        %add3A_1093 = arith.addi %mul3A_1091, %add3A_1092 : i32
        %get3A_1094 = arith.index_cast %scan3A_260 : i32 to index
        %get3A_1095 = arith.index_cast %add3A_1093 : i32 to index
        %get3A_1096 = arith.constant 80 : index
        %get3A_1097 = tpu.vector_load %arg17[%get3A_1094, %get3A_1095, %get3A_1096] {strides = array<i32>} : memref<4x128x128xf32, #tpu.memory_space<vmem>>, vector<16xf32>,
        %mul3A_1098 = arith.mulf %get3A_1097, %scan3A_224#5 : vector<16xf32>
        %add3A_1099 = arith.addf %add3A_939, %mul3A_1098 : vector<16xf32>
        %mul3A_1100 = arith.constant 16 : i32
        %mul3A_1101 = arith.muli %scan3A_281, %mul3A_1100 : i32
        %add3A_1102 = arith.constant 3 : i32
        %add3A_1103 = arith.addi %mul3A_1101, %add3A_1102 : i32
        %get3A_1104 = arith.index_cast %scan3A_260 : i32 to index
        %get3A_1105 = arith.index_cast %add3A_1103 : i32 to index
        %get3A_1106 = arith.constant 80 : index
        %get3A_1107 = tpu.vector_load %arg17[%get3A_1104, %get3A_1105, %get3A_1106] {strides = array<i32>} : memref<4x128x128xf32, #tpu.memory_space<vmem>>, vector<16xf32>,
        %mul3A_1108 = arith.mulf %get3A_1107, %scan3A_224#5 : vector<16xf32>
        %add3A_1109 = arith.addf %add3A_949, %mul3A_1108 : vector<16xf32>
        %mul3A_1110 = arith.constant 16 : i32
        %mul3A_1111 = arith.muli %scan3A_281, %mul3A_1110 : i32
        %add3A_1112 = arith.constant 4 : i32
        %add3A_1113 = arith.addi %mul3A_1111, %add3A_1112 : i32
        %get3A_1114 = arith.index_cast %scan3A_260 : i32 to index
        %get3A_1115 = arith.index_cast %add3A_1113 : i32 to index
        %get3A_1116 = arith.constant 80 : index
        %get3A_1117 = tpu.vector_load %arg17[%get3A_1114, %get3A_1115, %get3A_1116] {strides = array<i32>} : memref<4x128x128xf32, #tpu.memory_space<vmem>>, vector<16xf32>,
        %mul3A_1118 = arith.mulf %get3A_1117, %scan3A_224#5 : vector<16xf32>
        %add3A_1119 = arith.addf %add3A_959, %mul3A_1118 : vector<16xf32>
        %mul3A_1120 = arith.constant 16 : i32
        %mul3A_1121 = arith.muli %scan3A_281, %mul3A_1120 : i32
        %add3A_1122 = arith.constant 5 : i32
        %add3A_1123 = arith.addi %mul3A_1121, %add3A_1122 : i32
        %get3A_1124 = arith.index_cast %scan3A_260 : i32 to index
        %get3A_1125 = arith.index_cast %add3A_1123 : i32 to index
        %get3A_1126 = arith.constant 80 : index
        %get3A_1127 = tpu.vector_load %arg17[%get3A_1124, %get3A_1125, %get3A_1126] {strides = array<i32>} : memref<4x128x128xf32, #tpu.memory_space<vmem>>, vector<16xf32>,
        %mul3A_1128 = arith.mulf %get3A_1127, %scan3A_224#5 : vector<16xf32>
        %add3A_1129 = arith.addf %add3A_969, %mul3A_1128 : vector<16xf32>
        %mul3A_1130 = arith.constant 16 : i32
        %mul3A_1131 = arith.muli %scan3A_281, %mul3A_1130 : i32
        %add3A_1132 = arith.constant 6 : i32
        %add3A_1133 = arith.addi %mul3A_1131, %add3A_1132 : i32
        %get3A_1134 = arith.index_cast %scan3A_260 : i32 to index
        %get3A_1135 = arith.index_cast %add3A_1133 : i32 to index
        %get3A_1136 = arith.constant 80 : index
        %get3A_1137 = tpu.vector_load %arg17[%get3A_1134, %get3A_1135, %get3A_1136] {strides = array<i32>} : memref<4x128x128xf32, #tpu.memory_space<vmem>>, vector<16xf32>,
        %mul3A_1138 = arith.mulf %get3A_1137, %scan3A_224#5 : vector<16xf32>
        %add3A_1139 = arith.addf %add3A_979, %mul3A_1138 : vector<16xf32>
        %mul3A_1140 = arith.constant 16 : i32
        %mul3A_1141 = arith.muli %scan3A_281, %mul3A_1140 : i32
        %add3A_1142 = arith.constant 7 : i32
        %add3A_1143 = arith.addi %mul3A_1141, %add3A_1142 : i32
        %get3A_1144 = arith.index_cast %scan3A_260 : i32 to index
        %get3A_1145 = arith.index_cast %add3A_1143 : i32 to index
        %get3A_1146 = arith.constant 80 : index
        %get3A_1147 = tpu.vector_load %arg17[%get3A_1144, %get3A_1145, %get3A_1146] {strides = array<i32>} : memref<4x128x128xf32, #tpu.memory_space<vmem>>, vector<16xf32>,
        %mul3A_1148 = arith.mulf %get3A_1147, %scan3A_224#5 : vector<16xf32>
        %add3A_1149 = arith.addf %add3A_989, %mul3A_1148 : vector<16xf32>
        %mul3A_1150 = arith.constant 16 : i32
        %mul3A_1151 = arith.muli %scan3A_281, %mul3A_1150 : i32
        %add3A_1152 = arith.constant 8 : i32
        %add3A_1153 = arith.addi %mul3A_1151, %add3A_1152 : i32
        %get3A_1154 = arith.index_cast %scan3A_260 : i32 to index
        %get3A_1155 = arith.index_cast %add3A_1153 : i32 to index
        %get3A_1156 = arith.constant 80 : index
        %get3A_1157 = tpu.vector_load %arg17[%get3A_1154, %get3A_1155, %get3A_1156] {strides = array<i32>} : memref<4x128x128xf32, #tpu.memory_space<vmem>>, vector<16xf32>,
        %mul3A_1158 = arith.mulf %get3A_1157, %scan3A_224#5 : vector<16xf32>
        %add3A_1159 = arith.addf %add3A_999, %mul3A_1158 : vector<16xf32>
        %mul3A_1160 = arith.constant 16 : i32
        %mul3A_1161 = arith.muli %scan3A_281, %mul3A_1160 : i32
        %add3A_1162 = arith.constant 9 : i32
        %add3A_1163 = arith.addi %mul3A_1161, %add3A_1162 : i32
        %get3A_1164 = arith.index_cast %scan3A_260 : i32 to index
        %get3A_1165 = arith.index_cast %add3A_1163 : i32 to index
        %get3A_1166 = arith.constant 80 : index
        %get3A_1167 = tpu.vector_load %arg17[%get3A_1164, %get3A_1165, %get3A_1166] {strides = array<i32>} : memref<4x128x128xf32, #tpu.memory_space<vmem>>, vector<16xf32>,
        %mul3A_1168 = arith.mulf %get3A_1167, %scan3A_224#5 : vector<16xf32>
        %add3A_1169 = arith.addf %add3A_1009, %mul3A_1168 : vector<16xf32>
        %mul3A_1170 = arith.constant 16 : i32
        %mul3A_1171 = arith.muli %scan3A_281, %mul3A_1170 : i32
        %add3A_1172 = arith.constant 10 : i32
        %add3A_1173 = arith.addi %mul3A_1171, %add3A_1172 : i32
        %get3A_1174 = arith.index_cast %scan3A_260 : i32 to index
        %get3A_1175 = arith.index_cast %add3A_1173 : i32 to index
        %get3A_1176 = arith.constant 80 : index
        %get3A_1177 = tpu.vector_load %arg17[%get3A_1174, %get3A_1175, %get3A_1176] {strides = array<i32>} : memref<4x128x128xf32, #tpu.memory_space<vmem>>, vector<16xf32>,
        %mul3A_1178 = arith.mulf %get3A_1177, %scan3A_224#5 : vector<16xf32>
        %add3A_1179 = arith.addf %add3A_1019, %mul3A_1178 : vector<16xf32>
        %mul3A_1180 = arith.constant 16 : i32
        %mul3A_1181 = arith.muli %scan3A_281, %mul3A_1180 : i32
        %add3A_1182 = arith.constant 11 : i32
        %add3A_1183 = arith.addi %mul3A_1181, %add3A_1182 : i32
        %get3A_1184 = arith.index_cast %scan3A_260 : i32 to index
        %get3A_1185 = arith.index_cast %add3A_1183 : i32 to index
        %get3A_1186 = arith.constant 80 : index
        %get3A_1187 = tpu.vector_load %arg17[%get3A_1184, %get3A_1185, %get3A_1186] {strides = array<i32>} : memref<4x128x128xf32, #tpu.memory_space<vmem>>, vector<16xf32>,
        %mul3A_1188 = arith.mulf %get3A_1187, %scan3A_224#5 : vector<16xf32>
        %add3A_1189 = arith.addf %add3A_1029, %mul3A_1188 : vector<16xf32>
        %mul3A_1190 = arith.constant 16 : i32
        %mul3A_1191 = arith.muli %scan3A_281, %mul3A_1190 : i32
        %add3A_1192 = arith.constant 12 : i32
        %add3A_1193 = arith.addi %mul3A_1191, %add3A_1192 : i32
        %get3A_1194 = arith.index_cast %scan3A_260 : i32 to index
        %get3A_1195 = arith.index_cast %add3A_1193 : i32 to index
        %get3A_1196 = arith.constant 80 : index
        %get3A_1197 = tpu.vector_load %arg17[%get3A_1194, %get3A_1195, %get3A_1196] {strides = array<i32>} : memref<4x128x128xf32, #tpu.memory_space<vmem>>, vector<16xf32>,
        %mul3A_1198 = arith.mulf %get3A_1197, %scan3A_224#5 : vector<16xf32>
        %add3A_1199 = arith.addf %add3A_1039, %mul3A_1198 : vector<16xf32>
        %mul3A_1200 = arith.constant 16 : i32
        %mul3A_1201 = arith.muli %scan3A_281, %mul3A_1200 : i32
        %add3A_1202 = arith.constant 13 : i32
        %add3A_1203 = arith.addi %mul3A_1201, %add3A_1202 : i32
        %get3A_1204 = arith.index_cast %scan3A_260 : i32 to index
        %get3A_1205 = arith.index_cast %add3A_1203 : i32 to index
        %get3A_1206 = arith.constant 80 : index
        %get3A_1207 = tpu.vector_load %arg17[%get3A_1204, %get3A_1205, %get3A_1206] {strides = array<i32>} : memref<4x128x128xf32, #tpu.memory_space<vmem>>, vector<16xf32>,
        %mul3A_1208 = arith.mulf %get3A_1207, %scan3A_224#5 : vector<16xf32>
        %add3A_1209 = arith.addf %add3A_1049, %mul3A_1208 : vector<16xf32>
        %mul3A_1210 = arith.constant 16 : i32
        %mul3A_1211 = arith.muli %scan3A_281, %mul3A_1210 : i32
        %add3A_1212 = arith.constant 14 : i32
        %add3A_1213 = arith.addi %mul3A_1211, %add3A_1212 : i32
        %get3A_1214 = arith.index_cast %scan3A_260 : i32 to index
        %get3A_1215 = arith.index_cast %add3A_1213 : i32 to index
        %get3A_1216 = arith.constant 80 : index
        %get3A_1217 = tpu.vector_load %arg17[%get3A_1214, %get3A_1215, %get3A_1216] {strides = array<i32>} : memref<4x128x128xf32, #tpu.memory_space<vmem>>, vector<16xf32>,
        %mul3A_1218 = arith.mulf %get3A_1217, %scan3A_224#5 : vector<16xf32>
        %add3A_1219 = arith.addf %add3A_1059, %mul3A_1218 : vector<16xf32>
        %mul3A_1220 = arith.constant 16 : i32
        %mul3A_1221 = arith.muli %scan3A_281, %mul3A_1220 : i32
        %add3A_1222 = arith.constant 15 : i32
        %add3A_1223 = arith.addi %mul3A_1221, %add3A_1222 : i32
        %get3A_1224 = arith.index_cast %scan3A_260 : i32 to index
        %get3A_1225 = arith.index_cast %add3A_1223 : i32 to index
        %get3A_1226 = arith.constant 80 : index
        %get3A_1227 = tpu.vector_load %arg17[%get3A_1224, %get3A_1225, %get3A_1226] {strides = array<i32>} : memref<4x128x128xf32, #tpu.memory_space<vmem>>, vector<16xf32>,
        %mul3A_1228 = arith.mulf %get3A_1227, %scan3A_224#5 : vector<16xf32>
        %add3A_1229 = arith.addf %add3A_1069, %mul3A_1228 : vector<16xf32>
        %mul3A_1230 = arith.constant 16 : i32
        %mul3A_1231 = arith.muli %scan3A_281, %mul3A_1230 : i32
        %add3A_1232 = arith.constant 0 : i32
        %add3A_1233 = arith.addi %mul3A_1231, %add3A_1232 : i32
        %get3A_1234 = arith.index_cast %scan3A_260 : i32 to index
        %get3A_1235 = arith.index_cast %add3A_1233 : i32 to index
        %get3A_1236 = arith.constant 96 : index
        %get3A_1237 = tpu.vector_load %arg17[%get3A_1234, %get3A_1235, %get3A_1236] {strides = array<i32>} : memref<4x128x128xf32, #tpu.memory_space<vmem>>, vector<16xf32>,
        %mul3A_1238 = arith.mulf %get3A_1237, %scan3A_224#6 : vector<16xf32>
        %add3A_1239 = arith.addf %add3A_1079, %mul3A_1238 : vector<16xf32>
        %mul3A_1240 = arith.constant 16 : i32
        %mul3A_1241 = arith.muli %scan3A_281, %mul3A_1240 : i32
        %add3A_1242 = arith.constant 1 : i32
        %add3A_1243 = arith.addi %mul3A_1241, %add3A_1242 : i32
        %get3A_1244 = arith.index_cast %scan3A_260 : i32 to index
        %get3A_1245 = arith.index_cast %add3A_1243 : i32 to index
        %get3A_1246 = arith.constant 96 : index
        %get3A_1247 = tpu.vector_load %arg17[%get3A_1244, %get3A_1245, %get3A_1246] {strides = array<i32>} : memref<4x128x128xf32, #tpu.memory_space<vmem>>, vector<16xf32>,
        %mul3A_1248 = arith.mulf %get3A_1247, %scan3A_224#6 : vector<16xf32>
        %add3A_1249 = arith.addf %add3A_1089, %mul3A_1248 : vector<16xf32>
        %mul3A_1250 = arith.constant 16 : i32
        %mul3A_1251 = arith.muli %scan3A_281, %mul3A_1250 : i32
        %add3A_1252 = arith.constant 2 : i32
        %add3A_1253 = arith.addi %mul3A_1251, %add3A_1252 : i32
        %get3A_1254 = arith.index_cast %scan3A_260 : i32 to index
        %get3A_1255 = arith.index_cast %add3A_1253 : i32 to index
        %get3A_1256 = arith.constant 96 : index
        %get3A_1257 = tpu.vector_load %arg17[%get3A_1254, %get3A_1255, %get3A_1256] {strides = array<i32>} : memref<4x128x128xf32, #tpu.memory_space<vmem>>, vector<16xf32>,
        %mul3A_1258 = arith.mulf %get3A_1257, %scan3A_224#6 : vector<16xf32>
        %add3A_1259 = arith.addf %add3A_1099, %mul3A_1258 : vector<16xf32>
        %mul3A_1260 = arith.constant 16 : i32
        %mul3A_1261 = arith.muli %scan3A_281, %mul3A_1260 : i32
        %add3A_1262 = arith.constant 3 : i32
        %add3A_1263 = arith.addi %mul3A_1261, %add3A_1262 : i32
        %get3A_1264 = arith.index_cast %scan3A_260 : i32 to index
        %get3A_1265 = arith.index_cast %add3A_1263 : i32 to index
        %get3A_1266 = arith.constant 96 : index
        %get3A_1267 = tpu.vector_load %arg17[%get3A_1264, %get3A_1265, %get3A_1266] {strides = array<i32>} : memref<4x128x128xf32, #tpu.memory_space<vmem>>, vector<16xf32>,
        %mul3A_1268 = arith.mulf %get3A_1267, %scan3A_224#6 : vector<16xf32>
        %add3A_1269 = arith.addf %add3A_1109, %mul3A_1268 : vector<16xf32>
        %mul3A_1270 = arith.constant 16 : i32
        %mul3A_1271 = arith.muli %scan3A_281, %mul3A_1270 : i32
        %add3A_1272 = arith.constant 4 : i32
        %add3A_1273 = arith.addi %mul3A_1271, %add3A_1272 : i32
        %get3A_1274 = arith.index_cast %scan3A_260 : i32 to index
        %get3A_1275 = arith.index_cast %add3A_1273 : i32 to index
        %get3A_1276 = arith.constant 96 : index
        %get3A_1277 = tpu.vector_load %arg17[%get3A_1274, %get3A_1275, %get3A_1276] {strides = array<i32>} : memref<4x128x128xf32, #tpu.memory_space<vmem>>, vector<16xf32>,
        %mul3A_1278 = arith.mulf %get3A_1277, %scan3A_224#6 : vector<16xf32>
        %add3A_1279 = arith.addf %add3A_1119, %mul3A_1278 : vector<16xf32>
        %mul3A_1280 = arith.constant 16 : i32
        %mul3A_1281 = arith.muli %scan3A_281, %mul3A_1280 : i32
        %add3A_1282 = arith.constant 5 : i32
        %add3A_1283 = arith.addi %mul3A_1281, %add3A_1282 : i32
        %get3A_1284 = arith.index_cast %scan3A_260 : i32 to index
        %get3A_1285 = arith.index_cast %add3A_1283 : i32 to index
        %get3A_1286 = arith.constant 96 : index
        %get3A_1287 = tpu.vector_load %arg17[%get3A_1284, %get3A_1285, %get3A_1286] {strides = array<i32>} : memref<4x128x128xf32, #tpu.memory_space<vmem>>, vector<16xf32>,
        %mul3A_1288 = arith.mulf %get3A_1287, %scan3A_224#6 : vector<16xf32>
        %add3A_1289 = arith.addf %add3A_1129, %mul3A_1288 : vector<16xf32>
        %mul3A_1290 = arith.constant 16 : i32
        %mul3A_1291 = arith.muli %scan3A_281, %mul3A_1290 : i32
        %add3A_1292 = arith.constant 6 : i32
        %add3A_1293 = arith.addi %mul3A_1291, %add3A_1292 : i32
        %get3A_1294 = arith.index_cast %scan3A_260 : i32 to index
        %get3A_1295 = arith.index_cast %add3A_1293 : i32 to index
        %get3A_1296 = arith.constant 96 : index
        %get3A_1297 = tpu.vector_load %arg17[%get3A_1294, %get3A_1295, %get3A_1296] {strides = array<i32>} : memref<4x128x128xf32, #tpu.memory_space<vmem>>, vector<16xf32>,
        %mul3A_1298 = arith.mulf %get3A_1297, %scan3A_224#6 : vector<16xf32>
        %add3A_1299 = arith.addf %add3A_1139, %mul3A_1298 : vector<16xf32>
        %mul3A_1300 = arith.constant 16 : i32
        %mul3A_1301 = arith.muli %scan3A_281, %mul3A_1300 : i32
        %add3A_1302 = arith.constant 7 : i32
        %add3A_1303 = arith.addi %mul3A_1301, %add3A_1302 : i32
        %get3A_1304 = arith.index_cast %scan3A_260 : i32 to index
        %get3A_1305 = arith.index_cast %add3A_1303 : i32 to index
        %get3A_1306 = arith.constant 96 : index
        %get3A_1307 = tpu.vector_load %arg17[%get3A_1304, %get3A_1305, %get3A_1306] {strides = array<i32>} : memref<4x128x128xf32, #tpu.memory_space<vmem>>, vector<16xf32>,
        %mul3A_1308 = arith.mulf %get3A_1307, %scan3A_224#6 : vector<16xf32>
        %add3A_1309 = arith.addf %add3A_1149, %mul3A_1308 : vector<16xf32>
        %mul3A_1310 = arith.constant 16 : i32
        %mul3A_1311 = arith.muli %scan3A_281, %mul3A_1310 : i32
        %add3A_1312 = arith.constant 8 : i32
        %add3A_1313 = arith.addi %mul3A_1311, %add3A_1312 : i32
        %get3A_1314 = arith.index_cast %scan3A_260 : i32 to index
        %get3A_1315 = arith.index_cast %add3A_1313 : i32 to index
        %get3A_1316 = arith.constant 96 : index
        %get3A_1317 = tpu.vector_load %arg17[%get3A_1314, %get3A_1315, %get3A_1316] {strides = array<i32>} : memref<4x128x128xf32, #tpu.memory_space<vmem>>, vector<16xf32>,
        %mul3A_1318 = arith.mulf %get3A_1317, %scan3A_224#6 : vector<16xf32>
        %add3A_1319 = arith.addf %add3A_1159, %mul3A_1318 : vector<16xf32>
        %mul3A_1320 = arith.constant 16 : i32
        %mul3A_1321 = arith.muli %scan3A_281, %mul3A_1320 : i32
        %add3A_1322 = arith.constant 9 : i32
        %add3A_1323 = arith.addi %mul3A_1321, %add3A_1322 : i32
        %get3A_1324 = arith.index_cast %scan3A_260 : i32 to index
        %get3A_1325 = arith.index_cast %add3A_1323 : i32 to index
        %get3A_1326 = arith.constant 96 : index
        %get3A_1327 = tpu.vector_load %arg17[%get3A_1324, %get3A_1325, %get3A_1326] {strides = array<i32>} : memref<4x128x128xf32, #tpu.memory_space<vmem>>, vector<16xf32>,
        %mul3A_1328 = arith.mulf %get3A_1327, %scan3A_224#6 : vector<16xf32>
        %add3A_1329 = arith.addf %add3A_1169, %mul3A_1328 : vector<16xf32>
        %mul3A_1330 = arith.constant 16 : i32
        %mul3A_1331 = arith.muli %scan3A_281, %mul3A_1330 : i32
        %add3A_1332 = arith.constant 10 : i32
        %add3A_1333 = arith.addi %mul3A_1331, %add3A_1332 : i32
        %get3A_1334 = arith.index_cast %scan3A_260 : i32 to index
        %get3A_1335 = arith.index_cast %add3A_1333 : i32 to index
        %get3A_1336 = arith.constant 96 : index
        %get3A_1337 = tpu.vector_load %arg17[%get3A_1334, %get3A_1335, %get3A_1336] {strides = array<i32>} : memref<4x128x128xf32, #tpu.memory_space<vmem>>, vector<16xf32>,
        %mul3A_1338 = arith.mulf %get3A_1337, %scan3A_224#6 : vector<16xf32>
        %add3A_1339 = arith.addf %add3A_1179, %mul3A_1338 : vector<16xf32>
        %mul3A_1340 = arith.constant 16 : i32
        %mul3A_1341 = arith.muli %scan3A_281, %mul3A_1340 : i32
        %add3A_1342 = arith.constant 11 : i32
        %add3A_1343 = arith.addi %mul3A_1341, %add3A_1342 : i32
        %get3A_1344 = arith.index_cast %scan3A_260 : i32 to index
        %get3A_1345 = arith.index_cast %add3A_1343 : i32 to index
        %get3A_1346 = arith.constant 96 : index
        %get3A_1347 = tpu.vector_load %arg17[%get3A_1344, %get3A_1345, %get3A_1346] {strides = array<i32>} : memref<4x128x128xf32, #tpu.memory_space<vmem>>, vector<16xf32>,
        %mul3A_1348 = arith.mulf %get3A_1347, %scan3A_224#6 : vector<16xf32>
        %add3A_1349 = arith.addf %add3A_1189, %mul3A_1348 : vector<16xf32>
        %mul3A_1350 = arith.constant 16 : i32
        %mul3A_1351 = arith.muli %scan3A_281, %mul3A_1350 : i32
        %add3A_1352 = arith.constant 12 : i32
        %add3A_1353 = arith.addi %mul3A_1351, %add3A_1352 : i32
        %get3A_1354 = arith.index_cast %scan3A_260 : i32 to index
        %get3A_1355 = arith.index_cast %add3A_1353 : i32 to index
        %get3A_1356 = arith.constant 96 : index
        %get3A_1357 = tpu.vector_load %arg17[%get3A_1354, %get3A_1355, %get3A_1356] {strides = array<i32>} : memref<4x128x128xf32, #tpu.memory_space<vmem>>, vector<16xf32>,
        %mul3A_1358 = arith.mulf %get3A_1357, %scan3A_224#6 : vector<16xf32>
        %add3A_1359 = arith.addf %add3A_1199, %mul3A_1358 : vector<16xf32>
        %mul3A_1360 = arith.constant 16 : i32
        %mul3A_1361 = arith.muli %scan3A_281, %mul3A_1360 : i32
        %add3A_1362 = arith.constant 13 : i32
        %add3A_1363 = arith.addi %mul3A_1361, %add3A_1362 : i32
        %get3A_1364 = arith.index_cast %scan3A_260 : i32 to index
        %get3A_1365 = arith.index_cast %add3A_1363 : i32 to index
        %get3A_1366 = arith.constant 96 : index
        %get3A_1367 = tpu.vector_load %arg17[%get3A_1364, %get3A_1365, %get3A_1366] {strides = array<i32>} : memref<4x128x128xf32, #tpu.memory_space<vmem>>, vector<16xf32>,
        %mul3A_1368 = arith.mulf %get3A_1367, %scan3A_224#6 : vector<16xf32>
        %add3A_1369 = arith.addf %add3A_1209, %mul3A_1368 : vector<16xf32>
        %mul3A_1370 = arith.constant 16 : i32
        %mul3A_1371 = arith.muli %scan3A_281, %mul3A_1370 : i32
        %add3A_1372 = arith.constant 14 : i32
        %add3A_1373 = arith.addi %mul3A_1371, %add3A_1372 : i32
        %get3A_1374 = arith.index_cast %scan3A_260 : i32 to index
        %get3A_1375 = arith.index_cast %add3A_1373 : i32 to index
        %get3A_1376 = arith.constant 96 : index
        %get3A_1377 = tpu.vector_load %arg17[%get3A_1374, %get3A_1375, %get3A_1376] {strides = array<i32>} : memref<4x128x128xf32, #tpu.memory_space<vmem>>, vector<16xf32>,
        %mul3A_1378 = arith.mulf %get3A_1377, %scan3A_224#6 : vector<16xf32>
        %add3A_1379 = arith.addf %add3A_1219, %mul3A_1378 : vector<16xf32>
        %mul3A_1380 = arith.constant 16 : i32
        %mul3A_1381 = arith.muli %scan3A_281, %mul3A_1380 : i32
        %add3A_1382 = arith.constant 15 : i32
        %add3A_1383 = arith.addi %mul3A_1381, %add3A_1382 : i32
        %get3A_1384 = arith.index_cast %scan3A_260 : i32 to index
        %get3A_1385 = arith.index_cast %add3A_1383 : i32 to index
        %get3A_1386 = arith.constant 96 : index
        %get3A_1387 = tpu.vector_load %arg17[%get3A_1384, %get3A_1385, %get3A_1386] {strides = array<i32>} : memref<4x128x128xf32, #tpu.memory_space<vmem>>, vector<16xf32>,
        %mul3A_1388 = arith.mulf %get3A_1387, %scan3A_224#6 : vector<16xf32>
        %add3A_1389 = arith.addf %add3A_1229, %mul3A_1388 : vector<16xf32>
        %mul3A_1390 = arith.constant 16 : i32
        %mul3A_1391 = arith.muli %scan3A_281, %mul3A_1390 : i32
        %add3A_1392 = arith.constant 0 : i32
        %add3A_1393 = arith.addi %mul3A_1391, %add3A_1392 : i32
        %get3A_1394 = arith.index_cast %scan3A_260 : i32 to index
        %get3A_1395 = arith.index_cast %add3A_1393 : i32 to index
        %get3A_1396 = arith.constant 112 : index
        %get3A_1397 = tpu.vector_load %arg17[%get3A_1394, %get3A_1395, %get3A_1396] {strides = array<i32>} : memref<4x128x128xf32, #tpu.memory_space<vmem>>, vector<16xf32>,
        %mul3A_1398 = arith.mulf %get3A_1397, %scan3A_224#7 : vector<16xf32>
        %add3A_1399 = arith.addf %add3A_1239, %mul3A_1398 : vector<16xf32>
        %mul3A_1400 = arith.constant 16 : i32
        %mul3A_1401 = arith.muli %scan3A_281, %mul3A_1400 : i32
        %add3A_1402 = arith.constant 1 : i32
        %add3A_1403 = arith.addi %mul3A_1401, %add3A_1402 : i32
        %get3A_1404 = arith.index_cast %scan3A_260 : i32 to index
        %get3A_1405 = arith.index_cast %add3A_1403 : i32 to index
        %get3A_1406 = arith.constant 112 : index
        %get3A_1407 = tpu.vector_load %arg17[%get3A_1404, %get3A_1405, %get3A_1406] {strides = array<i32>} : memref<4x128x128xf32, #tpu.memory_space<vmem>>, vector<16xf32>,
        %mul3A_1408 = arith.mulf %get3A_1407, %scan3A_224#7 : vector<16xf32>
        %add3A_1409 = arith.addf %add3A_1249, %mul3A_1408 : vector<16xf32>
        %mul3A_1410 = arith.constant 16 : i32
        %mul3A_1411 = arith.muli %scan3A_281, %mul3A_1410 : i32
        %add3A_1412 = arith.constant 2 : i32
        %add3A_1413 = arith.addi %mul3A_1411, %add3A_1412 : i32
        %get3A_1414 = arith.index_cast %scan3A_260 : i32 to index
        %get3A_1415 = arith.index_cast %add3A_1413 : i32 to index
        %get3A_1416 = arith.constant 112 : index
        %get3A_1417 = tpu.vector_load %arg17[%get3A_1414, %get3A_1415, %get3A_1416] {strides = array<i32>} : memref<4x128x128xf32, #tpu.memory_space<vmem>>, vector<16xf32>,
        %mul3A_1418 = arith.mulf %get3A_1417, %scan3A_224#7 : vector<16xf32>
        %add3A_1419 = arith.addf %add3A_1259, %mul3A_1418 : vector<16xf32>
        %mul3A_1420 = arith.constant 16 : i32
        %mul3A_1421 = arith.muli %scan3A_281, %mul3A_1420 : i32
        %add3A_1422 = arith.constant 3 : i32
        %add3A_1423 = arith.addi %mul3A_1421, %add3A_1422 : i32
        %get3A_1424 = arith.index_cast %scan3A_260 : i32 to index
        %get3A_1425 = arith.index_cast %add3A_1423 : i32 to index
        %get3A_1426 = arith.constant 112 : index
        %get3A_1427 = tpu.vector_load %arg17[%get3A_1424, %get3A_1425, %get3A_1426] {strides = array<i32>} : memref<4x128x128xf32, #tpu.memory_space<vmem>>, vector<16xf32>,
        %mul3A_1428 = arith.mulf %get3A_1427, %scan3A_224#7 : vector<16xf32>
        %add3A_1429 = arith.addf %add3A_1269, %mul3A_1428 : vector<16xf32>
        %mul3A_1430 = arith.constant 16 : i32
        %mul3A_1431 = arith.muli %scan3A_281, %mul3A_1430 : i32
        %add3A_1432 = arith.constant 4 : i32
        %add3A_1433 = arith.addi %mul3A_1431, %add3A_1432 : i32
        %get3A_1434 = arith.index_cast %scan3A_260 : i32 to index
        %get3A_1435 = arith.index_cast %add3A_1433 : i32 to index
        %get3A_1436 = arith.constant 112 : index
        %get3A_1437 = tpu.vector_load %arg17[%get3A_1434, %get3A_1435, %get3A_1436] {strides = array<i32>} : memref<4x128x128xf32, #tpu.memory_space<vmem>>, vector<16xf32>,
        %mul3A_1438 = arith.mulf %get3A_1437, %scan3A_224#7 : vector<16xf32>
        %add3A_1439 = arith.addf %add3A_1279, %mul3A_1438 : vector<16xf32>
        %mul3A_1440 = arith.constant 16 : i32
        %mul3A_1441 = arith.muli %scan3A_281, %mul3A_1440 : i32
        %add3A_1442 = arith.constant 5 : i32
        %add3A_1443 = arith.addi %mul3A_1441, %add3A_1442 : i32
        %get3A_1444 = arith.index_cast %scan3A_260 : i32 to index
        %get3A_1445 = arith.index_cast %add3A_1443 : i32 to index
        %get3A_1446 = arith.constant 112 : index
        %get3A_1447 = tpu.vector_load %arg17[%get3A_1444, %get3A_1445, %get3A_1446] {strides = array<i32>} : memref<4x128x128xf32, #tpu.memory_space<vmem>>, vector<16xf32>,
        %mul3A_1448 = arith.mulf %get3A_1447, %scan3A_224#7 : vector<16xf32>
        %add3A_1449 = arith.addf %add3A_1289, %mul3A_1448 : vector<16xf32>
        %mul3A_1450 = arith.constant 16 : i32
        %mul3A_1451 = arith.muli %scan3A_281, %mul3A_1450 : i32
        %add3A_1452 = arith.constant 6 : i32
        %add3A_1453 = arith.addi %mul3A_1451, %add3A_1452 : i32
        %get3A_1454 = arith.index_cast %scan3A_260 : i32 to index
        %get3A_1455 = arith.index_cast %add3A_1453 : i32 to index
        %get3A_1456 = arith.constant 112 : index
        %get3A_1457 = tpu.vector_load %arg17[%get3A_1454, %get3A_1455, %get3A_1456] {strides = array<i32>} : memref<4x128x128xf32, #tpu.memory_space<vmem>>, vector<16xf32>,
        %mul3A_1458 = arith.mulf %get3A_1457, %scan3A_224#7 : vector<16xf32>
        %add3A_1459 = arith.addf %add3A_1299, %mul3A_1458 : vector<16xf32>
        %mul3A_1460 = arith.constant 16 : i32
        %mul3A_1461 = arith.muli %scan3A_281, %mul3A_1460 : i32
        %add3A_1462 = arith.constant 7 : i32
        %add3A_1463 = arith.addi %mul3A_1461, %add3A_1462 : i32
        %get3A_1464 = arith.index_cast %scan3A_260 : i32 to index
        %get3A_1465 = arith.index_cast %add3A_1463 : i32 to index
        %get3A_1466 = arith.constant 112 : index
        %get3A_1467 = tpu.vector_load %arg17[%get3A_1464, %get3A_1465, %get3A_1466] {strides = array<i32>} : memref<4x128x128xf32, #tpu.memory_space<vmem>>, vector<16xf32>,
        %mul3A_1468 = arith.mulf %get3A_1467, %scan3A_224#7 : vector<16xf32>
        %add3A_1469 = arith.addf %add3A_1309, %mul3A_1468 : vector<16xf32>
        %mul3A_1470 = arith.constant 16 : i32
        %mul3A_1471 = arith.muli %scan3A_281, %mul3A_1470 : i32
        %add3A_1472 = arith.constant 8 : i32
        %add3A_1473 = arith.addi %mul3A_1471, %add3A_1472 : i32
        %get3A_1474 = arith.index_cast %scan3A_260 : i32 to index
        %get3A_1475 = arith.index_cast %add3A_1473 : i32 to index
        %get3A_1476 = arith.constant 112 : index
        %get3A_1477 = tpu.vector_load %arg17[%get3A_1474, %get3A_1475, %get3A_1476] {strides = array<i32>} : memref<4x128x128xf32, #tpu.memory_space<vmem>>, vector<16xf32>,
        %mul3A_1478 = arith.mulf %get3A_1477, %scan3A_224#7 : vector<16xf32>
        %add3A_1479 = arith.addf %add3A_1319, %mul3A_1478 : vector<16xf32>
        %mul3A_1480 = arith.constant 16 : i32
        %mul3A_1481 = arith.muli %scan3A_281, %mul3A_1480 : i32
        %add3A_1482 = arith.constant 9 : i32
        %add3A_1483 = arith.addi %mul3A_1481, %add3A_1482 : i32
        %get3A_1484 = arith.index_cast %scan3A_260 : i32 to index
        %get3A_1485 = arith.index_cast %add3A_1483 : i32 to index
        %get3A_1486 = arith.constant 112 : index
        %get3A_1487 = tpu.vector_load %arg17[%get3A_1484, %get3A_1485, %get3A_1486] {strides = array<i32>} : memref<4x128x128xf32, #tpu.memory_space<vmem>>, vector<16xf32>,
        %mul3A_1488 = arith.mulf %get3A_1487, %scan3A_224#7 : vector<16xf32>
        %add3A_1489 = arith.addf %add3A_1329, %mul3A_1488 : vector<16xf32>
        %mul3A_1490 = arith.constant 16 : i32
        %mul3A_1491 = arith.muli %scan3A_281, %mul3A_1490 : i32
        %add3A_1492 = arith.constant 10 : i32
        %add3A_1493 = arith.addi %mul3A_1491, %add3A_1492 : i32
        %get3A_1494 = arith.index_cast %scan3A_260 : i32 to index
        %get3A_1495 = arith.index_cast %add3A_1493 : i32 to index
        %get3A_1496 = arith.constant 112 : index
        %get3A_1497 = tpu.vector_load %arg17[%get3A_1494, %get3A_1495, %get3A_1496] {strides = array<i32>} : memref<4x128x128xf32, #tpu.memory_space<vmem>>, vector<16xf32>,
        %mul3A_1498 = arith.mulf %get3A_1497, %scan3A_224#7 : vector<16xf32>
        %add3A_1499 = arith.addf %add3A_1339, %mul3A_1498 : vector<16xf32>
        %mul3A_1500 = arith.constant 16 : i32
        %mul3A_1501 = arith.muli %scan3A_281, %mul3A_1500 : i32
        %add3A_1502 = arith.constant 11 : i32
        %add3A_1503 = arith.addi %mul3A_1501, %add3A_1502 : i32
        %get3A_1504 = arith.index_cast %scan3A_260 : i32 to index
        %get3A_1505 = arith.index_cast %add3A_1503 : i32 to index
        %get3A_1506 = arith.constant 112 : index
        %get3A_1507 = tpu.vector_load %arg17[%get3A_1504, %get3A_1505, %get3A_1506] {strides = array<i32>} : memref<4x128x128xf32, #tpu.memory_space<vmem>>, vector<16xf32>,
        %mul3A_1508 = arith.mulf %get3A_1507, %scan3A_224#7 : vector<16xf32>
        %add3A_1509 = arith.addf %add3A_1349, %mul3A_1508 : vector<16xf32>
        %mul3A_1510 = arith.constant 16 : i32
        %mul3A_1511 = arith.muli %scan3A_281, %mul3A_1510 : i32
        %add3A_1512 = arith.constant 12 : i32
        %add3A_1513 = arith.addi %mul3A_1511, %add3A_1512 : i32
        %get3A_1514 = arith.index_cast %scan3A_260 : i32 to index
        %get3A_1515 = arith.index_cast %add3A_1513 : i32 to index
        %get3A_1516 = arith.constant 112 : index
        %get3A_1517 = tpu.vector_load %arg17[%get3A_1514, %get3A_1515, %get3A_1516] {strides = array<i32>} : memref<4x128x128xf32, #tpu.memory_space<vmem>>, vector<16xf32>,
        %mul3A_1518 = arith.mulf %get3A_1517, %scan3A_224#7 : vector<16xf32>
        %add3A_1519 = arith.addf %add3A_1359, %mul3A_1518 : vector<16xf32>
        %mul3A_1520 = arith.constant 16 : i32
        %mul3A_1521 = arith.muli %scan3A_281, %mul3A_1520 : i32
        %add3A_1522 = arith.constant 13 : i32
        %add3A_1523 = arith.addi %mul3A_1521, %add3A_1522 : i32
        %get3A_1524 = arith.index_cast %scan3A_260 : i32 to index
        %get3A_1525 = arith.index_cast %add3A_1523 : i32 to index
        %get3A_1526 = arith.constant 112 : index
        %get3A_1527 = tpu.vector_load %arg17[%get3A_1524, %get3A_1525, %get3A_1526] {strides = array<i32>} : memref<4x128x128xf32, #tpu.memory_space<vmem>>, vector<16xf32>,
        %mul3A_1528 = arith.mulf %get3A_1527, %scan3A_224#7 : vector<16xf32>
        %add3A_1529 = arith.addf %add3A_1369, %mul3A_1528 : vector<16xf32>
        %mul3A_1530 = arith.constant 16 : i32
        %mul3A_1531 = arith.muli %scan3A_281, %mul3A_1530 : i32
        %add3A_1532 = arith.constant 14 : i32
        %add3A_1533 = arith.addi %mul3A_1531, %add3A_1532 : i32
        %get3A_1534 = arith.index_cast %scan3A_260 : i32 to index
        %get3A_1535 = arith.index_cast %add3A_1533 : i32 to index
        %get3A_1536 = arith.constant 112 : index
        %get3A_1537 = tpu.vector_load %arg17[%get3A_1534, %get3A_1535, %get3A_1536] {strides = array<i32>} : memref<4x128x128xf32, #tpu.memory_space<vmem>>, vector<16xf32>,
        %mul3A_1538 = arith.mulf %get3A_1537, %scan3A_224#7 : vector<16xf32>
        %add3A_1539 = arith.addf %add3A_1379, %mul3A_1538 : vector<16xf32>
        %mul3A_1540 = arith.constant 16 : i32
        %mul3A_1541 = arith.muli %scan3A_281, %mul3A_1540 : i32
        %add3A_1542 = arith.constant 15 : i32
        %add3A_1543 = arith.addi %mul3A_1541, %add3A_1542 : i32
        %get3A_1544 = arith.index_cast %scan3A_260 : i32 to index
        %get3A_1545 = arith.index_cast %add3A_1543 : i32 to index
        %get3A_1546 = arith.constant 112 : index
        %get3A_1547 = tpu.vector_load %arg17[%get3A_1544, %get3A_1545, %get3A_1546] {strides = array<i32>} : memref<4x128x128xf32, #tpu.memory_space<vmem>>, vector<16xf32>,
        %mul3A_1548 = arith.mulf %get3A_1547, %scan3A_224#7 : vector<16xf32>
        %add3A_1549 = arith.addf %add3A_1389, %mul3A_1548 : vector<16xf32>
        %swap3A_1550 = arith.constant 0 : i32
        %swap3A_1551 = arith.index_cast %swap3A_1550 : i32 to index
        %swap3A_1552 = arith.constant 0 : index
        %swap3A_1553 = tpu.vector_load %arg19[%swap3A_1551, %swap3A_1552] {strides = array<i32>} : memref<16x16xf32, #tpu.memory_space<vmem>>, vector<16xf32>,
        tpu.vector_store %arg19[%swap3A_1551, %swap3A_1552], %add3A_1399 {strides = array<i32>} : memref<16x16xf32, #tpu.memory_space<vmem>>, vector<16xf32>,
        %swap3A_1554 = arith.constant 1 : i32
        %swap3A_1555 = arith.index_cast %swap3A_1554 : i32 to index
        %swap3A_1556 = arith.constant 0 : index
        %swap3A_1557 = tpu.vector_load %arg19[%swap3A_1555, %swap3A_1556] {strides = array<i32>} : memref<16x16xf32, #tpu.memory_space<vmem>>, vector<16xf32>,
        tpu.vector_store %arg19[%swap3A_1555, %swap3A_1556], %add3A_1409 {strides = array<i32>} : memref<16x16xf32, #tpu.memory_space<vmem>>, vector<16xf32>,
        %swap3A_1558 = arith.constant 2 : i32
        %swap3A_1559 = arith.index_cast %swap3A_1558 : i32 to index
        %swap3A_1560 = arith.constant 0 : index
        %swap3A_1561 = tpu.vector_load %arg19[%swap3A_1559, %swap3A_1560] {strides = array<i32>} : memref<16x16xf32, #tpu.memory_space<vmem>>, vector<16xf32>,
        tpu.vector_store %arg19[%swap3A_1559, %swap3A_1560], %add3A_1419 {strides = array<i32>} : memref<16x16xf32, #tpu.memory_space<vmem>>, vector<16xf32>,
        %swap3A_1562 = arith.constant 3 : i32
        %swap3A_1563 = arith.index_cast %swap3A_1562 : i32 to index
        %swap3A_1564 = arith.constant 0 : index
        %swap3A_1565 = tpu.vector_load %arg19[%swap3A_1563, %swap3A_1564] {strides = array<i32>} : memref<16x16xf32, #tpu.memory_space<vmem>>, vector<16xf32>,
        tpu.vector_store %arg19[%swap3A_1563, %swap3A_1564], %add3A_1429 {strides = array<i32>} : memref<16x16xf32, #tpu.memory_space<vmem>>, vector<16xf32>,
        %swap3A_1566 = arith.constant 4 : i32
        %swap3A_1567 = arith.index_cast %swap3A_1566 : i32 to index
        %swap3A_1568 = arith.constant 0 : index
        %swap3A_1569 = tpu.vector_load %arg19[%swap3A_1567, %swap3A_1568] {strides = array<i32>} : memref<16x16xf32, #tpu.memory_space<vmem>>, vector<16xf32>,
        tpu.vector_store %arg19[%swap3A_1567, %swap3A_1568], %add3A_1439 {strides = array<i32>} : memref<16x16xf32, #tpu.memory_space<vmem>>, vector<16xf32>,
        %swap3A_1570 = arith.constant 5 : i32
        %swap3A_1571 = arith.index_cast %swap3A_1570 : i32 to index
        %swap3A_1572 = arith.constant 0 : index
        %swap3A_1573 = tpu.vector_load %arg19[%swap3A_1571, %swap3A_1572] {strides = array<i32>} : memref<16x16xf32, #tpu.memory_space<vmem>>, vector<16xf32>,
        tpu.vector_store %arg19[%swap3A_1571, %swap3A_1572], %add3A_1449 {strides = array<i32>} : memref<16x16xf32, #tpu.memory_space<vmem>>, vector<16xf32>,
        %swap3A_1574 = arith.constant 6 : i32
        %swap3A_1575 = arith.index_cast %swap3A_1574 : i32 to index
        %swap3A_1576 = arith.constant 0 : index
        %swap3A_1577 = tpu.vector_load %arg19[%swap3A_1575, %swap3A_1576] {strides = array<i32>} : memref<16x16xf32, #tpu.memory_space<vmem>>, vector<16xf32>,
        tpu.vector_store %arg19[%swap3A_1575, %swap3A_1576], %add3A_1459 {strides = array<i32>} : memref<16x16xf32, #tpu.memory_space<vmem>>, vector<16xf32>,
        %swap3A_1578 = arith.constant 7 : i32
        %swap3A_1579 = arith.index_cast %swap3A_1578 : i32 to index
        %swap3A_1580 = arith.constant 0 : index
        %swap3A_1581 = tpu.vector_load %arg19[%swap3A_1579, %swap3A_1580] {strides = array<i32>} : memref<16x16xf32, #tpu.memory_space<vmem>>, vector<16xf32>,
        tpu.vector_store %arg19[%swap3A_1579, %swap3A_1580], %add3A_1469 {strides = array<i32>} : memref<16x16xf32, #tpu.memory_space<vmem>>, vector<16xf32>,
        %swap3A_1582 = arith.constant 8 : i32
        %swap3A_1583 = arith.index_cast %swap3A_1582 : i32 to index
        %swap3A_1584 = arith.constant 0 : index
        %swap3A_1585 = tpu.vector_load %arg19[%swap3A_1583, %swap3A_1584] {strides = array<i32>} : memref<16x16xf32, #tpu.memory_space<vmem>>, vector<16xf32>,
        tpu.vector_store %arg19[%swap3A_1583, %swap3A_1584], %add3A_1479 {strides = array<i32>} : memref<16x16xf32, #tpu.memory_space<vmem>>, vector<16xf32>,
        %swap3A_1586 = arith.constant 9 : i32
        %swap3A_1587 = arith.index_cast %swap3A_1586 : i32 to index
        %swap3A_1588 = arith.constant 0 : index
        %swap3A_1589 = tpu.vector_load %arg19[%swap3A_1587, %swap3A_1588] {strides = array<i32>} : memref<16x16xf32, #tpu.memory_space<vmem>>, vector<16xf32>,
        tpu.vector_store %arg19[%swap3A_1587, %swap3A_1588], %add3A_1489 {strides = array<i32>} : memref<16x16xf32, #tpu.memory_space<vmem>>, vector<16xf32>,
        %swap3A_1590 = arith.constant 10 : i32
        %swap3A_1591 = arith.index_cast %swap3A_1590 : i32 to index
        %swap3A_1592 = arith.constant 0 : index
        %swap3A_1593 = tpu.vector_load %arg19[%swap3A_1591, %swap3A_1592] {strides = array<i32>} : memref<16x16xf32, #tpu.memory_space<vmem>>, vector<16xf32>,
        tpu.vector_store %arg19[%swap3A_1591, %swap3A_1592], %add3A_1499 {strides = array<i32>} : memref<16x16xf32, #tpu.memory_space<vmem>>, vector<16xf32>,
        %swap3A_1594 = arith.constant 11 : i32
        %swap3A_1595 = arith.index_cast %swap3A_1594 : i32 to index
        %swap3A_1596 = arith.constant 0 : index
        %swap3A_1597 = tpu.vector_load %arg19[%swap3A_1595, %swap3A_1596] {strides = array<i32>} : memref<16x16xf32, #tpu.memory_space<vmem>>, vector<16xf32>,
        tpu.vector_store %arg19[%swap3A_1595, %swap3A_1596], %add3A_1509 {strides = array<i32>} : memref<16x16xf32, #tpu.memory_space<vmem>>, vector<16xf32>,
        %swap3A_1598 = arith.constant 12 : i32
        %swap3A_1599 = arith.index_cast %swap3A_1598 : i32 to index
        %swap3A_1600 = arith.constant 0 : index
        %swap3A_1601 = tpu.vector_load %arg19[%swap3A_1599, %swap3A_1600] {strides = array<i32>} : memref<16x16xf32, #tpu.memory_space<vmem>>, vector<16xf32>,
        tpu.vector_store %arg19[%swap3A_1599, %swap3A_1600], %add3A_1519 {strides = array<i32>} : memref<16x16xf32, #tpu.memory_space<vmem>>, vector<16xf32>,
        %swap3A_1602 = arith.constant 13 : i32
        %swap3A_1603 = arith.index_cast %swap3A_1602 : i32 to index
        %swap3A_1604 = arith.constant 0 : index
        %swap3A_1605 = tpu.vector_load %arg19[%swap3A_1603, %swap3A_1604] {strides = array<i32>} : memref<16x16xf32, #tpu.memory_space<vmem>>, vector<16xf32>,
        tpu.vector_store %arg19[%swap3A_1603, %swap3A_1604], %add3A_1529 {strides = array<i32>} : memref<16x16xf32, #tpu.memory_space<vmem>>, vector<16xf32>,
        %swap3A_1606 = arith.constant 14 : i32
        %swap3A_1607 = arith.index_cast %swap3A_1606 : i32 to index
        %swap3A_1608 = arith.constant 0 : index
        %swap3A_1609 = tpu.vector_load %arg19[%swap3A_1607, %swap3A_1608] {strides = array<i32>} : memref<16x16xf32, #tpu.memory_space<vmem>>, vector<16xf32>,
        tpu.vector_store %arg19[%swap3A_1607, %swap3A_1608], %add3A_1539 {strides = array<i32>} : memref<16x16xf32, #tpu.memory_space<vmem>>, vector<16xf32>,
        %swap3A_1610 = arith.constant 15 : i32
        %swap3A_1611 = arith.index_cast %swap3A_1610 : i32 to index
        %swap3A_1612 = arith.constant 0 : index
        %swap3A_1613 = tpu.vector_load %arg19[%swap3A_1611, %swap3A_1612] {strides = array<i32>} : memref<16x16xf32, #tpu.memory_space<vmem>>, vector<16xf32>,
        tpu.vector_store %arg19[%swap3A_1611, %swap3A_1612], %add3A_1549 {strides = array<i32>} : memref<16x16xf32, #tpu.memory_space<vmem>>, vector<16xf32>,
        %broadcast_in_dim3A_1614 = arith.constant 0 : i32
        %broadcast_in_dim3A_1615 = vector.broadcast %broadcast_in_dim3A_1614 : i32 to vector<16xi32>
        %gather3A = tpu.vector_load_idx %arg19[%iota3A, %broadcast_in_dim3A_1615] : memref<16x16xf32, #tpu.memory_space<vmem>>[vector<16xi32>, vector<16xi32>], vector<16xf32>,
        %broadcast_in_dim3A_1616 = arith.constant 1 : i32
        %broadcast_in_dim3A_1617 = vector.broadcast %broadcast_in_dim3A_1616 : i32 to vector<16xi32>
        %gather3A_1618 = tpu.vector_load_idx %arg19[%iota3A, %broadcast_in_dim3A_1617] : memref<16x16xf32, #tpu.memory_space<vmem>>[vector<16xi32>, vector<16xi32>], vector<16xf32>,
        %broadcast_in_dim3A_1619 = arith.constant 2 : i32
        %broadcast_in_dim3A_1620 = vector.broadcast %broadcast_in_dim3A_1619 : i32 to vector<16xi32>
        %gather3A_1621 = tpu.vector_load_idx %arg19[%iota3A, %broadcast_in_dim3A_1620] : memref<16x16xf32, #tpu.memory_space<vmem>>[vector<16xi32>, vector<16xi32>], vector<16xf32>,
        %broadcast_in_dim3A_1622 = arith.constant 3 : i32
        %broadcast_in_dim3A_1623 = vector.broadcast %broadcast_in_dim3A_1622 : i32 to vector<16xi32>
        %gather3A_1624 = tpu.vector_load_idx %arg19[%iota3A, %broadcast_in_dim3A_1623] : memref<16x16xf32, #tpu.memory_space<vmem>>[vector<16xi32>, vector<16xi32>], vector<16xf32>,
        %broadcast_in_dim3A_1625 = arith.constant 4 : i32
        %broadcast_in_dim3A_1626 = vector.broadcast %broadcast_in_dim3A_1625 : i32 to vector<16xi32>
        %gather3A_1627 = tpu.vector_load_idx %arg19[%iota3A, %broadcast_in_dim3A_1626] : memref<16x16xf32, #tpu.memory_space<vmem>>[vector<16xi32>, vector<16xi32>], vector<16xf32>,
        %broadcast_in_dim3A_1628 = arith.constant 5 : i32
        %broadcast_in_dim3A_1629 = vector.broadcast %broadcast_in_dim3A_1628 : i32 to vector<16xi32>
        %gather3A_1630 = tpu.vector_load_idx %arg19[%iota3A, %broadcast_in_dim3A_1629] : memref<16x16xf32, #tpu.memory_space<vmem>>[vector<16xi32>, vector<16xi32>], vector<16xf32>,
        %broadcast_in_dim3A_1631 = arith.constant 6 : i32
        %broadcast_in_dim3A_1632 = vector.broadcast %broadcast_in_dim3A_1631 : i32 to vector<16xi32>
        %gather3A_1633 = tpu.vector_load_idx %arg19[%iota3A, %broadcast_in_dim3A_1632] : memref<16x16xf32, #tpu.memory_space<vmem>>[vector<16xi32>, vector<16xi32>], vector<16xf32>,
        %broadcast_in_dim3A_1634 = arith.constant 7 : i32
        %broadcast_in_dim3A_1635 = vector.broadcast %broadcast_in_dim3A_1634 : i32 to vector<16xi32>
        %gather3A_1636 = tpu.vector_load_idx %arg19[%iota3A, %broadcast_in_dim3A_1635] : memref<16x16xf32, #tpu.memory_space<vmem>>[vector<16xi32>, vector<16xi32>], vector<16xf32>,
        %broadcast_in_dim3A_1637 = arith.constant 8 : i32
        %broadcast_in_dim3A_1638 = vector.broadcast %broadcast_in_dim3A_1637 : i32 to vector<16xi32>
        %gather3A_1639 = tpu.vector_load_idx %arg19[%iota3A, %broadcast_in_dim3A_1638] : memref<16x16xf32, #tpu.memory_space<vmem>>[vector<16xi32>, vector<16xi32>], vector<16xf32>,
        %broadcast_in_dim3A_1640 = arith.constant 9 : i32
        %broadcast_in_dim3A_1641 = vector.broadcast %broadcast_in_dim3A_1640 : i32 to vector<16xi32>
        %gather3A_1642 = tpu.vector_load_idx %arg19[%iota3A, %broadcast_in_dim3A_1641] : memref<16x16xf32, #tpu.memory_space<vmem>>[vector<16xi32>, vector<16xi32>], vector<16xf32>,
        %broadcast_in_dim3A_1643 = arith.constant 10 : i32
        %broadcast_in_dim3A_1644 = vector.broadcast %broadcast_in_dim3A_1643 : i32 to vector<16xi32>
        %gather3A_1645 = tpu.vector_load_idx %arg19[%iota3A, %broadcast_in_dim3A_1644] : memref<16x16xf32, #tpu.memory_space<vmem>>[vector<16xi32>, vector<16xi32>], vector<16xf32>,
        %broadcast_in_dim3A_1646 = arith.constant 11 : i32
        %broadcast_in_dim3A_1647 = vector.broadcast %broadcast_in_dim3A_1646 : i32 to vector<16xi32>
        %gather3A_1648 = tpu.vector_load_idx %arg19[%iota3A, %broadcast_in_dim3A_1647] : memref<16x16xf32, #tpu.memory_space<vmem>>[vector<16xi32>, vector<16xi32>], vector<16xf32>,
        %broadcast_in_dim3A_1649 = arith.constant 12 : i32
        %broadcast_in_dim3A_1650 = vector.broadcast %broadcast_in_dim3A_1649 : i32 to vector<16xi32>
        %gather3A_1651 = tpu.vector_load_idx %arg19[%iota3A, %broadcast_in_dim3A_1650] : memref<16x16xf32, #tpu.memory_space<vmem>>[vector<16xi32>, vector<16xi32>], vector<16xf32>,
        %broadcast_in_dim3A_1652 = arith.constant 13 : i32
        %broadcast_in_dim3A_1653 = vector.broadcast %broadcast_in_dim3A_1652 : i32 to vector<16xi32>
        %gather3A_1654 = tpu.vector_load_idx %arg19[%iota3A, %broadcast_in_dim3A_1653] : memref<16x16xf32, #tpu.memory_space<vmem>>[vector<16xi32>, vector<16xi32>], vector<16xf32>,
        %broadcast_in_dim3A_1655 = arith.constant 14 : i32
        %broadcast_in_dim3A_1656 = vector.broadcast %broadcast_in_dim3A_1655 : i32 to vector<16xi32>
        %gather3A_1657 = tpu.vector_load_idx %arg19[%iota3A, %broadcast_in_dim3A_1656] : memref<16x16xf32, #tpu.memory_space<vmem>>[vector<16xi32>, vector<16xi32>], vector<16xf32>,
        %broadcast_in_dim3A_1658 = arith.constant 15 : i32
        %broadcast_in_dim3A_1659 = vector.broadcast %broadcast_in_dim3A_1658 : i32 to vector<16xi32>
        %gather3A_1660 = tpu.vector_load_idx %arg19[%iota3A, %broadcast_in_dim3A_1659] : memref<16x16xf32, #tpu.memory_space<vmem>>[vector<16xi32>, vector<16xi32>], vector<16xf32>,
        %add3A_1661 = arith.addf %gather3A, %gather3A_1618 : vector<16xf32>
        %add3A_1662 = arith.addf %gather3A_1621, %gather3A_1624 : vector<16xf32>
        %add3A_1663 = arith.addf %gather3A_1627, %gather3A_1630 : vector<16xf32>
        %add3A_1664 = arith.addf %gather3A_1633, %gather3A_1636 : vector<16xf32>
        %add3A_1665 = arith.addf %gather3A_1639, %gather3A_1642 : vector<16xf32>
        %add3A_1666 = arith.addf %gather3A_1645, %gather3A_1648 : vector<16xf32>
        %add3A_1667 = arith.addf %gather3A_1651, %gather3A_1654 : vector<16xf32>
        %add3A_1668 = arith.addf %gather3A_1657, %gather3A_1660 : vector<16xf32>
        %add3A_1669 = arith.addf %add3A_1661, %add3A_1662 : vector<16xf32>
        %add3A_1670 = arith.addf %add3A_1663, %add3A_1664 : vector<16xf32>
        %add3A_1671 = arith.addf %add3A_1665, %add3A_1666 : vector<16xf32>
        %add3A_1672 = arith.addf %add3A_1667, %add3A_1668 : vector<16xf32>
        %add3A_1673 = arith.addf %add3A_1669, %add3A_1670 : vector<16xf32>
        %add3A_1674 = arith.addf %add3A_1671, %add3A_1672 : vector<16xf32>
        %add3A_1675 = arith.addf %add3A_1673, %add3A_1674 : vector<16xf32>
        %exp3A = math.exp %add3A_1675 : vector<16xf32>
        %add3A_1676 = arith.constant 1.000000e+00 : f32
        %add3A_1677 = vector.broadcast %add3A_1676 : f32 to vector<16xf32>
        %add3A_1678 = arith.addf %add3A_1677, %exp3A : vector<16xf32>
        %div3A = arith.constant 1.000000e+00 : f32
        %div3A_1679 = vector.broadcast %div3A : f32 to vector<16xf32>
        %div3A_1680 = arith.divf %div3A_1679, %add3A_1678 : vector<16xf32>
        %swap3A_1681 = arith.index_cast %add3A_286 : i32 to index
        %swap3A_1682 = tpu.vector_load %arg18[%swap3A_1681] {strides = array<i32>} : memref<512xf32, #tpu.memory_space<vmem>>, vector<16xf32>,
        tpu.vector_store %arg18[%swap3A_1681], %div3A_1680 {strides = array<i32>} : memref<512xf32, #tpu.memory_space<vmem>>, vector<16xf32>,
      }
      %scan3A_280 = arith.constant 8 : i32
    }
    %scan3A_254 = arith.constant 4 : i32
    %dma_wait3A_255 = arith.constant 0 : i32
    %dma_wait3A_256 = tpu.memref_slice %arg7[%dma_wait3A_255, %mul3A_2] : memref<1x1024xf32, #tpu.memory_space<hbm>> -> memref<1x32xf32, #tpu.memory_space<hbm>>
    %dma_wait3A_257 = tpu.memref_squeeze %dma_wait3A_256 : memref<1x32xf32, #tpu.memory_space<hbm>> -> memref<32xf32, #tpu.memory_space<hbm>>
    %dma_wait3A_258 = tpu.memref_slice %arg7[%dma_wait3A_255, %mul3A_2] : memref<1x1024xf32, #tpu.memory_space<hbm>> -> memref<1x32xf32, #tpu.memory_space<hbm>>
    %dma_wait3A_259 = tpu.memref_squeeze %dma_wait3A_258 : memref<1x32xf32, #tpu.memory_space<hbm>> -> memref<32xf32, #tpu.memory_space<hbm>>
    tpu.wait_dma2 semaphore(%arg22 : memref<!tpu.dma_semaphore, #tpu.memory_space<semaphore_mem>>) src(%arg15 : memref<32xf32, #tpu.memory_space<vmem>>) dst(%dma_wait3A_259 : memref<32xf32, #tpu.memory_space<hbm>>)
    %run_scoped3A = arith.constant 0 : i32
    "tpu.region"() ({
      %run_scoped3A_260 = tpu.sem_alloc : memref<!tpu.dma_semaphore, #tpu.memory_space<semaphore_mem>>
      %dma_start3A_261 = tpu.memref_slice %arg8[%run_scoped3A, %mul3A_4] : memref<1x16384xf32, #tpu.memory_space<hbm>> -> memref<1x512xf32, #tpu.memory_space<hbm>>
      %dma_start3A_262 = tpu.memref_squeeze %dma_start3A_261 : memref<1x512xf32, #tpu.memory_space<hbm>> -> memref<512xf32, #tpu.memory_space<hbm>>
      %dma_start3A_263 = tpu.memref_slice %arg8[%run_scoped3A, %mul3A_4] : memref<1x16384xf32, #tpu.memory_space<hbm>> -> memref<1x512xf32, #tpu.memory_space<hbm>>
      %dma_start3A_264 = tpu.memref_squeeze %dma_start3A_263 : memref<1x512xf32, #tpu.memory_space<hbm>> -> memref<512xf32, #tpu.memory_space<hbm>>
      tpu.enqueue_dma source(%arg18 : memref<512xf32, #tpu.memory_space<vmem>>) target(%dma_start3A_264 : memref<512xf32, #tpu.memory_space<hbm>>) target_semaphore(%run_scoped3A_260 : memref<!tpu.dma_semaphore, #tpu.memory_space<semaphore_mem>>)
      %dma_wait3A_265 = tpu.memref_slice %arg8[%run_scoped3A, %mul3A_4] : memref<1x16384xf32, #tpu.memory_space<hbm>> -> memref<1x512xf32, #tpu.memory_space<hbm>>
      %dma_wait3A_266 = tpu.memref_squeeze %dma_wait3A_265 : memref<1x512xf32, #tpu.memory_space<hbm>> -> memref<512xf32, #tpu.memory_space<hbm>>
      %dma_wait3A_267 = tpu.memref_slice %arg8[%run_scoped3A, %mul3A_4] : memref<1x16384xf32, #tpu.memory_space<hbm>> -> memref<1x512xf32, #tpu.memory_space<hbm>>
      %dma_wait3A_268 = tpu.memref_squeeze %dma_wait3A_267 : memref<1x512xf32, #tpu.memory_space<hbm>> -> memref<512xf32, #tpu.memory_space<hbm>>
      tpu.wait_dma2 semaphore(%run_scoped3A_260 : memref<!tpu.dma_semaphore, #tpu.memory_space<semaphore_mem>>) src(%arg18 : memref<512xf32, #tpu.memory_space<vmem>>) dst(%dma_wait3A_268 : memref<512xf32, #tpu.memory_space<hbm>>)
      tpu.yield
    }) : () -> ()
    return
  }
}

</mosaic_0001>

<sc_bundles>
// kernel: _cbow_sc.3.cloned.1.call-start
scs
__scs_entry_jumppad:
0x0: {  	(pc) =	sbr.rel $0x88, $3  }
0x1: {  	(tag) =	ssettag $0x0;
	lr =	simm.s32 $0x1  }
0x2: {  	[smem:$0x3F9C] =	sst lr;
	_ =	strace $0xD0000000  }
0x3: {  	_ = 	snop  }
0x4: {  	_ = 	snop  }
0x5: {  	_ = 	snop  }
0x6: {  	_ = 	snop  }
0x7: {  	_ = 	snop  }
__scs_overlays_trampoline_lowered:
0x8: {  	[smem:$0x3FAB] =	sst s0  }
0x9: {  	[smem:$0x3FAC] =	sst s1  }
0xa: {  	[smem:$0x3FAD] =	sst s2  }
0xb: {  	[smem:$0x3FAE] =	sst s3  }
0xc: {  	[smem:$0x3FAF] =	sst s4  }
0xd: {  	[smem:$0x3FB0] =	sst s5  }
0xe: {  	[smem:$0x3FB1] =	sst s6  }
0xf: {  	[smem:$0x3FB2] =	sst s7  }
0x10: {  	[smem:$0x3FB3] =	sst s8  }
0x11: {  	[smem:$0x3FB4] =	sst s9;
	s0 =	simm.s32 @!p0 $0x0  }
0x12: {  	s1 =	sld [smem:$0x3F9A];
	s0 =	simm.s32 @p0 $0x1  }
0x13: {  	[smem:$0x3FB5] =	sst s0;
	s0 =	simm.s32 @!p1 $0x0  }
0x14: {  	s2 =	sld [smem:$0x3F99];
	s0 =	simm.s32 @p1 $0x1  }
0x15: {  	[smem:$0x3FB6] =	sst s0;
	s0 =	simm.s32 @!p2 $0x0  }
0x16: {  	s3 =	sld [smem:$0x3FDB];
	s0 =	simm.s32 @p2 $0x1  }
0x17: {  	s4 =	simm.s32 $0x1BF5;
	[smem:$0x3FB8] =	sst s0  }
0x18: {  	s0 =	sld [smem:$0x3F9B];
	_ =	swait.ge [sflag:s4], $0x0  }
0x19: {  	s7 =	sld [smem:$0x3F9C]  }
0x1a: {  	s8 =	sadd.s32 $0xFFFFE003, lr  }
0x1b: {  	s9 =	sadd.s32 $0xFFFFFEF7, lr;
	s5 =	simm.s32 $0xFFFFFFFF;
	p2 =	slt.u32 s8, $0xFFFFF086  }
0x1c: {  	p1 =	slt.u32 s9, $0xF7A;
	s5 =	simm.s32 @!p2 $0x0  }
0x1d: {  	s5 =	simm.s32 @p1 $0x1;
	p0 =	seq.s32 s7, s2  }
0x1e: {  	s7 =	smul.u32 @!p0 $0xF7A, s2;
	p2 =	seq.s32 @!p0 s5, $0x0  }
0x1f: {  	s9 =	smul.u32 $0xF7A, s1;
	s8 =	simm.s32 @!p0 $0x1BF5;
	p2 =	por !p2, p0  }
0x20: {  	[sflag:s8] =	ssyncset.s32 @!p0 $0xFFFFF086;
	s6 =	sadd.s32 @!p0 s3, s7;
	s7 =	simm.s32 @!p0 $0x108  }
0x21: {  	s3 =	sadd.s32 s3, s9;
	s6 =	sadd.s32 @!p0 $0x88, s6;
	s7 =	simm.s32 @p2 $0x1082  }
0x22: {  	[simem:s7], [sflag:s8] =	dma.local @!p0 [hbm:s6], $0xF7A  }
0x23: {  	s9 =	sor.u32 $0xD0000000, s2;
	s6 =	simm.s32 $0x108;
	_ =	swait.ge @!p0 [sflag:s8], $0x0  }
0x24: {  	s3 =	sadd.s32 $0x88, s3;
	s6 =	simm.s32 @!p1 $0x1082;
	[sflag:s4] =	ssyncset.s32 $0xFFFFF086  }
0x25: {  	[simem:s6], [sflag:s4] =	dma.local [hbm:s3], $0xF7A  }
0x26: {  	[smem:$0x3F9C] =	sst s1;
	(tag) =	ssettag s2;
	_ =	strace s9  }
0x27: {  	s1 =	sld [smem:$0x3FAC]  }
0x28: {  	s2 =	sld [smem:$0x3FAD]  }
0x29: {  	s4 =	sld [smem:$0x3FAF]  }
0x2a: {  	p0 =	seq.s32 s5, $0x0;
	s5 =	sld [smem:$0x3FB0]  }
0x2b: {  	s6 =	sld [smem:$0x3FB1]  }
0x2c: {  	s7 =	sld [smem:$0x3FB2]  }
0x2d: {  	s3 =	simm.s32 $0x108;
	s8 =	sld [smem:$0x3FB3]  }
0x2e: {  	s3 =	simm.s32 @!p0 $0x1082;
	s9 =	sld [smem:$0x3FB4]  }
0x2f: {  	lr =	sadd.s32 s0, s3;
	s0 =	sld [smem:$0x3FAB]  }
0x30: {  	s3 =	sld [smem:$0x3FAE]  }
0x31: {  	[smem:$0x3FB7] =	sst s10  }
0x32: {  	s10 =	sld [smem:$0x3FB5];
	_ =	sdelay $0x3  }
0x33: {  	p0 =	seq.s32 s10, $0x1;
	s10 =	sld [smem:$0x3FB7];
	_ =	sdelay $0x3  }
0x34: {  	[smem:$0x3FB7] =	sst s10  }
0x35: {  	s10 =	sld [smem:$0x3FB6];
	_ =	sdelay $0x3  }
0x36: {  	p1 =	seq.s32 s10, $0x1;
	s10 =	sld [smem:$0x3FB7];
	_ =	sdelay $0x3  }
0x37: {  	[smem:$0x3FB7] =	sst s10  }
0x38: {  	s10 =	sld [smem:$0x3FB8]  }
0x39: {  	_ = 	snop;
	(pc) =	sbr.ind lr, $3  }
0x3a: {  	_ = 	snop  }
0x3b: {  	_ = 	snop  }
0x3c: {  	p2 =	seq.s32 s10, $0x1;
	s10 =	sld [smem:$0x3FB7]  }
0x3d: {  	_ =	shalt  }
0x3e: {  	_ =	shalt  }
0x3f: {  	_ =	shalt  }
0x40: {  	_ =	shalt  }
0x41: {  	_ =	shalt  }
0x42: {  	_ =	shalt  }
0x43: {  	_ =	shalt  }
0x44: {  	_ =	shalt  }
0x45: {  	_ =	shalt  }
0x46: {  	_ =	shalt  }
0x47: {  	_ =	shalt  }
0x48: {  	_ =	shalt  }
0x49: {  	_ =	shalt  }
0x4a: {  	_ =	shalt  }
0x4b: {  	_ =	shalt  }
0x4c: {  	_ =	shalt  }
0x4d: {  	_ =	shalt  }
0x4e: {  	_ =	shalt  }
0x4f: {  	_ =	shalt  }
0x50: {  	_ =	shalt  }
0x51: {  	_ =	shalt  }
0x52: {  	_ =	shalt  }
0x53: {  	_ =	shalt  }
0x54: {  	_ =	shalt  }
0x55: {  	_ =	shalt  }
0x56: {  	_ =	shalt  }
0x57: {  	_ =	shalt  }
0x58: {  	_ =	shalt  }
0x59: {  	_ =	shalt  }
0x5a: {  	_ =	shalt  }
0x5b: {  	_ =	shalt  }
0x5c: {  	_ =	shalt  }
0x5d: {  	_ =	shalt  }
0x5e: {  	_ =	shalt  }
0x5f: {  	_ =	shalt  }
0x60: {  	_ =	shalt  }
0x61: {  	_ =	shalt  }
0x62: {  	_ =	shalt  }
0x63: {  	_ =	shalt  }
0x64: {  	_ =	shalt  }
0x65: {  	_ =	shalt  }
0x66: {  	_ =	shalt  }
0x67: {  	_ =	shalt  }
0x68: {  	_ =	shalt  }
0x69: {  	_ =	shalt  }
0x6a: {  	_ =	shalt  }
0x6b: {  	_ =	shalt  }
0x6c: {  	_ =	shalt  }
0x6d: {  	_ =	shalt  }
0x6e: {  	_ =	shalt  }
0x6f: {  	_ =	shalt  }
0x70: {  	_ =	shalt  }
0x71: {  	_ =	shalt  }
0x72: {  	_ =	shalt  }
0x73: {  	_ =	shalt  }
0x74: {  	_ =	shalt  }
0x75: {  	_ =	shalt  }
0x76: {  	_ =	shalt  }
0x77: {  	_ =	shalt  }
0x78: {  	_ =	shalt  }
0x79: {  	_ =	shalt  }
0x7a: {  	_ =	shalt  }
0x7b: {  	_ =	shalt  }
0x7c: {  	_ =	shalt  }
0x7d: {  	_ =	shalt  }
0x7e: {  	_ =	shalt  }
0x7f: {  	_ =	shalt  }
0x80: {  	_ =	shalt  }
0x81: {  	_ =	shalt  }
0x82: {  	_ =	shalt  }
0x83: {  	_ =	shalt  }
0x84: {  	_ =	shalt  }
0x85: {  	_ =	shalt  }
0x86: {  	_ =	shalt  }
0x87: {  	_ =	shalt  }
.Lfunc_end0:
.L_simem_size_0:
called_computation_lowered:
.L_overlay_start_0:
0x88: {  	s2 =	sld [smem:$0x3FD9]  }
0x89: {  	s3 =	sld [smem:$0x3FFE];
	_ =	sdelay $0x1  }
0x8a: {  	s1 =	srdreg.scid  }
0x8b: {  	s0 =	sand.u32 $0x1, s1  }
0x8c: {  	s15 =	sshll.u32 s0, $0xA;
	s2 =	sadd.s32 s3, s2  }
0x8d: {  	s2 =	sadd.s32 s2, s15  }
0x8e: {  	[smem:$0x3FC3] =	sst s2  }
0x8f: {  	_ = 	snop  }
0x90: {  	s2 =	sld [smem:$0x3FC9]  }
0x91: {  	s16 =	sld [smem:$0x3FC8]  }
0x92: {  	s4 =	sld [smem:$0x3FD0]  }
0x93: {  	s5 =	sld [smem:$0x3FC7]  }
0x94: {  	s6 =	sld [smem:$0x3FC6]  }
0x95: {  	s8 =	simm.s32 $0xA;
	s9 =	simm.s32 $0x10;
	s7 =	sld [smem:$0x3FC5]  }
0x96: {  	[smem:s9], [sflag:s8] =	dma.local [hbm:s4], $0x1  }
0x97: {  	_ =	swait.eq [sflag:s8], $0x1  }
0x98: {  	[sflag:s8] =	ssyncset.done $0x0  }
0x99: {  	s17 =	sld [smem:$0x10];
	[sflag:s8] =	ssyncadd.s32 $0xFFFFFFFF  }
0x9a: {  	s18 =	sld [smem:$0x11];
	(tm) =	ssettm $0x1  }
0x9b: {  	s19 =	sld [smem:$0x3FFB];
	_ =	sdelay $0x3  }
0x9c: {  	_ =	strace s19  }
0x9d: {  	s9 =	sld [smem:$0x3FFC];
	_ =	sdelay $0x3  }
0x9e: {  	_ =	strace s9  }
0x9f: {  	s9 =	sld [smem:$0x3FFD];
	_ =	sdelay $0x3  }
0xa0: {  	_ =	strace s9  }
0xa1: {  	_ =	strace $0x8FFFFFFF  }
0xa2: {  	s20 =	sld [smem:$0x3FDB];
	_ =	sdelay $0x1  }
0xa3: {  	s10 =	simm.s32 $_scs_section_size  }
0xa4: {  	s11 =	simm.s32 $_size__tile_overlayer_lowered;
	s12 =	simm.s32 $_tile_overlayer_lowered  }
0xa5: {  	s23 =	simm.s32 $0x1BFF;
	s22 =	sshll.u32 s12, $0x1;
	s9 =	sadd.s32 s10, s20  }
0xa6: {  	s13 =	simm.s32 $0x0;
	s21 =	sshll.u32 s11, $0x1;
	s11 =	sadd.s32 s22, s9  }
0xa7: {  	[timem:s13], [sflag:s23] =	dma.local [hbm:s11], s21  }
0xa8: {  	_ =	swait.ge [sflag:s23], s21  }
0xa9: {  	s10 =	ssub.s32 $0x0, s21;
	[sflag:s23] =	ssyncset.done $0x0  }
0xaa: {  	[sflag:s23] =	ssyncadd.s32 s10;
	_ =	sdelay $0x1  }
0xab: {  	s24 =	simm.s32 $0x1B8B  }
0xac: {  	_ =	swait.ge [sflag:s24], $0x1  }
0xad: {  	[sflag:s24] =	ssyncset.done $0x0  }
0xae: {  	s25 =	simm.s32 $0x1B8E;
	[sflag:s24] =	ssyncadd.s32 $0xFFFFFFFF  }
0xaf: {  	s26 =	simm.s32 $execute0_lowered;
	[smem:$0x3FD2] =	sst s25  }
0xb0: {  	s10 =	sshll.u32 s26, $0x1;
	_ =	strace $0x80000046;
	[dreg:$0x1] =	wrdreg $0xFFFFFFFF  }
0xb1: {  	s28 =	simm.s32 $_size_execute0_lowered;
	s9 =	sadd.s32 s9, s10;
	[dreg:$0x0] =	wrdreg $0x0  }
0xb2: {  	s10 =	sshll.u32 s28, $0x1;
	[dreg:$0x2] =	wrdreg s9  }
0xb3: {  	[dreg:$0x3] =	wrdreg s10  }
0xb4: {  	[dreg:$0x4] =	wrdreg $0xC0  }
0xb5: {  	_ =	task [dreg:s13], $0x5FFFF  }
0xb6: {  	[dreg:$0x1] =	wrdreg $0xFFFFFFFF  }
0xb7: {  	[dreg:$0x0] =	wrdreg $0x60  }
0xb8: {  	[dreg:$0x2] =	wrdreg s2  }
0xb9: {  	[dreg:$0x3] =	wrdreg s16  }
0xba: {  	[dreg:$0x4] =	wrdreg s5  }
0xbb: {  	[dreg:$0x5] =	wrdreg s6  }
0xbc: {  	[dreg:$0x6] =	wrdreg s7  }
0xbd: {  	[dreg:$0x7] =	wrdreg s17  }
0xbe: {  	[dreg:$0x8] =	wrdreg s18  }
0xbf: {  	[dreg:$0x9] =	wrdreg $0x12E000  }
0xc0: {  	[dreg:$0xa] =	wrdreg $0x9  }
0xc1: {  	_ =	task.clear_ibuf [dreg:s13], $0xBFFFF;
	_ =	strace $0x90000046  }
0xc2: {  	s29 =	simm.s32 $0x9;
	_ =	strace $0x80000048  }
0xc3: {  	_ =	swait.ge [sflag:s29], $0x1  }
0xc4: {  	[sflag:s29] =	ssyncadd.s32 $0xFFFFFFFF  }
0xc5: {  	_ =	strace $0x90000048  }
0xc6: {  	_ =	sfence  }
0xc7: {  	s30 =	sld [smem:$0x0];
	_ =	sdelay $0x2  }
0xc8: {  	s31 =	sshll.u32 s1, $0xD;
	s1 =	sshrl.u32 s1, $0x2  }
0xc9: {  	s3 =	sand.u32 $0x4000, s31;
	s1 =	sadd.s32 s1, s30  }
0xca: {  	s0 =	sor.u32 s3, s0;
	s1 =	sshll.u32 s1, $0x11  }
0xcb: {  	s0 =	sor.u32 s1, s0  }
0xcc: {  	s0 =	sadd.s32 $0x8F2B, s0  }
0xcd: {  	[sflag:s0] =	ssyncadd.remote.s32 $0x1  }
0xce: {  	_ =	sfence.sel $0xFFFF  }
0xcf: {  	[dreg:$0x0] =	wrdreg $0xFFFFFFFF;
	(pc) =	sbr.abs _section_cstart, $3  }
0xd0: {  	[dreg:$0x1] =	wrdreg $0xFFFFFFFF  }
0xd1: {  	_ =	task.clear_ibuf [dreg:s13], $0x2FFFF;
	_ =	strace $0x9FFFFFFF  }
0xd2: {  	(tm) =	ssettm $0x7FFFFFFF  }
0xd3: {  	_ =	shalt  }
tec
execute0_lowered:
.L_overlay_start_1:
0x0: {  	(tag) =	ssettag $0x1  }
0x1: {  	s0 =	rddreg [dreg:$0x0]  }
0x2: {  	s1 =	rddreg [dreg:$0x1]  }
0x3: {  	s3 =	rddreg [dreg:$0x2]  }
0x4: {  	s2 =	rddreg [dreg:$0x4]  }
0x5: {  	s4 =	rddreg [dreg:$0x5];
	s5 =	srdreg.scid;
	v0 =	vlaneseq.u32  }
0x6: {  	s16 =	rddreg [dreg:$0x6];
	s6 =	sand.u32 $0x1, s5;
	s5 =	simm.s32 $0x0;
	v16 =	vmul.u32 $0x80, v0  }
0x7: {  	[smem:$0x7FF] =	sst s5  }
0x8: {  	s13 =	rddreg [dreg:$0x7];
	_ =	strace $0x80000047;
	v6 =	vor.u32 $0x1, v16;
	[tilespmem:$0x1FF00] =	vst v16  }
0x9: {  	v7 =	vor.u32 $0x2, v16;
	[tilespmem:$0x1FF10] =	vst v6  }
0xa: {  	v8 =	vor.u32 $0x3, v16;
	[tilespmem:$0x1FF20] =	vst v7  }
0xb: {  	v9 =	vor.u32 $0x4, v16;
	[tilespmem:$0x1FF30] =	vst v8  }
0xc: {  	s19 =	stileid.u32;
	s20 =	simm.s32 $0x1100;
	s21 =	simm.s32 $0x2200;
	v10 =	vor.u32 $0x5, v16;
	[tilespmem:$0x1FF40] =	vst v9  }
0xd: {  	s22 =	simm.s32 $0x2280;
	s23 =	simm.s32 $0x2300;
	s24 =	simm.s32 $0x2380;
	v11 =	vor.u32 $0x6, v16;
	[tilespmem:$0x1FF50] =	vst v10  }
0xe: {  	s25 =	simm.s32 $0x7;
	s26 =	simm.s32 $0x2;
	s28 =	simm.s32 $0x12600;
	v12 =	vor.u32 $0x7, v16;
	[tilespmem:$0x1FF60] =	vst v11  }
0xf: {  	s31 =	simm.s32 $0x0;
	s9 =	sshll.u32 s19, $0x1;
	s30 =	sshll.u32 s19, $0x7;
	v13 =	vor.u32 $0x8, v16;
	[tilespmem:$0x1FF70] =	vst v12  }
0x10: {  	p0 =	sgt.u32 s19, $0xB;
	s14 =	sshll.u32 s19, $0x4;
	p2 =	sgt.u32 s19, $0xC;
	v14 =	vor.u32 $0x9, v16;
	[tilespmem:$0x1FF80] =	vst v13  }
0x11: {  	s7 =	ssub.s32 $0x2, s6;
	s29 =	sor.u32 s6, s9;
	s6 =	sadd.s32 $0x18, s0;
	v15 =	vor.u32 $0xA, v16;
	[tilespmem:$0x1FF90] =	vst v14  }
0x12: {  	s13 =	sadd.s32 s30, s13;
	p1 =	sne.s32 @p0 s19, $0xC;
	s19 =	simm.s32 $0x80;
	v17 =	vor.u32 $0xB, v16;
	[tilespmem:$0x1FFA0] =	vst v15  }
0x13: {  	s8 =	sshrl.u32 s7, $0x1;
	s15 =	sshll.u32 s29, $0x2;
	s18 =	sshll.u32 s29, $0x6;
	v38 =	vor.u32 $0xC, v16;
	[tilespmem:$0x1FFB0] =	vst v17  }
0x14: {  	p1 =	por p1, !p0;
	v39 =	vor.u32 $0xD, v16;
	s17 =	ssub.s32 s7, s8;
	s7 =	sadd.s32 s0, s9;
	[tilespmem:$0x1FFC0] =	vst v38  }
0x15: {  	v40 =	vor.u32 $0xE, v16;
	s8 =	sadd.s32 s1, s15;
	s9 =	sadd.s32 s3, s18;
	s15 =	sadd.s32 s4, s15;
	[tilespmem:$0x1FFD0] =	vst v39  }
0x16: {  	v41 =	vor.u32 $0xF, v16;
	s16 =	sadd.s32 s16, s18;
	s18 =	simm.s32 $0x8;
	[tilespmem:$0x1FFE0] =	vst v40;
	s10 =	sadd.s32 $0x10, s9  }
0x17: {  	[tilespmem:$0x1FFF0] =	vst v41;
	s11 =	sadd.s32 $0x20, s9;
	s12 =	sadd.s32 $0x30, s9;
	s17 =	smax.u32 s17, $0x1  }
.LBB2_1:
0x18: {  	v0 =	vimm.s32 $0x0  }
0x19: {  	s0 =	simm.s32 @!p1 $0x0;
	[tilespmem:$0x0] =	vst v0  }
0x1a: {  	[tilespmem:s0], [sflag:$0x8] =	stream.linear.gather @!p1 [hbm4b:s6+s0], $0x8, $0x38;
	[tilespmem:$0x12E80] =	vst v63  }
0x1b: {  	s0 =	simm.s32 @!p1 $0x8  }
0x1c: {  	_ =	swait.ge @!p1 [sflag:s0], $0x8  }
0x1d: {  	[sflag:s0] =	ssyncset.done @!p1 $0x0  }
0x1e: {  	[sflag:s0] =	ssyncadd.s32 @!p1 $0xFFFFFFF8;
	s0 =	simm.s32 @!p0 $0x0  }
0x1f: {  	[tilespmem:s0], [sflag:$0x8] =	stream.linear.gather @!p0 [hbm4b:s7+s0], $0x10, $0x38;
	[tilespmem:$0x12E80] =	vst v63  }
0x20: {  	s0 =	simm.s32 @!p0 $0x8  }
0x21: {  	_ =	swait.ge @!p0 [sflag:s0], $0x10  }
0x22: {  	[sflag:s0] =	ssyncset.done @!p0 $0x0  }
0x23: {  	[sflag:s0] =	ssyncadd.s32 @!p0 $0xFFFFFFF0  }
0x24: {  	s1 =	simm.s32 $0x10;
	s0 =	rddreg [dreg:$0x3]  }
0x25: {  	[tilespmem:s19], [sflag:$0x1] =	stream.indirect.gather [hbm4b:s0+s1], $0x80, s5, s1, $0xb8;
	[tilespmem:$0x12E80] =	vst v63  }
0x26: {  	_ = 	snop  }
0x27: {  	[tilespmem:s20], [sflag:$0x7] =	stream.linear.gather [hbm4b:s8+s5], $0x20, $0x38;
	[tilespmem:$0x12E80] =	vst v63  }
0x28: {  	_ = 	snop  }
0x29: {  	[tilespmem:s21], [sflag:$0x7] =	stream.linear.gather [hbm4b:s9+s5], $0x80, $0x38;
	[tilespmem:$0x12E80] =	vst v63  }
0x2a: {  	_ = 	snop  }
0x2b: {  	[tilespmem:s22], [sflag:$0x7] =	stream.linear.gather [hbm4b:s10+s5], $0x80, $0x38;
	[tilespmem:$0x12E80] =	vst v63  }
0x2c: {  	_ = 	snop  }
0x2d: {  	[tilespmem:s23], [sflag:$0x7] =	stream.linear.gather [hbm4b:s11+s5], $0x80, $0x38;
	[tilespmem:$0x12E80] =	vst v63  }
0x2e: {  	_ = 	snop  }
0x2f: {  	[tilespmem:s24], [sflag:$0x7] =	stream.linear.gather [hbm4b:s12+s5], $0x80, $0x38;
	[tilespmem:$0x12E80] =	vst v63  }
0x30: {  	_ =	swait.ge [sflag:s25], $0x20  }
0x31: {  	[sflag:s25] =	ssyncset.done $0x0  }
0x32: {  	s29 =	simm.s32 $0x20;
	s30 =	simm.s32 $0x1180;
	[sflag:s25] =	ssyncadd.s32 $0xFFFFFFE0  }
0x33: {  	[tilespmem:s30], [sflag:$0x2] =	stream.indirect.gather [hbm4b:s2+s29], $0x80, s20, s29, $0xb8;
	[tilespmem:$0x12E80] =	vst v63  }
0x34: {  	_ =	swait.ge [sflag:s25], $0x80  }
0x35: {  	[sflag:s25] =	ssyncset.done $0x0  }
0x36: {  	s3 =	simm.s32 $0x2400;
	[sflag:s25] =	ssyncadd.s32 $0xFFFFFF80  }
0x37: {  	[tilespmem:s3], [sflag:$0x3] =	stream.indirect.gather [hbm4b:s2+s19], $0x80, s21, s19, $0xb8;
	[tilespmem:$0x12E80] =	vst v63  }
0x38: {  	_ =	swait.ge [sflag:s25], $0x80  }
0x39: {  	[sflag:s25] =	ssyncset.done $0x0  }
0x3a: {  	s4 =	simm.s32 $0x6400;
	[sflag:s25] =	ssyncadd.s32 $0xFFFFFF80  }
0x3b: {  	[tilespmem:s4], [sflag:$0x4] =	stream.indirect.gather [hbm4b:s2+s19], $0x80, s22, s19, $0xb8;
	[tilespmem:$0x12E80] =	vst v63  }
0x3c: {  	_ =	swait.ge [sflag:s25], $0x80  }
0x3d: {  	[sflag:s25] =	ssyncset.done $0x0  }
0x3e: {  	s29 =	simm.s32 $0xA400;
	[sflag:s25] =	ssyncadd.s32 $0xFFFFFF80  }
0x3f: {  	[tilespmem:s29], [sflag:$0x5] =	stream.indirect.gather [hbm4b:s2+s19], $0x80, s23, s19, $0xb8;
	[tilespmem:$0x12E80] =	vst v63  }
.Ltmp0:
0x40: {  	_ = 	snop;
	(pc) =	sbr.rel @p2 .LBB2_5-.Ltmp0, $4  }
0x41: {  	_ =	swait.ge [sflag:s25], $0x80  }
0x42: {  	v17 =	vimm.f32 $0.0e+00;
	v19 =	vimm.f32 $0.0e+00;
	v20 =	vimm.f32 $0.0e+00;
	[sflag:s25] =	ssyncset.done $0x0  }
0x43: {  	v21 =	vimm.f32 $0.0e+00;
	v22 =	vimm.f32 $0.0e+00;
	v23 =	vimm.f32 $0.0e+00;
	s30 =	simm.s32 $0xE400;
	[sflag:s25] =	ssyncadd.s32 $0xFFFFFF80  }
0x44: {  	v24 =	vimm.f32 $0.0e+00;
	v25 =	vimm.f32 $0.0e+00;
	v18 =	vimm.f32 $0.0e+00;
	[tilespmem:s30], [sflag:$0x6] =	stream.indirect.gather [hbm4b:s2+s19], $0x80, s24, s19, $0xb8;
	[tilespmem:$0x12E80] =	vst v63  }
0x45: {  	s0 =	simm.s32 $0x1  }
0x46: {  	_ =	swait.ge [sflag:s0], $0x800  }
0x47: {  	[sflag:s0] =	ssyncset.done $0x0  }
0x48: {  	s1 =	simm.s32 $0xC0;
	[sflag:s0] =	ssyncadd.s32 $0xFFFFF800  }
0x49: {  	v18 =	vld [tilespmem:s1+$0x30]  }
0x4a: {  	v19 =	vld [tilespmem:s1+$0xFFFFFFC0]  }
0x4b: {  	v21 =	vld [tilespmem:s1+$0xFFFFFFD0]  }
0x4c: {  	v22 =	vld [tilespmem:s1+$0xFFFFFFE0]  }
0x4d: {  	s30 =	sadd.s32 $0x0, s14  }
0x4e: {  	p3 =	slt.u32 s30, $0xC8;
	s0 =	simm.f32 $4.999999890e-03;
	v29 =	vld [tilespmem:s1+$0xFFFFFFF0]  }
0x4f: {  	v20 =	vimm.f32 $0.0e+00;
	v25 =	vimm.f32 $0.0e+00;
	v24 =	vimm.f32 $0.0e+00;
	s0 =	simm.s32 @!p3 $0x0;
	v30 =	vld [tilespmem:s1+$0x0]  }
0x50: {  	v23 =	vimm.f32 $0.0e+00;
	v26 =	vld [tilespmem:s1+$0x10];
	v18 =	vmul.f32 s0, v18;
	v19 =	vmul.f32 s0, v19  }
0x51: {  	v27 =	vld [tilespmem:s1+$0x20];
	s1 =	simm.s32 $0x140;
	v31 =	vmul.f32 s0, v21;
	v32 =	vmul.f32 s0, v22;
	v21 =	vimm.f32 $0.0e+00  }
0x52: {  	s3 =	simm.s32 $0x1;
	s29 =	simm.s32 $0x2;
	v28 =	vld [tilespmem:s1+$0x30];
	v22 =	vimm.f32 $0.0e+00;
	v18 =	vadd.f32 v18, v20;
	v19 =	vadd.f32 v19, v20  }
.LBB2_3:
0x53: {  	_ = 	snop  }
0x54: {  	p3 =	sne.s32 s29, $0xF;
	v33 =	vld [tilespmem:s1+$0xFFFFFFC0];
	v20 =	vadd.f32 v31, v20;
	v29 =	vmul.f32 s0, v29  }
0x55: {  	s30 =	sadd.s32 s3, s14;
	s3 =	smov.u32 s29;
	v31 =	vld [tilespmem:s1+$0xFFFFFFD0];
	v25 =	vadd.f32 v32, v25;
	v30 =	vmul.f32 s0, v30  }
0x56: {  	p4 =	slt.u32 s30, $0xC8;
	v32 =	vld [tilespmem:s1+$0xFFFFFFE0];
	v24 =	vadd.f32 v29, v24;
	v26 =	vmul.f32 s0, v26;
	v27 =	vmul.f32 s0, v27;
	s0 =	simm.f32 $4.999999890e-03  }
.Ltmp1:
0x57: {  	v29 =	vld [tilespmem:s1+$0xFFFFFFF0];
	v23 =	vadd.f32 v30, v23;
	s0 =	simm.s32 @!p4 $0x0;
	(pc) =	sbr.rel @p3 .LBB2_3-.Ltmp1, $4  }
0x58: {  	v21 =	vadd.f32 v26, v21;
	v30 =	vld [tilespmem:s1+$0x0];
	v28 =	vmul.f32 s0, v28  }
0x59: {  	v33 =	vmul.f32 s0, v33;
	v22 =	vadd.f32 v27, v22;
	v26 =	vld [tilespmem:s1+$0x10]  }
0x5a: {  	v31 =	vmul.f32 s0, v31;
	v27 =	vld [tilespmem:s1+$0x20];
	v18 =	vadd.f32 v28, v18;
	s1 =	sadd.s32 $0x80, s1  }
0x5b: {  	s29 =	sadd.s32 $0x1, s29;
	v19 =	vadd.f32 v33, v19;
	v32 =	vmul.f32 s0, v32;
	v28 =	vld [tilespmem:s1+$0x30]  }
0x5c: {  	v33 =	vld [tilespmem:s1+$0xFFFFFFC0]  }
0x5d: {  	v34 =	vld [tilespmem:s1+$0xFFFFFFD0]  }
0x5e: {  	v35 =	vld [tilespmem:s1+$0xFFFFFFE0]  }
0x5f: {  	v36 =	vld [tilespmem:s1+$0xFFFFFFF0]  }
0x60: {  	v29 =	vmul.f32 s0, v29;
	s3 =	sadd.s32 s3, s14;
	v37 =	vld [tilespmem:s1+$0x0]  }
0x61: {  	v20 =	vadd.f32 v31, v20;
	v60 =	vld [tilespmem:s1+$0x20];
	v25 =	vadd.f32 v32, v25;
	p3 =	slt.u32 s3, $0xC8;
	s3 =	simm.f32 $4.999999890e-03;
	v26 =	vmul.f32 s0, v26  }
0x62: {  	v59 =	vld [tilespmem:s1+$0x10];
	v30 =	vmul.f32 s0, v30;
	v24 =	vadd.f32 v29, v24;
	s3 =	simm.s32 @!p3 $0x0;
	v27 =	vmul.f32 s0, v27  }
0x63: {  	v28 =	vmul.f32 s3, v28;
	v26 =	vadd.f32 v26, v21;
	v61 =	vmul.f32 s3, v33  }
0x64: {  	v27 =	vadd.f32 v27, v22;
	v21 =	vmul.f32 s3, v34;
	v22 =	vmul.f32 s3, v35  }
0x65: {  	v23 =	vadd.f32 v30, v23;
	v62 =	vmul.f32 s3, v36;
	v63 =	vmul.f32 s3, v37  }
0x66: {  	v29 =	vmul.f32 s3, v60;
	v18 =	vadd.f32 v28, v18;
	v19 =	vadd.f32 v61, v19  }
0x67: {  	v20 =	vadd.f32 v21, v20;
	v21 =	vadd.f32 v22, v25;
	v25 =	vmul.f32 s3, v59  }
0x68: {  	v22 =	vadd.f32 v62, v24;
	v23 =	vadd.f32 v63, v23  }
0x69: {  	v24 =	vadd.f32 v25, v26;
	v25 =	vadd.f32 v29, v27  }
.LBB2_5:
0x6a: {  	[tilespmem:$0x880] =	vst v19  }
0x6b: {  	[tilespmem:$0x890] =	vst v20  }
0x6c: {  	[tilespmem:$0x8A0] =	vst v21  }
0x6d: {  	[tilespmem:$0x8B0] =	vst v22  }
0x6e: {  	[tilespmem:$0x8C0] =	vst v23  }
0x6f: {  	[tilespmem:$0x8F0] =	vst v18  }
0x70: {  	[tilespmem:$0x8D0] =	vst v24  }
0x71: {  	s0 =	simm.s32 $0x880;
	[tilespmem:$0x8E0] =	vst v25  }
0x72: {  	[spmem:s13] =	stream.linear.scatter [tilespmem:s0], [sflag:$0x8], $0x80, $0x38;
	[tilespmem:$0x12E80] =	vst v63  }
0x73: {  	_ =	swait.ge [sflag:s18], $0x80  }
0x74: {  	[sflag:s18] =	ssyncset.done $0x0  }
0x75: {  	[sflag:s18] =	ssyncadd.s32 $0xFFFFFF80  }
0x76: {  	[bflag:$0x0] =	sbarrier.arrive $0xFFFF  }
0x77: {  	s1 =	simm.s32 $0x900;
	s30 =	rddreg [dreg:$0x7]  }
0x78: {  	[tilespmem:s1], [sflag:$0x8] =	stream.linear.gather [spmem:s30], $0x800, $0x38;
	[tilespmem:$0x12E80] =	vst v63  }
0x79: {  	_ =	swait.ge [sflag:s18], $0x800  }
0x7a: {  	[sflag:s18] =	ssyncset.done $0x0  }
0x7b: {  	s3 =	simm.s32 $0x0;
	[sflag:s18] =	ssyncadd.s32 $0xFFFFF800  }
0x7c: {  	v18 =	vld [tilespmem:s3+$0x970]  }
0x7d: {  	v19 =	vld [tilespmem:s3+$0x900]  }
0x7e: {  	v20 =	vld [tilespmem:s3+$0x910]  }
0x7f: {  	v26 =	vld [tilespmem:s3+$0x920]  }
0x80: {  	v22 =	vld [tilespmem:s3+$0x930]  }
0x81: {  	v21 =	vimm.f32 $0.0e+00;
	v23 =	vld [tilespmem:s3+$0x940]  }
0x82: {  	v27 =	vimm.f32 $0.0e+00;
	v24 =	vimm.f32 $0.0e+00;
	v28 =	vld [tilespmem:s3+$0x950];
	v18 =	vadd.f32 v18, v17  }
0x83: {  	v25 =	vimm.f32 $0.0e+00;
	s0 =	simm.s32 $0x80;
	s1 =	simm.s32 $0x400;
	v29 =	vld [tilespmem:s3+$0x960];
	v19 =	vadd.f32 v19, v17;
	v20 =	vadd.f32 v20, v17  }
.LBB2_6:
0x84: {  	p3 =	sne.s32 s1, $0x1E00;
	v30 =	vld [tilespmem:s0+$0x970];
	v17 =	vadd.f32 v26, v17  }
0x85: {  	v31 =	vld [tilespmem:s0+$0x900];
	v21 =	vadd.f32 v22, v21  }
0x86: {  	v32 =	vld [tilespmem:s0+$0x910];
	v27 =	vadd.f32 v23, v27  }
.Ltmp2:
0x87: {  	v26 =	vld [tilespmem:s0+$0x920];
	v24 =	vadd.f32 v28, v24;
	(pc) =	sbr.rel @p3 .LBB2_6-.Ltmp2, $4  }
0x88: {  	v22 =	vld [tilespmem:s0+$0x930];
	v25 =	vadd.f32 v29, v25  }
0x89: {  	v23 =	vld [tilespmem:s0+$0x940];
	v18 =	vadd.f32 v30, v18  }
0x8a: {  	v19 =	vadd.f32 v31, v19;
	v28 =	vld [tilespmem:s0+$0x950]  }
0x8b: {  	v20 =	vadd.f32 v32, v20;
	v29 =	vld [tilespmem:s0+$0x960];
	s0 =	sshra.s32 s1, $0x2;
	s1 =	sadd.s32 $0x200, s1  }
0x8c: {  	v30 =	vld [tilespmem:s0+$0x970]  }
0x8d: {  	v31 =	vld [tilespmem:s0+$0x900]  }
0x8e: {  	v32 =	vld [tilespmem:s0+$0x910]  }
0x8f: {  	v33 =	vld [tilespmem:s0+$0x920]  }
0x90: {  	v34 =	vld [tilespmem:s0+$0x930]  }
0x91: {  	v0 =	vld [tilespmem:s0+$0x940]  }
0x92: {  	v26 =	vadd.f32 v26, v17;
	v36 =	vld [tilespmem:s0+$0x950]  }
0x93: {  	v21 =	vadd.f32 v22, v21;
	v22 =	vadd.f32 v23, v27;
	v27 =	vld [tilespmem:s0+$0x960]  }
0x94: {  	v23 =	vadd.f32 v28, v24;
	v24 =	vadd.f32 v29, v25  }
0x95: {  	v35 =	vadd.f32 v30, v18;
	v18 =	vadd.f32 v31, v19  }
0x96: {  	_ =	swait.ge [sflag:s26], $0x1000;
	v19 =	vadd.f32 v32, v20;
	v20 =	vadd.f32 v33, v26  }
0x97: {  	[sflag:s26] =	ssyncset.done $0x0;
	v21 =	vadd.f32 v34, v21;
	v22 =	vadd.f32 v0, v22  }
0x98: {  	p3 =	por $0x1, $0x1;
	s0 =	simm.s32 $0x0;
	v17 =	vld [tilespmem:$0x1FFB0];
	[sflag:s26] =	ssyncadd.s32 $0xFFFFF000;
	v23 =	vadd.f32 v36, v23;
	v24 =	vadd.f32 v27, v24  }
.LBB2_8:
0x99: {  	s1 =	sshll.u32 s0, $0xB  }
0x9a: {  	s1 =	sand.u32 $0x3FFFF800, s1  }
0x9b: {  	v25 =	vld [tilespmem:s1+$0x1180]  }
0x9c: {  	v27 =	vld [tilespmem:s1+$0x1200]  }
0x9d: {  	v32 =	vld [tilespmem:s1+$0x1280]  }
0x9e: {  	v33 =	vld [tilespmem:s1+$0x1300]  }
0x9f: {  	v2 =	vld [tilespmem:s1+$0x1380]  }
0xa0: {  	v36 =	vld [tilespmem:s1+$0x1400]  }
0xa1: {  	v37 =	vld [tilespmem:s1+$0x1480]  }
0xa2: {  	v38 =	vld [tilespmem:s1+$0x1500]  }
0xa3: {  	v39 =	vld [tilespmem:s1+$0x1580]  }
0xa4: {  	v40 =	vld [tilespmem:s1+$0x1600]  }
0xa5: {  	v41 =	vld [tilespmem:s1+$0x1680]  }
0xa6: {  	v42 =	vld [tilespmem:s1+$0x1700]  }
0xa7: {  	v43 =	vld [tilespmem:s1+$0x1780]  }
0xa8: {  	v44 =	vld [tilespmem:s1+$0x1800]  }
0xa9: {  	v45 =	vld [tilespmem:s1+$0x1880]  }
0xaa: {  	v0 =	vld [tilespmem:s1+$0x1900]  }
0xab: {  	v26 =	vld [tilespmem:s1+$0x1190]  }
0xac: {  	v47 =	vld [tilespmem:s1+$0x1210]  }
0xad: {  	v50 =	vld [tilespmem:s1+$0x15A0]  }
0xae: {  	v48 =	vld [tilespmem:s1+$0x1290]  }
0xaf: {  	v49 =	vld [tilespmem:s1+$0x1310]  }
0xb0: {  	v51 =	vld [tilespmem:s1+$0x1390]  }
0xb1: {  	v52 =	vld [tilespmem:s1+$0x1410]  }
0xb2: {  	[tilespmem:$0x1FCC0] =	vst v50;
	v50 =	vld [tilespmem:s1+$0x1620]  }
0xb3: {  	v53 =	vld [tilespmem:s1+$0x1490]  }
0xb4: {  	v54 =	vld [tilespmem:s1+$0x1510]  }
0xb5: {  	v55 =	vld [tilespmem:s1+$0x1590]  }
0xb6: {  	v56 =	vld [tilespmem:s1+$0x1610]  }
0xb7: {  	[tilespmem:$0x1FCD0] =	vst v50;
	v50 =	vld [tilespmem:s1+$0x16A0]  }
0xb8: {  	v57 =	vld [tilespmem:s1+$0x1690]  }
0xb9: {  	v58 =	vld [tilespmem:s1+$0x1710]  }
0xba: {  	v59 =	vld [tilespmem:s1+$0x1790]  }
0xbb: {  	v61 =	vld [tilespmem:s1+$0x1810]  }
0xbc: {  	[tilespmem:$0x1FCE0] =	vst v50;
	v50 =	vld [tilespmem:s1+$0x1720]  }
0xbd: {  	v60 =	vld [tilespmem:s1+$0x1890]  }
0xbe: {  	v63 =	vld [tilespmem:s1+$0x1910]  }
0xbf: {  	v62 =	vld [tilespmem:s1+$0x11A0]  }
0xc0: {  	v46 =	vld [tilespmem:s1+$0x1220]  }
0xc1: {  	[tilespmem:$0x1FCF0] =	vst v50;
	v50 =	vld [tilespmem:s1+$0x17A0]  }
0xc2: {  	v29 =	vld [tilespmem:s1+$0x12A0]  }
0xc3: {  	v28 =	vld [tilespmem:s1+$0x1320]  }
0xc4: {  	v30 =	vld [tilespmem:s1+$0x13A0]  }
0xc5: {  	v31 =	vld [tilespmem:s1+$0x1420]  }
0xc6: {  	[tilespmem:$0x1FD00] =	vst v50;
	v50 =	vld [tilespmem:s1+$0x1820]  }
0xc7: {  	v34 =	vld [tilespmem:s1+$0x14A0]  }
0xc8: {  	v4 =	vld [tilespmem:s1+$0x17B0]  }
0xc9: {  	v3 =	vld [tilespmem:s1+$0x1830]  }
0xca: {  	v5 =	vld [tilespmem:s1+$0x18B0]  }
0xcb: {  	[tilespmem:$0x1FD10] =	vst v50;
	v50 =	vld [tilespmem:s1+$0x18A0]  }
0xcc: {  	[tilespmem:$0x1FCB0] =	vst v34;
	v34 =	vld [tilespmem:s1+$0x1520];
	v27 =	vmul.f32 v27, v18;
	v1 =	vmul.f32 v47, v19  }
0xcd: {  	[tilespmem:$0x1FCA0] =	vst v0;
	v0 =	vld [tilespmem:s1+$0x1730]  }
0xce: {  	v47 =	vmul.f32 v51, v19;
	v51 =	vld [tilespmem:s1+$0x12C0];
	v27 =	vadd.f32 v1, v27;
	v1 =	vmul.f32 v2, v18  }
0xcf: {  	v2 =	vld [tilespmem:s1+$0x11C0]  }
0xd0: {  	v37 =	vmul.f32 v37, v18;
	v1 =	vadd.f32 v47, v1;
	v47 =	vmul.f32 v53, v19;
	[tilespmem:$0x1FD20] =	vst v50;
	v50 =	vld [tilespmem:s1+$0x1920]  }
0xd1: {  	v25 =	vmul.f32 v25, v18;
	v53 =	vld [tilespmem:s1+$0x13C0]  }
0xd2: {  	[tilespmem:$0x1FDE0] =	vst v0;
	v0 =	vmul.f32 v26, v19;
	v26 =	vld [tilespmem:s1+$0x1930];
	v37 =	vadd.f32 v47, v37;
	v47 =	vmul.f32 v55, v19  }
0xd3: {  	v55 =	vmul.f32 v57, v19;
	v57 =	vmul.f32 v58, v19;
	v58 =	vld [tilespmem:s1+$0x1540]  }
0xd4: {  	v41 =	vmul.f32 v41, v18;
	v25 =	vadd.f32 v0, v25;
	v0 =	vmul.f32 v33, v18;
	v33 =	vld [tilespmem:s1+$0x1240]  }
0xd5: {  	v39 =	vmul.f32 v39, v18;
	v42 =	vmul.f32 v42, v18;
	[tilespmem:$0x1FD30] =	vst v50;
	v50 =	vld [tilespmem:s1+$0x11B0]  }
0xd6: {  	v41 =	vadd.f32 v55, v41;
	v55 =	vmul.f32 v59, v19;
	v59 =	vmul.f32 v60, v19;
	v60 =	vld [tilespmem:s1+$0x16C0]  }
0xd7: {  	v49 =	vmul.f32 v49, v19;
	v42 =	vadd.f32 v57, v42;
	v57 =	vmul.f32 v61, v19;
	v61 =	vld [tilespmem:$0x1FCA0]  }
0xd8: {  	v44 =	vmul.f32 v44, v18;
	v39 =	vadd.f32 v47, v39;
	v47 =	vld [tilespmem:$0x1FCC0]  }
0xd9: {  	v45 =	vmul.f32 v45, v18;
	v0 =	vadd.f32 v49, v0;
	v49 =	vmul.f32 v52, v19;
	v52 =	vld [tilespmem:s1+$0x1340]  }
0xda: {  	v36 =	vmul.f32 v36, v18;
	[tilespmem:$0x1FD40] =	vst v50;
	v50 =	vld [tilespmem:s1+$0x1230]  }
0xdb: {  	v38 =	vmul.f32 v38, v18;
	v44 =	vadd.f32 v57, v44;
	v57 =	vld [tilespmem:s1+$0x1740];
	v45 =	vadd.f32 v59, v45  }
0xdc: {  	v59 =	vmul.f32 v46, v20;
	v46 =	vld [tilespmem:s1+$0x11D0];
	v36 =	vadd.f32 v49, v36;
	v49 =	vmul.f32 v54, v19  }
0xdd: {  	v54 =	vld [tilespmem:s1+$0x1440]  }
0xde: {  	v38 =	vadd.f32 v49, v38;
	v49 =	vmul.f32 v56, v19;
	v56 =	vld [tilespmem:s1+$0x14C0]  }
0xdf: {  	[tilespmem:$0x1FD50] =	vst v50;
	v50 =	vld [tilespmem:s1+$0x12B0]  }
0xe0: {  	v43 =	vmul.f32 v43, v18;
	[tilespmem:$0x1FE00] =	vst v58;
	v58 =	vld [tilespmem:s1+$0x1640]  }
0xe1: {  	[tilespmem:$0x1FE30] =	vst v60;
	v60 =	vld [tilespmem:s1+$0x1840]  }
0xe2: {  	v43 =	vadd.f32 v55, v43;
	v55 =	vmul.f32 v61, v18;
	v61 =	vld [tilespmem:s1+$0x12D0];
	[tilespmem:$0x1FE40] =	vst v57  }
0xe3: {  	[tilespmem:$0x1FDF0] =	vst v56;
	v56 =	vld [tilespmem:s1+$0x15C0]  }
0xe4: {  	[tilespmem:$0x1FD60] =	vst v50;
	v50 =	vld [tilespmem:s1+$0x1330]  }
0xe5: {  	v57 =	vld [tilespmem:s1+$0x1940];
	[tilespmem:$0x1FE80] =	vst v46  }
0xe6: {  	v46 =	vld [tilespmem:s1+$0x15D0];
	[tilespmem:$0x1FE20] =	vst v58;
	v58 =	vmul.f32 v62, v20  }
0xe7: {  	v62 =	vld [tilespmem:s1+$0x1350]  }
0xe8: {  	v25 =	vadd.f32 v58, v25;
	v58 =	vld [tilespmem:$0x1FCB0];
	[tilespmem:$0x1FE10] =	vst v56  }
0xe9: {  	v40 =	vmul.f32 v40, v18;
	v56 =	vmul.f32 v63, v19;
	[tilespmem:$0x1FD70] =	vst v50;
	v50 =	vld [tilespmem:s1+$0x13B0]  }
0xea: {  	v63 =	vld [tilespmem:s1+$0x17C0]  }
0xeb: {  	v40 =	vadd.f32 v49, v40;
	v49 =	vadd.f32 v56, v55;
	v55 =	vld [tilespmem:s1+$0x18C0]  }
0xec: {  	[tilespmem:$0x1FE70] =	vst v57;
	v57 =	vld [tilespmem:s1+$0x1250]  }
0xed: {  	[tilespmem:$0x1FEA0] =	vst v61;
	v61 =	vld [tilespmem:s1+$0x1550]  }
0xee: {  	[tilespmem:$0x1FD80] =	vst v50;
	v50 =	vld [tilespmem:s1+$0x1430]  }
0xef: {  	[tilespmem:$0x1FE50] =	vst v63;
	v63 =	vld [tilespmem:$0x1FCF0]  }
0xf0: {  	v32 =	vmul.f32 v32, v18;
	[tilespmem:$0x1FE60] =	vst v55;
	v55 =	vld [tilespmem:$0x1FCD0]  }
0xf1: {  	v48 =	vmul.f32 v48, v19;
	v28 =	vmul.f32 v28, v20;
	[tilespmem:$0x1FE90] =	vst v57;
	v57 =	vld [tilespmem:s1+$0x13D0]  }
0xf2: {  	[tilespmem:$0x1FEF0] =	vst v46;
	v46 =	vld [tilespmem:s1+$0x11E0]  }
0xf3: {  	v32 =	vadd.f32 v48, v32;
	v0 =	vadd.f32 v28, v0;
	v56 =	vmul.f32 v31, v20;
	[tilespmem:$0x1FD90] =	vst v50;
	v50 =	vld [tilespmem:s1+$0x14B0]  }
0xf4: {  	v27 =	vadd.f32 v59, v27;
	v48 =	vmul.f32 v47, v20;
	v59 =	vmul.f32 v58, v20;
	v58 =	vld [tilespmem:$0x1FCE0]  }
0xf5: {  	[tilespmem:$0x1FEE0] =	vst v61;
	v61 =	vld [tilespmem:s1+$0x16D0];
	v28 =	vadd.f32 v56, v36;
	v31 =	vmul.f32 v63, v20;
	v56 =	vmul.f32 v55, v20  }
0xf6: {  	v36 =	vadd.f32 v48, v39;
	[tilespmem:$0x1FEB0] =	vst v57;
	v57 =	vld [tilespmem:s1+$0x14D0]  }
0xf7: {  	v29 =	vmul.f32 v29, v20;
	v39 =	vadd.f32 v56, v40;
	v40 =	vadd.f32 v31, v42;
	v31 =	vld [tilespmem:$0x1FD30]  }
0xf8: {  	[tilespmem:$0x1FDA0] =	vst v50;
	v50 =	vld [tilespmem:s1+$0x1530]  }
0xf9: {  	v29 =	vadd.f32 v29, v32;
	v48 =	vld [tilespmem:$0x1FD00]  }
0xfa: {  	v34 =	vmul.f32 v34, v20;
	v32 =	vadd.f32 v59, v37;
	v59 =	vmul.f32 v58, v20;
	v58 =	vld [tilespmem:$0x1FD20]  }
0xfb: {  	[tilespmem:$0x1FED0] =	vst v57;
	v57 =	vld [tilespmem:$0x1FDE0]  }
0xfc: {  	v34 =	vadd.f32 v34, v38;
	v38 =	vmul.f32 v31, v20;
	v31 =	vld [tilespmem:$0x1FD70]  }
0xfd: {  	[tilespmem:$0x1FDB0] =	vst v50;
	v50 =	vld [tilespmem:s1+$0x15B0]  }
0xfe: {  	v30 =	vmul.f32 v30, v20;
	v37 =	vadd.f32 v59, v41;
	v41 =	vmul.f32 v48, v20;
	v48 =	vld [tilespmem:s1+$0x1450]  }
0xff: {  	v55 =	vld [tilespmem:$0x1FD10];
	v59 =	vmul.f32 v58, v20  }
0x100: {  	v30 =	vadd.f32 v30, v1;
	v1 =	vmul.f32 v57, v21;
	v57 =	vld [tilespmem:s1+$0x1950]  }
0x101: {  	v42 =	vadd.f32 v59, v45;
	v45 =	vadd.f32 v38, v49;
	v38 =	vmul.f32 v31, v21;
	v31 =	vld [tilespmem:$0x1FDA0]  }
0x102: {  	[tilespmem:$0x1FDC0] =	vst v50;
	v50 =	vld [tilespmem:s1+$0x1630]  }
0x103: {  	v58 =	vld [tilespmem:$0x1FD50]  }
0x104: {  	v56 =	vmul.f32 v55, v20;
	v55 =	vld [tilespmem:$0x1FD40]  }
0x105: {  	v47 =	vld [tilespmem:$0x1FD80]  }
0x106: {  	v40 =	vadd.f32 v1, v40;
	v63 =	vld [tilespmem:$0x1FD60]  }
0x107: {  	v1 =	vmul.f32 v5, v21;
	v0 =	vadd.f32 v38, v0;
	v38 =	vmul.f32 v31, v21;
	v31 =	vld [tilespmem:$0x1FDC0];
	[tilespmem:$0x1FDD0] =	vst v50  }
0x108: {  	v59 =	vmul.f32 v58, v21;
	v58 =	vld [tilespmem:$0x1FDD0]  }
0x109: {  	v41 =	vadd.f32 v41, v43;
	v5 =	vld [tilespmem:s1+$0x13E0];
	v42 =	vadd.f32 v1, v42;
	v1 =	vmul.f32 v51, v22  }
0x10a: {  	v43 =	vadd.f32 v56, v44;
	v51 =	vld [tilespmem:$0x1FE50];
	v56 =	vmul.f32 v55, v21;
	v49 =	vmul.f32 v47, v21  }
0x10b: {  	[tilespmem:$0x1FEC0] =	vst v48;
	v48 =	vld [tilespmem:$0x1FD90]  }
0x10c: {  	v25 =	vadd.f32 v56, v25;
	v56 =	vld [tilespmem:s1+$0x12E0];
	v44 =	vmul.f32 v63, v21;
	v30 =	vadd.f32 v49, v30  }
0x10d: {  	v49 =	vld [tilespmem:$0x1FDB0];
	v32 =	vadd.f32 v38, v32;
	v38 =	vmul.f32 v31, v21;
	v31 =	vmul.f32 v58, v21  }
0x10e: {  	v27 =	vadd.f32 v59, v27;
	v59 =	vld [tilespmem:s1+$0x1750]  }
0x10f: {  	v29 =	vadd.f32 v44, v29;
	v50 =	vld [tilespmem:s1+$0x16B0];
	v39 =	vadd.f32 v31, v39;
	v31 =	vmul.f32 v4, v21  }
0x110: {  	v63 =	vld [tilespmem:s1+$0x1650];
	v55 =	vmul.f32 v48, v21  }
0x111: {  	v29 =	vadd.f32 v1, v29;
	v1 =	vld [tilespmem:$0x1FEE0];
	v41 =	vadd.f32 v31, v41;
	v31 =	vmul.f32 v2, v22  }
0x112: {  	v47 =	vld [tilespmem:s1+$0x1850];
	v28 =	vadd.f32 v55, v28;
	v55 =	vmul.f32 v49, v21  }
0x113: {  	v54 =	vmul.f32 v54, v22;
	v25 =	vadd.f32 v31, v25;
	v31 =	vld [tilespmem:$0x1FDF0]  }
0x114: {  	v34 =	vadd.f32 v55, v34;
	v55 =	vmul.f32 v50, v21;
	v50 =	vmul.f32 v33, v22;
	v33 =	vld [tilespmem:$0x1FE00]  }
0x115: {  	v48 =	vld [tilespmem:s1+$0x17D0]  }
0x116: {  	v28 =	vadd.f32 v54, v28;
	v54 =	vld [tilespmem:$0x1FE10]  }
0x117: {  	v36 =	vadd.f32 v38, v36;
	v38 =	vmul.f32 v3, v21;
	v3 =	vmul.f32 v26, v21;
	v26 =	vld [tilespmem:s1+$0x1660]  }
0x118: {  	v49 =	vmul.f32 v31, v22;
	v31 =	vld [tilespmem:$0x1FE20]  }
0x119: {  	v43 =	vadd.f32 v38, v43;
	v38 =	vld [tilespmem:s1+$0x1260];
	v27 =	vadd.f32 v50, v27;
	v50 =	vmul.f32 v33, v22  }
0x11a: {  	v44 =	vadd.f32 v3, v45;
	v45 =	vmul.f32 v53, v22;
	v53 =	vld [tilespmem:s1+$0x1560]  }
0x11b: {  	v34 =	vadd.f32 v50, v34;
	v50 =	vld [tilespmem:$0x1FE40]  }
0x11c: {  	v3 =	vmul.f32 v1, v23;
	v1 =	vld [tilespmem:s1+$0x11F0];
	v30 =	vadd.f32 v45, v30;
	v45 =	vmul.f32 v54, v22  }
0x11d: {  	v58 =	vld [tilespmem:s1+$0x18D0];
	v32 =	vadd.f32 v49, v32;
	v49 =	vmul.f32 v31, v22  }
0x11e: {  	v36 =	vadd.f32 v45, v36;
	v45 =	vld [tilespmem:$0x1FE30]  }
0x11f: {  	v37 =	vadd.f32 v55, v37;
	v55 =	vld [tilespmem:s1+$0x1360];
	v39 =	vadd.f32 v49, v39;
	v49 =	vmul.f32 v51, v22  }
0x120: {  	v2 =	vmul.f32 v52, v22;
	v52 =	vmul.f32 v50, v22;
	v50 =	vld [tilespmem:$0x1FE80]  }
0x121: {  	v41 =	vadd.f32 v49, v41;
	v49 =	vld [tilespmem:$0x1FE70]  }
0x122: {  	v54 =	vld [tilespmem:s1+$0x14E0]  }
0x123: {  	v4 =	vld [tilespmem:$0x1FEF0];
	v45 =	vmul.f32 v45, v22  }
0x124: {  	v33 =	vld [tilespmem:s1+$0x1460];
	v0 =	vadd.f32 v2, v0  }
0x125: {  	v2 =	vmul.f32 v62, v23;
	v62 =	vld [tilespmem:s1+$0x1860];
	v37 =	vadd.f32 v45, v37;
	v45 =	vmul.f32 v50, v23  }
0x126: {  	v40 =	vadd.f32 v52, v40;
	v52 =	vld [tilespmem:$0x1FE60];
	v49 =	vmul.f32 v49, v22  }
0x127: {  	v61 =	vmul.f32 v61, v23;
	v25 =	vadd.f32 v45, v25;
	v45 =	vld [tilespmem:$0x1FEB0]  }
0x128: {  	v44 =	vadd.f32 v49, v44;
	v49 =	vld [tilespmem:$0x1FEA0]  }
0x129: {  	v3 =	vadd.f32 v3, v34;
	v34 =	vadd.f32 v61, v37;
	v61 =	vmul.f32 v48, v23;
	v48 =	vld [tilespmem:s1+$0x13F0]  }
0x12a: {  	v31 =	vld [tilespmem:s1+$0x15E0];
	v51 =	vmul.f32 v60, v22  }
0x12b: {  	v60 =	vmul.f32 v52, v22;
	v52 =	vld [tilespmem:s1+$0x16E0]  }
0x12c: {  	v43 =	vadd.f32 v51, v43;
	v51 =	vld [tilespmem:s1+$0x1760];
	v45 =	vmul.f32 v45, v23  }
0x12d: {  	v42 =	vadd.f32 v60, v42;
	v60 =	vld [tilespmem:$0x1FE90];
	v49 =	vmul.f32 v49, v23  }
0x12e: {  	v30 =	vadd.f32 v45, v30;
	v45 =	vld [tilespmem:$0x1FED0]  }
0x12f: {  	v47 =	vmul.f32 v47, v23;
	v29 =	vadd.f32 v49, v29;
	v49 =	vld [tilespmem:$0x1FEC0]  }
0x130: {  	v37 =	vadd.f32 v61, v41;
	v61 =	vmul.f32 v46, v24;
	v46 =	vld [tilespmem:s1+$0x14F0]  }
0x131: {  	v57 =	vmul.f32 v57, v23;
	v41 =	vadd.f32 v47, v43;
	v47 =	vld [tilespmem:s1+$0x16F0]  }
0x132: {  	v5 =	vmul.f32 v5, v24;
	v63 =	vmul.f32 v63, v23;
	v43 =	vld [tilespmem:s1+$0x17F0]  }
0x133: {  	v25 =	vadd.f32 v61, v25;
	v61 =	vmul.f32 v54, v24;
	v54 =	vld [tilespmem:s1+$0x1970];
	v50 =	vmul.f32 v60, v23  }
0x134: {  	v0 =	vadd.f32 v2, v0;
	v60 =	vld [tilespmem:s1+$0x17E0];
	v45 =	vmul.f32 v45, v23;
	v2 =	vmul.f32 v49, v23  }
0x135: {  	v26 =	vmul.f32 v26, v24;
	v38 =	vmul.f32 v38, v24;
	v27 =	vadd.f32 v50, v27;
	v50 =	vld [tilespmem:s1+$0x18E0]  }
0x136: {  	v32 =	vadd.f32 v45, v32;
	v45 =	vld [tilespmem:s1+$0x12F0];
	v2 =	vadd.f32 v2, v28;
	v28 =	vmul.f32 v4, v23  }
0x137: {  	v1 =	vmul.f32 v1, v35;
	v33 =	vmul.f32 v33, v24;
	v30 =	vadd.f32 v5, v30;
	v5 =	vld [tilespmem:s1+$0x1770]  }
0x138: {  	v4 =	vld [tilespmem:s1+$0x1270];
	v28 =	vadd.f32 v28, v36;
	v36 =	vadd.f32 v63, v39;
	v63 =	vmul.f32 v59, v23  }
0x139: {  	v31 =	vmul.f32 v31, v24;
	v1 =	vadd.f32 v1, v25;
	v27 =	vadd.f32 v38, v27;
	v38 =	vld [tilespmem:s1+$0x1670]  }
0x13a: {  	v32 =	vadd.f32 v61, v32;
	v59 =	vld [tilespmem:s1+$0x1370];
	v39 =	vadd.f32 v63, v40;
	v63 =	vmul.f32 v58, v23  }
0x13b: {  	v25 =	vmul.f32 v45, v35;
	v45 =	vmul.f32 v50, v24;
	v49 =	vld [tilespmem:s1+$0x1960];
	v2 =	vadd.f32 v33, v2  }
0x13c: {  	v58 =	vld [tilespmem:s1+$0x1470];
	v28 =	vadd.f32 v31, v28;
	v40 =	vadd.f32 v63, v42;
	v63 =	vmul.f32 v56, v24  }
0x13d: {  	v33 =	vld [tilespmem:s1+$0x1870];
	v4 =	vmul.f32 v4, v35;
	v42 =	vadd.f32 v57, v44;
	v57 =	vmul.f32 v55, v24  }
0x13e: {  	v26 =	vadd.f32 v26, v36;
	v44 =	vld [tilespmem:s1+$0x1570];
	v56 =	vmul.f32 v52, v24;
	v29 =	vadd.f32 v63, v29  }
0x13f: {  	v55 =	vld [tilespmem:s1+$0x15F0];
	v4 =	vadd.f32 v4, v27;
	v27 =	vmul.f32 v59, v35;
	v0 =	vadd.f32 v57, v0  }
0x140: {  	v63 =	vmul.f32 v53, v24;
	v53 =	vld [tilespmem:s1+$0x18F0];
	[tilespmem:$0x12600] =	vst v1;
	v57 =	vmul.f32 v48, v35;
	v25 =	vadd.f32 v25, v29  }
0x141: {  	v1 =	vadd.f32 v56, v34;
	[tilespmem:$0x12680] =	vst v4;
	v0 =	vadd.f32 v27, v0;
	v27 =	vmul.f32 v58, v35  }
0x142: {  	v4 =	vmul.f32 v51, v24;
	v29 =	vadd.f32 v57, v30;
	[tilespmem:$0x12700] =	vst v25;
	v25 =	vmul.f32 v46, v35  }
0x143: {  	v3 =	vadd.f32 v63, v3;
	v59 =	vmul.f32 v44, v35;
	v2 =	vadd.f32 v27, v2;
	[tilespmem:$0x12780] =	vst v0  }
0x144: {  	v63 =	vmul.f32 v62, v24;
	v61 =	vmul.f32 v55, v35;
	[tilespmem:$0x12800] =	vst v29;
	v25 =	vadd.f32 v25, v32  }
0x145: {  	v4 =	vadd.f32 v4, v39;
	v0 =	vadd.f32 v59, v3;
	[tilespmem:$0x12880] =	vst v2;
	v32 =	vmul.f32 v38, v35  }
0x146: {  	v27 =	vmul.f32 v60, v24;
	v28 =	vadd.f32 v61, v28;
	[tilespmem:$0x12900] =	vst v25;
	v25 =	vmul.f32 v47, v35  }
0x147: {  	v46 =	vmul.f32 v49, v24;
	[tilespmem:$0x12980] =	vst v0;
	v3 =	vadd.f32 v32, v26;
	v26 =	vmul.f32 v5, v35  }
0x148: {  	v27 =	vadd.f32 v27, v37;
	[tilespmem:$0x12A00] =	vst v28;
	v1 =	vadd.f32 v25, v1;
	v25 =	vmul.f32 v43, v35  }
0x149: {  	v2 =	vadd.f32 v63, v41;
	v4 =	vadd.f32 v26, v4;
	v26 =	vmul.f32 v33, v35;
	[tilespmem:$0x12A80] =	vst v3  }
0x14a: {  	v0 =	vadd.f32 v45, v40;
	v48 =	vadd.f32 v25, v27;
	v25 =	vmul.f32 v53, v35;
	[tilespmem:$0x12B00] =	vst v1  }
0x14b: {  	v49 =	vadd.f32 v46, v42;
	v2 =	vadd.f32 v26, v2;
	v26 =	vmul.f32 v54, v35;
	[tilespmem:$0x12B80] =	vst v4  }
0x14c: {  	v34 =	vld [tilespmem:$0x1FFC0];
	v0 =	vadd.f32 v25, v0;
	[tilespmem:$0x12C00] =	vst v48  }
0x14d: {  	v58 =	vld [tilespmem:$0x1FFD0];
	v1 =	vadd.f32 v26, v49;
	[tilespmem:$0x12C80] =	vst v2  }
0x14e: {  	v44 =	vld [tilespmem:$0x1FFF0];
	[tilespmem:$0x12D00] =	vst v0  }
0x14f: {  	v47 =	vld [tilespmem:$0x1FFE0];
	[tilespmem:$0x12D80] =	vst v1  }
0x150: {  	v0 =	vld.idx.msk [tilespmem:v16+s28+$0x0], $0xffff  }
0x151: {  	v1 =	vld.idx.msk [tilespmem:v6+s28+$0x0], $0xffff  }
0x152: {  	v2 =	vld.idx.msk [tilespmem:v7+s28+$0x0], $0xffff  }
0x153: {  	v3 =	vld.idx.msk [tilespmem:v8+s28+$0x0], $0xffff  }
0x154: {  	v4 =	vld.idx.msk [tilespmem:v9+s28+$0x0], $0xffff  }
0x155: {  	v25 =	vld.idx.msk [tilespmem:v10+s28+$0x0], $0xffff  }
0x156: {  	v26 =	vld.idx.msk [tilespmem:v11+s28+$0x0], $0xffff  }
0x157: {  	v27 =	vld.idx.msk [tilespmem:v12+s28+$0x0], $0xffff  }
0x158: {  	v50 =	vld.idx.msk [tilespmem:v13+s28+$0x0], $0xffff  }
0x159: {  	v51 =	vld.idx.msk [tilespmem:v14+s28+$0x0], $0xffff  }
0x15a: {  	v52 =	vld.idx.msk [tilespmem:v15+s28+$0x0], $0xffff  }
0x15b: {  	v53 =	vld.idx.msk [tilespmem:v17+s28+$0x0], $0xffff  }
0x15c: {  	v54 =	vld.idx.msk [tilespmem:v34+s28+$0x0], $0xffff  }
0x15d: {  	v55 =	vld.idx.msk [tilespmem:v58+s28+$0x0], $0xffff  }
0x15e: {  	v56 =	vld.idx.msk [tilespmem:v47+s28+$0x0], $0xffff  }
0x15f: {  	v5 =	vld.idx.msk [tilespmem:v44+s28+$0x0], $0xffff;
	_ =	sdelay $0x1  }
0x160: {  	v0 =	vadd.f32 v1, v0;
	v57 =	vadd.f32 v3, v2  }
0x161: {  	v58 =	vadd.f32 v25, v4;
	v59 =	vadd.f32 v27, v26  }
0x162: {  	v4 =	vadd.f32 v51, v50;
	v25 =	vadd.f32 v53, v52  }
0x163: {  	v26 =	vadd.f32 v55, v54;
	v27 =	vadd.f32 v5, v56  }
0x164: {  	v0 =	vadd.f32 v57, v0;
	v60 =	vadd.f32 v59, v58  }
0x165: {  	v61 =	vadd.f32 v25, v4;
	v62 =	vadd.f32 v27, v26;
	_ =	sdelay $0x1  }
0x166: {  	v0 =	vadd.f32 v60, v0;
	v63 =	vadd.f32 v62, v61;
	_ =	sdelay $0x1  }
0x167: {  	v0 =	vadd.f32 v63, v0;
	_ =	sdelay $0x1  }
0x168: {  	v0 =	vsub.f32 $0.0e+00, v0;
	_ =	sdelay $0x1  }
0x169: {  	v0 =	vmul.f32 $1.442695020e+00, v0;
	_ =	sdelay $0x1  }
0x16a: {  	(erf) = vpow2.f32 v0;
	_ =	sdelay $0x8  }
0x16b: {  	v0 =	vpop (erf)  }
0x16c: {  	v0 =	vadd.f32 $1.000000000e+00, v0;
	_ =	sdelay $0x1  }
0x16d: {  	(erf) = vrcp.f32 v0;
	_ =	sdelay $0x4  }
0x16e: {  	p4 =	por p3, p3  }
.Ltmp3:
0x16f: {  	_ = 	snop;
	(pc) =	sbr.rel @p4 .LBB2_8-.Ltmp3, $4  }
0x170: {  	_ = 	snop  }
0x171: {  	s30 =	sshll.u32 s0, $0x4  }
0x172: {  	s0 =	sand.u32 $0x3FFFFFF0, s30;
	v0 =	vpop (erf)  }
0x173: {  	p3 =	por $0x0, $0x0;
	[tilespmem:s0+$0x2180] =	vst v0;
	s0 =	simm.s32 $0x1  }
0x174: {  	s0 =	simm.s32 $0x0;
	s1 =	simm.s32 $0x2180  }
0x175: {  	[hbm4b:s15+s0] =	stream.linear.scatter [tilespmem:s1], [sflag:$0x2], $0x20, $0x38;
	[tilespmem:$0x12E80] =	vst v63  }
0x176: {  	s29 =	simm.s32 $0x2800;
	s1 =	simm.s32 $0x12400  }
.LBB2_10:
0x177: {  	s3 =	sadd.s32 $0x3, s0  }
0x178: {  	_ =	swait.ge [sflag:s3], $0x4000  }
0x179: {  	v0 =	vmov s1;
	[sflag:s3] =	ssyncset.done $0x0  }
0x17a: {  	s30 =	simm.s32 $0x0;
	[tilespmem:$0x1FC90] =	vst v0;
	[sflag:s3] =	ssyncadd.s32 $0xFFFFC000;
	s3 =	smov.u32 s29  }
.LBB2_11:
0x17b: {  	v0 =	vld [tilespmem:s3+$0xFFFFFC00]  }
0x17c: {  	v1 =	vld [tilespmem:s3+$0xFFFFFC80]  }
0x17d: {  	v2 =	vld [tilespmem:s3+$0xFFFFFD00]  }
0x17e: {  	v3 =	vld [tilespmem:s3+$0xFFFFFD80]  }
0x17f: {  	v4 =	vld [tilespmem:s3+$0xFFFFFE00]  }
0x180: {  	v36 =	vld [tilespmem:s3+$0xFFFFFE80]  }
0x181: {  	v37 =	vld [tilespmem:s3+$0xFFFFFF00]  }
0x182: {  	v38 =	vld [tilespmem:s3+$0xFFFFFF80]  }
0x183: {  	v39 =	vld [tilespmem:s3+$0x0]  }
0x184: {  	v40 =	vld [tilespmem:s3+$0x80]  }
0x185: {  	v41 =	vld [tilespmem:s3+$0x100]  }
0x186: {  	v42 =	vld [tilespmem:s3+$0x180]  }
0x187: {  	v43 =	vld [tilespmem:s3+$0x200]  }
0x188: {  	v44 =	vld [tilespmem:s3+$0x280]  }
0x189: {  	v45 =	vld [tilespmem:s3+$0x300]  }
0x18a: {  	v46 =	vld [tilespmem:s3+$0x380]  }
0x18b: {  	v26 =	vld [tilespmem:s3+$0xFFFFFC10]  }
0x18c: {  	v28 =	vld [tilespmem:s3+$0xFFFFFC90]  }
0x18d: {  	v33 =	vld [tilespmem:s3+$0xFFFFFD10]  }
0x18e: {  	v34 =	vld [tilespmem:s3+$0xFFFFFD90]  }
0x18f: {  	v47 =	vld [tilespmem:s3+$0xFFFFFE10]  }
0x190: {  	v48 =	vld [tilespmem:s3+$0xFFFFFE90]  }
0x191: {  	v49 =	vld [tilespmem:s3+$0xFFFFFF10]  }
0x192: {  	v50 =	vld [tilespmem:s3+$0xFFFFFF90]  }
0x193: {  	v51 =	vld [tilespmem:s3+$0x10]  }
0x194: {  	v52 =	vld [tilespmem:s3+$0x90]  }
0x195: {  	v53 =	vld [tilespmem:s3+$0x110]  }
0x196: {  	v54 =	vld [tilespmem:s3+$0x190]  }
0x197: {  	v55 =	vld [tilespmem:s3+$0x210]  }
0x198: {  	v56 =	vld [tilespmem:s3+$0x290]  }
0x199: {  	v57 =	vld [tilespmem:s3+$0x310]  }
0x19a: {  	v58 =	vld [tilespmem:s3+$0x390]  }
0x19b: {  	v59 =	vld [tilespmem:s3+$0xFFFFFC20]  }
0x19c: {  	v60 =	vld [tilespmem:s3+$0xFFFFFCA0]  }
0x19d: {  	v61 =	vld [tilespmem:s3+$0xFFFFFD20]  }
0x19e: {  	v62 =	vld [tilespmem:s3+$0xFFFFFDA0]  }
0x19f: {  	v63 =	vld [tilespmem:s3+$0xFFFFFE20]  }
0x1a0: {  	v5 =	vld [tilespmem:s3+$0xFFFFFEA0]  }
0x1a1: {  	v17 =	vld [tilespmem:s3+$0xFFFFFFB0]  }
0x1a2: {  	v6 =	vld [tilespmem:s3+$0xFFFFFF20]  }
0x1a3: {  	v7 =	vld [tilespmem:s3+$0xFFFFFFA0]  }
0x1a4: {  	v8 =	vld [tilespmem:s3+$0x20]  }
0x1a5: {  	v9 =	vld [tilespmem:s3+$0xA0]  }
0x1a6: {  	[tilespmem:$0x1FC10] =	vst v17;
	v17 =	vld [tilespmem:s3+$0x30]  }
0x1a7: {  	v10 =	vld [tilespmem:s3+$0x120]  }
0x1a8: {  	v11 =	vld [tilespmem:s3+$0x1A0]  }
0x1a9: {  	v12 =	vld [tilespmem:s3+$0x220]  }
0x1aa: {  	v13 =	vld [tilespmem:s3+$0x2A0]  }
0x1ab: {  	[tilespmem:$0x1FC20] =	vst v17;
	v17 =	vld [tilespmem:s3+$0xB0]  }
0x1ac: {  	v14 =	vld [tilespmem:s3+$0x320]  }
0x1ad: {  	v15 =	vld [tilespmem:s3+$0x3A0]  }
0x1ae: {  	v16 =	vld [tilespmem:s3+$0xFFFFFC30]  }
0x1af: {  	v25 =	vld [tilespmem:s3+$0xFFFFFCB0];
	v1 =	vmul.f32 v1, v18;
	v28 =	vmul.f32 v28, v19  }
0x1b0: {  	[tilespmem:$0x1FC30] =	vst v17;
	v17 =	vld [tilespmem:s3+$0x130]  }
0x1b1: {  	v27 =	vld [tilespmem:s3+$0xFFFFFD30];
	v3 =	vmul.f32 v3, v18;
	v1 =	vadd.f32 v28, v1;
	v28 =	vmul.f32 v34, v19  }
0x1b2: {  	v29 =	vld [tilespmem:s3+$0xFFFFFDB0];
	v0 =	vmul.f32 v0, v18;
	v2 =	vmul.f32 v2, v18  }
0x1b3: {  	v30 =	vld [tilespmem:s3+$0xFFFFFE30];
	v36 =	vmul.f32 v36, v18;
	v3 =	vadd.f32 v28, v3;
	v28 =	vmul.f32 v48, v19  }
0x1b4: {  	v31 =	vld [tilespmem:s3+$0xFFFFFEB0];
	v4 =	vmul.f32 v4, v18;
	v37 =	vmul.f32 v37, v18  }
0x1b5: {  	v38 =	vmul.f32 v38, v18;
	v28 =	vadd.f32 v28, v36;
	v36 =	vmul.f32 v50, v19;
	[tilespmem:$0x1FC40] =	vst v17;
	v17 =	vld [tilespmem:s3+$0x1B0]  }
0x1b6: {  	v32 =	vld [tilespmem:s3+$0xFFFFFF30];
	v39 =	vmul.f32 v39, v18;
	v40 =	vmul.f32 v40, v18  }
0x1b7: {  	v41 =	vmul.f32 v41, v18;
	v34 =	vld [tilespmem:s3+$0xFFFFFC40];
	v36 =	vadd.f32 v36, v38;
	v38 =	vmul.f32 v52, v19  }
0x1b8: {  	v42 =	vmul.f32 v42, v18;
	v44 =	vmul.f32 v44, v18;
	v48 =	vld [tilespmem:s3+$0xFFFFFD40]  }
0x1b9: {  	v5 =	vmul.f32 v5, v20;
	v50 =	vld [tilespmem:s3+$0xFFFFFE40];
	v38 =	vadd.f32 v38, v40;
	v40 =	vmul.f32 v54, v19  }
0x1ba: {  	v9 =	vmul.f32 v9, v20;
	v52 =	vld [tilespmem:s3+$0xFFFFFF40];
	[tilespmem:$0x1FC50] =	vst v17;
	v17 =	vmul.f32 v26, v19  }
0x1bb: {  	v5 =	vadd.f32 v5, v28;
	v28 =	vld [tilespmem:s3+$0xFFFFFCD0];
	v40 =	vadd.f32 v40, v42;
	v42 =	vmul.f32 v56, v19  }
0x1bc: {  	v46 =	vmul.f32 v46, v18;
	v54 =	vld [tilespmem:s3+$0x40];
	v17 =	vadd.f32 v17, v0;
	v0 =	vmul.f32 v33, v19  }
0x1bd: {  	v11 =	vmul.f32 v11, v20;
	v56 =	vld [tilespmem:s3+$0x140];
	v9 =	vadd.f32 v9, v38;
	v42 =	vadd.f32 v42, v44  }
0x1be: {  	v38 =	vld [tilespmem:s3+$0xFFFFFED0];
	v44 =	vmul.f32 v58, v19;
	v0 =	vadd.f32 v0, v2;
	v2 =	vmul.f32 v47, v19  }
0x1bf: {  	v58 =	vmul.f32 v60, v20;
	v60 =	vmul.f32 v62, v20;
	v11 =	vadd.f32 v11, v40;
	v40 =	vld [tilespmem:s3+$0xFFFFFFD0]  }
0x1c0: {  	v62 =	vmul.f32 v31, v21;
	v31 =	vld [tilespmem:s3+$0xD0];
	v2 =	vadd.f32 v2, v4;
	v4 =	vmul.f32 v49, v19  }
0x1c1: {  	v13 =	vmul.f32 v13, v20;
	v44 =	vadd.f32 v44, v46;
	v46 =	vmul.f32 v61, v20;
	v61 =	vld [tilespmem:s3+$0x2C0]  }
0x1c2: {  	v1 =	vadd.f32 v58, v1;
	v58 =	vld [tilespmem:s3+$0x340];
	v4 =	vadd.f32 v4, v37;
	v37 =	vmul.f32 v51, v19  }
0x1c3: {  	v25 =	vmul.f32 v25, v21;
	v3 =	vadd.f32 v60, v3;
	v60 =	vmul.f32 v10, v20;
	v10 =	vld [tilespmem:s3+$0xFFFFFD50]  }
0x1c4: {  	v13 =	vadd.f32 v13, v42;
	v42 =	vld [tilespmem:s3+$0xFFFFFC60];
	v37 =	vadd.f32 v37, v39;
	v39 =	vmul.f32 v53, v19  }
0x1c5: {  	v43 =	vmul.f32 v43, v18;
	v15 =	vmul.f32 v15, v20;
	v1 =	vadd.f32 v25, v1;
	v26 =	vld [tilespmem:s3+$0x230]  }
0x1c6: {  	v25 =	vmul.f32 v30, v21;
	v30 =	vld [tilespmem:s3+$0x1D0];
	v39 =	vadd.f32 v39, v41;
	v41 =	vmul.f32 v55, v19  }
0x1c7: {  	v45 =	vmul.f32 v45, v18;
	v33 =	vld [tilespmem:s3+$0x3B0]  }
0x1c8: {  	v15 =	vadd.f32 v15, v44;
	v44 =	vld [tilespmem:s3+$0xFFFFFCE0];
	v41 =	vadd.f32 v41, v43;
	v43 =	vmul.f32 v57, v19  }
0x1c9: {  	v47 =	vld [tilespmem:s3+$0xFFFFFCC0]  }
0x1ca: {  	[tilespmem:$0x1FC60] =	vst v26;
	v26 =	vld [tilespmem:s3+$0x2B0];
	v43 =	vadd.f32 v43, v45;
	v45 =	vmul.f32 v59, v20  }
0x1cb: {  	v16 =	vmul.f32 v16, v21;
	v49 =	vld [tilespmem:s3+$0xFFFFFDC0]  }
0x1cc: {  	v0 =	vadd.f32 v46, v0;
	v46 =	vld [tilespmem:s3+$0x3C0];
	v33 =	vmul.f32 v33, v21;
	v17 =	vadd.f32 v45, v17  }
0x1cd: {  	v6 =	vmul.f32 v6, v20;
	v51 =	vld [tilespmem:s3+$0xFFFFFEC0]  }
0x1ce: {  	v15 =	vadd.f32 v33, v15;
	v33 =	vld [tilespmem:s3+$0xFFFFFD60];
	v16 =	vadd.f32 v16, v17;
	v17 =	vmul.f32 v27, v21  }
0x1cf: {  	v63 =	vmul.f32 v63, v20;
	v5 =	vadd.f32 v62, v5;
	v62 =	vmul.f32 v47, v22;
	v47 =	vld [tilespmem:s3+$0xFFFFFF60]  }
0x1d0: {  	[tilespmem:$0x1FC70] =	vst v26;
	v26 =	vld [tilespmem:s3+$0x330];
	v4 =	vadd.f32 v6, v4;
	v0 =	vadd.f32 v17, v0;
	v17 =	vmul.f32 v32, v21  }
0x1d1: {  	v2 =	vadd.f32 v63, v2;
	v53 =	vld [tilespmem:s3+$0xFFFFFFC0]  }
0x1d2: {  	v7 =	vmul.f32 v7, v20;
	v4 =	vadd.f32 v17, v4;
	v17 =	vld [tilespmem:$0x1FC20]  }
0x1d3: {  	v2 =	vadd.f32 v25, v2;
	v25 =	vld [tilespmem:$0x1FC10]  }
0x1d4: {  	v8 =	vmul.f32 v8, v20;
	v6 =	vadd.f32 v7, v36;
	v36 =	vld [tilespmem:s3+$0xFFFFFDD0]  }
0x1d5: {  	v28 =	vmul.f32 v28, v23;
	v1 =	vadd.f32 v62, v1;
	v55 =	vld [tilespmem:s3+$0xC0]  }
0x1d6: {  	v8 =	vadd.f32 v8, v37;
	v37 =	vld [tilespmem:s3+$0xFFFFFE50]  }
0x1d7: {  	v1 =	vadd.f32 v28, v1;
	v28 =	vld [tilespmem:s3+$0x360];
	v17 =	vmul.f32 v17, v21  }
0x1d8: {  	[tilespmem:$0x1FC80] =	vst v26;
	v25 =	vmul.f32 v25, v21;
	v26 =	vld [tilespmem:$0x1FC30]  }
0x1d9: {  	v8 =	vadd.f32 v17, v8;
	v17 =	vld [tilespmem:$0x1FC60]  }
0x1da: {  	v6 =	vadd.f32 v25, v6;
	v25 =	vld [tilespmem:$0x1FC40]  }
0x1db: {  	v57 =	vld [tilespmem:s3+$0x1C0]  }
0x1dc: {  	v12 =	vmul.f32 v12, v20;
	v7 =	vadd.f32 v60, v39;
	v39 =	vld [tilespmem:s3+$0xFFFFFF50]  }
0x1dd: {  	v59 =	vld [tilespmem:s3+$0x240]  }
0x1de: {  	v12 =	vadd.f32 v12, v41;
	v41 =	vld [tilespmem:s3+$0x250];
	v17 =	vmul.f32 v17, v21  }
0x1df: {  	v63 =	vmul.f32 v26, v21;
	v26 =	vld [tilespmem:$0x1FC50];
	v25 =	vmul.f32 v25, v21  }
0x1e0: {  	v12 =	vadd.f32 v17, v12;
	v17 =	vld [tilespmem:$0x1FC80]  }
0x1e1: {  	v53 =	vmul.f32 v53, v22;
	v7 =	vadd.f32 v25, v7;
	v25 =	vld [tilespmem:$0x1FC70]  }
0x1e2: {  	v14 =	vmul.f32 v14, v20;
	v27 =	vmul.f32 v29, v21;
	v29 =	vld [tilespmem:s3+$0x50]  }
0x1e3: {  	v62 =	vmul.f32 v40, v23;
	v45 =	vld [tilespmem:s3+$0xFFFFFC50];
	v6 =	vadd.f32 v53, v6  }
0x1e4: {  	v14 =	vadd.f32 v14, v43;
	v43 =	vld [tilespmem:s3+$0x2D0];
	v9 =	vadd.f32 v63, v9;
	v63 =	vmul.f32 v51, v22  }
0x1e5: {  	v6 =	vadd.f32 v62, v6;
	v62 =	vld [tilespmem:s3+$0x1F0];
	v3 =	vadd.f32 v27, v3;
	v17 =	vmul.f32 v17, v21  }
0x1e6: {  	v27 =	vld [tilespmem:s3+$0x150];
	v5 =	vadd.f32 v63, v5;
	v60 =	vmul.f32 v26, v21;
	v25 =	vmul.f32 v25, v21  }
0x1e7: {  	v32 =	vld [tilespmem:s3+$0x3D0];
	v63 =	vmul.f32 v29, v23;
	v14 =	vadd.f32 v17, v14;
	v17 =	vmul.f32 v48, v22  }
0x1e8: {  	v51 =	vld [tilespmem:s3+$0x160];
	v11 =	vadd.f32 v60, v11;
	v13 =	vadd.f32 v25, v13;
	v25 =	vmul.f32 v34, v22  }
0x1e9: {  	v26 =	vld [tilespmem:s3+$0x350];
	v60 =	vmul.f32 v61, v22;
	v0 =	vadd.f32 v17, v0;
	v17 =	vmul.f32 v50, v22  }
0x1ea: {  	v29 =	vld [tilespmem:s3+$0xFFFFFDF0];
	v61 =	vmul.f32 v38, v23;
	v16 =	vadd.f32 v25, v16;
	v25 =	vmul.f32 v49, v22  }
0x1eb: {  	v10 =	vmul.f32 v10, v23;
	v38 =	vld [tilespmem:s3+$0xFFFFFC70];
	v2 =	vadd.f32 v17, v2;
	v17 =	vmul.f32 v54, v22  }
0x1ec: {  	v5 =	vadd.f32 v61, v5;
	v61 =	vld [tilespmem:s3+$0x170];
	v3 =	vadd.f32 v25, v3;
	v25 =	vmul.f32 v52, v22  }
0x1ed: {  	v40 =	vmul.f32 v30, v23;
	v34 =	vld [tilespmem:s3+$0xFFFFFDE0];
	v8 =	vadd.f32 v17, v8;
	v17 =	vmul.f32 v56, v22  }
0x1ee: {  	v43 =	vmul.f32 v43, v23;
	v49 =	vld [tilespmem:s3+$0xFFFFFFE0];
	v4 =	vadd.f32 v25, v4;
	v25 =	vmul.f32 v55, v22  }
0x1ef: {  	v13 =	vadd.f32 v60, v13;
	v60 =	vld [tilespmem:s3+$0xF0];
	v7 =	vadd.f32 v17, v7;
	v17 =	vmul.f32 v58, v22  }
0x1f0: {  	v57 =	vmul.f32 v57, v22;
	v52 =	vld [tilespmem:s3+$0x60];
	v9 =	vadd.f32 v25, v9;
	v25 =	vmul.f32 v59, v22  }
0x1f1: {  	v13 =	vadd.f32 v43, v13;
	v43 =	vld [tilespmem:$0x1FF60];
	v14 =	vadd.f32 v17, v14;
	v17 =	vmul.f32 v45, v23  }
0x1f2: {  	v11 =	vadd.f32 v57, v11;
	v55 =	vld [tilespmem:s3+$0xFFFFFEF0];
	v12 =	vadd.f32 v25, v12;
	v25 =	vmul.f32 v46, v22  }
0x1f3: {  	v53 =	vmul.f32 v26, v23;
	v46 =	vld [tilespmem:s3+$0x1E0];
	v16 =	vadd.f32 v17, v16;
	v17 =	vmul.f32 v37, v23  }
0x1f4: {  	v26 =	vmul.f32 v32, v23;
	v15 =	vadd.f32 v25, v15;
	v25 =	vmul.f32 v36, v23;
	v48 =	vld [tilespmem:s3+$0xFFFFFE60]  }
0x1f5: {  	v38 =	vmul.f32 v38, v35;
	v50 =	vld [tilespmem:s3+$0xFFFFFEE0];
	v2 =	vadd.f32 v17, v2;
	v17 =	vmul.f32 v39, v23  }
0x1f6: {  	v57 =	vmul.f32 v34, v24;
	v36 =	vld [tilespmem:s3+$0x2E0];
	v3 =	vadd.f32 v25, v3;
	v0 =	vadd.f32 v10, v0  }
0x1f7: {  	v25 =	vld [tilespmem:s3+$0x3E0];
	v10 =	vadd.f32 v40, v11;
	v4 =	vadd.f32 v17, v4;
	v17 =	vmul.f32 v27, v23  }
0x1f8: {  	v54 =	vld [tilespmem:s3+$0xE0];
	v11 =	vadd.f32 v53, v14;
	v14 =	vadd.f32 v26, v15;
	v15 =	vmul.f32 v44, v24  }
0x1f9: {  	v3 =	vadd.f32 v57, v3;
	v56 =	vld [tilespmem:s3+$0xFFFFFF70];
	v7 =	vadd.f32 v17, v7;
	v17 =	vmul.f32 v41, v23  }
0x1fa: {  	v59 =	vmul.f32 v50, v24;
	v58 =	vld [tilespmem:s3+$0x70];
	v1 =	vadd.f32 v15, v1;
	v15 =	vmul.f32 v48, v24  }
0x1fb: {  	v39 =	vmul.f32 v31, v23;
	v31 =	vld [tilespmem:s3+$0xFFFFFCF0];
	v12 =	vadd.f32 v17, v12;
	v17 =	vmul.f32 v42, v24  }
0x1fc: {  	v8 =	vadd.f32 v63, v8;
	v63 =	vld [tilespmem:s3+$0x270];
	v2 =	vadd.f32 v15, v2;
	v15 =	vmul.f32 v49, v24  }
0x1fd: {  	v5 =	vadd.f32 v59, v5;
	v45 =	vld [tilespmem:s3+$0x260];
	v16 =	vadd.f32 v17, v16;
	v17 =	vmul.f32 v33, v24  }
0x1fe: {  	v27 =	vld [tilespmem:s3+$0xFFFFFD70];
	v9 =	vadd.f32 v39, v9;
	v6 =	vadd.f32 v15, v6;
	v15 =	vmul.f32 v54, v24  }
0x1ff: {  	v50 =	vmul.f32 v56, v35;
	v26 =	vld [tilespmem:s3+$0xFFFFFFF0];
	v0 =	vadd.f32 v17, v0;
	v17 =	vmul.f32 v47, v24  }
0x200: {  	v37 =	vld [tilespmem:s3+$0xFFFFFE70];
	v31 =	vmul.f32 v31, v35;
	v9 =	vadd.f32 v15, v9;
	v15 =	vmul.f32 v29, v35  }
0x201: {  	v48 =	vld [tilespmem:s3+$0x3F0];
	v16 =	vadd.f32 v38, v16;
	v4 =	vadd.f32 v17, v4;
	v17 =	vmul.f32 v52, v24  }
0x202: {  	v1 =	vadd.f32 v31, v1;
	v3 =	vadd.f32 v15, v3;
	v15 =	vmul.f32 v55, v35;
	v47 =	vld [tilespmem:s3+$0x2F0]  }
0x203: {  	v49 =	vmul.f32 v46, v24;
	v8 =	vadd.f32 v17, v8;
	v17 =	vmul.f32 v27, v35;
	v27 =	vld [tilespmem:s3+$0x370];
	[tilespmem:$0x12600] =	vst v16  }
0x204: {  	v34 =	vld [tilespmem:$0x1FF20];
	v5 =	vadd.f32 v15, v5;
	v16 =	vmul.f32 v51, v24;
	[tilespmem:$0x12680] =	vst v1;
	v51 =	vmul.f32 v26, v35  }
0x205: {  	v59 =	vld [tilespmem:$0x1FFD0];
	v53 =	vmul.f32 v58, v35;
	v55 =	vmul.f32 v60, v35;
	[tilespmem:$0x12780] =	vst v3;
	v0 =	vadd.f32 v17, v0  }
0x206: {  	v56 =	vld [tilespmem:$0x1FFE0];
	v58 =	vmul.f32 v62, v35;
	v1 =	vadd.f32 v49, v10;
	[tilespmem:$0x12880] =	vst v5;
	v3 =	vadd.f32 v51, v6  }
0x207: {  	v44 =	vld [tilespmem:$0x1FF70];
	v54 =	vmul.f32 v36, v24;
	v17 =	vmul.f32 v37, v35;
	v6 =	vadd.f32 v55, v9;
	[tilespmem:$0x12700] =	vst v0  }
0x208: {  	v57 =	vmul.f32 v61, v35;
	v61 =	vmul.f32 v63, v35;
	v62 =	vld [tilespmem:$0x1FFF0];
	v1 =	vadd.f32 v58, v1;
	[tilespmem:$0x12980] =	vst v3  }
0x209: {  	v46 =	vld [tilespmem:$0x1FF90];
	v60 =	vmul.f32 v28, v24;
	v5 =	vadd.f32 v54, v13;
	v2 =	vadd.f32 v17, v2;
	[tilespmem:$0x12A80] =	vst v6  }
0x20a: {  	v36 =	vld [tilespmem:$0x1FF30];
	v52 =	vmul.f32 v45, v24;
	v7 =	vadd.f32 v16, v7;
	v0 =	vadd.f32 v50, v4;
	[tilespmem:$0x12B80] =	vst v1  }
0x20b: {  	v16 =	vld [tilespmem:$0x1FF00];
	v4 =	vadd.f32 v53, v8;
	v3 =	vadd.f32 v60, v11;
	v13 =	vmul.f32 v27, v35;
	[tilespmem:$0x12800] =	vst v2  }
0x20c: {  	v63 =	vmul.f32 v25, v24;
	v33 =	vld [tilespmem:$0x1FF10];
	v2 =	vadd.f32 v52, v12;
	[tilespmem:$0x12900] =	vst v0;
	v0 =	vadd.f32 v57, v7  }
0x20d: {  	v42 =	vld [tilespmem:$0x1FF50];
	[tilespmem:$0x12A00] =	vst v4;
	v12 =	vmul.f32 v47, v35;
	v32 =	vadd.f32 v13, v3  }
0x20e: {  	v31 =	vmul.f32 v48, v35;
	v28 =	vadd.f32 v63, v14;
	v38 =	vld [tilespmem:$0x1FFC0];
	v2 =	vadd.f32 v61, v2;
	[tilespmem:$0x12B00] =	vst v0  }
0x20f: {  	v37 =	vld [tilespmem:$0x1FF40];
	v30 =	vadd.f32 v12, v5;
	[tilespmem:$0x12D00] =	vst v32  }
0x210: {  	v45 =	vld [tilespmem:$0x1FF80];
	v0 =	vadd.f32 v31, v28;
	[tilespmem:$0x12C00] =	vst v2  }
0x211: {  	v17 =	vld [tilespmem:$0x1FFB0];
	[tilespmem:$0x12C80] =	vst v30  }
0x212: {  	v47 =	vld [tilespmem:$0x1FFA0];
	[tilespmem:$0x12D80] =	vst v0  }
0x213: {  	v0 =	vld.idx.msk [tilespmem:v16+s28+$0x0], $0xffff  }
0x214: {  	v1 =	vld.idx.msk [tilespmem:v33+s28+$0x0], $0xffff  }
0x215: {  	v2 =	vld.idx.msk [tilespmem:v34+s28+$0x0], $0xffff  }
0x216: {  	v3 =	vld.idx.msk [tilespmem:v36+s28+$0x0], $0xffff  }
0x217: {  	v4 =	vld.idx.msk [tilespmem:v37+s28+$0x0], $0xffff  }
0x218: {  	v5 =	vld.idx.msk [tilespmem:v42+s28+$0x0], $0xffff  }
0x219: {  	v6 =	vld.idx.msk [tilespmem:v43+s28+$0x0], $0xffff  }
0x21a: {  	v7 =	vld.idx.msk [tilespmem:v44+s28+$0x0], $0xffff  }
0x21b: {  	v8 =	vld.idx.msk [tilespmem:v45+s28+$0x0], $0xffff  }
0x21c: {  	v9 =	vld.idx.msk [tilespmem:v46+s28+$0x0], $0xffff  }
0x21d: {  	v49 =	vld.idx.msk [tilespmem:v38+s28+$0x0], $0xffff  }
0x21e: {  	v50 =	vld.idx.msk [tilespmem:v59+s28+$0x0], $0xffff  }
0x21f: {  	v51 =	vld.idx.msk [tilespmem:v56+s28+$0x0], $0xffff  }
0x220: {  	v15 =	vld.idx.msk [tilespmem:v62+s28+$0x0], $0xffff  }
0x221: {  	v48 =	vld.idx.msk [tilespmem:v17+s28+$0x0], $0xffff  }
0x222: {  	v10 =	vld.idx.msk [tilespmem:v47+s28+$0x0], $0xffff;
	_ =	sdelay $0x1  }
0x223: {  	v0 =	vadd.f32 v1, v0;
	v52 =	vadd.f32 v3, v2  }
0x224: {  	v53 =	vadd.f32 v5, v4;
	v54 =	vadd.f32 v7, v6  }
0x225: {  	v55 =	vadd.f32 v9, v8;
	v57 =	vadd.f32 v50, v49  }
0x226: {  	v58 =	vadd.f32 v15, v51;
	v56 =	vadd.f32 v48, v10  }
0x227: {  	v0 =	vadd.f32 v52, v0;
	v59 =	vadd.f32 v54, v53  }
0x228: {  	v61 =	vadd.f32 v58, v57;
	v60 =	vadd.f32 v56, v55;
	_ =	sdelay $0x1  }
0x229: {  	v0 =	vadd.f32 v59, v0;
	v62 =	vadd.f32 v61, v60;
	_ =	sdelay $0x1  }
0x22a: {  	v0 =	vadd.f32 v62, v0;
	_ =	sdelay $0x1  }
0x22b: {  	v0 =	vmul.f32 $1.442695020e+00, v0;
	_ =	sdelay $0x1  }
0x22c: {  	(erf) = vpow2.f32 v0;
	_ =	sdelay $0x8  }
0x22d: {  	v0 =	vpop (erf)  }
0x22e: {  	v0 =	vadd.f32 $1.000000000e+00, v0;
	_ =	sdelay $0x1  }
0x22f: {  	(erf) = vrcp.f32 v0;
	_ =	sdelay $0x1  }
0x230: {  	v63 =	vld [tilespmem:$0x1FC90];
	_ =	sdelay $0x2  }
0x231: {  	p3 =	sne.s32 s30, $0x1C0  }
.Ltmp4:
0x232: {  	_ = 	snop;
	(pc) =	sbr.rel @p3 .LBB2_11-.Ltmp4, $3  }
0x233: {  	_ =	sdelay $0x1  }
0x234: {  	s4 =	sshra.s32 s30, $0x2;
	v0 =	vpop (erf)  }
0x235: {  	s30 =	sadd.s32 $0x40, s30;
	s3 =	sadd.s32 $0x800, s3;
	[tilespmem:v63+s4+$0x0 ss:$0x1] =	vst.idx.msk $0xffff, v0  }
0x236: {  	s0 =	sadd.s32 $0x1, s0  }
0x237: {  	p3 =	sne.s32 s0, $0x4  }
.Ltmp5:
0x238: {  	_ = 	snop;
	(pc) =	sbr.rel @p3 .LBB2_10-.Ltmp5, $2  }
0x239: {  	_ =	sdelay $0x2  }
0x23a: {  	s1 =	sadd.s32 $0x80, s1;
	s29 =	sadd.s32 $0x4000, s29  }
0x23b: {  	_ =	swait.ge [sflag:s26], $0x20  }
0x23c: {  	[sflag:s26] =	ssyncset.done $0x0  }
0x23d: {  	s0 =	simm.s32 $0x12400;
	[sflag:s26] =	ssyncadd.s32 $0xFFFFFFE0  }
0x23e: {  	[hbm4b:s16+s5] =	stream.linear.scatter [tilespmem:s0], [sflag:$0x8], $0x200, $0x38;
	[tilespmem:$0x12E80] =	vst v63  }
0x23f: {  	_ =	swait.ge [sflag:s18], $0x200  }
0x240: {  	v6 =	vld [tilespmem:$0x1FF10]  }
0x241: {  	v7 =	vld [tilespmem:$0x1FF20]  }
0x242: {  	v8 =	vld [tilespmem:$0x1FF30]  }
0x243: {  	s31 =	sadd.s32 $0x1, s31;
	v9 =	vld [tilespmem:$0x1FF40]  }
0x244: {  	p3 =	sne.s32 s31, s17;
	v10 =	vld [tilespmem:$0x1FF50]  }
.Ltmp6:
0x245: {  	v11 =	vld [tilespmem:$0x1FF60];
	(pc) =	sbr.rel @p3 .LBB2_1-.Ltmp6, $4  }
0x246: {  	v12 =	vld [tilespmem:$0x1FF70]  }
0x247: {  	v13 =	vld [tilespmem:$0x1FF80]  }
0x248: {  	[sflag:s18] =	ssyncset.done $0x0;
	v14 =	vld [tilespmem:$0x1FF90]  }
0x249: {  	v15 =	vld [tilespmem:$0x1FFA0];
	[sflag:s18] =	ssyncadd.s32 $0xFFFFFE00  }
0x24a: {  	_ =	sfence.sel $0x180000  }
0x24b: {  	[bflag:$0x0] =	sbarrier.arrive $0xFFFF  }
0x24c: {  	_ =	strace $0x90000047  }
0x24d: {  	s0 =	stileid.u32;
	[bflag:$0x2] =	sbarrier.arrive $0xFFFF  }
0x24e: {  	p0 =	sne.s32 s0, $0x0;
	s0 =	rddreg [dreg:$0x8]  }
0x24f: {  	s0 =	sadd.s32 @!p0 $0x100000, s0  }
0x250: {  	[sflag:s0] =	ssyncadd.tile.s32 @!p0 $0x1;
	_ =	shalt  }
.Lfunc_end2:
_tile_overlayer_lowered:
.L_overlay_start_2:
0x251: {  	(tag) =	ssettag $0x2  }
0x252: {  	s0 =	rddreg [dreg:$0x0];
	s2 =	stileid.u32  }
0x253: {  	s1 =	rddreg [dreg:$0x1];
	p0 =	sne.s32 s2, $0x0  }
0x254: {  	s3 =	rddreg [dreg:$0x2];
	[bflag:$0x3] =	sbarrier.arrive $0xFFFF;
	s2 =	simm.s32 @!p0 $0x1C08  }
0x255: {  	[timem:s3], [sflag:s2] =	dma.local @!p0 [hbm:s0], s1  }
0x256: {  	s0 =	simm.s32 @!p0 $0x8  }
0x257: {  	_ =	swait.ge @!p0 [sflag:s0], s1  }
0x258: {  	s1 =	ssub.s32 @!p0 $0x0, s1;
	[sflag:s0] =	ssyncset.done @!p0 $0x0  }
0x259: {  	[sflag:s0] =	ssyncadd.s32 @!p0 s1  }
0x25a: {  	[bflag:$0x3] =	sbarrier.arrive $0xFFFF  }
0x25b: {  	_ =	shalt  }

</sc_bundles>
